<compile_context>
chip_gen: v7x
topology: tpu7x:2x2x1
jax: 0.10.2.dev20260603
libtpu: 0.0.44.dev20260713+nightly
codegen_flags: <defaults>
</compile_context>

<pallas_src>
import functools

import jax
import jax.numpy as jnp
from jax import lax
from jax.experimental import pallas as pl
from jax.experimental.pallas import tpu as pltpu
from jax.experimental.pallas import tpu_sc as plsc

N = 10000
E = 320000
D = 128
D_EDGE = 16
D_HID = 32
EPS = 1e-5

NC = 2
NS = 16
NW = NC * NS
E_PER_TILE = E // NW
CHUNK = 80
ZROWS = 80
NZCH = N // ZROWS

def _sc_mesh():
    return plsc.VectorSubcoreMesh(
        core_axis_name="c", subcore_axis_name="s", num_cores=NC, num_subcores=NS
    )


def _edge_mlp_body(ea_ref, w1_ref, b1_ref, w2_ref, b2_ref, out_ref):
    ea = ea_ref[...]
    h = lax.dot_general(ea, w1_ref[...], (((1,), (1,)), ((), ())),
                        preferred_element_type=jnp.float32)
    h = jnp.maximum(h + b1_ref[...], 0.0)
    z = jnp.sum(h * w2_ref[...], axis=1) + b2_ref[0, 0]
    w = jax.nn.sigmoid(z)
    out_ref[...] = w.reshape(out_ref.shape)


def _edge_mlp(edge_attr, w1, b1, w2, b2):
    BE = 32000
    grid = E // BE
    out = pl.pallas_call(
        _edge_mlp_body,
        grid=(grid,),
        in_specs=[
            pl.BlockSpec((BE, D_EDGE), lambda i: (i, 0)),
            pl.BlockSpec((D_HID, D_EDGE), lambda i: (0, 0)),
            pl.BlockSpec((1, D_HID), lambda i: (0, 0)),
            pl.BlockSpec((1, D_HID), lambda i: (0, 0)),
            pl.BlockSpec((1, 1), lambda i: (0, 0)),
        ],
        out_specs=pl.BlockSpec((1, BE // 128, 128), lambda i: (i, 0, 0)),
        out_shape=jax.ShapeDtypeStruct((grid, BE // 128, 128), jnp.float32),
    )(edge_attr, w1, b1.reshape(1, D_HID), w2.reshape(1, D_HID), b2.reshape(1, 1))
    return out.reshape(E)


def _lin_body(x_ref, w_ref, out_ref):
    out_ref[...] = lax.dot_general(
        x_ref[...], w_ref[...], (((1,), (1,)), ((), ())),
        preferred_element_type=jnp.float32)


def _lin(x, lin_w):
    return pl.pallas_call(
        _lin_body,
        out_shape=jax.ShapeDtypeStruct((N, D), jnp.float32),
    )(x, lin_w)


def _deg_body(col_hbm, we_hbm, out_hbm, deg_v, col_v, we_v):
    cid = lax.axis_index("c")
    sid = lax.axis_index("s")
    wid = sid * NC + cid
    base = wid * E_PER_TILE

    zero = jnp.zeros((16,), jnp.float32)

    def zbody(i, _):
        deg_v[pl.ds(i * 16, 16)] = zero
        return 0

    lax.fori_loop(0, N // 16, zbody, 0)

    DC = 2000

    def body(ci, _):
        off = base + ci * DC
        pltpu.sync_copy(col_hbm.at[pl.ds(off, DC)], col_v.at[0])
        pltpu.sync_copy(we_hbm.at[pl.ds(off, DC)], we_v.at[0])

        def inner(k, _):
            idx = col_v[0, pl.ds(k * 16, 16)]
            w = we_v[0, pl.ds(k * 16, 16)]
            plsc.addupdate_scatter(deg_v, [idx], w)
            return 0

        lax.fori_loop(0, DC // 16, inner, 0)
        return 0

    lax.fori_loop(0, E_PER_TILE // DC, body, 0)
    pltpu.sync_copy(deg_v, out_hbm.at[wid])


def _deg_sc(col, w_e):
    DC = 2000
    f = pl.kernel(
        _deg_body,
        out_type=jax.ShapeDtypeStruct((NW, N), jnp.float32),
        mesh=_sc_mesh(),
        compiler_params=pltpu.CompilerParams(needs_layout_passes=False),
        scratch_types=[
            pltpu.VMEM((N,), jnp.float32),
            pltpu.VMEM((1, DC), jnp.int32),
            pltpu.VMEM((1, DC), jnp.float32),
        ],
    )
    return f(col, w_e)


def _combine_body(dp_ref, dis_ref, inv_ref):
    deg = 1.0 + jnp.sum(dp_ref[...], axis=0, keepdims=True)
    dis_ref[...] = lax.rsqrt(deg)
    inv_ref[...] = 1.0 / deg


def _combine(deg_partials):
    return pl.pallas_call(
        _combine_body,
        out_shape=(
            jax.ShapeDtypeStruct((1, N), jnp.float32),
            jax.ShapeDtypeStruct((1, N), jnp.float32),
        ),
    )(deg_partials)


CHUNK = 128
ET_PAD = 10240
E_PAD = NW * ET_PAD
NCH = ET_PAD // CHUNK
ZROWS = 40
NZCH = N // ZROWS


def _agg_body(row_hbm, col_hbm, we_hbm, h_hbm, out_hbm,
              row_v, col_v, we_v, rows0_v, rows1_v, msg_v, zbuf_v, acc_sh,
              siA0, siA1, siB0, siB1, sg0, sg1):
    cid = lax.axis_index("c")
    sid = lax.axis_index("s")
    wid = sid * NC + cid
    base = wid * ET_PAD

    zero = jnp.zeros((16,), jnp.float32)

    def zb(i, _):
        zbuf_v[i // 8, pl.ds((i % 8) * 16, 16)] = zero
        return 0

    lax.fori_loop(0, ZROWS * 8, zb, 0)

    def zcopy(k, _):
        c = sid + k * NS

        @pl.when(c < NZCH)
        def _():
            pltpu.sync_copy(zbuf_v, acc_sh.at[pl.ds(c * ZROWS, ZROWS)])

        return 0

    lax.fori_loop(0, (NZCH + NS - 1) // NS, zcopy, 0)
    plsc.subcore_barrier()

    siA = (siA0, siA1)
    siB = (siB0, siB1)
    sg = (sg0, sg1)
    rows = (rows0_v, rows1_v)

    def _off(i):
        return base + lax.rem(i, NCH) * CHUNK

    lanes = lax.iota(jnp.int32, 16)
    idx_even = lanes * 2
    idx_odd = lanes * 2 + 1
    himask = jnp.full((16,), -65536, dtype=jnp.int32)

    def _scale(b, cur):
        def sb(g, _):
            wv = we_v[b, pl.ds(g * 16, 16)]
            for u in range(16):
                s_ = wv[u]
                e = g * 16 + u
                mrow = msg_v.at[e]
                for j in range(D // 32):
                    v = cur[e, pl.ds(j * 16, 16)]
                    lo = plsc.bitcast(lax.shift_left(v, 16), jnp.float32)
                    hi = plsc.bitcast(lax.bitwise_and(v, himask), jnp.float32)
                    plsc.store_scatter(mrow, [idx_even + j * 32], lo * s_)
                    plsc.store_scatter(mrow, [idx_odd + j * 32], hi * s_)
            return 0

        lax.fori_loop(0, CHUNK // 16, sb, 0)

    def _phase(i, b):
        b1 = 1 - b
        pltpu.make_async_copy(row_hbm.at[pl.ds(_off(i + 1), CHUNK)],
                              row_v.at[b1], siA[b1]).wait()
        pltpu.make_async_copy(col_hbm.at[pl.ds(_off(i + 1), CHUNK)],
                              col_v.at[b1], siB[b1]).wait()
        pltpu.make_async_copy(we_hbm.at[pl.ds(_off(i + 1), CHUNK)],
                              we_v.at[b1], siB[b1]).wait()
        pltpu.async_copy(h_hbm.at[row_v.at[b1]], rows[b1], sg[b1])
        pltpu.async_copy(row_hbm.at[pl.ds(_off(i + 2), CHUNK)],
                         row_v.at[b], siA[b])
        pltpu.make_async_copy(h_hbm.at[row_v.at[b]], rows[b], sg[b]).wait()
        _scale(b, rows[b])
        pltpu.sync_copy(msg_v, acc_sh.at[col_v.at[b]], add=True)
        pltpu.async_copy(col_hbm.at[pl.ds(_off(i + 2), CHUNK)],
                         col_v.at[b], siB[b])
        pltpu.async_copy(we_hbm.at[pl.ds(_off(i + 2), CHUNK)],
                         we_v.at[b], siB[b])

    pltpu.sync_copy(row_hbm.at[pl.ds(base, CHUNK)], row_v.at[0])
    pltpu.sync_copy(col_hbm.at[pl.ds(base, CHUNK)], col_v.at[0])
    pltpu.sync_copy(we_hbm.at[pl.ds(base, CHUNK)], we_v.at[0])
    pltpu.async_copy(h_hbm.at[row_v.at[0]], rows0_v, sg0)
    pltpu.async_copy(row_hbm.at[pl.ds(_off(1), CHUNK)], row_v.at[1], siA1)
    pltpu.async_copy(col_hbm.at[pl.ds(_off(1), CHUNK)], col_v.at[1], siB1)
    pltpu.async_copy(we_hbm.at[pl.ds(_off(1), CHUNK)], we_v.at[1], siB1)

    def body(k, _):
        _phase(2 * k, 0)
        _phase(2 * k + 1, 1)
        return 0

    lax.fori_loop(0, NCH // 2, body, 0)

    pltpu.make_async_copy(h_hbm.at[row_v.at[0]], rows0_v, sg0).wait()
    pltpu.make_async_copy(row_hbm.at[pl.ds(base, CHUNK)], row_v.at[1],
                          siA1).wait()
    pltpu.make_async_copy(col_hbm.at[pl.ds(base, CHUNK)], col_v.at[1],
                          siB1).wait()
    pltpu.make_async_copy(we_hbm.at[pl.ds(base, CHUNK)], we_v.at[1],
                          siB1).wait()
    plsc.subcore_barrier()

    def ocopy(k, _):
        c = sid + k * NS

        @pl.when(c < NZCH)
        def _():
            pltpu.sync_copy(acc_sh.at[pl.ds(c * ZROWS, ZROWS)],
                            out_hbm.at[cid, pl.ds(c * ZROWS, ZROWS)])

        return 0

    lax.fori_loop(0, (NZCH + NS - 1) // NS, ocopy, 0)


def _agg_sc(row, col, w_e, h2):
    pad = E_PAD - E
    row_p = jnp.concatenate([row, jnp.zeros((pad,), row.dtype)])
    col_p = jnp.concatenate([col, jnp.zeros((pad,), col.dtype)])
    we_p = jnp.concatenate([w_e, jnp.zeros((pad,), w_e.dtype)])
    f = pl.kernel(
        _agg_body,
        out_type=jax.ShapeDtypeStruct((NC, N, D), jnp.float32),
        mesh=_sc_mesh(),
        compiler_params=pltpu.CompilerParams(needs_layout_passes=False,
                                             use_tc_tiling_on_sc=False),
        scratch_types=[
            pltpu.VMEM((2, CHUNK), jnp.int32),
            pltpu.VMEM((2, CHUNK), jnp.int32),
            pltpu.VMEM((2, CHUNK), jnp.float32),
            pltpu.VMEM((CHUNK, D // 2), jnp.int32),
            pltpu.VMEM((CHUNK, D // 2), jnp.int32),
            pltpu.VMEM((CHUNK, D), jnp.float32),
            pltpu.VMEM((ZROWS, D), jnp.float32),
            pltpu.VMEM_SHARED((N, D), jnp.float32),
            pltpu.SemaphoreType.DMA,
            pltpu.SemaphoreType.DMA,
            pltpu.SemaphoreType.DMA,
            pltpu.SemaphoreType.DMA,
            pltpu.SemaphoreType.DMA,
            pltpu.SemaphoreType.DMA,
        ],
    )
    return f(row_p, col_p, we_p, h2)


def _final_body(op_ref, h_ref, dis_ref, inv_ref, bias_ref, a_ref,
                gw_ref, gb_ref, gms_ref, out_ref):
    out = (dis_ref[...] * (op_ref[0] + op_ref[1])
           + inv_ref[...] * h_ref[...]
           + bias_ref[...])
    a = a_ref[0, 0]
    out = jnp.where(out >= 0.0, out, a * out)
    ones = jnp.ones((1, N), jnp.float32)
    s1 = lax.dot_general(ones, out, (((1,), (0,)), ((), ())),
                         preferred_element_type=jnp.float32)
    s2 = lax.dot_general(ones, out * out, (((1,), (0,)), ((), ())),
                         preferred_element_type=jnp.float32)
    m = s1 * (1.0 / N)
    q = s2 * (1.0 / N)
    gs = gms_ref[...]
    var = q - (2.0 * gs - gs * gs) * (m * m)
    std = jnp.sqrt(var + EPS)
    out_ref[...] = gw_ref[...] * (out - m * gs) / std + gb_ref[...]


def _final(out_p, h, dis_col, inv_col, conv_bias, prelu_a, gn_weight, gn_bias,
           gn_mean_scale):
    return pl.pallas_call(
        _final_body,
        out_shape=jax.ShapeDtypeStruct((N, D), jnp.float32),
    )(out_p, h, dis_col, inv_col, conv_bias.reshape(1, D), prelu_a.reshape(1, 1),
      gn_weight.reshape(1, D), gn_bias.reshape(1, D), gn_mean_scale.reshape(1, D))


def kernel(x, edge_index, edge_attr, lin_w, mlp_w1, mlp_b1, mlp_w2, mlp_b2,
           conv_bias, prelu_a, gn_weight, gn_bias, gn_mean_scale):
    row = edge_index[0]
    col = edge_index[1]
    w_e = _edge_mlp(edge_attr, mlp_w1, mlp_b1, mlp_w2, mlp_b2)
    h = _lin(x, lin_w)
    deg_partials = _deg_sc(col, w_e)
    dis2d, inv2d = _combine(deg_partials)
    dis_col = dis2d.reshape(N, 1)
    inv_col = inv2d.reshape(N, 1)
    h2 = (dis_col * h).astype(jnp.bfloat16)
    h2i = lax.bitcast_convert_type(h2.reshape(N, D // 2, 2), jnp.int32)
    out_p = _agg_sc(row, col, w_e, h2i)
    return _final(out_p, h, dis_col, inv_col, conv_bias, prelu_a,
                  gn_weight, gn_bias, gn_mean_scale)

# --- scband reference (transcript-rebuilt; emitter-appended) ---
"""Pipeline reference for scband-pdnblock-36850819400184 (READ-ONLY COPY).

The authoritative reference and input builder live on the scoring server;
editing this copy changes nothing except your own understanding.
"""

import jax, jax.numpy as jnp
import numpy as np

N = 10000
E = 320000
D_IN = 128
D_OUT = 128
D_EDGE = 16
D_HID = 32
EPS = 1e-5


def setup_inputs(seed: int = 0) -> dict:
    key = jax.random.key(seed)
    ks = jax.random.split(key, 8)
    x = jax.random.normal(ks[0], (N, D_IN), dtype=jnp.float32)
    edge_index = jax.random.randint(ks[1], (2, E), 0, N, dtype=jnp.int32)
    edge_attr = jax.random.normal(ks[2], (E, D_EDGE), dtype=jnp.float32)
    # PDNConv params (PyG Linear: weight [out, in], y = x @ W.T)
    lin_w = jax.random.normal(ks[3], (D_OUT, D_IN), dtype=jnp.float32) * (1.0 / np.sqrt(D_IN))
    mlp_w1 = jax.random.normal(ks[4], (D_HID, D_EDGE), dtype=jnp.float32) * (1.0 / np.sqrt(D_EDGE))
    mlp_b1 = jnp.zeros((D_HID,), dtype=jnp.float32)
    mlp_w2 = jax.random.normal(ks[5], (1, D_HID), dtype=jnp.float32) * (1.0 / np.sqrt(D_HID))
    mlp_b2 = jnp.zeros((1,), dtype=jnp.float32)
    conv_bias = jnp.zeros((D_OUT,), dtype=jnp.float32)
    # PReLU (single shared parameter, init 0.25)
    prelu_a = jnp.array(0.25, dtype=jnp.float32)
    # GraphNorm params
    gn_weight = jnp.ones((D_OUT,), dtype=jnp.float32)
    gn_bias = jnp.zeros((D_OUT,), dtype=jnp.float32)
    gn_mean_scale = jnp.ones((D_OUT,), dtype=jnp.float32)
    return {
        "x": x, "edge_index": edge_index, "edge_attr": edge_attr,
        "lin_w": lin_w, "mlp_w1": mlp_w1, "mlp_b1": mlp_b1,
        "mlp_w2": mlp_w2, "mlp_b2": mlp_b2, "conv_bias": conv_bias,
        "prelu_a": prelu_a, "gn_weight": gn_weight, "gn_bias": gn_bias,
        "gn_mean_scale": gn_mean_scale,
    }


def reference(x, edge_index, edge_attr, lin_w, mlp_w1, mlp_b1, mlp_w2, mlp_b2,
              conv_bias, prelu_a, gn_weight, gn_bias, gn_mean_scale):
    n = x.shape[0]
    # --- PDNConv ---
    # edge MLP: Linear -> ReLU -> Linear -> Sigmoid, squeeze to [E]
    h_e = jnp.maximum(edge_attr @ mlp_w1.T + mlp_b1, 0.0)
    w_e = jax.nn.sigmoid(h_e @ mlp_w2.T + mlp_b2).squeeze(-1)
    # add self loops with fill_value=1.0
    loop = jnp.arange(n, dtype=edge_index.dtype)
    row = jnp.concatenate([edge_index[0], loop])
    col = jnp.concatenate([edge_index[1], loop])
    w_e = jnp.concatenate([w_e, jnp.ones((n,), dtype=w_e.dtype)])
    # gcn_norm (improved=False, add_self_loops=False since already added)
    deg = jnp.zeros((n,), dtype=w_e.dtype).at[col].add(w_e)
    deg_inv_sqrt = jnp.where(deg > 0, deg ** -0.5, 0.0)
    norm = deg_inv_sqrt[row] * w_e * deg_inv_sqrt[col]
    # linear transform then weighted scatter-add aggregation (source_to_target)
    h = x @ lin_w.T
    msg = norm[:, None] * h[row]
    out = jnp.zeros((n, h.shape[1]), dtype=h.dtype).at[col].add(msg)
    out = out + conv_bias
    # --- PReLU ---
    out = jnp.where(out >= 0, out, prelu_a * out)
    # --- GraphNorm (single graph) ---
    mean = jnp.mean(out, axis=0, keepdims=True)
    centered = out - mean * gn_mean_scale
    var = jnp.mean(centered * centered, axis=0, keepdims=True)
    std = jnp.sqrt(var + EPS)
    return gn_weight * centered / std + gn_bias

if __name__ == "__main__":
    import jax
    _d = setup_inputs()
    print(jax.jit(kernel)(*tuple(_d.values())))

</pallas_src>

<mosaic_0001>
#map = affine_map<(d0, d1) -> (0)>
#map1 = affine_map<(d0, d1) -> (0, 0)>
module attributes {stable_mosaic.version = 14 : i64} {
  func.func @_deg_body(%arg0: i32, %arg1: i32, %arg2: memref<320000xi32, #tpu.memory_space<hbm>>, %arg3: memref<320000xf32, #tpu.memory_space<hbm>>, %arg4: memref<32x10000xf32, #tpu.memory_space<hbm>>, %arg5: memref<10000xf32, #tpu.memory_space<vmem>>, %arg6: memref<1x2000xi32, #tpu.memory_space<vmem>>, %arg7: memref<1x2000xf32, #tpu.memory_space<vmem>>) attributes {dimension_semantics = [#tpu.dimension_semantics<core_parallel>, #tpu.dimension_semantics<subcore_parallel>], iteration_bounds = array<i64: 2, 16>, scalar_prefetch = 0 : i64, scratch_operands = 3 : i64, tpu.core_type = #tpu.core_type<sc_vector_subcore>, window_params = [{transform_indices = #map}, {transform_indices = #map}, {transform_indices = #map1}]} {
    %mul3A = arith.constant 2 : i32
    %mul3A_0 = arith.muli %arg1, %mul3A : i32
    %add3A = arith.addi %mul3A_0, %arg0 : i32
    %mul3A_1 = arith.constant 10000 : i32
    %mul3A_2 = arith.muli %add3A, %mul3A_1 : i32
    %broadcast_in_dim3A = arith.constant 0.000000e+00 : f32
    %broadcast_in_dim3A_3 = vector.broadcast %broadcast_in_dim3A : f32 to vector<16xf32>
    %scan3A = arith.constant 0 : i32
    %scan3A_4 = arith.constant 0 : i32
    %scan3A_5 = arith.constant 625 : i32
    %scan3A_6 = arith.addi %scan3A_4, %scan3A_5 : i32
    %scan3A_7 = arith.constant 1 : i32
    %scan3A_8 = scf.for %scan3A_17 = %scan3A_4 to %scan3A_6 step %scan3A_7 iter_args(%scan3A_18 = %scan3A) -> (i32)  : i32 {
      %mul3A_19 = arith.constant 16 : i32
      %mul3A_20 = arith.muli %scan3A_17, %mul3A_19 : i32
      %swap3A = arith.index_cast %mul3A_20 : i32 to index
      %swap3A_21 = tpu.vector_load %arg5[%swap3A] {strides = array<i32>} : memref<10000xf32, #tpu.memory_space<vmem>>, vector<16xf32>,
      tpu.vector_store %arg5[%swap3A], %broadcast_in_dim3A_3 {strides = array<i32>} : memref<10000xf32, #tpu.memory_space<vmem>>, vector<16xf32>,
      %scan3A_22 = arith.constant 0 : i32
      scf.yield %scan3A_22 : i32
    }
    %scan3A_9 = arith.constant 625 : i32
    %scan3A_10 = arith.constant 0 : i32
    %scan3A_11 = arith.constant 0 : i32
    %scan3A_12 = arith.constant 5 : i32
    %scan3A_13 = arith.addi %scan3A_11, %scan3A_12 : i32
    %scan3A_14 = arith.constant 1 : i32
    %scan3A_15 = scf.for %scan3A_17 = %scan3A_11 to %scan3A_13 step %scan3A_14 iter_args(%scan3A_18 = %scan3A_10) -> (i32)  : i32 {
      %mul3A_19 = arith.constant 2000 : i32
      %mul3A_20 = arith.muli %scan3A_17, %mul3A_19 : i32
      %add3A_21 = arith.addi %mul3A_2, %mul3A_20 : i32
      %run_scoped3A = arith.constant 0 : i32
      "tpu.region"() ({
        %run_scoped3A_31 = tpu.sem_alloc : memref<!tpu.dma_semaphore, #tpu.memory_space<semaphore_mem>>
        %dma_start3A = arith.constant 0 : i32
        %dma_start3A_32 = tpu.memref_slice %arg6[%run_scoped3A, %dma_start3A] : memref<1x2000xi32, #tpu.memory_space<vmem>> -> memref<1x2000xi32, #tpu.memory_space<vmem>>
        %dma_start3A_33 = tpu.memref_squeeze %dma_start3A_32 : memref<1x2000xi32, #tpu.memory_space<vmem>> -> memref<2000xi32, #tpu.memory_space<vmem>>
        %dma_start3A_34 = tpu.memref_slice %arg2[%add3A_21] : memref<320000xi32, #tpu.memory_space<hbm>> -> memref<2000xi32, #tpu.memory_space<hbm>>
        %dma_start3A_35 = arith.constant 0 : i32
        %dma_start3A_36 = tpu.memref_slice %arg6[%run_scoped3A, %dma_start3A_35] : memref<1x2000xi32, #tpu.memory_space<vmem>> -> memref<1x2000xi32, #tpu.memory_space<vmem>>
        %dma_start3A_37 = tpu.memref_squeeze %dma_start3A_36 : memref<1x2000xi32, #tpu.memory_space<vmem>> -> memref<2000xi32, #tpu.memory_space<vmem>>
        %dma_start3A_38 = tpu.memref_slice %arg2[%add3A_21] : memref<320000xi32, #tpu.memory_space<hbm>> -> memref<2000xi32, #tpu.memory_space<hbm>>
        tpu.enqueue_dma source(%dma_start3A_38 : memref<2000xi32, #tpu.memory_space<hbm>>) target(%dma_start3A_37 : memref<2000xi32, #tpu.memory_space<vmem>>) target_semaphore(%run_scoped3A_31 : memref<!tpu.dma_semaphore, #tpu.memory_space<semaphore_mem>>)
        %dma_wait3A = arith.constant 0 : i32
        %dma_wait3A_39 = tpu.memref_slice %arg6[%run_scoped3A, %dma_wait3A] : memref<1x2000xi32, #tpu.memory_space<vmem>> -> memref<1x2000xi32, #tpu.memory_space<vmem>>
        %dma_wait3A_40 = tpu.memref_squeeze %dma_wait3A_39 : memref<1x2000xi32, #tpu.memory_space<vmem>> -> memref<2000xi32, #tpu.memory_space<vmem>>
        %dma_wait3A_41 = tpu.memref_slice %arg2[%add3A_21] : memref<320000xi32, #tpu.memory_space<hbm>> -> memref<2000xi32, #tpu.memory_space<hbm>>
        %dma_wait3A_42 = arith.constant 0 : i32
        %dma_wait3A_43 = tpu.memref_slice %arg6[%run_scoped3A, %dma_wait3A_42] : memref<1x2000xi32, #tpu.memory_space<vmem>> -> memref<1x2000xi32, #tpu.memory_space<vmem>>
        %dma_wait3A_44 = tpu.memref_squeeze %dma_wait3A_43 : memref<1x2000xi32, #tpu.memory_space<vmem>> -> memref<2000xi32, #tpu.memory_space<vmem>>
        %dma_wait3A_45 = tpu.memref_slice %arg2[%add3A_21] : memref<320000xi32, #tpu.memory_space<hbm>> -> memref<2000xi32, #tpu.memory_space<hbm>>
        tpu.wait_dma2 semaphore(%run_scoped3A_31 : memref<!tpu.dma_semaphore, #tpu.memory_space<semaphore_mem>>) src(%dma_wait3A_45 : memref<2000xi32, #tpu.memory_space<hbm>>) dst(%dma_wait3A_44 : memref<2000xi32, #tpu.memory_space<vmem>>)
        tpu.yield
      }) : () -> ()
      %run_scoped3A_22 = arith.constant 0 : i32
      "tpu.region"() ({
        %run_scoped3A_31 = tpu.sem_alloc : memref<!tpu.dma_semaphore, #tpu.memory_space<semaphore_mem>>
        %dma_start3A = arith.constant 0 : i32
        %dma_start3A_32 = tpu.memref_slice %arg7[%run_scoped3A_22, %dma_start3A] : memref<1x2000xf32, #tpu.memory_space<vmem>> -> memref<1x2000xf32, #tpu.memory_space<vmem>>
        %dma_start3A_33 = tpu.memref_squeeze %dma_start3A_32 : memref<1x2000xf32, #tpu.memory_space<vmem>> -> memref<2000xf32, #tpu.memory_space<vmem>>
        %dma_start3A_34 = tpu.memref_slice %arg3[%add3A_21] : memref<320000xf32, #tpu.memory_space<hbm>> -> memref<2000xf32, #tpu.memory_space<hbm>>
        %dma_start3A_35 = arith.constant 0 : i32
        %dma_start3A_36 = tpu.memref_slice %arg7[%run_scoped3A_22, %dma_start3A_35] : memref<1x2000xf32, #tpu.memory_space<vmem>> -> memref<1x2000xf32, #tpu.memory_space<vmem>>
        %dma_start3A_37 = tpu.memref_squeeze %dma_start3A_36 : memref<1x2000xf32, #tpu.memory_space<vmem>> -> memref<2000xf32, #tpu.memory_space<vmem>>
        %dma_start3A_38 = tpu.memref_slice %arg3[%add3A_21] : memref<320000xf32, #tpu.memory_space<hbm>> -> memref<2000xf32, #tpu.memory_space<hbm>>
        tpu.enqueue_dma source(%dma_start3A_38 : memref<2000xf32, #tpu.memory_space<hbm>>) target(%dma_start3A_37 : memref<2000xf32, #tpu.memory_space<vmem>>) target_semaphore(%run_scoped3A_31 : memref<!tpu.dma_semaphore, #tpu.memory_space<semaphore_mem>>)
        %dma_wait3A = arith.constant 0 : i32
        %dma_wait3A_39 = tpu.memref_slice %arg7[%run_scoped3A_22, %dma_wait3A] : memref<1x2000xf32, #tpu.memory_space<vmem>> -> memref<1x2000xf32, #tpu.memory_space<vmem>>
        %dma_wait3A_40 = tpu.memref_squeeze %dma_wait3A_39 : memref<1x2000xf32, #tpu.memory_space<vmem>> -> memref<2000xf32, #tpu.memory_space<vmem>>
        %dma_wait3A_41 = tpu.memref_slice %arg3[%add3A_21] : memref<320000xf32, #tpu.memory_space<hbm>> -> memref<2000xf32, #tpu.memory_space<hbm>>
        %dma_wait3A_42 = arith.constant 0 : i32
        %dma_wait3A_43 = tpu.memref_slice %arg7[%run_scoped3A_22, %dma_wait3A_42] : memref<1x2000xf32, #tpu.memory_space<vmem>> -> memref<1x2000xf32, #tpu.memory_space<vmem>>
        %dma_wait3A_44 = tpu.memref_squeeze %dma_wait3A_43 : memref<1x2000xf32, #tpu.memory_space<vmem>> -> memref<2000xf32, #tpu.memory_space<vmem>>
        %dma_wait3A_45 = tpu.memref_slice %arg3[%add3A_21] : memref<320000xf32, #tpu.memory_space<hbm>> -> memref<2000xf32, #tpu.memory_space<hbm>>
        tpu.wait_dma2 semaphore(%run_scoped3A_31 : memref<!tpu.dma_semaphore, #tpu.memory_space<semaphore_mem>>) src(%dma_wait3A_45 : memref<2000xf32, #tpu.memory_space<hbm>>) dst(%dma_wait3A_44 : memref<2000xf32, #tpu.memory_space<vmem>>)
        tpu.yield
      }) : () -> ()
      %scan3A_23 = arith.constant 0 : i32
      %scan3A_24 = arith.constant 0 : i32
      %scan3A_25 = arith.constant 125 : i32
      %scan3A_26 = arith.addi %scan3A_24, %scan3A_25 : i32
      %scan3A_27 = arith.constant 1 : i32
      %scan3A_28 = scf.for %scan3A_31 = %scan3A_24 to %scan3A_26 step %scan3A_27 iter_args(%scan3A_32 = %scan3A_23) -> (i32)  : i32 {
        %mul3A_33 = arith.constant 16 : i32
        %mul3A_34 = arith.muli %scan3A_31, %mul3A_33 : i32
        %get3A = arith.constant 0 : i32
        %get3A_35 = arith.index_cast %get3A : i32 to index
        %get3A_36 = arith.index_cast %mul3A_34 : i32 to index
        %get3A_37 = tpu.vector_load %arg6[%get3A_35, %get3A_36] {strides = array<i32>} : memref<1x2000xi32, #tpu.memory_space<vmem>>, vector<16xi32>,
        %mul3A_38 = arith.constant 16 : i32
        %mul3A_39 = arith.muli %scan3A_31, %mul3A_38 : i32
        %get3A_40 = arith.constant 0 : i32
        %get3A_41 = arith.index_cast %get3A_40 : i32 to index
        %get3A_42 = arith.index_cast %mul3A_39 : i32 to index
        %get3A_43 = tpu.vector_load %arg7[%get3A_41, %get3A_42] {strides = array<i32>} : memref<1x2000xf32, #tpu.memory_space<vmem>>, vector<16xf32>,
        tpu.vector_store_idx %arg5[%get3A_37], %get3A_43 {add = true} : memref<10000xf32, #tpu.memory_space<vmem>>[vector<16xi32>], vector<16xf32>,
        %scan3A_44 = arith.constant 0 : i32
        scf.yield %scan3A_44 : i32
      }
      %scan3A_29 = arith.constant 125 : i32
      %scan3A_30 = arith.constant 0 : i32
      scf.yield %scan3A_30 : i32
    }
    %scan3A_16 = arith.constant 5 : i32
    "tpu.region"() ({
      %run_scoped3A = tpu.sem_alloc : memref<!tpu.dma_semaphore, #tpu.memory_space<semaphore_mem>>
      %dma_start3A = arith.constant 0 : i32
      %dma_start3A_17 = tpu.memref_slice %arg4[%add3A, %dma_start3A] : memref<32x10000xf32, #tpu.memory_space<hbm>> -> memref<1x10000xf32, #tpu.memory_space<hbm>>
      %dma_start3A_18 = tpu.memref_squeeze %dma_start3A_17 : memref<1x10000xf32, #tpu.memory_space<hbm>> -> memref<10000xf32, #tpu.memory_space<hbm>>
      %dma_start3A_19 = arith.constant 0 : i32
      %dma_start3A_20 = tpu.memref_slice %arg4[%add3A, %dma_start3A_19] : memref<32x10000xf32, #tpu.memory_space<hbm>> -> memref<1x10000xf32, #tpu.memory_space<hbm>>
      %dma_start3A_21 = tpu.memref_squeeze %dma_start3A_20 : memref<1x10000xf32, #tpu.memory_space<hbm>> -> memref<10000xf32, #tpu.memory_space<hbm>>
      tpu.enqueue_dma source(%arg5 : memref<10000xf32, #tpu.memory_space<vmem>>) target(%dma_start3A_21 : memref<10000xf32, #tpu.memory_space<hbm>>) target_semaphore(%run_scoped3A : memref<!tpu.dma_semaphore, #tpu.memory_space<semaphore_mem>>)
      %dma_wait3A = arith.constant 0 : i32
      %dma_wait3A_22 = tpu.memref_slice %arg4[%add3A, %dma_wait3A] : memref<32x10000xf32, #tpu.memory_space<hbm>> -> memref<1x10000xf32, #tpu.memory_space<hbm>>
      %dma_wait3A_23 = tpu.memref_squeeze %dma_wait3A_22 : memref<1x10000xf32, #tpu.memory_space<hbm>> -> memref<10000xf32, #tpu.memory_space<hbm>>
      %dma_wait3A_24 = arith.constant 0 : i32
      %dma_wait3A_25 = tpu.memref_slice %arg4[%add3A, %dma_wait3A_24] : memref<32x10000xf32, #tpu.memory_space<hbm>> -> memref<1x10000xf32, #tpu.memory_space<hbm>>
      %dma_wait3A_26 = tpu.memref_squeeze %dma_wait3A_25 : memref<1x10000xf32, #tpu.memory_space<hbm>> -> memref<10000xf32, #tpu.memory_space<hbm>>
      tpu.wait_dma2 semaphore(%run_scoped3A : memref<!tpu.dma_semaphore, #tpu.memory_space<semaphore_mem>>) src(%arg5 : memref<10000xf32, #tpu.memory_space<vmem>>) dst(%dma_wait3A_26 : memref<10000xf32, #tpu.memory_space<hbm>>)
      tpu.yield
    }) : () -> ()
    return
  }
}

#map = affine_map<(d0, d1) -> (0)>
#map1 = affine_map<(d0, d1) -> (0, 0)>
#map2 = affine_map<(d0, d1) -> (0, 0, 0)>
module attributes {stable_mosaic.version = 14 : i64} {
  func.func @_agg_body(%arg0: i32, %arg1: i32, %arg2: memref<327680xi32, #tpu.memory_space<hbm>>, %arg3: memref<327680xi32, #tpu.memory_space<hbm>>, %arg4: memref<327680xf32, #tpu.memory_space<hbm>>, %arg5: memref<10000x64xi32, #tpu.memory_space<hbm>>, %arg6: memref<2x10000x128xf32, #tpu.memory_space<hbm>>, %arg7: memref<2x128xi32, #tpu.memory_space<vmem>>, %arg8: memref<2x128xi32, #tpu.memory_space<vmem>>, %arg9: memref<2x128xf32, #tpu.memory_space<vmem>>, %arg10: memref<128x64xi32, #tpu.memory_space<vmem>>, %arg11: memref<128x64xi32, #tpu.memory_space<vmem>>, %arg12: memref<128x128xf32, #tpu.memory_space<vmem>>, %arg13: memref<40x128xf32, #tpu.memory_space<vmem>>, %arg14: memref<10000x128xf32, #tpu.memory_space<vmem_shared>>, %arg15: memref<!tpu.dma_semaphore, #tpu.memory_space<semaphore_mem>>, %arg16: memref<!tpu.dma_semaphore, #tpu.memory_space<semaphore_mem>>, %arg17: memref<!tpu.dma_semaphore, #tpu.memory_space<semaphore_mem>>, %arg18: memref<!tpu.dma_semaphore, #tpu.memory_space<semaphore_mem>>, %arg19: memref<!tpu.dma_semaphore, #tpu.memory_space<semaphore_mem>>, %arg20: memref<!tpu.dma_semaphore, #tpu.memory_space<semaphore_mem>>) attributes {dimension_semantics = [#tpu.dimension_semantics<core_parallel>, #tpu.dimension_semantics<subcore_parallel>], iteration_bounds = array<i64: 2, 16>, scalar_prefetch = 0 : i64, scratch_operands = 14 : i64, tpu.core_type = #tpu.core_type<sc_vector_subcore>, window_params = [{transform_indices = #map}, {transform_indices = #map}, {transform_indices = #map}, {transform_indices = #map1}, {transform_indices = #map2}]} {
    %mul3A = arith.constant 2 : i32
    %mul3A_0 = arith.muli %arg1, %mul3A : i32
    %add3A = arith.addi %mul3A_0, %arg0 : i32
    %mul3A_1 = arith.constant 10240 : i32
    %mul3A_2 = arith.muli %add3A, %mul3A_1 : i32
    %broadcast_in_dim3A = arith.constant 0.000000e+00 : f32
    %broadcast_in_dim3A_3 = vector.broadcast %broadcast_in_dim3A : f32 to vector<16xf32>
    %scan3A = arith.constant 0 : i32
    %scan3A_4 = arith.constant 0 : i32
    %scan3A_5 = arith.constant 320 : i32
    %scan3A_6 = arith.addi %scan3A_4, %scan3A_5 : i32
    %scan3A_7 = arith.constant 1 : i32
    %scan3A_8 = scf.for %scan3A_128 = %scan3A_4 to %scan3A_6 step %scan3A_7 iter_args(%scan3A_129 = %scan3A) -> (i32)  : i32 {
      %jit3A = arith.constant 8 : i32
      %div3A = arith.divsi %scan3A_128, %jit3A : i32
      %sign3A = arith.constant 0 : i32
      %sign3A_130 = arith.cmpi sgt, %scan3A_128, %sign3A : i32
      %sign3A_131 = arith.extui %sign3A_130 : i1 to i32
      %sign3A_132 = arith.constant 0 : i32
      %sign3A_133 = arith.cmpi slt, %scan3A_128, %sign3A_132 : i32
      %sign3A_134 = arith.extui %sign3A_133 : i1 to i32
      %sign3A_135 = arith.subi %sign3A_131, %sign3A_134 : i32
      %sign3A_136 = arith.constant 0 : i32
      %sign3A_137 = arith.cmpi sgt, %jit3A, %sign3A_136 : i32
      %sign3A_138 = arith.extui %sign3A_137 : i1 to i32
      %sign3A_139 = arith.constant 0 : i32
      %sign3A_140 = arith.cmpi slt, %jit3A, %sign3A_139 : i32
      %sign3A_141 = arith.extui %sign3A_140 : i1 to i32
      %sign3A_142 = arith.subi %sign3A_138, %sign3A_141 : i32
      %ne3A = arith.cmpi ne, %sign3A_135, %sign3A_142 : i32
      %rem3A_143 = arith.remsi %scan3A_128, %jit3A : i32
      %ne3A_144 = arith.constant 0 : i32
      %ne3A_145 = arith.cmpi ne, %rem3A_143, %ne3A_144 : i32
      %and3A = arith.andi %ne3A, %ne3A_145 : i1
      %sub3A = arith.constant 1 : i32
      %sub3A_146 = arith.subi %div3A, %sub3A : i32
      %select_n3A = arith.select %and3A, %sub3A_146, %div3A : i32
      %jit3A_147 = arith.constant 8 : i32
      %eq3A = arith.constant 0 : i32
      %eq3A_148 = arith.cmpi eq, %jit3A_147, %eq3A : i32
      %jit3A_149 = arith.constant 1 : i32
      %select_n3A_150 = arith.select %eq3A_148, %jit3A_149, %jit3A_147 : i32
      %rem3A_151 = arith.remsi %scan3A_128, %select_n3A_150 : i32
      %ne3A_152 = arith.constant 0 : i32
      %ne3A_153 = arith.cmpi ne, %rem3A_151, %ne3A_152 : i32
      %lt3A = arith.constant 0 : i32
      %lt3A_154 = arith.cmpi slt, %rem3A_151, %lt3A : i32
      %lt3A_155 = arith.constant 0 : i32
      %lt3A_156 = arith.cmpi slt, %select_n3A_150, %lt3A_155 : i32
      %ne3A_157 = arith.xori %lt3A_154, %lt3A_156 : i1
      %and3A_158 = arith.andi %ne3A_157, %ne3A_153 : i1
      %add3A_159 = arith.addi %rem3A_151, %select_n3A_150 : i32
      %select_n3A_160 = arith.select %and3A_158, %add3A_159, %rem3A_151 : i32
      %mul3A_161 = arith.constant 16 : i32
      %mul3A_162 = arith.muli %select_n3A_160, %mul3A_161 : i32
      %swap3A = arith.index_cast %select_n3A : i32 to index
      %swap3A_163 = arith.index_cast %mul3A_162 : i32 to index
      %swap3A_164 = tpu.vector_load %arg13[%swap3A, %swap3A_163] {strides = array<i32>} : memref<40x128xf32, #tpu.memory_space<vmem>>, vector<16xf32>,
      tpu.vector_store %arg13[%swap3A, %swap3A_163], %broadcast_in_dim3A_3 {strides = array<i32>} : memref<40x128xf32, #tpu.memory_space<vmem>>, vector<16xf32>,
      %scan3A_165 = arith.constant 0 : i32
      scf.yield %scan3A_165 : i32
    }
    %scan3A_9 = arith.constant 320 : i32
    %scan3A_10 = arith.constant 0 : i32
    %scan3A_11 = arith.constant 0 : i32
    %scan3A_12 = arith.constant 16 : i32
    %scan3A_13 = arith.addi %scan3A_11, %scan3A_12 : i32
    %scan3A_14 = arith.constant 1 : i32
    %scan3A_15 = scf.for %scan3A_128 = %scan3A_11 to %scan3A_13 step %scan3A_14 iter_args(%scan3A_129 = %scan3A_10) -> (i32)  : i32 {
      %mul3A_130 = arith.constant 16 : i32
      %mul3A_131 = arith.muli %scan3A_128, %mul3A_130 : i32
      %add3A_132 = arith.addi %arg1, %mul3A_131 : i32
      %lt3A = arith.constant 250 : i32
      %lt3A_133 = arith.cmpi slt, %add3A_132, %lt3A : i32
      %convert_element_type3A = arith.extui %lt3A_133 : i1 to i32
      %cond3A = arith.constant 0 : i32
      %cond3A_134 = arith.cmpi ne, %convert_element_type3A, %cond3A : i32
      scf.if %cond3A_134 {
        %mul3A_136 = arith.constant 40 : i32
        %mul3A_137 = arith.muli %add3A_132, %mul3A_136 : i32
        "tpu.region"() ({
          %run_scoped3A_138 = tpu.sem_alloc : memref<!tpu.dma_semaphore, #tpu.memory_space<semaphore_mem>>
          %dma_start3A_139 = arith.constant 0 : i32
          %dma_start3A_140 = tpu.memref_slice %arg14[%mul3A_137, %dma_start3A_139] : memref<10000x128xf32, #tpu.memory_space<vmem_shared>> -> memref<40x128xf32, #tpu.memory_space<vmem_shared>>
          %dma_start3A_141 = arith.constant 0 : i32
          %dma_start3A_142 = tpu.memref_slice %arg14[%mul3A_137, %dma_start3A_141] : memref<10000x128xf32, #tpu.memory_space<vmem_shared>> -> memref<40x128xf32, #tpu.memory_space<vmem_shared>>
          tpu.enqueue_dma source(%arg13 : memref<40x128xf32, #tpu.memory_space<vmem>>) target(%dma_start3A_142 : memref<40x128xf32, #tpu.memory_space<vmem_shared>>) target_semaphore(%run_scoped3A_138 : memref<!tpu.dma_semaphore, #tpu.memory_space<semaphore_mem>>)
          %dma_wait3A_143 = arith.constant 0 : i32
          %dma_wait3A_144 = tpu.memref_slice %arg14[%mul3A_137, %dma_wait3A_143] : memref<10000x128xf32, #tpu.memory_space<vmem_shared>> -> memref<40x128xf32, #tpu.memory_space<vmem_shared>>
          %dma_wait3A_145 = arith.constant 0 : i32
          %dma_wait3A_146 = tpu.memref_slice %arg14[%mul3A_137, %dma_wait3A_145] : memref<10000x128xf32, #tpu.memory_space<vmem_shared>> -> memref<40x128xf32, #tpu.memory_space<vmem_shared>>
          tpu.wait_dma2 semaphore(%run_scoped3A_138 : memref<!tpu.dma_semaphore, #tpu.memory_space<semaphore_mem>>) src(%arg13 : memref<40x128xf32, #tpu.memory_space<vmem>>) dst(%dma_wait3A_146 : memref<40x128xf32, #tpu.memory_space<vmem_shared>>)
          tpu.yield
        }) : () -> ()
      } else {
      }
      %scan3A_135 = arith.constant 0 : i32
      scf.yield %scan3A_135 : i32
    }
    %scan3A_16 = arith.constant 16 : i32
    %barrier3A = arith.constant 0 : index
    tpu.barrier barrier_id(%barrier3A)
    %iota3A = tpu.iota {dimensions = array<i32: 0>} : vector<16xi32>
    %mul3A_17 = arith.constant 2 : i32
    %mul3A_18 = vector.broadcast %mul3A_17 : i32 to vector<16xi32>
    %mul3A_19 = arith.muli %iota3A, %mul3A_18 : vector<16xi32>
    %mul3A_20 = arith.constant 2 : i32
    %mul3A_21 = vector.broadcast %mul3A_20 : i32 to vector<16xi32>
    %mul3A_22 = arith.muli %iota3A, %mul3A_21 : vector<16xi32>
    %add3A_23 = arith.constant 1 : i32
    %add3A_24 = vector.broadcast %add3A_23 : i32 to vector<16xi32>
    %add3A_25 = arith.addi %mul3A_22, %add3A_24 : vector<16xi32>
    %broadcast_in_dim3A_26 = arith.constant -65536 : i32
    %broadcast_in_dim3A_27 = vector.broadcast %broadcast_in_dim3A_26 : i32 to vector<16xi32>
    %run_scoped3A = arith.constant 0 : i32
    "tpu.region"() ({
      %run_scoped3A_128 = tpu.sem_alloc : memref<!tpu.dma_semaphore, #tpu.memory_space<semaphore_mem>>
      %dma_start3A_129 = arith.constant 0 : i32
      %dma_start3A_130 = tpu.memref_slice %arg7[%run_scoped3A, %dma_start3A_129] : memref<2x128xi32, #tpu.memory_space<vmem>> -> memref<1x128xi32, #tpu.memory_space<vmem>>
      %dma_start3A_131 = tpu.memref_squeeze %dma_start3A_130 : memref<1x128xi32, #tpu.memory_space<vmem>> -> memref<128xi32, #tpu.memory_space<vmem>>
      %dma_start3A_132 = tpu.memref_slice %arg2[%mul3A_2] : memref<327680xi32, #tpu.memory_space<hbm>> -> memref<128xi32, #tpu.memory_space<hbm>>
      %dma_start3A_133 = arith.constant 0 : i32
      %dma_start3A_134 = tpu.memref_slice %arg7[%run_scoped3A, %dma_start3A_133] : memref<2x128xi32, #tpu.memory_space<vmem>> -> memref<1x128xi32, #tpu.memory_space<vmem>>
      %dma_start3A_135 = tpu.memref_squeeze %dma_start3A_134 : memref<1x128xi32, #tpu.memory_space<vmem>> -> memref<128xi32, #tpu.memory_space<vmem>>
      %dma_start3A_136 = tpu.memref_slice %arg2[%mul3A_2] : memref<327680xi32, #tpu.memory_space<hbm>> -> memref<128xi32, #tpu.memory_space<hbm>>
      tpu.enqueue_dma source(%dma_start3A_136 : memref<128xi32, #tpu.memory_space<hbm>>) target(%dma_start3A_135 : memref<128xi32, #tpu.memory_space<vmem>>) target_semaphore(%run_scoped3A_128 : memref<!tpu.dma_semaphore, #tpu.memory_space<semaphore_mem>>)
      %dma_wait3A_137 = arith.constant 0 : i32
      %dma_wait3A_138 = tpu.memref_slice %arg7[%run_scoped3A, %dma_wait3A_137] : memref<2x128xi32, #tpu.memory_space<vmem>> -> memref<1x128xi32, #tpu.memory_space<vmem>>
      %dma_wait3A_139 = tpu.memref_squeeze %dma_wait3A_138 : memref<1x128xi32, #tpu.memory_space<vmem>> -> memref<128xi32, #tpu.memory_space<vmem>>
      %dma_wait3A_140 = tpu.memref_slice %arg2[%mul3A_2] : memref<327680xi32, #tpu.memory_space<hbm>> -> memref<128xi32, #tpu.memory_space<hbm>>
      %dma_wait3A_141 = arith.constant 0 : i32
      %dma_wait3A_142 = tpu.memref_slice %arg7[%run_scoped3A, %dma_wait3A_141] : memref<2x128xi32, #tpu.memory_space<vmem>> -> memref<1x128xi32, #tpu.memory_space<vmem>>
      %dma_wait3A_143 = tpu.memref_squeeze %dma_wait3A_142 : memref<1x128xi32, #tpu.memory_space<vmem>> -> memref<128xi32, #tpu.memory_space<vmem>>
      %dma_wait3A_144 = tpu.memref_slice %arg2[%mul3A_2] : memref<327680xi32, #tpu.memory_space<hbm>> -> memref<128xi32, #tpu.memory_space<hbm>>
      tpu.wait_dma2 semaphore(%run_scoped3A_128 : memref<!tpu.dma_semaphore, #tpu.memory_space<semaphore_mem>>) src(%dma_wait3A_144 : memref<128xi32, #tpu.memory_space<hbm>>) dst(%dma_wait3A_143 : memref<128xi32, #tpu.memory_space<vmem>>)
      tpu.yield
    }) : () -> ()
    %run_scoped3A_28 = arith.constant 0 : i32
    "tpu.region"() ({
      %run_scoped3A_128 = tpu.sem_alloc : memref<!tpu.dma_semaphore, #tpu.memory_space<semaphore_mem>>
      %dma_start3A_129 = arith.constant 0 : i32
      %dma_start3A_130 = tpu.memref_slice %arg8[%run_scoped3A_28, %dma_start3A_129] : memref<2x128xi32, #tpu.memory_space<vmem>> -> memref<1x128xi32, #tpu.memory_space<vmem>>
      %dma_start3A_131 = tpu.memref_squeeze %dma_start3A_130 : memref<1x128xi32, #tpu.memory_space<vmem>> -> memref<128xi32, #tpu.memory_space<vmem>>
      %dma_start3A_132 = tpu.memref_slice %arg3[%mul3A_2] : memref<327680xi32, #tpu.memory_space<hbm>> -> memref<128xi32, #tpu.memory_space<hbm>>
      %dma_start3A_133 = arith.constant 0 : i32
      %dma_start3A_134 = tpu.memref_slice %arg8[%run_scoped3A_28, %dma_start3A_133] : memref<2x128xi32, #tpu.memory_space<vmem>> -> memref<1x128xi32, #tpu.memory_space<vmem>>
      %dma_start3A_135 = tpu.memref_squeeze %dma_start3A_134 : memref<1x128xi32, #tpu.memory_space<vmem>> -> memref<128xi32, #tpu.memory_space<vmem>>
      %dma_start3A_136 = tpu.memref_slice %arg3[%mul3A_2] : memref<327680xi32, #tpu.memory_space<hbm>> -> memref<128xi32, #tpu.memory_space<hbm>>
      tpu.enqueue_dma source(%dma_start3A_136 : memref<128xi32, #tpu.memory_space<hbm>>) target(%dma_start3A_135 : memref<128xi32, #tpu.memory_space<vmem>>) target_semaphore(%run_scoped3A_128 : memref<!tpu.dma_semaphore, #tpu.memory_space<semaphore_mem>>)
      %dma_wait3A_137 = arith.constant 0 : i32
      %dma_wait3A_138 = tpu.memref_slice %arg8[%run_scoped3A_28, %dma_wait3A_137] : memref<2x128xi32, #tpu.memory_space<vmem>> -> memref<1x128xi32, #tpu.memory_space<vmem>>
      %dma_wait3A_139 = tpu.memref_squeeze %dma_wait3A_138 : memref<1x128xi32, #tpu.memory_space<vmem>> -> memref<128xi32, #tpu.memory_space<vmem>>
      %dma_wait3A_140 = tpu.memref_slice %arg3[%mul3A_2] : memref<327680xi32, #tpu.memory_space<hbm>> -> memref<128xi32, #tpu.memory_space<hbm>>
      %dma_wait3A_141 = arith.constant 0 : i32
      %dma_wait3A_142 = tpu.memref_slice %arg8[%run_scoped3A_28, %dma_wait3A_141] : memref<2x128xi32, #tpu.memory_space<vmem>> -> memref<1x128xi32, #tpu.memory_space<vmem>>
      %dma_wait3A_143 = tpu.memref_squeeze %dma_wait3A_142 : memref<1x128xi32, #tpu.memory_space<vmem>> -> memref<128xi32, #tpu.memory_space<vmem>>
      %dma_wait3A_144 = tpu.memref_slice %arg3[%mul3A_2] : memref<327680xi32, #tpu.memory_space<hbm>> -> memref<128xi32, #tpu.memory_space<hbm>>
      tpu.wait_dma2 semaphore(%run_scoped3A_128 : memref<!tpu.dma_semaphore, #tpu.memory_space<semaphore_mem>>) src(%dma_wait3A_144 : memref<128xi32, #tpu.memory_space<hbm>>) dst(%dma_wait3A_143 : memref<128xi32, #tpu.memory_space<vmem>>)
      tpu.yield
    }) : () -> ()
    %run_scoped3A_29 = arith.constant 0 : i32
    "tpu.region"() ({
      %run_scoped3A_128 = tpu.sem_alloc : memref<!tpu.dma_semaphore, #tpu.memory_space<semaphore_mem>>
      %dma_start3A_129 = arith.constant 0 : i32
      %dma_start3A_130 = tpu.memref_slice %arg9[%run_scoped3A_29, %dma_start3A_129] : memref<2x128xf32, #tpu.memory_space<vmem>> -> memref<1x128xf32, #tpu.memory_space<vmem>>
      %dma_start3A_131 = tpu.memref_squeeze %dma_start3A_130 : memref<1x128xf32, #tpu.memory_space<vmem>> -> memref<128xf32, #tpu.memory_space<vmem>>
      %dma_start3A_132 = tpu.memref_slice %arg4[%mul3A_2] : memref<327680xf32, #tpu.memory_space<hbm>> -> memref<128xf32, #tpu.memory_space<hbm>>
      %dma_start3A_133 = arith.constant 0 : i32
      %dma_start3A_134 = tpu.memref_slice %arg9[%run_scoped3A_29, %dma_start3A_133] : memref<2x128xf32, #tpu.memory_space<vmem>> -> memref<1x128xf32, #tpu.memory_space<vmem>>
      %dma_start3A_135 = tpu.memref_squeeze %dma_start3A_134 : memref<1x128xf32, #tpu.memory_space<vmem>> -> memref<128xf32, #tpu.memory_space<vmem>>
      %dma_start3A_136 = tpu.memref_slice %arg4[%mul3A_2] : memref<327680xf32, #tpu.memory_space<hbm>> -> memref<128xf32, #tpu.memory_space<hbm>>
      tpu.enqueue_dma source(%dma_start3A_136 : memref<128xf32, #tpu.memory_space<hbm>>) target(%dma_start3A_135 : memref<128xf32, #tpu.memory_space<vmem>>) target_semaphore(%run_scoped3A_128 : memref<!tpu.dma_semaphore, #tpu.memory_space<semaphore_mem>>)
      %dma_wait3A_137 = arith.constant 0 : i32
      %dma_wait3A_138 = tpu.memref_slice %arg9[%run_scoped3A_29, %dma_wait3A_137] : memref<2x128xf32, #tpu.memory_space<vmem>> -> memref<1x128xf32, #tpu.memory_space<vmem>>
      %dma_wait3A_139 = tpu.memref_squeeze %dma_wait3A_138 : memref<1x128xf32, #tpu.memory_space<vmem>> -> memref<128xf32, #tpu.memory_space<vmem>>
      %dma_wait3A_140 = tpu.memref_slice %arg4[%mul3A_2] : memref<327680xf32, #tpu.memory_space<hbm>> -> memref<128xf32, #tpu.memory_space<hbm>>
      %dma_wait3A_141 = arith.constant 0 : i32
      %dma_wait3A_142 = tpu.memref_slice %arg9[%run_scoped3A_29, %dma_wait3A_141] : memref<2x128xf32, #tpu.memory_space<vmem>> -> memref<1x128xf32, #tpu.memory_space<vmem>>
      %dma_wait3A_143 = tpu.memref_squeeze %dma_wait3A_142 : memref<1x128xf32, #tpu.memory_space<vmem>> -> memref<128xf32, #tpu.memory_space<vmem>>
      %dma_wait3A_144 = tpu.memref_slice %arg4[%mul3A_2] : memref<327680xf32, #tpu.memory_space<hbm>> -> memref<128xf32, #tpu.memory_space<hbm>>
      tpu.wait_dma2 semaphore(%run_scoped3A_128 : memref<!tpu.dma_semaphore, #tpu.memory_space<semaphore_mem>>) src(%dma_wait3A_144 : memref<128xf32, #tpu.memory_space<hbm>>) dst(%dma_wait3A_143 : memref<128xf32, #tpu.memory_space<vmem>>)
      tpu.yield
    }) : () -> ()
    %dma_start3A = arith.constant 0 : i32
    %dma_start3A_30 = arith.constant 0 : i32
    %dma_start3A_31 = tpu.memref_slice %arg7[%dma_start3A, %dma_start3A_30] : memref<2x128xi32, #tpu.memory_space<vmem>> -> memref<1x128xi32, #tpu.memory_space<vmem>>
    %dma_start3A_32 = tpu.memref_squeeze %dma_start3A_31 : memref<1x128xi32, #tpu.memory_space<vmem>> -> memref<128xi32, #tpu.memory_space<vmem>>
    %dma_start3A_33 = arith.constant 0 : i32
    %dma_start3A_34 = arith.constant 0 : i32
    %dma_start3A_35 = tpu.memref_slice %arg5[%dma_start3A_33, %dma_start3A_34] : memref<10000x64xi32, #tpu.memory_space<hbm>> -> memref<10000x64xi32, #tpu.memory_space<hbm>>
    tpu.enqueue_indirect_dma source(%dma_start3A_35 : memref<10000x64xi32, #tpu.memory_space<hbm>>) target(%arg10 : memref<128x64xi32, #tpu.memory_space<vmem>>) offsets(%dma_start3A_32 : memref<128xi32, #tpu.memory_space<vmem>>) semaphore(%arg19 : memref<!tpu.dma_semaphore, #tpu.memory_space<semaphore_mem>>)
    %rem3A = arith.constant 1 : i32
    %rem3A_36 = arith.constant 80 : i32
    %rem3A_37 = arith.remsi %rem3A, %rem3A_36 : i32
    %mul3A_38 = arith.constant 128 : i32
    %mul3A_39 = arith.muli %rem3A_37, %mul3A_38 : i32
    %add3A_40 = arith.addi %mul3A_2, %mul3A_39 : i32
    %dma_start3A_41 = arith.constant 1 : i32
    %dma_start3A_42 = arith.constant 0 : i32
    %dma_start3A_43 = tpu.memref_slice %arg7[%dma_start3A_41, %dma_start3A_42] : memref<2x128xi32, #tpu.memory_space<vmem>> -> memref<1x128xi32, #tpu.memory_space<vmem>>
    %dma_start3A_44 = tpu.memref_squeeze %dma_start3A_43 : memref<1x128xi32, #tpu.memory_space<vmem>> -> memref<128xi32, #tpu.memory_space<vmem>>
    %dma_start3A_45 = tpu.memref_slice %arg2[%add3A_40] : memref<327680xi32, #tpu.memory_space<hbm>> -> memref<128xi32, #tpu.memory_space<hbm>>
    %dma_start3A_46 = arith.constant 0 : i32
    %dma_start3A_47 = tpu.memref_slice %arg7[%dma_start3A_41, %dma_start3A_46] : memref<2x128xi32, #tpu.memory_space<vmem>> -> memref<1x128xi32, #tpu.memory_space<vmem>>
    %dma_start3A_48 = tpu.memref_squeeze %dma_start3A_47 : memref<1x128xi32, #tpu.memory_space<vmem>> -> memref<128xi32, #tpu.memory_space<vmem>>
    %dma_start3A_49 = tpu.memref_slice %arg2[%add3A_40] : memref<327680xi32, #tpu.memory_space<hbm>> -> memref<128xi32, #tpu.memory_space<hbm>>
    tpu.enqueue_dma source(%dma_start3A_49 : memref<128xi32, #tpu.memory_space<hbm>>) target(%dma_start3A_48 : memref<128xi32, #tpu.memory_space<vmem>>) target_semaphore(%arg16 : memref<!tpu.dma_semaphore, #tpu.memory_space<semaphore_mem>>)
    %rem3A_50 = arith.constant 1 : i32
    %rem3A_51 = arith.constant 80 : i32
    %rem3A_52 = arith.remsi %rem3A_50, %rem3A_51 : i32
    %mul3A_53 = arith.constant 128 : i32
    %mul3A_54 = arith.muli %rem3A_52, %mul3A_53 : i32
    %add3A_55 = arith.addi %mul3A_2, %mul3A_54 : i32
    %dma_start3A_56 = arith.constant 1 : i32
    %dma_start3A_57 = arith.constant 0 : i32
    %dma_start3A_58 = tpu.memref_slice %arg8[%dma_start3A_56, %dma_start3A_57] : memref<2x128xi32, #tpu.memory_space<vmem>> -> memref<1x128xi32, #tpu.memory_space<vmem>>
    %dma_start3A_59 = tpu.memref_squeeze %dma_start3A_58 : memref<1x128xi32, #tpu.memory_space<vmem>> -> memref<128xi32, #tpu.memory_space<vmem>>
    %dma_start3A_60 = tpu.memref_slice %arg3[%add3A_55] : memref<327680xi32, #tpu.memory_space<hbm>> -> memref<128xi32, #tpu.memory_space<hbm>>
    %dma_start3A_61 = arith.constant 0 : i32
    %dma_start3A_62 = tpu.memref_slice %arg8[%dma_start3A_56, %dma_start3A_61] : memref<2x128xi32, #tpu.memory_space<vmem>> -> memref<1x128xi32, #tpu.memory_space<vmem>>
    %dma_start3A_63 = tpu.memref_squeeze %dma_start3A_62 : memref<1x128xi32, #tpu.memory_space<vmem>> -> memref<128xi32, #tpu.memory_space<vmem>>
    %dma_start3A_64 = tpu.memref_slice %arg3[%add3A_55] : memref<327680xi32, #tpu.memory_space<hbm>> -> memref<128xi32, #tpu.memory_space<hbm>>
    tpu.enqueue_dma source(%dma_start3A_64 : memref<128xi32, #tpu.memory_space<hbm>>) target(%dma_start3A_63 : memref<128xi32, #tpu.memory_space<vmem>>) target_semaphore(%arg18 : memref<!tpu.dma_semaphore, #tpu.memory_space<semaphore_mem>>)
    %rem3A_65 = arith.constant 1 : i32
    %rem3A_66 = arith.constant 80 : i32
    %rem3A_67 = arith.remsi %rem3A_65, %rem3A_66 : i32
    %mul3A_68 = arith.constant 128 : i32
    %mul3A_69 = arith.muli %rem3A_67, %mul3A_68 : i32
    %add3A_70 = arith.addi %mul3A_2, %mul3A_69 : i32
    %dma_start3A_71 = arith.constant 1 : i32
    %dma_start3A_72 = arith.constant 0 : i32
    %dma_start3A_73 = tpu.memref_slice %arg9[%dma_start3A_71, %dma_start3A_72] : memref<2x128xf32, #tpu.memory_space<vmem>> -> memref<1x128xf32, #tpu.memory_space<vmem>>
    %dma_start3A_74 = tpu.memref_squeeze %dma_start3A_73 : memref<1x128xf32, #tpu.memory_space<vmem>> -> memref<128xf32, #tpu.memory_space<vmem>>
    %dma_start3A_75 = tpu.memref_slice %arg4[%add3A_70] : memref<327680xf32, #tpu.memory_space<hbm>> -> memref<128xf32, #tpu.memory_space<hbm>>
    %dma_start3A_76 = arith.constant 0 : i32
    %dma_start3A_77 = tpu.memref_slice %arg9[%dma_start3A_71, %dma_start3A_76] : memref<2x128xf32, #tpu.memory_space<vmem>> -> memref<1x128xf32, #tpu.memory_space<vmem>>
    %dma_start3A_78 = tpu.memref_squeeze %dma_start3A_77 : memref<1x128xf32, #tpu.memory_space<vmem>> -> memref<128xf32, #tpu.memory_space<vmem>>
    %dma_start3A_79 = tpu.memref_slice %arg4[%add3A_70] : memref<327680xf32, #tpu.memory_space<hbm>> -> memref<128xf32, #tpu.memory_space<hbm>>
    tpu.enqueue_dma source(%dma_start3A_79 : memref<128xf32, #tpu.memory_space<hbm>>) target(%dma_start3A_78 : memref<128xf32, #tpu.memory_space<vmem>>) target_semaphore(%arg18 : memref<!tpu.dma_semaphore, #tpu.memory_space<semaphore_mem>>)
    %scan3A_80 = arith.constant 0 : i32
    %scan3A_81 = arith.constant 0 : i32
    %scan3A_82 = arith.constant 40 : i32
    %scan3A_83 = arith.addi %scan3A_81, %scan3A_82 : i32
    %scan3A_84 = arith.constant 1 : i32
    %scan3A_85 = scf.for %scan3A_128 = %scan3A_81 to %scan3A_83 step %scan3A_84 iter_args(%scan3A_129 = %scan3A_80) -> (i32)  : i32 {
      %mul3A_130 = arith.constant 2 : i32
      %mul3A_131 = arith.muli %mul3A_130, %scan3A_128 : i32
      %add3A_132 = arith.constant 1 : i32
      %add3A_133 = arith.addi %mul3A_131, %add3A_132 : i32
      %rem3A_134 = arith.constant 80 : i32
      %rem3A_135 = arith.remsi %add3A_133, %rem3A_134 : i32
      %mul3A_136 = arith.constant 128 : i32
      %mul3A_137 = arith.muli %rem3A_135, %mul3A_136 : i32
      %add3A_138 = arith.addi %mul3A_2, %mul3A_137 : i32
      %dma_wait3A_139 = arith.constant 1 : i32
      %dma_wait3A_140 = arith.constant 0 : i32
      %dma_wait3A_141 = tpu.memref_slice %arg7[%dma_wait3A_139, %dma_wait3A_140] : memref<2x128xi32, #tpu.memory_space<vmem>> -> memref<1x128xi32, #tpu.memory_space<vmem>>
      %dma_wait3A_142 = tpu.memref_squeeze %dma_wait3A_141 : memref<1x128xi32, #tpu.memory_space<vmem>> -> memref<128xi32, #tpu.memory_space<vmem>>
      %dma_wait3A_143 = tpu.memref_slice %arg2[%add3A_138] : memref<327680xi32, #tpu.memory_space<hbm>> -> memref<128xi32, #tpu.memory_space<hbm>>
      %dma_wait3A_144 = arith.constant 0 : i32
      %dma_wait3A_145 = tpu.memref_slice %arg7[%dma_wait3A_139, %dma_wait3A_144] : memref<2x128xi32, #tpu.memory_space<vmem>> -> memref<1x128xi32, #tpu.memory_space<vmem>>
      %dma_wait3A_146 = tpu.memref_squeeze %dma_wait3A_145 : memref<1x128xi32, #tpu.memory_space<vmem>> -> memref<128xi32, #tpu.memory_space<vmem>>
      %dma_wait3A_147 = tpu.memref_slice %arg2[%add3A_138] : memref<327680xi32, #tpu.memory_space<hbm>> -> memref<128xi32, #tpu.memory_space<hbm>>
      tpu.wait_dma2 semaphore(%arg16 : memref<!tpu.dma_semaphore, #tpu.memory_space<semaphore_mem>>) src(%dma_wait3A_147 : memref<128xi32, #tpu.memory_space<hbm>>) dst(%dma_wait3A_146 : memref<128xi32, #tpu.memory_space<vmem>>)
      %add3A_148 = arith.constant 1 : i32
      %add3A_149 = arith.addi %mul3A_131, %add3A_148 : i32
      %rem3A_150 = arith.constant 80 : i32
      %rem3A_151 = arith.remsi %add3A_149, %rem3A_150 : i32
      %mul3A_152 = arith.constant 128 : i32
      %mul3A_153 = arith.muli %rem3A_151, %mul3A_152 : i32
      %add3A_154 = arith.addi %mul3A_2, %mul3A_153 : i32
      %dma_wait3A_155 = arith.constant 1 : i32
      %dma_wait3A_156 = arith.constant 0 : i32
      %dma_wait3A_157 = tpu.memref_slice %arg8[%dma_wait3A_155, %dma_wait3A_156] : memref<2x128xi32, #tpu.memory_space<vmem>> -> memref<1x128xi32, #tpu.memory_space<vmem>>
      %dma_wait3A_158 = tpu.memref_squeeze %dma_wait3A_157 : memref<1x128xi32, #tpu.memory_space<vmem>> -> memref<128xi32, #tpu.memory_space<vmem>>
      %dma_wait3A_159 = tpu.memref_slice %arg3[%add3A_154] : memref<327680xi32, #tpu.memory_space<hbm>> -> memref<128xi32, #tpu.memory_space<hbm>>
      %dma_wait3A_160 = arith.constant 0 : i32
      %dma_wait3A_161 = tpu.memref_slice %arg8[%dma_wait3A_155, %dma_wait3A_160] : memref<2x128xi32, #tpu.memory_space<vmem>> -> memref<1x128xi32, #tpu.memory_space<vmem>>
      %dma_wait3A_162 = tpu.memref_squeeze %dma_wait3A_161 : memref<1x128xi32, #tpu.memory_space<vmem>> -> memref<128xi32, #tpu.memory_space<vmem>>
      %dma_wait3A_163 = tpu.memref_slice %arg3[%add3A_154] : memref<327680xi32, #tpu.memory_space<hbm>> -> memref<128xi32, #tpu.memory_space<hbm>>
      tpu.wait_dma2 semaphore(%arg18 : memref<!tpu.dma_semaphore, #tpu.memory_space<semaphore_mem>>) src(%dma_wait3A_163 : memref<128xi32, #tpu.memory_space<hbm>>) dst(%dma_wait3A_162 : memref<128xi32, #tpu.memory_space<vmem>>)
      %add3A_164 = arith.constant 1 : i32
      %add3A_165 = arith.addi %mul3A_131, %add3A_164 : i32
      %rem3A_166 = arith.constant 80 : i32
      %rem3A_167 = arith.remsi %add3A_165, %rem3A_166 : i32
      %mul3A_168 = arith.constant 128 : i32
      %mul3A_169 = arith.muli %rem3A_167, %mul3A_168 : i32
      %add3A_170 = arith.addi %mul3A_2, %mul3A_169 : i32
      %dma_wait3A_171 = arith.constant 1 : i32
      %dma_wait3A_172 = arith.constant 0 : i32
      %dma_wait3A_173 = tpu.memref_slice %arg9[%dma_wait3A_171, %dma_wait3A_172] : memref<2x128xf32, #tpu.memory_space<vmem>> -> memref<1x128xf32, #tpu.memory_space<vmem>>
      %dma_wait3A_174 = tpu.memref_squeeze %dma_wait3A_173 : memref<1x128xf32, #tpu.memory_space<vmem>> -> memref<128xf32, #tpu.memory_space<vmem>>
      %dma_wait3A_175 = tpu.memref_slice %arg4[%add3A_170] : memref<327680xf32, #tpu.memory_space<hbm>> -> memref<128xf32, #tpu.memory_space<hbm>>
      %dma_wait3A_176 = arith.constant 0 : i32
      %dma_wait3A_177 = tpu.memref_slice %arg9[%dma_wait3A_171, %dma_wait3A_176] : memref<2x128xf32, #tpu.memory_space<vmem>> -> memref<1x128xf32, #tpu.memory_space<vmem>>
      %dma_wait3A_178 = tpu.memref_squeeze %dma_wait3A_177 : memref<1x128xf32, #tpu.memory_space<vmem>> -> memref<128xf32, #tpu.memory_space<vmem>>
      %dma_wait3A_179 = tpu.memref_slice %arg4[%add3A_170] : memref<327680xf32, #tpu.memory_space<hbm>> -> memref<128xf32, #tpu.memory_space<hbm>>
      tpu.wait_dma2 semaphore(%arg18 : memref<!tpu.dma_semaphore, #tpu.memory_space<semaphore_mem>>) src(%dma_wait3A_179 : memref<128xf32, #tpu.memory_space<hbm>>) dst(%dma_wait3A_178 : memref<128xf32, #tpu.memory_space<vmem>>)
      %dma_start3A_180 = arith.constant 1 : i32
      %dma_start3A_181 = arith.constant 0 : i32
      %dma_start3A_182 = tpu.memref_slice %arg7[%dma_start3A_180, %dma_start3A_181] : memref<2x128xi32, #tpu.memory_space<vmem>> -> memref<1x128xi32, #tpu.memory_space<vmem>>
      %dma_start3A_183 = tpu.memref_squeeze %dma_start3A_182 : memref<1x128xi32, #tpu.memory_space<vmem>> -> memref<128xi32, #tpu.memory_space<vmem>>
      %dma_start3A_184 = arith.constant 0 : i32
      %dma_start3A_185 = arith.constant 0 : i32
      %dma_start3A_186 = tpu.memref_slice %arg5[%dma_start3A_184, %dma_start3A_185] : memref<10000x64xi32, #tpu.memory_space<hbm>> -> memref<10000x64xi32, #tpu.memory_space<hbm>>
      tpu.enqueue_indirect_dma source(%dma_start3A_186 : memref<10000x64xi32, #tpu.memory_space<hbm>>) target(%arg11 : memref<128x64xi32, #tpu.memory_space<vmem>>) offsets(%dma_start3A_183 : memref<128xi32, #tpu.memory_space<vmem>>) semaphore(%arg20 : memref<!tpu.dma_semaphore, #tpu.memory_space<semaphore_mem>>)
      %add3A_187 = arith.constant 2 : i32
      %add3A_188 = arith.addi %mul3A_131, %add3A_187 : i32
      %rem3A_189 = arith.constant 80 : i32
      %rem3A_190 = arith.remsi %add3A_188, %rem3A_189 : i32
      %mul3A_191 = arith.constant 128 : i32
      %mul3A_192 = arith.muli %rem3A_190, %mul3A_191 : i32
      %add3A_193 = arith.addi %mul3A_2, %mul3A_192 : i32
      %dma_start3A_194 = arith.constant 0 : i32
      %dma_start3A_195 = arith.constant 0 : i32
      %dma_start3A_196 = tpu.memref_slice %arg7[%dma_start3A_194, %dma_start3A_195] : memref<2x128xi32, #tpu.memory_space<vmem>> -> memref<1x128xi32, #tpu.memory_space<vmem>>
      %dma_start3A_197 = tpu.memref_squeeze %dma_start3A_196 : memref<1x128xi32, #tpu.memory_space<vmem>> -> memref<128xi32, #tpu.memory_space<vmem>>
      %dma_start3A_198 = tpu.memref_slice %arg2[%add3A_193] : memref<327680xi32, #tpu.memory_space<hbm>> -> memref<128xi32, #tpu.memory_space<hbm>>
      %dma_start3A_199 = arith.constant 0 : i32
      %dma_start3A_200 = tpu.memref_slice %arg7[%dma_start3A_194, %dma_start3A_199] : memref<2x128xi32, #tpu.memory_space<vmem>> -> memref<1x128xi32, #tpu.memory_space<vmem>>
      %dma_start3A_201 = tpu.memref_squeeze %dma_start3A_200 : memref<1x128xi32, #tpu.memory_space<vmem>> -> memref<128xi32, #tpu.memory_space<vmem>>
      %dma_start3A_202 = tpu.memref_slice %arg2[%add3A_193] : memref<327680xi32, #tpu.memory_space<hbm>> -> memref<128xi32, #tpu.memory_space<hbm>>
      tpu.enqueue_dma source(%dma_start3A_202 : memref<128xi32, #tpu.memory_space<hbm>>) target(%dma_start3A_201 : memref<128xi32, #tpu.memory_space<vmem>>) target_semaphore(%arg15 : memref<!tpu.dma_semaphore, #tpu.memory_space<semaphore_mem>>)
      %dma_wait3A_203 = arith.constant 0 : i32
      %dma_wait3A_204 = arith.constant 0 : i32
      %dma_wait3A_205 = tpu.memref_slice %arg7[%dma_wait3A_203, %dma_wait3A_204] : memref<2x128xi32, #tpu.memory_space<vmem>> -> memref<1x128xi32, #tpu.memory_space<vmem>>
      %dma_wait3A_206 = tpu.memref_squeeze %dma_wait3A_205 : memref<1x128xi32, #tpu.memory_space<vmem>> -> memref<128xi32, #tpu.memory_space<vmem>>
      %dma_wait3A_207 = arith.constant 0 : i32
      %dma_wait3A_208 = arith.constant 0 : i32
      %dma_wait3A_209 = tpu.memref_slice %arg5[%dma_wait3A_207, %dma_wait3A_208] : memref<10000x64xi32, #tpu.memory_space<hbm>> -> memref<10000x64xi32, #tpu.memory_space<hbm>>
      tpu.wait_indirect_dma semaphore(%arg19 : memref<!tpu.dma_semaphore, #tpu.memory_space<semaphore_mem>>) src(%dma_wait3A_209 : memref<10000x64xi32, #tpu.memory_space<hbm>>) dst(%arg10 : memref<128x64xi32, #tpu.memory_space<vmem>>)
      %scan3A_210 = arith.constant 0 : i32
      %scan3A_211 = arith.constant 0 : i32
      %scan3A_212 = arith.constant 8 : i32
      %scan3A_213 = arith.addi %scan3A_211, %scan3A_212 : i32
      %scan3A_214 = arith.constant 1 : i32
      %scan3A_215 = scf.for %scan3A_373 = %scan3A_211 to %scan3A_213 step %scan3A_214 iter_args(%scan3A_374 = %scan3A_210) -> (i32)  : i32 {
        %mul3A_375 = arith.constant 16 : i32
        %mul3A_376 = arith.muli %scan3A_373, %mul3A_375 : i32
        %get3A = arith.constant 0 : i32
        %get3A_377 = arith.index_cast %get3A : i32 to index
        %get3A_378 = arith.index_cast %mul3A_376 : i32 to index
        %get3A_379 = tpu.vector_load %arg9[%get3A_377, %get3A_378] {strides = array<i32>} : memref<2x128xf32, #tpu.memory_space<vmem>>, vector<16xf32>,
        %slice3A = vector.extract_strided_slice %get3A_379 {offsets = [0], sizes = [1], strides = [1]} : vector<16xf32> to vector<1xf32>
        %squeeze3A = vector.extract %slice3A[0] : f32 from vector<1xf32>
        %mul3A_380 = arith.constant 16 : i32
        %mul3A_381 = arith.muli %scan3A_373, %mul3A_380 : i32
        %add3A_382 = arith.constant 0 : i32
        %add3A_383 = arith.addi %mul3A_381, %add3A_382 : i32
        %get3A_384 = arith.index_cast %add3A_383 : i32 to index
        %get3A_385 = arith.constant 0 : index
        %get3A_386 = tpu.vector_load %arg10[%get3A_384, %get3A_385] {strides = array<i32>} : memref<128x64xi32, #tpu.memory_space<vmem>>, vector<16xi32>,
        %shift_left3A = arith.constant 16 : i32
        %shift_left3A_387 = vector.broadcast %shift_left3A : i32 to vector<16xi32>
        %shift_left3A_388 = arith.shli %get3A_386, %shift_left3A_387 : vector<16xi32>
        %bitcast3A = vector.bitcast %shift_left3A_388 : vector<16xi32> to vector<16xf32>
        %and3A = arith.andi %get3A_386, %broadcast_in_dim3A_27 : vector<16xi32>
        %bitcast3A_389 = vector.bitcast %and3A : vector<16xi32> to vector<16xf32>
        %add3A_390 = arith.constant 0 : i32
        %add3A_391 = vector.broadcast %add3A_390 : i32 to vector<16xi32>
        %add3A_392 = arith.addi %mul3A_19, %add3A_391 : vector<16xi32>
        %mul3A_393 = vector.broadcast %squeeze3A : f32 to vector<16xf32>
        %mul3A_394 = arith.mulf %bitcast3A, %mul3A_393 : vector<16xf32>
        %scatter3A = arith.constant 0 : i32
        %scatter3A_395 = tpu.memref_slice %arg12[%add3A_383, %scatter3A] : memref<128x128xf32, #tpu.memory_space<vmem>> -> memref<1x128xf32, #tpu.memory_space<vmem>>
        %scatter3A_396 = tpu.memref_squeeze %scatter3A_395 : memref<1x128xf32, #tpu.memory_space<vmem>> -> memref<128xf32, #tpu.memory_space<vmem>>
        tpu.vector_store_idx %scatter3A_396[%add3A_392], %mul3A_394 : memref<128xf32, #tpu.memory_space<vmem>>[vector<16xi32>], vector<16xf32>,
        %add3A_397 = arith.constant 0 : i32
        %add3A_398 = vector.broadcast %add3A_397 : i32 to vector<16xi32>
        %add3A_399 = arith.addi %add3A_25, %add3A_398 : vector<16xi32>
        %mul3A_400 = vector.broadcast %squeeze3A : f32 to vector<16xf32>
        %mul3A_401 = arith.mulf %bitcast3A_389, %mul3A_400 : vector<16xf32>
        %scatter3A_402 = arith.constant 0 : i32
        %scatter3A_403 = tpu.memref_slice %arg12[%add3A_383, %scatter3A_402] : memref<128x128xf32, #tpu.memory_space<vmem>> -> memref<1x128xf32, #tpu.memory_space<vmem>>
        %scatter3A_404 = tpu.memref_squeeze %scatter3A_403 : memref<1x128xf32, #tpu.memory_space<vmem>> -> memref<128xf32, #tpu.memory_space<vmem>>
        tpu.vector_store_idx %scatter3A_404[%add3A_399], %mul3A_401 : memref<128xf32, #tpu.memory_space<vmem>>[vector<16xi32>], vector<16xf32>,
        %get3A_405 = arith.index_cast %add3A_383 : i32 to index
        %get3A_406 = arith.constant 16 : index
        %get3A_407 = tpu.vector_load %arg10[%get3A_405, %get3A_406] {strides = array<i32>} : memref<128x64xi32, #tpu.memory_space<vmem>>, vector<16xi32>,
        %shift_left3A_408 = arith.constant 16 : i32
        %shift_left3A_409 = vector.broadcast %shift_left3A_408 : i32 to vector<16xi32>
        %shift_left3A_410 = arith.shli %get3A_407, %shift_left3A_409 : vector<16xi32>
        %bitcast3A_411 = vector.bitcast %shift_left3A_410 : vector<16xi32> to vector<16xf32>
        %and3A_412 = arith.andi %get3A_407, %broadcast_in_dim3A_27 : vector<16xi32>
        %bitcast3A_413 = vector.bitcast %and3A_412 : vector<16xi32> to vector<16xf32>
        %add3A_414 = arith.constant 32 : i32
        %add3A_415 = vector.broadcast %add3A_414 : i32 to vector<16xi32>
        %add3A_416 = arith.addi %mul3A_19, %add3A_415 : vector<16xi32>
        %mul3A_417 = vector.broadcast %squeeze3A : f32 to vector<16xf32>
        %mul3A_418 = arith.mulf %bitcast3A_411, %mul3A_417 : vector<16xf32>
        %scatter3A_419 = arith.constant 0 : i32
        %scatter3A_420 = tpu.memref_slice %arg12[%add3A_383, %scatter3A_419] : memref<128x128xf32, #tpu.memory_space<vmem>> -> memref<1x128xf32, #tpu.memory_space<vmem>>
        %scatter3A_421 = tpu.memref_squeeze %scatter3A_420 : memref<1x128xf32, #tpu.memory_space<vmem>> -> memref<128xf32, #tpu.memory_space<vmem>>
        tpu.vector_store_idx %scatter3A_421[%add3A_416], %mul3A_418 : memref<128xf32, #tpu.memory_space<vmem>>[vector<16xi32>], vector<16xf32>,
        %add3A_422 = arith.constant 32 : i32
        %add3A_423 = vector.broadcast %add3A_422 : i32 to vector<16xi32>
        %add3A_424 = arith.addi %add3A_25, %add3A_423 : vector<16xi32>
        %mul3A_425 = vector.broadcast %squeeze3A : f32 to vector<16xf32>
        %mul3A_426 = arith.mulf %bitcast3A_413, %mul3A_425 : vector<16xf32>
        %scatter3A_427 = arith.constant 0 : i32
        %scatter3A_428 = tpu.memref_slice %arg12[%add3A_383, %scatter3A_427] : memref<128x128xf32, #tpu.memory_space<vmem>> -> memref<1x128xf32, #tpu.memory_space<vmem>>
        %scatter3A_429 = tpu.memref_squeeze %scatter3A_428 : memref<1x128xf32, #tpu.memory_space<vmem>> -> memref<128xf32, #tpu.memory_space<vmem>>
        tpu.vector_store_idx %scatter3A_429[%add3A_424], %mul3A_426 : memref<128xf32, #tpu.memory_space<vmem>>[vector<16xi32>], vector<16xf32>,
        %get3A_430 = arith.index_cast %add3A_383 : i32 to index
        %get3A_431 = arith.constant 32 : index
        %get3A_432 = tpu.vector_load %arg10[%get3A_430, %get3A_431] {strides = array<i32>} : memref<128x64xi32, #tpu.memory_space<vmem>>, vector<16xi32>,
        %shift_left3A_433 = arith.constant 16 : i32
        %shift_left3A_434 = vector.broadcast %shift_left3A_433 : i32 to vector<16xi32>
        %shift_left3A_435 = arith.shli %get3A_432, %shift_left3A_434 : vector<16xi32>
        %bitcast3A_436 = vector.bitcast %shift_left3A_435 : vector<16xi32> to vector<16xf32>
        %and3A_437 = arith.andi %get3A_432, %broadcast_in_dim3A_27 : vector<16xi32>
        %bitcast3A_438 = vector.bitcast %and3A_437 : vector<16xi32> to vector<16xf32>
        %add3A_439 = arith.constant 64 : i32
        %add3A_440 = vector.broadcast %add3A_439 : i32 to vector<16xi32>
        %add3A_441 = arith.addi %mul3A_19, %add3A_440 : vector<16xi32>
        %mul3A_442 = vector.broadcast %squeeze3A : f32 to vector<16xf32>
        %mul3A_443 = arith.mulf %bitcast3A_436, %mul3A_442 : vector<16xf32>
        %scatter3A_444 = arith.constant 0 : i32
        %scatter3A_445 = tpu.memref_slice %arg12[%add3A_383, %scatter3A_444] : memref<128x128xf32, #tpu.memory_space<vmem>> -> memref<1x128xf32, #tpu.memory_space<vmem>>
        %scatter3A_446 = tpu.memref_squeeze %scatter3A_445 : memref<1x128xf32, #tpu.memory_space<vmem>> -> memref<128xf32, #tpu.memory_space<vmem>>
        tpu.vector_store_idx %scatter3A_446[%add3A_441], %mul3A_443 : memref<128xf32, #tpu.memory_space<vmem>>[vector<16xi32>], vector<16xf32>,
        %add3A_447 = arith.constant 64 : i32
        %add3A_448 = vector.broadcast %add3A_447 : i32 to vector<16xi32>
        %add3A_449 = arith.addi %add3A_25, %add3A_448 : vector<16xi32>
        %mul3A_450 = vector.broadcast %squeeze3A : f32 to vector<16xf32>
        %mul3A_451 = arith.mulf %bitcast3A_438, %mul3A_450 : vector<16xf32>
        %scatter3A_452 = arith.constant 0 : i32
        %scatter3A_453 = tpu.memref_slice %arg12[%add3A_383, %scatter3A_452] : memref<128x128xf32, #tpu.memory_space<vmem>> -> memref<1x128xf32, #tpu.memory_space<vmem>>
        %scatter3A_454 = tpu.memref_squeeze %scatter3A_453 : memref<1x128xf32, #tpu.memory_space<vmem>> -> memref<128xf32, #tpu.memory_space<vmem>>
        tpu.vector_store_idx %scatter3A_454[%add3A_449], %mul3A_451 : memref<128xf32, #tpu.memory_space<vmem>>[vector<16xi32>], vector<16xf32>,
        %get3A_455 = arith.index_cast %add3A_383 : i32 to index
        %get3A_456 = arith.constant 48 : index
        %get3A_457 = tpu.vector_load %arg10[%get3A_455, %get3A_456] {strides = array<i32>} : memref<128x64xi32, #tpu.memory_space<vmem>>, vector<16xi32>,
        %shift_left3A_458 = arith.constant 16 : i32
        %shift_left3A_459 = vector.broadcast %shift_left3A_458 : i32 to vector<16xi32>
        %shift_left3A_460 = arith.shli %get3A_457, %shift_left3A_459 : vector<16xi32>
        %bitcast3A_461 = vector.bitcast %shift_left3A_460 : vector<16xi32> to vector<16xf32>
        %and3A_462 = arith.andi %get3A_457, %broadcast_in_dim3A_27 : vector<16xi32>
        %bitcast3A_463 = vector.bitcast %and3A_462 : vector<16xi32> to vector<16xf32>
        %add3A_464 = arith.constant 96 : i32
        %add3A_465 = vector.broadcast %add3A_464 : i32 to vector<16xi32>
        %add3A_466 = arith.addi %mul3A_19, %add3A_465 : vector<16xi32>
        %mul3A_467 = vector.broadcast %squeeze3A : f32 to vector<16xf32>
        %mul3A_468 = arith.mulf %bitcast3A_461, %mul3A_467 : vector<16xf32>
        %scatter3A_469 = arith.constant 0 : i32
        %scatter3A_470 = tpu.memref_slice %arg12[%add3A_383, %scatter3A_469] : memref<128x128xf32, #tpu.memory_space<vmem>> -> memref<1x128xf32, #tpu.memory_space<vmem>>
        %scatter3A_471 = tpu.memref_squeeze %scatter3A_470 : memref<1x128xf32, #tpu.memory_space<vmem>> -> memref<128xf32, #tpu.memory_space<vmem>>
        tpu.vector_store_idx %scatter3A_471[%add3A_466], %mul3A_468 : memref<128xf32, #tpu.memory_space<vmem>>[vector<16xi32>], vector<16xf32>,
        %add3A_472 = arith.constant 96 : i32
        %add3A_473 = vector.broadcast %add3A_472 : i32 to vector<16xi32>
        %add3A_474 = arith.addi %add3A_25, %add3A_473 : vector<16xi32>
        %mul3A_475 = vector.broadcast %squeeze3A : f32 to vector<16xf32>
        %mul3A_476 = arith.mulf %bitcast3A_463, %mul3A_475 : vector<16xf32>
        %scatter3A_477 = arith.constant 0 : i32
        %scatter3A_478 = tpu.memref_slice %arg12[%add3A_383, %scatter3A_477] : memref<128x128xf32, #tpu.memory_space<vmem>> -> memref<1x128xf32, #tpu.memory_space<vmem>>
        %scatter3A_479 = tpu.memref_squeeze %scatter3A_478 : memref<1x128xf32, #tpu.memory_space<vmem>> -> memref<128xf32, #tpu.memory_space<vmem>>
        tpu.vector_store_idx %scatter3A_479[%add3A_474], %mul3A_476 : memref<128xf32, #tpu.memory_space<vmem>>[vector<16xi32>], vector<16xf32>,
        %slice3A_480 = vector.extract_strided_slice %get3A_379 {offsets = [1], sizes = [1], strides = [1]} : vector<16xf32> to vector<1xf32>
        %squeeze3A_481 = vector.extract %slice3A_480[0] : f32 from vector<1xf32>
        %mul3A_482 = arith.constant 16 : i32
        %mul3A_483 = arith.muli %scan3A_373, %mul3A_482 : i32
        %add3A_484 = arith.constant 1 : i32
        %add3A_485 = arith.addi %mul3A_483, %add3A_484 : i32
        %get3A_486 = arith.index_cast %add3A_485 : i32 to index
        %get3A_487 = arith.constant 0 : index
        %get3A_488 = tpu.vector_load %arg10[%get3A_486, %get3A_487] {strides = array<i32>} : memref<128x64xi32, #tpu.memory_space<vmem>>, vector<16xi32>,
        %shift_left3A_489 = arith.constant 16 : i32
        %shift_left3A_490 = vector.broadcast %shift_left3A_489 : i32 to vector<16xi32>
        %shift_left3A_491 = arith.shli %get3A_488, %shift_left3A_490 : vector<16xi32>
        %bitcast3A_492 = vector.bitcast %shift_left3A_491 : vector<16xi32> to vector<16xf32>
        %and3A_493 = arith.andi %get3A_488, %broadcast_in_dim3A_27 : vector<16xi32>
        %bitcast3A_494 = vector.bitcast %and3A_493 : vector<16xi32> to vector<16xf32>
        %add3A_495 = arith.constant 0 : i32
        %add3A_496 = vector.broadcast %add3A_495 : i32 to vector<16xi32>
        %add3A_497 = arith.addi %mul3A_19, %add3A_496 : vector<16xi32>
        %mul3A_498 = vector.broadcast %squeeze3A_481 : f32 to vector<16xf32>
        %mul3A_499 = arith.mulf %bitcast3A_492, %mul3A_498 : vector<16xf32>
        %scatter3A_500 = arith.constant 0 : i32
        %scatter3A_501 = tpu.memref_slice %arg12[%add3A_485, %scatter3A_500] : memref<128x128xf32, #tpu.memory_space<vmem>> -> memref<1x128xf32, #tpu.memory_space<vmem>>
        %scatter3A_502 = tpu.memref_squeeze %scatter3A_501 : memref<1x128xf32, #tpu.memory_space<vmem>> -> memref<128xf32, #tpu.memory_space<vmem>>
        tpu.vector_store_idx %scatter3A_502[%add3A_497], %mul3A_499 : memref<128xf32, #tpu.memory_space<vmem>>[vector<16xi32>], vector<16xf32>,
        %add3A_503 = arith.constant 0 : i32
        %add3A_504 = vector.broadcast %add3A_503 : i32 to vector<16xi32>
        %add3A_505 = arith.addi %add3A_25, %add3A_504 : vector<16xi32>
        %mul3A_506 = vector.broadcast %squeeze3A_481 : f32 to vector<16xf32>
        %mul3A_507 = arith.mulf %bitcast3A_494, %mul3A_506 : vector<16xf32>
        %scatter3A_508 = arith.constant 0 : i32
        %scatter3A_509 = tpu.memref_slice %arg12[%add3A_485, %scatter3A_508] : memref<128x128xf32, #tpu.memory_space<vmem>> -> memref<1x128xf32, #tpu.memory_space<vmem>>
        %scatter3A_510 = tpu.memref_squeeze %scatter3A_509 : memref<1x128xf32, #tpu.memory_space<vmem>> -> memref<128xf32, #tpu.memory_space<vmem>>
        tpu.vector_store_idx %scatter3A_510[%add3A_505], %mul3A_507 : memref<128xf32, #tpu.memory_space<vmem>>[vector<16xi32>], vector<16xf32>,
        %get3A_511 = arith.index_cast %add3A_485 : i32 to index
        %get3A_512 = arith.constant 16 : index
        %get3A_513 = tpu.vector_load %arg10[%get3A_511, %get3A_512] {strides = array<i32>} : memref<128x64xi32, #tpu.memory_space<vmem>>, vector<16xi32>,
        %shift_left3A_514 = arith.constant 16 : i32
        %shift_left3A_515 = vector.broadcast %shift_left3A_514 : i32 to vector<16xi32>
        %shift_left3A_516 = arith.shli %get3A_513, %shift_left3A_515 : vector<16xi32>
        %bitcast3A_517 = vector.bitcast %shift_left3A_516 : vector<16xi32> to vector<16xf32>
        %and3A_518 = arith.andi %get3A_513, %broadcast_in_dim3A_27 : vector<16xi32>
        %bitcast3A_519 = vector.bitcast %and3A_518 : vector<16xi32> to vector<16xf32>
        %add3A_520 = arith.constant 32 : i32
        %add3A_521 = vector.broadcast %add3A_520 : i32 to vector<16xi32>
        %add3A_522 = arith.addi %mul3A_19, %add3A_521 : vector<16xi32>
        %mul3A_523 = vector.broadcast %squeeze3A_481 : f32 to vector<16xf32>
        %mul3A_524 = arith.mulf %bitcast3A_517, %mul3A_523 : vector<16xf32>
        %scatter3A_525 = arith.constant 0 : i32
        %scatter3A_526 = tpu.memref_slice %arg12[%add3A_485, %scatter3A_525] : memref<128x128xf32, #tpu.memory_space<vmem>> -> memref<1x128xf32, #tpu.memory_space<vmem>>
        %scatter3A_527 = tpu.memref_squeeze %scatter3A_526 : memref<1x128xf32, #tpu.memory_space<vmem>> -> memref<128xf32, #tpu.memory_space<vmem>>
        tpu.vector_store_idx %scatter3A_527[%add3A_522], %mul3A_524 : memref<128xf32, #tpu.memory_space<vmem>>[vector<16xi32>], vector<16xf32>,
        %add3A_528 = arith.constant 32 : i32
        %add3A_529 = vector.broadcast %add3A_528 : i32 to vector<16xi32>
        %add3A_530 = arith.addi %add3A_25, %add3A_529 : vector<16xi32>
        %mul3A_531 = vector.broadcast %squeeze3A_481 : f32 to vector<16xf32>
        %mul3A_532 = arith.mulf %bitcast3A_519, %mul3A_531 : vector<16xf32>
        %scatter3A_533 = arith.constant 0 : i32
        %scatter3A_534 = tpu.memref_slice %arg12[%add3A_485, %scatter3A_533] : memref<128x128xf32, #tpu.memory_space<vmem>> -> memref<1x128xf32, #tpu.memory_space<vmem>>
        %scatter3A_535 = tpu.memref_squeeze %scatter3A_534 : memref<1x128xf32, #tpu.memory_space<vmem>> -> memref<128xf32, #tpu.memory_space<vmem>>
        tpu.vector_store_idx %scatter3A_535[%add3A_530], %mul3A_532 : memref<128xf32, #tpu.memory_space<vmem>>[vector<16xi32>], vector<16xf32>,
        %get3A_536 = arith.index_cast %add3A_485 : i32 to index
        %get3A_537 = arith.constant 32 : index
        %get3A_538 = tpu.vector_load %arg10[%get3A_536, %get3A_537] {strides = array<i32>} : memref<128x64xi32, #tpu.memory_space<vmem>>, vector<16xi32>,
        %shift_left3A_539 = arith.constant 16 : i32
        %shift_left3A_540 = vector.broadcast %shift_left3A_539 : i32 to vector<16xi32>
        %shift_left3A_541 = arith.shli %get3A_538, %shift_left3A_540 : vector<16xi32>
        %bitcast3A_542 = vector.bitcast %shift_left3A_541 : vector<16xi32> to vector<16xf32>
        %and3A_543 = arith.andi %get3A_538, %broadcast_in_dim3A_27 : vector<16xi32>
        %bitcast3A_544 = vector.bitcast %and3A_543 : vector<16xi32> to vector<16xf32>
        %add3A_545 = arith.constant 64 : i32
        %add3A_546 = vector.broadcast %add3A_545 : i32 to vector<16xi32>
        %add3A_547 = arith.addi %mul3A_19, %add3A_546 : vector<16xi32>
        %mul3A_548 = vector.broadcast %squeeze3A_481 : f32 to vector<16xf32>
        %mul3A_549 = arith.mulf %bitcast3A_542, %mul3A_548 : vector<16xf32>
        %scatter3A_550 = arith.constant 0 : i32
        %scatter3A_551 = tpu.memref_slice %arg12[%add3A_485, %scatter3A_550] : memref<128x128xf32, #tpu.memory_space<vmem>> -> memref<1x128xf32, #tpu.memory_space<vmem>>
        %scatter3A_552 = tpu.memref_squeeze %scatter3A_551 : memref<1x128xf32, #tpu.memory_space<vmem>> -> memref<128xf32, #tpu.memory_space<vmem>>
        tpu.vector_store_idx %scatter3A_552[%add3A_547], %mul3A_549 : memref<128xf32, #tpu.memory_space<vmem>>[vector<16xi32>], vector<16xf32>,
        %add3A_553 = arith.constant 64 : i32
        %add3A_554 = vector.broadcast %add3A_553 : i32 to vector<16xi32>
        %add3A_555 = arith.addi %add3A_25, %add3A_554 : vector<16xi32>
        %mul3A_556 = vector.broadcast %squeeze3A_481 : f32 to vector<16xf32>
        %mul3A_557 = arith.mulf %bitcast3A_544, %mul3A_556 : vector<16xf32>
        %scatter3A_558 = arith.constant 0 : i32
        %scatter3A_559 = tpu.memref_slice %arg12[%add3A_485, %scatter3A_558] : memref<128x128xf32, #tpu.memory_space<vmem>> -> memref<1x128xf32, #tpu.memory_space<vmem>>
        %scatter3A_560 = tpu.memref_squeeze %scatter3A_559 : memref<1x128xf32, #tpu.memory_space<vmem>> -> memref<128xf32, #tpu.memory_space<vmem>>
        tpu.vector_store_idx %scatter3A_560[%add3A_555], %mul3A_557 : memref<128xf32, #tpu.memory_space<vmem>>[vector<16xi32>], vector<16xf32>,
        %get3A_561 = arith.index_cast %add3A_485 : i32 to index
        %get3A_562 = arith.constant 48 : index
        %get3A_563 = tpu.vector_load %arg10[%get3A_561, %get3A_562] {strides = array<i32>} : memref<128x64xi32, #tpu.memory_space<vmem>>, vector<16xi32>,
        %shift_left3A_564 = arith.constant 16 : i32
        %shift_left3A_565 = vector.broadcast %shift_left3A_564 : i32 to vector<16xi32>
        %shift_left3A_566 = arith.shli %get3A_563, %shift_left3A_565 : vector<16xi32>
        %bitcast3A_567 = vector.bitcast %shift_left3A_566 : vector<16xi32> to vector<16xf32>
        %and3A_568 = arith.andi %get3A_563, %broadcast_in_dim3A_27 : vector<16xi32>
        %bitcast3A_569 = vector.bitcast %and3A_568 : vector<16xi32> to vector<16xf32>
        %add3A_570 = arith.constant 96 : i32
        %add3A_571 = vector.broadcast %add3A_570 : i32 to vector<16xi32>
        %add3A_572 = arith.addi %mul3A_19, %add3A_571 : vector<16xi32>
        %mul3A_573 = vector.broadcast %squeeze3A_481 : f32 to vector<16xf32>
        %mul3A_574 = arith.mulf %bitcast3A_567, %mul3A_573 : vector<16xf32>
        %scatter3A_575 = arith.constant 0 : i32
        %scatter3A_576 = tpu.memref_slice %arg12[%add3A_485, %scatter3A_575] : memref<128x128xf32, #tpu.memory_space<vmem>> -> memref<1x128xf32, #tpu.memory_space<vmem>>
        %scatter3A_577 = tpu.memref_squeeze %scatter3A_576 : memref<1x128xf32, #tpu.memory_space<vmem>> -> memref<128xf32, #tpu.memory_space<vmem>>
        tpu.vector_store_idx %scatter3A_577[%add3A_572], %mul3A_574 : memref<128xf32, #tpu.memory_space<vmem>>[vector<16xi32>], vector<16xf32>,
        %add3A_578 = arith.constant 96 : i32
        %add3A_579 = vector.broadcast %add3A_578 : i32 to vector<16xi32>
        %add3A_580 = arith.addi %add3A_25, %add3A_579 : vector<16xi32>
        %mul3A_581 = vector.broadcast %squeeze3A_481 : f32 to vector<16xf32>
        %mul3A_582 = arith.mulf %bitcast3A_569, %mul3A_581 : vector<16xf32>
        %scatter3A_583 = arith.constant 0 : i32
        %scatter3A_584 = tpu.memref_slice %arg12[%add3A_485, %scatter3A_583] : memref<128x128xf32, #tpu.memory_space<vmem>> -> memref<1x128xf32, #tpu.memory_space<vmem>>
        %scatter3A_585 = tpu.memref_squeeze %scatter3A_584 : memref<1x128xf32, #tpu.memory_space<vmem>> -> memref<128xf32, #tpu.memory_space<vmem>>
        tpu.vector_store_idx %scatter3A_585[%add3A_580], %mul3A_582 : memref<128xf32, #tpu.memory_space<vmem>>[vector<16xi32>], vector<16xf32>,
        %slice3A_586 = vector.extract_strided_slice %get3A_379 {offsets = [2], sizes = [1], strides = [1]} : vector<16xf32> to vector<1xf32>
        %squeeze3A_587 = vector.extract %slice3A_586[0] : f32 from vector<1xf32>
        %mul3A_588 = arith.constant 16 : i32
        %mul3A_589 = arith.muli %scan3A_373, %mul3A_588 : i32
        %add3A_590 = arith.constant 2 : i32
        %add3A_591 = arith.addi %mul3A_589, %add3A_590 : i32
        %get3A_592 = arith.index_cast %add3A_591 : i32 to index
        %get3A_593 = arith.constant 0 : index
        %get3A_594 = tpu.vector_load %arg10[%get3A_592, %get3A_593] {strides = array<i32>} : memref<128x64xi32, #tpu.memory_space<vmem>>, vector<16xi32>,
        %shift_left3A_595 = arith.constant 16 : i32
        %shift_left3A_596 = vector.broadcast %shift_left3A_595 : i32 to vector<16xi32>
        %shift_left3A_597 = arith.shli %get3A_594, %shift_left3A_596 : vector<16xi32>
        %bitcast3A_598 = vector.bitcast %shift_left3A_597 : vector<16xi32> to vector<16xf32>
        %and3A_599 = arith.andi %get3A_594, %broadcast_in_dim3A_27 : vector<16xi32>
        %bitcast3A_600 = vector.bitcast %and3A_599 : vector<16xi32> to vector<16xf32>
        %add3A_601 = arith.constant 0 : i32
        %add3A_602 = vector.broadcast %add3A_601 : i32 to vector<16xi32>
        %add3A_603 = arith.addi %mul3A_19, %add3A_602 : vector<16xi32>
        %mul3A_604 = vector.broadcast %squeeze3A_587 : f32 to vector<16xf32>
        %mul3A_605 = arith.mulf %bitcast3A_598, %mul3A_604 : vector<16xf32>
        %scatter3A_606 = arith.constant 0 : i32
        %scatter3A_607 = tpu.memref_slice %arg12[%add3A_591, %scatter3A_606] : memref<128x128xf32, #tpu.memory_space<vmem>> -> memref<1x128xf32, #tpu.memory_space<vmem>>
        %scatter3A_608 = tpu.memref_squeeze %scatter3A_607 : memref<1x128xf32, #tpu.memory_space<vmem>> -> memref<128xf32, #tpu.memory_space<vmem>>
        tpu.vector_store_idx %scatter3A_608[%add3A_603], %mul3A_605 : memref<128xf32, #tpu.memory_space<vmem>>[vector<16xi32>], vector<16xf32>,
        %add3A_609 = arith.constant 0 : i32
        %add3A_610 = vector.broadcast %add3A_609 : i32 to vector<16xi32>
        %add3A_611 = arith.addi %add3A_25, %add3A_610 : vector<16xi32>
        %mul3A_612 = vector.broadcast %squeeze3A_587 : f32 to vector<16xf32>
        %mul3A_613 = arith.mulf %bitcast3A_600, %mul3A_612 : vector<16xf32>
        %scatter3A_614 = arith.constant 0 : i32
        %scatter3A_615 = tpu.memref_slice %arg12[%add3A_591, %scatter3A_614] : memref<128x128xf32, #tpu.memory_space<vmem>> -> memref<1x128xf32, #tpu.memory_space<vmem>>
        %scatter3A_616 = tpu.memref_squeeze %scatter3A_615 : memref<1x128xf32, #tpu.memory_space<vmem>> -> memref<128xf32, #tpu.memory_space<vmem>>
        tpu.vector_store_idx %scatter3A_616[%add3A_611], %mul3A_613 : memref<128xf32, #tpu.memory_space<vmem>>[vector<16xi32>], vector<16xf32>,
        %get3A_617 = arith.index_cast %add3A_591 : i32 to index
        %get3A_618 = arith.constant 16 : index
        %get3A_619 = tpu.vector_load %arg10[%get3A_617, %get3A_618] {strides = array<i32>} : memref<128x64xi32, #tpu.memory_space<vmem>>, vector<16xi32>,
        %shift_left3A_620 = arith.constant 16 : i32
        %shift_left3A_621 = vector.broadcast %shift_left3A_620 : i32 to vector<16xi32>
        %shift_left3A_622 = arith.shli %get3A_619, %shift_left3A_621 : vector<16xi32>
        %bitcast3A_623 = vector.bitcast %shift_left3A_622 : vector<16xi32> to vector<16xf32>
        %and3A_624 = arith.andi %get3A_619, %broadcast_in_dim3A_27 : vector<16xi32>
        %bitcast3A_625 = vector.bitcast %and3A_624 : vector<16xi32> to vector<16xf32>
        %add3A_626 = arith.constant 32 : i32
        %add3A_627 = vector.broadcast %add3A_626 : i32 to vector<16xi32>
        %add3A_628 = arith.addi %mul3A_19, %add3A_627 : vector<16xi32>
        %mul3A_629 = vector.broadcast %squeeze3A_587 : f32 to vector<16xf32>
        %mul3A_630 = arith.mulf %bitcast3A_623, %mul3A_629 : vector<16xf32>
        %scatter3A_631 = arith.constant 0 : i32
        %scatter3A_632 = tpu.memref_slice %arg12[%add3A_591, %scatter3A_631] : memref<128x128xf32, #tpu.memory_space<vmem>> -> memref<1x128xf32, #tpu.memory_space<vmem>>
        %scatter3A_633 = tpu.memref_squeeze %scatter3A_632 : memref<1x128xf32, #tpu.memory_space<vmem>> -> memref<128xf32, #tpu.memory_space<vmem>>
        tpu.vector_store_idx %scatter3A_633[%add3A_628], %mul3A_630 : memref<128xf32, #tpu.memory_space<vmem>>[vector<16xi32>], vector<16xf32>,
        %add3A_634 = arith.constant 32 : i32
        %add3A_635 = vector.broadcast %add3A_634 : i32 to vector<16xi32>
        %add3A_636 = arith.addi %add3A_25, %add3A_635 : vector<16xi32>
        %mul3A_637 = vector.broadcast %squeeze3A_587 : f32 to vector<16xf32>
        %mul3A_638 = arith.mulf %bitcast3A_625, %mul3A_637 : vector<16xf32>
        %scatter3A_639 = arith.constant 0 : i32
        %scatter3A_640 = tpu.memref_slice %arg12[%add3A_591, %scatter3A_639] : memref<128x128xf32, #tpu.memory_space<vmem>> -> memref<1x128xf32, #tpu.memory_space<vmem>>
        %scatter3A_641 = tpu.memref_squeeze %scatter3A_640 : memref<1x128xf32, #tpu.memory_space<vmem>> -> memref<128xf32, #tpu.memory_space<vmem>>
        tpu.vector_store_idx %scatter3A_641[%add3A_636], %mul3A_638 : memref<128xf32, #tpu.memory_space<vmem>>[vector<16xi32>], vector<16xf32>,
        %get3A_642 = arith.index_cast %add3A_591 : i32 to index
        %get3A_643 = arith.constant 32 : index
        %get3A_644 = tpu.vector_load %arg10[%get3A_642, %get3A_643] {strides = array<i32>} : memref<128x64xi32, #tpu.memory_space<vmem>>, vector<16xi32>,
        %shift_left3A_645 = arith.constant 16 : i32
        %shift_left3A_646 = vector.broadcast %shift_left3A_645 : i32 to vector<16xi32>
        %shift_left3A_647 = arith.shli %get3A_644, %shift_left3A_646 : vector<16xi32>
        %bitcast3A_648 = vector.bitcast %shift_left3A_647 : vector<16xi32> to vector<16xf32>
        %and3A_649 = arith.andi %get3A_644, %broadcast_in_dim3A_27 : vector<16xi32>
        %bitcast3A_650 = vector.bitcast %and3A_649 : vector<16xi32> to vector<16xf32>
        %add3A_651 = arith.constant 64 : i32
        %add3A_652 = vector.broadcast %add3A_651 : i32 to vector<16xi32>
        %add3A_653 = arith.addi %mul3A_19, %add3A_652 : vector<16xi32>
        %mul3A_654 = vector.broadcast %squeeze3A_587 : f32 to vector<16xf32>
        %mul3A_655 = arith.mulf %bitcast3A_648, %mul3A_654 : vector<16xf32>
        %scatter3A_656 = arith.constant 0 : i32
        %scatter3A_657 = tpu.memref_slice %arg12[%add3A_591, %scatter3A_656] : memref<128x128xf32, #tpu.memory_space<vmem>> -> memref<1x128xf32, #tpu.memory_space<vmem>>
        %scatter3A_658 = tpu.memref_squeeze %scatter3A_657 : memref<1x128xf32, #tpu.memory_space<vmem>> -> memref<128xf32, #tpu.memory_space<vmem>>
        tpu.vector_store_idx %scatter3A_658[%add3A_653], %mul3A_655 : memref<128xf32, #tpu.memory_space<vmem>>[vector<16xi32>], vector<16xf32>,
        %add3A_659 = arith.constant 64 : i32
        %add3A_660 = vector.broadcast %add3A_659 : i32 to vector<16xi32>
        %add3A_661 = arith.addi %add3A_25, %add3A_660 : vector<16xi32>
        %mul3A_662 = vector.broadcast %squeeze3A_587 : f32 to vector<16xf32>
        %mul3A_663 = arith.mulf %bitcast3A_650, %mul3A_662 : vector<16xf32>
        %scatter3A_664 = arith.constant 0 : i32
        %scatter3A_665 = tpu.memref_slice %arg12[%add3A_591, %scatter3A_664] : memref<128x128xf32, #tpu.memory_space<vmem>> -> memref<1x128xf32, #tpu.memory_space<vmem>>
        %scatter3A_666 = tpu.memref_squeeze %scatter3A_665 : memref<1x128xf32, #tpu.memory_space<vmem>> -> memref<128xf32, #tpu.memory_space<vmem>>
        tpu.vector_store_idx %scatter3A_666[%add3A_661], %mul3A_663 : memref<128xf32, #tpu.memory_space<vmem>>[vector<16xi32>], vector<16xf32>,
        %get3A_667 = arith.index_cast %add3A_591 : i32 to index
        %get3A_668 = arith.constant 48 : index
        %get3A_669 = tpu.vector_load %arg10[%get3A_667, %get3A_668] {strides = array<i32>} : memref<128x64xi32, #tpu.memory_space<vmem>>, vector<16xi32>,
        %shift_left3A_670 = arith.constant 16 : i32
        %shift_left3A_671 = vector.broadcast %shift_left3A_670 : i32 to vector<16xi32>
        %shift_left3A_672 = arith.shli %get3A_669, %shift_left3A_671 : vector<16xi32>
        %bitcast3A_673 = vector.bitcast %shift_left3A_672 : vector<16xi32> to vector<16xf32>
        %and3A_674 = arith.andi %get3A_669, %broadcast_in_dim3A_27 : vector<16xi32>
        %bitcast3A_675 = vector.bitcast %and3A_674 : vector<16xi32> to vector<16xf32>
        %add3A_676 = arith.constant 96 : i32
        %add3A_677 = vector.broadcast %add3A_676 : i32 to vector<16xi32>
        %add3A_678 = arith.addi %mul3A_19, %add3A_677 : vector<16xi32>
        %mul3A_679 = vector.broadcast %squeeze3A_587 : f32 to vector<16xf32>
        %mul3A_680 = arith.mulf %bitcast3A_673, %mul3A_679 : vector<16xf32>
        %scatter3A_681 = arith.constant 0 : i32
        %scatter3A_682 = tpu.memref_slice %arg12[%add3A_591, %scatter3A_681] : memref<128x128xf32, #tpu.memory_space<vmem>> -> memref<1x128xf32, #tpu.memory_space<vmem>>
        %scatter3A_683 = tpu.memref_squeeze %scatter3A_682 : memref<1x128xf32, #tpu.memory_space<vmem>> -> memref<128xf32, #tpu.memory_space<vmem>>
        tpu.vector_store_idx %scatter3A_683[%add3A_678], %mul3A_680 : memref<128xf32, #tpu.memory_space<vmem>>[vector<16xi32>], vector<16xf32>,
        %add3A_684 = arith.constant 96 : i32
        %add3A_685 = vector.broadcast %add3A_684 : i32 to vector<16xi32>
        %add3A_686 = arith.addi %add3A_25, %add3A_685 : vector<16xi32>
        %mul3A_687 = vector.broadcast %squeeze3A_587 : f32 to vector<16xf32>
        %mul3A_688 = arith.mulf %bitcast3A_675, %mul3A_687 : vector<16xf32>
        %scatter3A_689 = arith.constant 0 : i32
        %scatter3A_690 = tpu.memref_slice %arg12[%add3A_591, %scatter3A_689] : memref<128x128xf32, #tpu.memory_space<vmem>> -> memref<1x128xf32, #tpu.memory_space<vmem>>
        %scatter3A_691 = tpu.memref_squeeze %scatter3A_690 : memref<1x128xf32, #tpu.memory_space<vmem>> -> memref<128xf32, #tpu.memory_space<vmem>>
        tpu.vector_store_idx %scatter3A_691[%add3A_686], %mul3A_688 : memref<128xf32, #tpu.memory_space<vmem>>[vector<16xi32>], vector<16xf32>,
        %slice3A_692 = vector.extract_strided_slice %get3A_379 {offsets = [3], sizes = [1], strides = [1]} : vector<16xf32> to vector<1xf32>
        %squeeze3A_693 = vector.extract %slice3A_692[0] : f32 from vector<1xf32>
        %mul3A_694 = arith.constant 16 : i32
        %mul3A_695 = arith.muli %scan3A_373, %mul3A_694 : i32
        %add3A_696 = arith.constant 3 : i32
        %add3A_697 = arith.addi %mul3A_695, %add3A_696 : i32
        %get3A_698 = arith.index_cast %add3A_697 : i32 to index
        %get3A_699 = arith.constant 0 : index
        %get3A_700 = tpu.vector_load %arg10[%get3A_698, %get3A_699] {strides = array<i32>} : memref<128x64xi32, #tpu.memory_space<vmem>>, vector<16xi32>,
        %shift_left3A_701 = arith.constant 16 : i32
        %shift_left3A_702 = vector.broadcast %shift_left3A_701 : i32 to vector<16xi32>
        %shift_left3A_703 = arith.shli %get3A_700, %shift_left3A_702 : vector<16xi32>
        %bitcast3A_704 = vector.bitcast %shift_left3A_703 : vector<16xi32> to vector<16xf32>
        %and3A_705 = arith.andi %get3A_700, %broadcast_in_dim3A_27 : vector<16xi32>
        %bitcast3A_706 = vector.bitcast %and3A_705 : vector<16xi32> to vector<16xf32>
        %add3A_707 = arith.constant 0 : i32
        %add3A_708 = vector.broadcast %add3A_707 : i32 to vector<16xi32>
        %add3A_709 = arith.addi %mul3A_19, %add3A_708 : vector<16xi32>
        %mul3A_710 = vector.broadcast %squeeze3A_693 : f32 to vector<16xf32>
        %mul3A_711 = arith.mulf %bitcast3A_704, %mul3A_710 : vector<16xf32>
        %scatter3A_712 = arith.constant 0 : i32
        %scatter3A_713 = tpu.memref_slice %arg12[%add3A_697, %scatter3A_712] : memref<128x128xf32, #tpu.memory_space<vmem>> -> memref<1x128xf32, #tpu.memory_space<vmem>>
        %scatter3A_714 = tpu.memref_squeeze %scatter3A_713 : memref<1x128xf32, #tpu.memory_space<vmem>> -> memref<128xf32, #tpu.memory_space<vmem>>
        tpu.vector_store_idx %scatter3A_714[%add3A_709], %mul3A_711 : memref<128xf32, #tpu.memory_space<vmem>>[vector<16xi32>], vector<16xf32>,
        %add3A_715 = arith.constant 0 : i32
        %add3A_716 = vector.broadcast %add3A_715 : i32 to vector<16xi32>
        %add3A_717 = arith.addi %add3A_25, %add3A_716 : vector<16xi32>
        %mul3A_718 = vector.broadcast %squeeze3A_693 : f32 to vector<16xf32>
        %mul3A_719 = arith.mulf %bitcast3A_706, %mul3A_718 : vector<16xf32>
        %scatter3A_720 = arith.constant 0 : i32
        %scatter3A_721 = tpu.memref_slice %arg12[%add3A_697, %scatter3A_720] : memref<128x128xf32, #tpu.memory_space<vmem>> -> memref<1x128xf32, #tpu.memory_space<vmem>>
        %scatter3A_722 = tpu.memref_squeeze %scatter3A_721 : memref<1x128xf32, #tpu.memory_space<vmem>> -> memref<128xf32, #tpu.memory_space<vmem>>
        tpu.vector_store_idx %scatter3A_722[%add3A_717], %mul3A_719 : memref<128xf32, #tpu.memory_space<vmem>>[vector<16xi32>], vector<16xf32>,
        %get3A_723 = arith.index_cast %add3A_697 : i32 to index
        %get3A_724 = arith.constant 16 : index
        %get3A_725 = tpu.vector_load %arg10[%get3A_723, %get3A_724] {strides = array<i32>} : memref<128x64xi32, #tpu.memory_space<vmem>>, vector<16xi32>,
        %shift_left3A_726 = arith.constant 16 : i32
        %shift_left3A_727 = vector.broadcast %shift_left3A_726 : i32 to vector<16xi32>
        %shift_left3A_728 = arith.shli %get3A_725, %shift_left3A_727 : vector<16xi32>
        %bitcast3A_729 = vector.bitcast %shift_left3A_728 : vector<16xi32> to vector<16xf32>
        %and3A_730 = arith.andi %get3A_725, %broadcast_in_dim3A_27 : vector<16xi32>
        %bitcast3A_731 = vector.bitcast %and3A_730 : vector<16xi32> to vector<16xf32>
        %add3A_732 = arith.constant 32 : i32
        %add3A_733 = vector.broadcast %add3A_732 : i32 to vector<16xi32>
        %add3A_734 = arith.addi %mul3A_19, %add3A_733 : vector<16xi32>
        %mul3A_735 = vector.broadcast %squeeze3A_693 : f32 to vector<16xf32>
        %mul3A_736 = arith.mulf %bitcast3A_729, %mul3A_735 : vector<16xf32>
        %scatter3A_737 = arith.constant 0 : i32
        %scatter3A_738 = tpu.memref_slice %arg12[%add3A_697, %scatter3A_737] : memref<128x128xf32, #tpu.memory_space<vmem>> -> memref<1x128xf32, #tpu.memory_space<vmem>>
        %scatter3A_739 = tpu.memref_squeeze %scatter3A_738 : memref<1x128xf32, #tpu.memory_space<vmem>> -> memref<128xf32, #tpu.memory_space<vmem>>
        tpu.vector_store_idx %scatter3A_739[%add3A_734], %mul3A_736 : memref<128xf32, #tpu.memory_space<vmem>>[vector<16xi32>], vector<16xf32>,
        %add3A_740 = arith.constant 32 : i32
        %add3A_741 = vector.broadcast %add3A_740 : i32 to vector<16xi32>
        %add3A_742 = arith.addi %add3A_25, %add3A_741 : vector<16xi32>
        %mul3A_743 = vector.broadcast %squeeze3A_693 : f32 to vector<16xf32>
        %mul3A_744 = arith.mulf %bitcast3A_731, %mul3A_743 : vector<16xf32>
        %scatter3A_745 = arith.constant 0 : i32
        %scatter3A_746 = tpu.memref_slice %arg12[%add3A_697, %scatter3A_745] : memref<128x128xf32, #tpu.memory_space<vmem>> -> memref<1x128xf32, #tpu.memory_space<vmem>>
        %scatter3A_747 = tpu.memref_squeeze %scatter3A_746 : memref<1x128xf32, #tpu.memory_space<vmem>> -> memref<128xf32, #tpu.memory_space<vmem>>
        tpu.vector_store_idx %scatter3A_747[%add3A_742], %mul3A_744 : memref<128xf32, #tpu.memory_space<vmem>>[vector<16xi32>], vector<16xf32>,
        %get3A_748 = arith.index_cast %add3A_697 : i32 to index
        %get3A_749 = arith.constant 32 : index
        %get3A_750 = tpu.vector_load %arg10[%get3A_748, %get3A_749] {strides = array<i32>} : memref<128x64xi32, #tpu.memory_space<vmem>>, vector<16xi32>,
        %shift_left3A_751 = arith.constant 16 : i32
        %shift_left3A_752 = vector.broadcast %shift_left3A_751 : i32 to vector<16xi32>
        %shift_left3A_753 = arith.shli %get3A_750, %shift_left3A_752 : vector<16xi32>
        %bitcast3A_754 = vector.bitcast %shift_left3A_753 : vector<16xi32> to vector<16xf32>
        %and3A_755 = arith.andi %get3A_750, %broadcast_in_dim3A_27 : vector<16xi32>
        %bitcast3A_756 = vector.bitcast %and3A_755 : vector<16xi32> to vector<16xf32>
        %add3A_757 = arith.constant 64 : i32
        %add3A_758 = vector.broadcast %add3A_757 : i32 to vector<16xi32>
        %add3A_759 = arith.addi %mul3A_19, %add3A_758 : vector<16xi32>
        %mul3A_760 = vector.broadcast %squeeze3A_693 : f32 to vector<16xf32>
        %mul3A_761 = arith.mulf %bitcast3A_754, %mul3A_760 : vector<16xf32>
        %scatter3A_762 = arith.constant 0 : i32
        %scatter3A_763 = tpu.memref_slice %arg12[%add3A_697, %scatter3A_762] : memref<128x128xf32, #tpu.memory_space<vmem>> -> memref<1x128xf32, #tpu.memory_space<vmem>>
        %scatter3A_764 = tpu.memref_squeeze %scatter3A_763 : memref<1x128xf32, #tpu.memory_space<vmem>> -> memref<128xf32, #tpu.memory_space<vmem>>
        tpu.vector_store_idx %scatter3A_764[%add3A_759], %mul3A_761 : memref<128xf32, #tpu.memory_space<vmem>>[vector<16xi32>], vector<16xf32>,
        %add3A_765 = arith.constant 64 : i32
        %add3A_766 = vector.broadcast %add3A_765 : i32 to vector<16xi32>
        %add3A_767 = arith.addi %add3A_25, %add3A_766 : vector<16xi32>
        %mul3A_768 = vector.broadcast %squeeze3A_693 : f32 to vector<16xf32>
        %mul3A_769 = arith.mulf %bitcast3A_756, %mul3A_768 : vector<16xf32>
        %scatter3A_770 = arith.constant 0 : i32
        %scatter3A_771 = tpu.memref_slice %arg12[%add3A_697, %scatter3A_770] : memref<128x128xf32, #tpu.memory_space<vmem>> -> memref<1x128xf32, #tpu.memory_space<vmem>>
        %scatter3A_772 = tpu.memref_squeeze %scatter3A_771 : memref<1x128xf32, #tpu.memory_space<vmem>> -> memref<128xf32, #tpu.memory_space<vmem>>
        tpu.vector_store_idx %scatter3A_772[%add3A_767], %mul3A_769 : memref<128xf32, #tpu.memory_space<vmem>>[vector<16xi32>], vector<16xf32>,
        %get3A_773 = arith.index_cast %add3A_697 : i32 to index
        %get3A_774 = arith.constant 48 : index
        %get3A_775 = tpu.vector_load %arg10[%get3A_773, %get3A_774] {strides = array<i32>} : memref<128x64xi32, #tpu.memory_space<vmem>>, vector<16xi32>,
        %shift_left3A_776 = arith.constant 16 : i32
        %shift_left3A_777 = vector.broadcast %shift_left3A_776 : i32 to vector<16xi32>
        %shift_left3A_778 = arith.shli %get3A_775, %shift_left3A_777 : vector<16xi32>
        %bitcast3A_779 = vector.bitcast %shift_left3A_778 : vector<16xi32> to vector<16xf32>
        %and3A_780 = arith.andi %get3A_775, %broadcast_in_dim3A_27 : vector<16xi32>
        %bitcast3A_781 = vector.bitcast %and3A_780 : vector<16xi32> to vector<16xf32>
        %add3A_782 = arith.constant 96 : i32
        %add3A_783 = vector.broadcast %add3A_782 : i32 to vector<16xi32>
        %add3A_784 = arith.addi %mul3A_19, %add3A_783 : vector<16xi32>
        %mul3A_785 = vector.broadcast %squeeze3A_693 : f32 to vector<16xf32>
        %mul3A_786 = arith.mulf %bitcast3A_779, %mul3A_785 : vector<16xf32>
        %scatter3A_787 = arith.constant 0 : i32
        %scatter3A_788 = tpu.memref_slice %arg12[%add3A_697, %scatter3A_787] : memref<128x128xf32, #tpu.memory_space<vmem>> -> memref<1x128xf32, #tpu.memory_space<vmem>>
        %scatter3A_789 = tpu.memref_squeeze %scatter3A_788 : memref<1x128xf32, #tpu.memory_space<vmem>> -> memref<128xf32, #tpu.memory_space<vmem>>
        tpu.vector_store_idx %scatter3A_789[%add3A_784], %mul3A_786 : memref<128xf32, #tpu.memory_space<vmem>>[vector<16xi32>], vector<16xf32>,
        %add3A_790 = arith.constant 96 : i32
        %add3A_791 = vector.broadcast %add3A_790 : i32 to vector<16xi32>
        %add3A_792 = arith.addi %add3A_25, %add3A_791 : vector<16xi32>
        %mul3A_793 = vector.broadcast %squeeze3A_693 : f32 to vector<16xf32>
        %mul3A_794 = arith.mulf %bitcast3A_781, %mul3A_793 : vector<16xf32>
        %scatter3A_795 = arith.constant 0 : i32
        %scatter3A_796 = tpu.memref_slice %arg12[%add3A_697, %scatter3A_795] : memref<128x128xf32, #tpu.memory_space<vmem>> -> memref<1x128xf32, #tpu.memory_space<vmem>>
        %scatter3A_797 = tpu.memref_squeeze %scatter3A_796 : memref<1x128xf32, #tpu.memory_space<vmem>> -> memref<128xf32, #tpu.memory_space<vmem>>
        tpu.vector_store_idx %scatter3A_797[%add3A_792], %mul3A_794 : memref<128xf32, #tpu.memory_space<vmem>>[vector<16xi32>], vector<16xf32>,
        %slice3A_798 = vector.extract_strided_slice %get3A_379 {offsets = [4], sizes = [1], strides = [1]} : vector<16xf32> to vector<1xf32>
        %squeeze3A_799 = vector.extract %slice3A_798[0] : f32 from vector<1xf32>
        %mul3A_800 = arith.constant 16 : i32
        %mul3A_801 = arith.muli %scan3A_373, %mul3A_800 : i32
        %add3A_802 = arith.constant 4 : i32
        %add3A_803 = arith.addi %mul3A_801, %add3A_802 : i32
        %get3A_804 = arith.index_cast %add3A_803 : i32 to index
        %get3A_805 = arith.constant 0 : index
        %get3A_806 = tpu.vector_load %arg10[%get3A_804, %get3A_805] {strides = array<i32>} : memref<128x64xi32, #tpu.memory_space<vmem>>, vector<16xi32>,
        %shift_left3A_807 = arith.constant 16 : i32
        %shift_left3A_808 = vector.broadcast %shift_left3A_807 : i32 to vector<16xi32>
        %shift_left3A_809 = arith.shli %get3A_806, %shift_left3A_808 : vector<16xi32>
        %bitcast3A_810 = vector.bitcast %shift_left3A_809 : vector<16xi32> to vector<16xf32>
        %and3A_811 = arith.andi %get3A_806, %broadcast_in_dim3A_27 : vector<16xi32>
        %bitcast3A_812 = vector.bitcast %and3A_811 : vector<16xi32> to vector<16xf32>
        %add3A_813 = arith.constant 0 : i32
        %add3A_814 = vector.broadcast %add3A_813 : i32 to vector<16xi32>
        %add3A_815 = arith.addi %mul3A_19, %add3A_814 : vector<16xi32>
        %mul3A_816 = vector.broadcast %squeeze3A_799 : f32 to vector<16xf32>
        %mul3A_817 = arith.mulf %bitcast3A_810, %mul3A_816 : vector<16xf32>
        %scatter3A_818 = arith.constant 0 : i32
        %scatter3A_819 = tpu.memref_slice %arg12[%add3A_803, %scatter3A_818] : memref<128x128xf32, #tpu.memory_space<vmem>> -> memref<1x128xf32, #tpu.memory_space<vmem>>
        %scatter3A_820 = tpu.memref_squeeze %scatter3A_819 : memref<1x128xf32, #tpu.memory_space<vmem>> -> memref<128xf32, #tpu.memory_space<vmem>>
        tpu.vector_store_idx %scatter3A_820[%add3A_815], %mul3A_817 : memref<128xf32, #tpu.memory_space<vmem>>[vector<16xi32>], vector<16xf32>,
        %add3A_821 = arith.constant 0 : i32
        %add3A_822 = vector.broadcast %add3A_821 : i32 to vector<16xi32>
        %add3A_823 = arith.addi %add3A_25, %add3A_822 : vector<16xi32>
        %mul3A_824 = vector.broadcast %squeeze3A_799 : f32 to vector<16xf32>
        %mul3A_825 = arith.mulf %bitcast3A_812, %mul3A_824 : vector<16xf32>
        %scatter3A_826 = arith.constant 0 : i32
        %scatter3A_827 = tpu.memref_slice %arg12[%add3A_803, %scatter3A_826] : memref<128x128xf32, #tpu.memory_space<vmem>> -> memref<1x128xf32, #tpu.memory_space<vmem>>
        %scatter3A_828 = tpu.memref_squeeze %scatter3A_827 : memref<1x128xf32, #tpu.memory_space<vmem>> -> memref<128xf32, #tpu.memory_space<vmem>>
        tpu.vector_store_idx %scatter3A_828[%add3A_823], %mul3A_825 : memref<128xf32, #tpu.memory_space<vmem>>[vector<16xi32>], vector<16xf32>,
        %get3A_829 = arith.index_cast %add3A_803 : i32 to index
        %get3A_830 = arith.constant 16 : index
        %get3A_831 = tpu.vector_load %arg10[%get3A_829, %get3A_830] {strides = array<i32>} : memref<128x64xi32, #tpu.memory_space<vmem>>, vector<16xi32>,
        %shift_left3A_832 = arith.constant 16 : i32
        %shift_left3A_833 = vector.broadcast %shift_left3A_832 : i32 to vector<16xi32>
        %shift_left3A_834 = arith.shli %get3A_831, %shift_left3A_833 : vector<16xi32>
        %bitcast3A_835 = vector.bitcast %shift_left3A_834 : vector<16xi32> to vector<16xf32>
        %and3A_836 = arith.andi %get3A_831, %broadcast_in_dim3A_27 : vector<16xi32>
        %bitcast3A_837 = vector.bitcast %and3A_836 : vector<16xi32> to vector<16xf32>
        %add3A_838 = arith.constant 32 : i32
        %add3A_839 = vector.broadcast %add3A_838 : i32 to vector<16xi32>
        %add3A_840 = arith.addi %mul3A_19, %add3A_839 : vector<16xi32>
        %mul3A_841 = vector.broadcast %squeeze3A_799 : f32 to vector<16xf32>
        %mul3A_842 = arith.mulf %bitcast3A_835, %mul3A_841 : vector<16xf32>
        %scatter3A_843 = arith.constant 0 : i32
        %scatter3A_844 = tpu.memref_slice %arg12[%add3A_803, %scatter3A_843] : memref<128x128xf32, #tpu.memory_space<vmem>> -> memref<1x128xf32, #tpu.memory_space<vmem>>
        %scatter3A_845 = tpu.memref_squeeze %scatter3A_844 : memref<1x128xf32, #tpu.memory_space<vmem>> -> memref<128xf32, #tpu.memory_space<vmem>>
        tpu.vector_store_idx %scatter3A_845[%add3A_840], %mul3A_842 : memref<128xf32, #tpu.memory_space<vmem>>[vector<16xi32>], vector<16xf32>,
        %add3A_846 = arith.constant 32 : i32
        %add3A_847 = vector.broadcast %add3A_846 : i32 to vector<16xi32>
        %add3A_848 = arith.addi %add3A_25, %add3A_847 : vector<16xi32>
        %mul3A_849 = vector.broadcast %squeeze3A_799 : f32 to vector<16xf32>
        %mul3A_850 = arith.mulf %bitcast3A_837, %mul3A_849 : vector<16xf32>
        %scatter3A_851 = arith.constant 0 : i32
        %scatter3A_852 = tpu.memref_slice %arg12[%add3A_803, %scatter3A_851] : memref<128x128xf32, #tpu.memory_space<vmem>> -> memref<1x128xf32, #tpu.memory_space<vmem>>
        %scatter3A_853 = tpu.memref_squeeze %scatter3A_852 : memref<1x128xf32, #tpu.memory_space<vmem>> -> memref<128xf32, #tpu.memory_space<vmem>>
        tpu.vector_store_idx %scatter3A_853[%add3A_848], %mul3A_850 : memref<128xf32, #tpu.memory_space<vmem>>[vector<16xi32>], vector<16xf32>,
        %get3A_854 = arith.index_cast %add3A_803 : i32 to index
        %get3A_855 = arith.constant 32 : index
        %get3A_856 = tpu.vector_load %arg10[%get3A_854, %get3A_855] {strides = array<i32>} : memref<128x64xi32, #tpu.memory_space<vmem>>, vector<16xi32>,
        %shift_left3A_857 = arith.constant 16 : i32
        %shift_left3A_858 = vector.broadcast %shift_left3A_857 : i32 to vector<16xi32>
        %shift_left3A_859 = arith.shli %get3A_856, %shift_left3A_858 : vector<16xi32>
        %bitcast3A_860 = vector.bitcast %shift_left3A_859 : vector<16xi32> to vector<16xf32>
        %and3A_861 = arith.andi %get3A_856, %broadcast_in_dim3A_27 : vector<16xi32>
        %bitcast3A_862 = vector.bitcast %and3A_861 : vector<16xi32> to vector<16xf32>
        %add3A_863 = arith.constant 64 : i32
        %add3A_864 = vector.broadcast %add3A_863 : i32 to vector<16xi32>
        %add3A_865 = arith.addi %mul3A_19, %add3A_864 : vector<16xi32>
        %mul3A_866 = vector.broadcast %squeeze3A_799 : f32 to vector<16xf32>
        %mul3A_867 = arith.mulf %bitcast3A_860, %mul3A_866 : vector<16xf32>
        %scatter3A_868 = arith.constant 0 : i32
        %scatter3A_869 = tpu.memref_slice %arg12[%add3A_803, %scatter3A_868] : memref<128x128xf32, #tpu.memory_space<vmem>> -> memref<1x128xf32, #tpu.memory_space<vmem>>
        %scatter3A_870 = tpu.memref_squeeze %scatter3A_869 : memref<1x128xf32, #tpu.memory_space<vmem>> -> memref<128xf32, #tpu.memory_space<vmem>>
        tpu.vector_store_idx %scatter3A_870[%add3A_865], %mul3A_867 : memref<128xf32, #tpu.memory_space<vmem>>[vector<16xi32>], vector<16xf32>,
        %add3A_871 = arith.constant 64 : i32
        %add3A_872 = vector.broadcast %add3A_871 : i32 to vector<16xi32>
        %add3A_873 = arith.addi %add3A_25, %add3A_872 : vector<16xi32>
        %mul3A_874 = vector.broadcast %squeeze3A_799 : f32 to vector<16xf32>
        %mul3A_875 = arith.mulf %bitcast3A_862, %mul3A_874 : vector<16xf32>
        %scatter3A_876 = arith.constant 0 : i32
        %scatter3A_877 = tpu.memref_slice %arg12[%add3A_803, %scatter3A_876] : memref<128x128xf32, #tpu.memory_space<vmem>> -> memref<1x128xf32, #tpu.memory_space<vmem>>
        %scatter3A_878 = tpu.memref_squeeze %scatter3A_877 : memref<1x128xf32, #tpu.memory_space<vmem>> -> memref<128xf32, #tpu.memory_space<vmem>>
        tpu.vector_store_idx %scatter3A_878[%add3A_873], %mul3A_875 : memref<128xf32, #tpu.memory_space<vmem>>[vector<16xi32>], vector<16xf32>,
        %get3A_879 = arith.index_cast %add3A_803 : i32 to index
        %get3A_880 = arith.constant 48 : index
        %get3A_881 = tpu.vector_load %arg10[%get3A_879, %get3A_880] {strides = array<i32>} : memref<128x64xi32, #tpu.memory_space<vmem>>, vector<16xi32>,
        %shift_left3A_882 = arith.constant 16 : i32
        %shift_left3A_883 = vector.broadcast %shift_left3A_882 : i32 to vector<16xi32>
        %shift_left3A_884 = arith.shli %get3A_881, %shift_left3A_883 : vector<16xi32>
        %bitcast3A_885 = vector.bitcast %shift_left3A_884 : vector<16xi32> to vector<16xf32>
        %and3A_886 = arith.andi %get3A_881, %broadcast_in_dim3A_27 : vector<16xi32>
        %bitcast3A_887 = vector.bitcast %and3A_886 : vector<16xi32> to vector<16xf32>
        %add3A_888 = arith.constant 96 : i32
        %add3A_889 = vector.broadcast %add3A_888 : i32 to vector<16xi32>
        %add3A_890 = arith.addi %mul3A_19, %add3A_889 : vector<16xi32>
        %mul3A_891 = vector.broadcast %squeeze3A_799 : f32 to vector<16xf32>
        %mul3A_892 = arith.mulf %bitcast3A_885, %mul3A_891 : vector<16xf32>
        %scatter3A_893 = arith.constant 0 : i32
        %scatter3A_894 = tpu.memref_slice %arg12[%add3A_803, %scatter3A_893] : memref<128x128xf32, #tpu.memory_space<vmem>> -> memref<1x128xf32, #tpu.memory_space<vmem>>
        %scatter3A_895 = tpu.memref_squeeze %scatter3A_894 : memref<1x128xf32, #tpu.memory_space<vmem>> -> memref<128xf32, #tpu.memory_space<vmem>>
        tpu.vector_store_idx %scatter3A_895[%add3A_890], %mul3A_892 : memref<128xf32, #tpu.memory_space<vmem>>[vector<16xi32>], vector<16xf32>,
        %add3A_896 = arith.constant 96 : i32
        %add3A_897 = vector.broadcast %add3A_896 : i32 to vector<16xi32>
        %add3A_898 = arith.addi %add3A_25, %add3A_897 : vector<16xi32>
        %mul3A_899 = vector.broadcast %squeeze3A_799 : f32 to vector<16xf32>
        %mul3A_900 = arith.mulf %bitcast3A_887, %mul3A_899 : vector<16xf32>
        %scatter3A_901 = arith.constant 0 : i32
        %scatter3A_902 = tpu.memref_slice %arg12[%add3A_803, %scatter3A_901] : memref<128x128xf32, #tpu.memory_space<vmem>> -> memref<1x128xf32, #tpu.memory_space<vmem>>
        %scatter3A_903 = tpu.memref_squeeze %scatter3A_902 : memref<1x128xf32, #tpu.memory_space<vmem>> -> memref<128xf32, #tpu.memory_space<vmem>>
        tpu.vector_store_idx %scatter3A_903[%add3A_898], %mul3A_900 : memref<128xf32, #tpu.memory_space<vmem>>[vector<16xi32>], vector<16xf32>,
        %slice3A_904 = vector.extract_strided_slice %get3A_379 {offsets = [5], sizes = [1], strides = [1]} : vector<16xf32> to vector<1xf32>
        %squeeze3A_905 = vector.extract %slice3A_904[0] : f32 from vector<1xf32>
        %mul3A_906 = arith.constant 16 : i32
        %mul3A_907 = arith.muli %scan3A_373, %mul3A_906 : i32
        %add3A_908 = arith.constant 5 : i32
        %add3A_909 = arith.addi %mul3A_907, %add3A_908 : i32
        %get3A_910 = arith.index_cast %add3A_909 : i32 to index
        %get3A_911 = arith.constant 0 : index
        %get3A_912 = tpu.vector_load %arg10[%get3A_910, %get3A_911] {strides = array<i32>} : memref<128x64xi32, #tpu.memory_space<vmem>>, vector<16xi32>,
        %shift_left3A_913 = arith.constant 16 : i32
        %shift_left3A_914 = vector.broadcast %shift_left3A_913 : i32 to vector<16xi32>
        %shift_left3A_915 = arith.shli %get3A_912, %shift_left3A_914 : vector<16xi32>
        %bitcast3A_916 = vector.bitcast %shift_left3A_915 : vector<16xi32> to vector<16xf32>
        %and3A_917 = arith.andi %get3A_912, %broadcast_in_dim3A_27 : vector<16xi32>
        %bitcast3A_918 = vector.bitcast %and3A_917 : vector<16xi32> to vector<16xf32>
        %add3A_919 = arith.constant 0 : i32
        %add3A_920 = vector.broadcast %add3A_919 : i32 to vector<16xi32>
        %add3A_921 = arith.addi %mul3A_19, %add3A_920 : vector<16xi32>
        %mul3A_922 = vector.broadcast %squeeze3A_905 : f32 to vector<16xf32>
        %mul3A_923 = arith.mulf %bitcast3A_916, %mul3A_922 : vector<16xf32>
        %scatter3A_924 = arith.constant 0 : i32
        %scatter3A_925 = tpu.memref_slice %arg12[%add3A_909, %scatter3A_924] : memref<128x128xf32, #tpu.memory_space<vmem>> -> memref<1x128xf32, #tpu.memory_space<vmem>>
        %scatter3A_926 = tpu.memref_squeeze %scatter3A_925 : memref<1x128xf32, #tpu.memory_space<vmem>> -> memref<128xf32, #tpu.memory_space<vmem>>
        tpu.vector_store_idx %scatter3A_926[%add3A_921], %mul3A_923 : memref<128xf32, #tpu.memory_space<vmem>>[vector<16xi32>], vector<16xf32>,
        %add3A_927 = arith.constant 0 : i32
        %add3A_928 = vector.broadcast %add3A_927 : i32 to vector<16xi32>
        %add3A_929 = arith.addi %add3A_25, %add3A_928 : vector<16xi32>
        %mul3A_930 = vector.broadcast %squeeze3A_905 : f32 to vector<16xf32>
        %mul3A_931 = arith.mulf %bitcast3A_918, %mul3A_930 : vector<16xf32>
        %scatter3A_932 = arith.constant 0 : i32
        %scatter3A_933 = tpu.memref_slice %arg12[%add3A_909, %scatter3A_932] : memref<128x128xf32, #tpu.memory_space<vmem>> -> memref<1x128xf32, #tpu.memory_space<vmem>>
        %scatter3A_934 = tpu.memref_squeeze %scatter3A_933 : memref<1x128xf32, #tpu.memory_space<vmem>> -> memref<128xf32, #tpu.memory_space<vmem>>
        tpu.vector_store_idx %scatter3A_934[%add3A_929], %mul3A_931 : memref<128xf32, #tpu.memory_space<vmem>>[vector<16xi32>], vector<16xf32>,
        %get3A_935 = arith.index_cast %add3A_909 : i32 to index
        %get3A_936 = arith.constant 16 : index
        %get3A_937 = tpu.vector_load %arg10[%get3A_935, %get3A_936] {strides = array<i32>} : memref<128x64xi32, #tpu.memory_space<vmem>>, vector<16xi32>,
        %shift_left3A_938 = arith.constant 16 : i32
        %shift_left3A_939 = vector.broadcast %shift_left3A_938 : i32 to vector<16xi32>
        %shift_left3A_940 = arith.shli %get3A_937, %shift_left3A_939 : vector<16xi32>
        %bitcast3A_941 = vector.bitcast %shift_left3A_940 : vector<16xi32> to vector<16xf32>
        %and3A_942 = arith.andi %get3A_937, %broadcast_in_dim3A_27 : vector<16xi32>
        %bitcast3A_943 = vector.bitcast %and3A_942 : vector<16xi32> to vector<16xf32>
        %add3A_944 = arith.constant 32 : i32
        %add3A_945 = vector.broadcast %add3A_944 : i32 to vector<16xi32>
        %add3A_946 = arith.addi %mul3A_19, %add3A_945 : vector<16xi32>
        %mul3A_947 = vector.broadcast %squeeze3A_905 : f32 to vector<16xf32>
        %mul3A_948 = arith.mulf %bitcast3A_941, %mul3A_947 : vector<16xf32>
        %scatter3A_949 = arith.constant 0 : i32
        %scatter3A_950 = tpu.memref_slice %arg12[%add3A_909, %scatter3A_949] : memref<128x128xf32, #tpu.memory_space<vmem>> -> memref<1x128xf32, #tpu.memory_space<vmem>>
        %scatter3A_951 = tpu.memref_squeeze %scatter3A_950 : memref<1x128xf32, #tpu.memory_space<vmem>> -> memref<128xf32, #tpu.memory_space<vmem>>
        tpu.vector_store_idx %scatter3A_951[%add3A_946], %mul3A_948 : memref<128xf32, #tpu.memory_space<vmem>>[vector<16xi32>], vector<16xf32>,
        %add3A_952 = arith.constant 32 : i32
        %add3A_953 = vector.broadcast %add3A_952 : i32 to vector<16xi32>
        %add3A_954 = arith.addi %add3A_25, %add3A_953 : vector<16xi32>
        %mul3A_955 = vector.broadcast %squeeze3A_905 : f32 to vector<16xf32>
        %mul3A_956 = arith.mulf %bitcast3A_943, %mul3A_955 : vector<16xf32>
        %scatter3A_957 = arith.constant 0 : i32
        %scatter3A_958 = tpu.memref_slice %arg12[%add3A_909, %scatter3A_957] : memref<128x128xf32, #tpu.memory_space<vmem>> -> memref<1x128xf32, #tpu.memory_space<vmem>>
        %scatter3A_959 = tpu.memref_squeeze %scatter3A_958 : memref<1x128xf32, #tpu.memory_space<vmem>> -> memref<128xf32, #tpu.memory_space<vmem>>
        tpu.vector_store_idx %scatter3A_959[%add3A_954], %mul3A_956 : memref<128xf32, #tpu.memory_space<vmem>>[vector<16xi32>], vector<16xf32>,
        %get3A_960 = arith.index_cast %add3A_909 : i32 to index
        %get3A_961 = arith.constant 32 : index
        %get3A_962 = tpu.vector_load %arg10[%get3A_960, %get3A_961] {strides = array<i32>} : memref<128x64xi32, #tpu.memory_space<vmem>>, vector<16xi32>,
        %shift_left3A_963 = arith.constant 16 : i32
        %shift_left3A_964 = vector.broadcast %shift_left3A_963 : i32 to vector<16xi32>
        %shift_left3A_965 = arith.shli %get3A_962, %shift_left3A_964 : vector<16xi32>
        %bitcast3A_966 = vector.bitcast %shift_left3A_965 : vector<16xi32> to vector<16xf32>
        %and3A_967 = arith.andi %get3A_962, %broadcast_in_dim3A_27 : vector<16xi32>
        %bitcast3A_968 = vector.bitcast %and3A_967 : vector<16xi32> to vector<16xf32>
        %add3A_969 = arith.constant 64 : i32
        %add3A_970 = vector.broadcast %add3A_969 : i32 to vector<16xi32>
        %add3A_971 = arith.addi %mul3A_19, %add3A_970 : vector<16xi32>
        %mul3A_972 = vector.broadcast %squeeze3A_905 : f32 to vector<16xf32>
        %mul3A_973 = arith.mulf %bitcast3A_966, %mul3A_972 : vector<16xf32>
        %scatter3A_974 = arith.constant 0 : i32
        %scatter3A_975 = tpu.memref_slice %arg12[%add3A_909, %scatter3A_974] : memref<128x128xf32, #tpu.memory_space<vmem>> -> memref<1x128xf32, #tpu.memory_space<vmem>>
        %scatter3A_976 = tpu.memref_squeeze %scatter3A_975 : memref<1x128xf32, #tpu.memory_space<vmem>> -> memref<128xf32, #tpu.memory_space<vmem>>
        tpu.vector_store_idx %scatter3A_976[%add3A_971], %mul3A_973 : memref<128xf32, #tpu.memory_space<vmem>>[vector<16xi32>], vector<16xf32>,
        %add3A_977 = arith.constant 64 : i32
        %add3A_978 = vector.broadcast %add3A_977 : i32 to vector<16xi32>
        %add3A_979 = arith.addi %add3A_25, %add3A_978 : vector<16xi32>
        %mul3A_980 = vector.broadcast %squeeze3A_905 : f32 to vector<16xf32>
        %mul3A_981 = arith.mulf %bitcast3A_968, %mul3A_980 : vector<16xf32>
        %scatter3A_982 = arith.constant 0 : i32
        %scatter3A_983 = tpu.memref_slice %arg12[%add3A_909, %scatter3A_982] : memref<128x128xf32, #tpu.memory_space<vmem>> -> memref<1x128xf32, #tpu.memory_space<vmem>>
        %scatter3A_984 = tpu.memref_squeeze %scatter3A_983 : memref<1x128xf32, #tpu.memory_space<vmem>> -> memref<128xf32, #tpu.memory_space<vmem>>
        tpu.vector_store_idx %scatter3A_984[%add3A_979], %mul3A_981 : memref<128xf32, #tpu.memory_space<vmem>>[vector<16xi32>], vector<16xf32>,
        %get3A_985 = arith.index_cast %add3A_909 : i32 to index
        %get3A_986 = arith.constant 48 : index
        %get3A_987 = tpu.vector_load %arg10[%get3A_985, %get3A_986] {strides = array<i32>} : memref<128x64xi32, #tpu.memory_space<vmem>>, vector<16xi32>,
        %shift_left3A_988 = arith.constant 16 : i32
        %shift_left3A_989 = vector.broadcast %shift_left3A_988 : i32 to vector<16xi32>
        %shift_left3A_990 = arith.shli %get3A_987, %shift_left3A_989 : vector<16xi32>
        %bitcast3A_991 = vector.bitcast %shift_left3A_990 : vector<16xi32> to vector<16xf32>
        %and3A_992 = arith.andi %get3A_987, %broadcast_in_dim3A_27 : vector<16xi32>
        %bitcast3A_993 = vector.bitcast %and3A_992 : vector<16xi32> to vector<16xf32>
        %add3A_994 = arith.constant 96 : i32
        %add3A_995 = vector.broadcast %add3A_994 : i32 to vector<16xi32>
        %add3A_996 = arith.addi %mul3A_19, %add3A_995 : vector<16xi32>
        %mul3A_997 = vector.broadcast %squeeze3A_905 : f32 to vector<16xf32>
        %mul3A_998 = arith.mulf %bitcast3A_991, %mul3A_997 : vector<16xf32>
        %scatter3A_999 = arith.constant 0 : i32
        %scatter3A_1000 = tpu.memref_slice %arg12[%add3A_909, %scatter3A_999] : memref<128x128xf32, #tpu.memory_space<vmem>> -> memref<1x128xf32, #tpu.memory_space<vmem>>
        %scatter3A_1001 = tpu.memref_squeeze %scatter3A_1000 : memref<1x128xf32, #tpu.memory_space<vmem>> -> memref<128xf32, #tpu.memory_space<vmem>>
        tpu.vector_store_idx %scatter3A_1001[%add3A_996], %mul3A_998 : memref<128xf32, #tpu.memory_space<vmem>>[vector<16xi32>], vector<16xf32>,
        %add3A_1002 = arith.constant 96 : i32
        %add3A_1003 = vector.broadcast %add3A_1002 : i32 to vector<16xi32>
        %add3A_1004 = arith.addi %add3A_25, %add3A_1003 : vector<16xi32>
        %mul3A_1005 = vector.broadcast %squeeze3A_905 : f32 to vector<16xf32>
        %mul3A_1006 = arith.mulf %bitcast3A_993, %mul3A_1005 : vector<16xf32>
        %scatter3A_1007 = arith.constant 0 : i32
        %scatter3A_1008 = tpu.memref_slice %arg12[%add3A_909, %scatter3A_1007] : memref<128x128xf32, #tpu.memory_space<vmem>> -> memref<1x128xf32, #tpu.memory_space<vmem>>
        %scatter3A_1009 = tpu.memref_squeeze %scatter3A_1008 : memref<1x128xf32, #tpu.memory_space<vmem>> -> memref<128xf32, #tpu.memory_space<vmem>>
        tpu.vector_store_idx %scatter3A_1009[%add3A_1004], %mul3A_1006 : memref<128xf32, #tpu.memory_space<vmem>>[vector<16xi32>], vector<16xf32>,
        %slice3A_1010 = vector.extract_strided_slice %get3A_379 {offsets = [6], sizes = [1], strides = [1]} : vector<16xf32> to vector<1xf32>
        %squeeze3A_1011 = vector.extract %slice3A_1010[0] : f32 from vector<1xf32>
        %mul3A_1012 = arith.constant 16 : i32
        %mul3A_1013 = arith.muli %scan3A_373, %mul3A_1012 : i32
        %add3A_1014 = arith.constant 6 : i32
        %add3A_1015 = arith.addi %mul3A_1013, %add3A_1014 : i32
        %get3A_1016 = arith.index_cast %add3A_1015 : i32 to index
        %get3A_1017 = arith.constant 0 : index
        %get3A_1018 = tpu.vector_load %arg10[%get3A_1016, %get3A_1017] {strides = array<i32>} : memref<128x64xi32, #tpu.memory_space<vmem>>, vector<16xi32>,
        %shift_left3A_1019 = arith.constant 16 : i32
        %shift_left3A_1020 = vector.broadcast %shift_left3A_1019 : i32 to vector<16xi32>
        %shift_left3A_1021 = arith.shli %get3A_1018, %shift_left3A_1020 : vector<16xi32>
        %bitcast3A_1022 = vector.bitcast %shift_left3A_1021 : vector<16xi32> to vector<16xf32>
        %and3A_1023 = arith.andi %get3A_1018, %broadcast_in_dim3A_27 : vector<16xi32>
        %bitcast3A_1024 = vector.bitcast %and3A_1023 : vector<16xi32> to vector<16xf32>
        %add3A_1025 = arith.constant 0 : i32
        %add3A_1026 = vector.broadcast %add3A_1025 : i32 to vector<16xi32>
        %add3A_1027 = arith.addi %mul3A_19, %add3A_1026 : vector<16xi32>
        %mul3A_1028 = vector.broadcast %squeeze3A_1011 : f32 to vector<16xf32>
        %mul3A_1029 = arith.mulf %bitcast3A_1022, %mul3A_1028 : vector<16xf32>
        %scatter3A_1030 = arith.constant 0 : i32
        %scatter3A_1031 = tpu.memref_slice %arg12[%add3A_1015, %scatter3A_1030] : memref<128x128xf32, #tpu.memory_space<vmem>> -> memref<1x128xf32, #tpu.memory_space<vmem>>
        %scatter3A_1032 = tpu.memref_squeeze %scatter3A_1031 : memref<1x128xf32, #tpu.memory_space<vmem>> -> memref<128xf32, #tpu.memory_space<vmem>>
        tpu.vector_store_idx %scatter3A_1032[%add3A_1027], %mul3A_1029 : memref<128xf32, #tpu.memory_space<vmem>>[vector<16xi32>], vector<16xf32>,
        %add3A_1033 = arith.constant 0 : i32
        %add3A_1034 = vector.broadcast %add3A_1033 : i32 to vector<16xi32>
        %add3A_1035 = arith.addi %add3A_25, %add3A_1034 : vector<16xi32>
        %mul3A_1036 = vector.broadcast %squeeze3A_1011 : f32 to vector<16xf32>
        %mul3A_1037 = arith.mulf %bitcast3A_1024, %mul3A_1036 : vector<16xf32>
        %scatter3A_1038 = arith.constant 0 : i32
        %scatter3A_1039 = tpu.memref_slice %arg12[%add3A_1015, %scatter3A_1038] : memref<128x128xf32, #tpu.memory_space<vmem>> -> memref<1x128xf32, #tpu.memory_space<vmem>>
        %scatter3A_1040 = tpu.memref_squeeze %scatter3A_1039 : memref<1x128xf32, #tpu.memory_space<vmem>> -> memref<128xf32, #tpu.memory_space<vmem>>
        tpu.vector_store_idx %scatter3A_1040[%add3A_1035], %mul3A_1037 : memref<128xf32, #tpu.memory_space<vmem>>[vector<16xi32>], vector<16xf32>,
        %get3A_1041 = arith.index_cast %add3A_1015 : i32 to index
        %get3A_1042 = arith.constant 16 : index
        %get3A_1043 = tpu.vector_load %arg10[%get3A_1041, %get3A_1042] {strides = array<i32>} : memref<128x64xi32, #tpu.memory_space<vmem>>, vector<16xi32>,
        %shift_left3A_1044 = arith.constant 16 : i32
        %shift_left3A_1045 = vector.broadcast %shift_left3A_1044 : i32 to vector<16xi32>
        %shift_left3A_1046 = arith.shli %get3A_1043, %shift_left3A_1045 : vector<16xi32>
        %bitcast3A_1047 = vector.bitcast %shift_left3A_1046 : vector<16xi32> to vector<16xf32>
        %and3A_1048 = arith.andi %get3A_1043, %broadcast_in_dim3A_27 : vector<16xi32>
        %bitcast3A_1049 = vector.bitcast %and3A_1048 : vector<16xi32> to vector<16xf32>
        %add3A_1050 = arith.constant 32 : i32
        %add3A_1051 = vector.broadcast %add3A_1050 : i32 to vector<16xi32>
        %add3A_1052 = arith.addi %mul3A_19, %add3A_1051 : vector<16xi32>
        %mul3A_1053 = vector.broadcast %squeeze3A_1011 : f32 to vector<16xf32>
        %mul3A_1054 = arith.mulf %bitcast3A_1047, %mul3A_1053 : vector<16xf32>
        %scatter3A_1055 = arith.constant 0 : i32
        %scatter3A_1056 = tpu.memref_slice %arg12[%add3A_1015, %scatter3A_1055] : memref<128x128xf32, #tpu.memory_space<vmem>> -> memref<1x128xf32, #tpu.memory_space<vmem>>
        %scatter3A_1057 = tpu.memref_squeeze %scatter3A_1056 : memref<1x128xf32, #tpu.memory_space<vmem>> -> memref<128xf32, #tpu.memory_space<vmem>>
        tpu.vector_store_idx %scatter3A_1057[%add3A_1052], %mul3A_1054 : memref<128xf32, #tpu.memory_space<vmem>>[vector<16xi32>], vector<16xf32>,
        %add3A_1058 = arith.constant 32 : i32
        %add3A_1059 = vector.broadcast %add3A_1058 : i32 to vector<16xi32>
        %add3A_1060 = arith.addi %add3A_25, %add3A_1059 : vector<16xi32>
        %mul3A_1061 = vector.broadcast %squeeze3A_1011 : f32 to vector<16xf32>
        %mul3A_1062 = arith.mulf %bitcast3A_1049, %mul3A_1061 : vector<16xf32>
        %scatter3A_1063 = arith.constant 0 : i32
        %scatter3A_1064 = tpu.memref_slice %arg12[%add3A_1015, %scatter3A_1063] : memref<128x128xf32, #tpu.memory_space<vmem>> -> memref<1x128xf32, #tpu.memory_space<vmem>>
        %scatter3A_1065 = tpu.memref_squeeze %scatter3A_1064 : memref<1x128xf32, #tpu.memory_space<vmem>> -> memref<128xf32, #tpu.memory_space<vmem>>
        tpu.vector_store_idx %scatter3A_1065[%add3A_1060], %mul3A_1062 : memref<128xf32, #tpu.memory_space<vmem>>[vector<16xi32>], vector<16xf32>,
        %get3A_1066 = arith.index_cast %add3A_1015 : i32 to index
        %get3A_1067 = arith.constant 32 : index
        %get3A_1068 = tpu.vector_load %arg10[%get3A_1066, %get3A_1067] {strides = array<i32>} : memref<128x64xi32, #tpu.memory_space<vmem>>, vector<16xi32>,
        %shift_left3A_1069 = arith.constant 16 : i32
        %shift_left3A_1070 = vector.broadcast %shift_left3A_1069 : i32 to vector<16xi32>
        %shift_left3A_1071 = arith.shli %get3A_1068, %shift_left3A_1070 : vector<16xi32>
        %bitcast3A_1072 = vector.bitcast %shift_left3A_1071 : vector<16xi32> to vector<16xf32>
        %and3A_1073 = arith.andi %get3A_1068, %broadcast_in_dim3A_27 : vector<16xi32>
        %bitcast3A_1074 = vector.bitcast %and3A_1073 : vector<16xi32> to vector<16xf32>
        %add3A_1075 = arith.constant 64 : i32
        %add3A_1076 = vector.broadcast %add3A_1075 : i32 to vector<16xi32>
        %add3A_1077 = arith.addi %mul3A_19, %add3A_1076 : vector<16xi32>
        %mul3A_1078 = vector.broadcast %squeeze3A_1011 : f32 to vector<16xf32>
        %mul3A_1079 = arith.mulf %bitcast3A_1072, %mul3A_1078 : vector<16xf32>
        %scatter3A_1080 = arith.constant 0 : i32
        %scatter3A_1081 = tpu.memref_slice %arg12[%add3A_1015, %scatter3A_1080] : memref<128x128xf32, #tpu.memory_space<vmem>> -> memref<1x128xf32, #tpu.memory_space<vmem>>
        %scatter3A_1082 = tpu.memref_squeeze %scatter3A_1081 : memref<1x128xf32, #tpu.memory_space<vmem>> -> memref<128xf32, #tpu.memory_space<vmem>>
        tpu.vector_store_idx %scatter3A_1082[%add3A_1077], %mul3A_1079 : memref<128xf32, #tpu.memory_space<vmem>>[vector<16xi32>], vector<16xf32>,
        %add3A_1083 = arith.constant 64 : i32
        %add3A_1084 = vector.broadcast %add3A_1083 : i32 to vector<16xi32>
        %add3A_1085 = arith.addi %add3A_25, %add3A_1084 : vector<16xi32>
        %mul3A_1086 = vector.broadcast %squeeze3A_1011 : f32 to vector<16xf32>
        %mul3A_1087 = arith.mulf %bitcast3A_1074, %mul3A_1086 : vector<16xf32>
        %scatter3A_1088 = arith.constant 0 : i32
        %scatter3A_1089 = tpu.memref_slice %arg12[%add3A_1015, %scatter3A_1088] : memref<128x128xf32, #tpu.memory_space<vmem>> -> memref<1x128xf32, #tpu.memory_space<vmem>>
        %scatter3A_1090 = tpu.memref_squeeze %scatter3A_1089 : memref<1x128xf32, #tpu.memory_space<vmem>> -> memref<128xf32, #tpu.memory_space<vmem>>
        tpu.vector_store_idx %scatter3A_1090[%add3A_1085], %mul3A_1087 : memref<128xf32, #tpu.memory_space<vmem>>[vector<16xi32>], vector<16xf32>,
        %get3A_1091 = arith.index_cast %add3A_1015 : i32 to index
        %get3A_1092 = arith.constant 48 : index
        %get3A_1093 = tpu.vector_load %arg10[%get3A_1091, %get3A_1092] {strides = array<i32>} : memref<128x64xi32, #tpu.memory_space<vmem>>, vector<16xi32>,
        %shift_left3A_1094 = arith.constant 16 : i32
        %shift_left3A_1095 = vector.broadcast %shift_left3A_1094 : i32 to vector<16xi32>
        %shift_left3A_1096 = arith.shli %get3A_1093, %shift_left3A_1095 : vector<16xi32>
        %bitcast3A_1097 = vector.bitcast %shift_left3A_1096 : vector<16xi32> to vector<16xf32>
        %and3A_1098 = arith.andi %get3A_1093, %broadcast_in_dim3A_27 : vector<16xi32>
        %bitcast3A_1099 = vector.bitcast %and3A_1098 : vector<16xi32> to vector<16xf32>
        %add3A_1100 = arith.constant 96 : i32
        %add3A_1101 = vector.broadcast %add3A_1100 : i32 to vector<16xi32>
        %add3A_1102 = arith.addi %mul3A_19, %add3A_1101 : vector<16xi32>
        %mul3A_1103 = vector.broadcast %squeeze3A_1011 : f32 to vector<16xf32>
        %mul3A_1104 = arith.mulf %bitcast3A_1097, %mul3A_1103 : vector<16xf32>
        %scatter3A_1105 = arith.constant 0 : i32
        %scatter3A_1106 = tpu.memref_slice %arg12[%add3A_1015, %scatter3A_1105] : memref<128x128xf32, #tpu.memory_space<vmem>> -> memref<1x128xf32, #tpu.memory_space<vmem>>
        %scatter3A_1107 = tpu.memref_squeeze %scatter3A_1106 : memref<1x128xf32, #tpu.memory_space<vmem>> -> memref<128xf32, #tpu.memory_space<vmem>>
        tpu.vector_store_idx %scatter3A_1107[%add3A_1102], %mul3A_1104 : memref<128xf32, #tpu.memory_space<vmem>>[vector<16xi32>], vector<16xf32>,
        %add3A_1108 = arith.constant 96 : i32
        %add3A_1109 = vector.broadcast %add3A_1108 : i32 to vector<16xi32>
        %add3A_1110 = arith.addi %add3A_25, %add3A_1109 : vector<16xi32>
        %mul3A_1111 = vector.broadcast %squeeze3A_1011 : f32 to vector<16xf32>
        %mul3A_1112 = arith.mulf %bitcast3A_1099, %mul3A_1111 : vector<16xf32>
        %scatter3A_1113 = arith.constant 0 : i32
        %scatter3A_1114 = tpu.memref_slice %arg12[%add3A_1015, %scatter3A_1113] : memref<128x128xf32, #tpu.memory_space<vmem>> -> memref<1x128xf32, #tpu.memory_space<vmem>>
        %scatter3A_1115 = tpu.memref_squeeze %scatter3A_1114 : memref<1x128xf32, #tpu.memory_space<vmem>> -> memref<128xf32, #tpu.memory_space<vmem>>
        tpu.vector_store_idx %scatter3A_1115[%add3A_1110], %mul3A_1112 : memref<128xf32, #tpu.memory_space<vmem>>[vector<16xi32>], vector<16xf32>,
        %slice3A_1116 = vector.extract_strided_slice %get3A_379 {offsets = [7], sizes = [1], strides = [1]} : vector<16xf32> to vector<1xf32>
        %squeeze3A_1117 = vector.extract %slice3A_1116[0] : f32 from vector<1xf32>
        %mul3A_1118 = arith.constant 16 : i32
        %mul3A_1119 = arith.muli %scan3A_373, %mul3A_1118 : i32
        %add3A_1120 = arith.constant 7 : i32
        %add3A_1121 = arith.addi %mul3A_1119, %add3A_1120 : i32
        %get3A_1122 = arith.index_cast %add3A_1121 : i32 to index
        %get3A_1123 = arith.constant 0 : index
        %get3A_1124 = tpu.vector_load %arg10[%get3A_1122, %get3A_1123] {strides = array<i32>} : memref<128x64xi32, #tpu.memory_space<vmem>>, vector<16xi32>,
        %shift_left3A_1125 = arith.constant 16 : i32
        %shift_left3A_1126 = vector.broadcast %shift_left3A_1125 : i32 to vector<16xi32>
        %shift_left3A_1127 = arith.shli %get3A_1124, %shift_left3A_1126 : vector<16xi32>
        %bitcast3A_1128 = vector.bitcast %shift_left3A_1127 : vector<16xi32> to vector<16xf32>
        %and3A_1129 = arith.andi %get3A_1124, %broadcast_in_dim3A_27 : vector<16xi32>
        %bitcast3A_1130 = vector.bitcast %and3A_1129 : vector<16xi32> to vector<16xf32>
        %add3A_1131 = arith.constant 0 : i32
        %add3A_1132 = vector.broadcast %add3A_1131 : i32 to vector<16xi32>
        %add3A_1133 = arith.addi %mul3A_19, %add3A_1132 : vector<16xi32>
        %mul3A_1134 = vector.broadcast %squeeze3A_1117 : f32 to vector<16xf32>
        %mul3A_1135 = arith.mulf %bitcast3A_1128, %mul3A_1134 : vector<16xf32>
        %scatter3A_1136 = arith.constant 0 : i32
        %scatter3A_1137 = tpu.memref_slice %arg12[%add3A_1121, %scatter3A_1136] : memref<128x128xf32, #tpu.memory_space<vmem>> -> memref<1x128xf32, #tpu.memory_space<vmem>>
        %scatter3A_1138 = tpu.memref_squeeze %scatter3A_1137 : memref<1x128xf32, #tpu.memory_space<vmem>> -> memref<128xf32, #tpu.memory_space<vmem>>
        tpu.vector_store_idx %scatter3A_1138[%add3A_1133], %mul3A_1135 : memref<128xf32, #tpu.memory_space<vmem>>[vector<16xi32>], vector<16xf32>,
        %add3A_1139 = arith.constant 0 : i32
        %add3A_1140 = vector.broadcast %add3A_1139 : i32 to vector<16xi32>
        %add3A_1141 = arith.addi %add3A_25, %add3A_1140 : vector<16xi32>
        %mul3A_1142 = vector.broadcast %squeeze3A_1117 : f32 to vector<16xf32>
        %mul3A_1143 = arith.mulf %bitcast3A_1130, %mul3A_1142 : vector<16xf32>
        %scatter3A_1144 = arith.constant 0 : i32
        %scatter3A_1145 = tpu.memref_slice %arg12[%add3A_1121, %scatter3A_1144] : memref<128x128xf32, #tpu.memory_space<vmem>> -> memref<1x128xf32, #tpu.memory_space<vmem>>
        %scatter3A_1146 = tpu.memref_squeeze %scatter3A_1145 : memref<1x128xf32, #tpu.memory_space<vmem>> -> memref<128xf32, #tpu.memory_space<vmem>>
        tpu.vector_store_idx %scatter3A_1146[%add3A_1141], %mul3A_1143 : memref<128xf32, #tpu.memory_space<vmem>>[vector<16xi32>], vector<16xf32>,
        %get3A_1147 = arith.index_cast %add3A_1121 : i32 to index
        %get3A_1148 = arith.constant 16 : index
        %get3A_1149 = tpu.vector_load %arg10[%get3A_1147, %get3A_1148] {strides = array<i32>} : memref<128x64xi32, #tpu.memory_space<vmem>>, vector<16xi32>,
        %shift_left3A_1150 = arith.constant 16 : i32
        %shift_left3A_1151 = vector.broadcast %shift_left3A_1150 : i32 to vector<16xi32>
        %shift_left3A_1152 = arith.shli %get3A_1149, %shift_left3A_1151 : vector<16xi32>
        %bitcast3A_1153 = vector.bitcast %shift_left3A_1152 : vector<16xi32> to vector<16xf32>
        %and3A_1154 = arith.andi %get3A_1149, %broadcast_in_dim3A_27 : vector<16xi32>
        %bitcast3A_1155 = vector.bitcast %and3A_1154 : vector<16xi32> to vector<16xf32>
        %add3A_1156 = arith.constant 32 : i32
        %add3A_1157 = vector.broadcast %add3A_1156 : i32 to vector<16xi32>
        %add3A_1158 = arith.addi %mul3A_19, %add3A_1157 : vector<16xi32>
        %mul3A_1159 = vector.broadcast %squeeze3A_1117 : f32 to vector<16xf32>
        %mul3A_1160 = arith.mulf %bitcast3A_1153, %mul3A_1159 : vector<16xf32>
        %scatter3A_1161 = arith.constant 0 : i32
        %scatter3A_1162 = tpu.memref_slice %arg12[%add3A_1121, %scatter3A_1161] : memref<128x128xf32, #tpu.memory_space<vmem>> -> memref<1x128xf32, #tpu.memory_space<vmem>>
        %scatter3A_1163 = tpu.memref_squeeze %scatter3A_1162 : memref<1x128xf32, #tpu.memory_space<vmem>> -> memref<128xf32, #tpu.memory_space<vmem>>
        tpu.vector_store_idx %scatter3A_1163[%add3A_1158], %mul3A_1160 : memref<128xf32, #tpu.memory_space<vmem>>[vector<16xi32>], vector<16xf32>,
        %add3A_1164 = arith.constant 32 : i32
        %add3A_1165 = vector.broadcast %add3A_1164 : i32 to vector<16xi32>
        %add3A_1166 = arith.addi %add3A_25, %add3A_1165 : vector<16xi32>
        %mul3A_1167 = vector.broadcast %squeeze3A_1117 : f32 to vector<16xf32>
        %mul3A_1168 = arith.mulf %bitcast3A_1155, %mul3A_1167 : vector<16xf32>
        %scatter3A_1169 = arith.constant 0 : i32
        %scatter3A_1170 = tpu.memref_slice %arg12[%add3A_1121, %scatter3A_1169] : memref<128x128xf32, #tpu.memory_space<vmem>> -> memref<1x128xf32, #tpu.memory_space<vmem>>
        %scatter3A_1171 = tpu.memref_squeeze %scatter3A_1170 : memref<1x128xf32, #tpu.memory_space<vmem>> -> memref<128xf32, #tpu.memory_space<vmem>>
        tpu.vector_store_idx %scatter3A_1171[%add3A_1166], %mul3A_1168 : memref<128xf32, #tpu.memory_space<vmem>>[vector<16xi32>], vector<16xf32>,
        %get3A_1172 = arith.index_cast %add3A_1121 : i32 to index
        %get3A_1173 = arith.constant 32 : index
        %get3A_1174 = tpu.vector_load %arg10[%get3A_1172, %get3A_1173] {strides = array<i32>} : memref<128x64xi32, #tpu.memory_space<vmem>>, vector<16xi32>,
        %shift_left3A_1175 = arith.constant 16 : i32
        %shift_left3A_1176 = vector.broadcast %shift_left3A_1175 : i32 to vector<16xi32>
        %shift_left3A_1177 = arith.shli %get3A_1174, %shift_left3A_1176 : vector<16xi32>
        %bitcast3A_1178 = vector.bitcast %shift_left3A_1177 : vector<16xi32> to vector<16xf32>
        %and3A_1179 = arith.andi %get3A_1174, %broadcast_in_dim3A_27 : vector<16xi32>
        %bitcast3A_1180 = vector.bitcast %and3A_1179 : vector<16xi32> to vector<16xf32>
        %add3A_1181 = arith.constant 64 : i32
        %add3A_1182 = vector.broadcast %add3A_1181 : i32 to vector<16xi32>
        %add3A_1183 = arith.addi %mul3A_19, %add3A_1182 : vector<16xi32>
        %mul3A_1184 = vector.broadcast %squeeze3A_1117 : f32 to vector<16xf32>
        %mul3A_1185 = arith.mulf %bitcast3A_1178, %mul3A_1184 : vector<16xf32>
        %scatter3A_1186 = arith.constant 0 : i32
        %scatter3A_1187 = tpu.memref_slice %arg12[%add3A_1121, %scatter3A_1186] : memref<128x128xf32, #tpu.memory_space<vmem>> -> memref<1x128xf32, #tpu.memory_space<vmem>>
        %scatter3A_1188 = tpu.memref_squeeze %scatter3A_1187 : memref<1x128xf32, #tpu.memory_space<vmem>> -> memref<128xf32, #tpu.memory_space<vmem>>
        tpu.vector_store_idx %scatter3A_1188[%add3A_1183], %mul3A_1185 : memref<128xf32, #tpu.memory_space<vmem>>[vector<16xi32>], vector<16xf32>,
        %add3A_1189 = arith.constant 64 : i32
        %add3A_1190 = vector.broadcast %add3A_1189 : i32 to vector<16xi32>
        %add3A_1191 = arith.addi %add3A_25, %add3A_1190 : vector<16xi32>
        %mul3A_1192 = vector.broadcast %squeeze3A_1117 : f32 to vector<16xf32>
        %mul3A_1193 = arith.mulf %bitcast3A_1180, %mul3A_1192 : vector<16xf32>
        %scatter3A_1194 = arith.constant 0 : i32
        %scatter3A_1195 = tpu.memref_slice %arg12[%add3A_1121, %scatter3A_1194] : memref<128x128xf32, #tpu.memory_space<vmem>> -> memref<1x128xf32, #tpu.memory_space<vmem>>
        %scatter3A_1196 = tpu.memref_squeeze %scatter3A_1195 : memref<1x128xf32, #tpu.memory_space<vmem>> -> memref<128xf32, #tpu.memory_space<vmem>>
        tpu.vector_store_idx %scatter3A_1196[%add3A_1191], %mul3A_1193 : memref<128xf32, #tpu.memory_space<vmem>>[vector<16xi32>], vector<16xf32>,
        %get3A_1197 = arith.index_cast %add3A_1121 : i32 to index
        %get3A_1198 = arith.constant 48 : index
        %get3A_1199 = tpu.vector_load %arg10[%get3A_1197, %get3A_1198] {strides = array<i32>} : memref<128x64xi32, #tpu.memory_space<vmem>>, vector<16xi32>,
        %shift_left3A_1200 = arith.constant 16 : i32
        %shift_left3A_1201 = vector.broadcast %shift_left3A_1200 : i32 to vector<16xi32>
        %shift_left3A_1202 = arith.shli %get3A_1199, %shift_left3A_1201 : vector<16xi32>
        %bitcast3A_1203 = vector.bitcast %shift_left3A_1202 : vector<16xi32> to vector<16xf32>
        %and3A_1204 = arith.andi %get3A_1199, %broadcast_in_dim3A_27 : vector<16xi32>
        %bitcast3A_1205 = vector.bitcast %and3A_1204 : vector<16xi32> to vector<16xf32>
        %add3A_1206 = arith.constant 96 : i32
        %add3A_1207 = vector.broadcast %add3A_1206 : i32 to vector<16xi32>
        %add3A_1208 = arith.addi %mul3A_19, %add3A_1207 : vector<16xi32>
        %mul3A_1209 = vector.broadcast %squeeze3A_1117 : f32 to vector<16xf32>
        %mul3A_1210 = arith.mulf %bitcast3A_1203, %mul3A_1209 : vector<16xf32>
        %scatter3A_1211 = arith.constant 0 : i32
        %scatter3A_1212 = tpu.memref_slice %arg12[%add3A_1121, %scatter3A_1211] : memref<128x128xf32, #tpu.memory_space<vmem>> -> memref<1x128xf32, #tpu.memory_space<vmem>>
        %scatter3A_1213 = tpu.memref_squeeze %scatter3A_1212 : memref<1x128xf32, #tpu.memory_space<vmem>> -> memref<128xf32, #tpu.memory_space<vmem>>
        tpu.vector_store_idx %scatter3A_1213[%add3A_1208], %mul3A_1210 : memref<128xf32, #tpu.memory_space<vmem>>[vector<16xi32>], vector<16xf32>,
        %add3A_1214 = arith.constant 96 : i32
        %add3A_1215 = vector.broadcast %add3A_1214 : i32 to vector<16xi32>
        %add3A_1216 = arith.addi %add3A_25, %add3A_1215 : vector<16xi32>
        %mul3A_1217 = vector.broadcast %squeeze3A_1117 : f32 to vector<16xf32>
        %mul3A_1218 = arith.mulf %bitcast3A_1205, %mul3A_1217 : vector<16xf32>
        %scatter3A_1219 = arith.constant 0 : i32
        %scatter3A_1220 = tpu.memref_slice %arg12[%add3A_1121, %scatter3A_1219] : memref<128x128xf32, #tpu.memory_space<vmem>> -> memref<1x128xf32, #tpu.memory_space<vmem>>
        %scatter3A_1221 = tpu.memref_squeeze %scatter3A_1220 : memref<1x128xf32, #tpu.memory_space<vmem>> -> memref<128xf32, #tpu.memory_space<vmem>>
        tpu.vector_store_idx %scatter3A_1221[%add3A_1216], %mul3A_1218 : memref<128xf32, #tpu.memory_space<vmem>>[vector<16xi32>], vector<16xf32>,
        %slice3A_1222 = vector.extract_strided_slice %get3A_379 {offsets = [8], sizes = [1], strides = [1]} : vector<16xf32> to vector<1xf32>
        %squeeze3A_1223 = vector.extract %slice3A_1222[0] : f32 from vector<1xf32>
        %mul3A_1224 = arith.constant 16 : i32
        %mul3A_1225 = arith.muli %scan3A_373, %mul3A_1224 : i32
        %add3A_1226 = arith.constant 8 : i32
        %add3A_1227 = arith.addi %mul3A_1225, %add3A_1226 : i32
        %get3A_1228 = arith.index_cast %add3A_1227 : i32 to index
        %get3A_1229 = arith.constant 0 : index
        %get3A_1230 = tpu.vector_load %arg10[%get3A_1228, %get3A_1229] {strides = array<i32>} : memref<128x64xi32, #tpu.memory_space<vmem>>, vector<16xi32>,
        %shift_left3A_1231 = arith.constant 16 : i32
        %shift_left3A_1232 = vector.broadcast %shift_left3A_1231 : i32 to vector<16xi32>
        %shift_left3A_1233 = arith.shli %get3A_1230, %shift_left3A_1232 : vector<16xi32>
        %bitcast3A_1234 = vector.bitcast %shift_left3A_1233 : vector<16xi32> to vector<16xf32>
        %and3A_1235 = arith.andi %get3A_1230, %broadcast_in_dim3A_27 : vector<16xi32>
        %bitcast3A_1236 = vector.bitcast %and3A_1235 : vector<16xi32> to vector<16xf32>
        %add3A_1237 = arith.constant 0 : i32
        %add3A_1238 = vector.broadcast %add3A_1237 : i32 to vector<16xi32>
        %add3A_1239 = arith.addi %mul3A_19, %add3A_1238 : vector<16xi32>
        %mul3A_1240 = vector.broadcast %squeeze3A_1223 : f32 to vector<16xf32>
        %mul3A_1241 = arith.mulf %bitcast3A_1234, %mul3A_1240 : vector<16xf32>
        %scatter3A_1242 = arith.constant 0 : i32
        %scatter3A_1243 = tpu.memref_slice %arg12[%add3A_1227, %scatter3A_1242] : memref<128x128xf32, #tpu.memory_space<vmem>> -> memref<1x128xf32, #tpu.memory_space<vmem>>
        %scatter3A_1244 = tpu.memref_squeeze %scatter3A_1243 : memref<1x128xf32, #tpu.memory_space<vmem>> -> memref<128xf32, #tpu.memory_space<vmem>>
        tpu.vector_store_idx %scatter3A_1244[%add3A_1239], %mul3A_1241 : memref<128xf32, #tpu.memory_space<vmem>>[vector<16xi32>], vector<16xf32>,
        %add3A_1245 = arith.constant 0 : i32
        %add3A_1246 = vector.broadcast %add3A_1245 : i32 to vector<16xi32>
        %add3A_1247 = arith.addi %add3A_25, %add3A_1246 : vector<16xi32>
        %mul3A_1248 = vector.broadcast %squeeze3A_1223 : f32 to vector<16xf32>
        %mul3A_1249 = arith.mulf %bitcast3A_1236, %mul3A_1248 : vector<16xf32>
        %scatter3A_1250 = arith.constant 0 : i32
        %scatter3A_1251 = tpu.memref_slice %arg12[%add3A_1227, %scatter3A_1250] : memref<128x128xf32, #tpu.memory_space<vmem>> -> memref<1x128xf32, #tpu.memory_space<vmem>>
        %scatter3A_1252 = tpu.memref_squeeze %scatter3A_1251 : memref<1x128xf32, #tpu.memory_space<vmem>> -> memref<128xf32, #tpu.memory_space<vmem>>
        tpu.vector_store_idx %scatter3A_1252[%add3A_1247], %mul3A_1249 : memref<128xf32, #tpu.memory_space<vmem>>[vector<16xi32>], vector<16xf32>,
        %get3A_1253 = arith.index_cast %add3A_1227 : i32 to index
        %get3A_1254 = arith.constant 16 : index
        %get3A_1255 = tpu.vector_load %arg10[%get3A_1253, %get3A_1254] {strides = array<i32>} : memref<128x64xi32, #tpu.memory_space<vmem>>, vector<16xi32>,
        %shift_left3A_1256 = arith.constant 16 : i32
        %shift_left3A_1257 = vector.broadcast %shift_left3A_1256 : i32 to vector<16xi32>
        %shift_left3A_1258 = arith.shli %get3A_1255, %shift_left3A_1257 : vector<16xi32>
        %bitcast3A_1259 = vector.bitcast %shift_left3A_1258 : vector<16xi32> to vector<16xf32>
        %and3A_1260 = arith.andi %get3A_1255, %broadcast_in_dim3A_27 : vector<16xi32>
        %bitcast3A_1261 = vector.bitcast %and3A_1260 : vector<16xi32> to vector<16xf32>
        %add3A_1262 = arith.constant 32 : i32
        %add3A_1263 = vector.broadcast %add3A_1262 : i32 to vector<16xi32>
        %add3A_1264 = arith.addi %mul3A_19, %add3A_1263 : vector<16xi32>
        %mul3A_1265 = vector.broadcast %squeeze3A_1223 : f32 to vector<16xf32>
        %mul3A_1266 = arith.mulf %bitcast3A_1259, %mul3A_1265 : vector<16xf32>
        %scatter3A_1267 = arith.constant 0 : i32
        %scatter3A_1268 = tpu.memref_slice %arg12[%add3A_1227, %scatter3A_1267] : memref<128x128xf32, #tpu.memory_space<vmem>> -> memref<1x128xf32, #tpu.memory_space<vmem>>
        %scatter3A_1269 = tpu.memref_squeeze %scatter3A_1268 : memref<1x128xf32, #tpu.memory_space<vmem>> -> memref<128xf32, #tpu.memory_space<vmem>>
        tpu.vector_store_idx %scatter3A_1269[%add3A_1264], %mul3A_1266 : memref<128xf32, #tpu.memory_space<vmem>>[vector<16xi32>], vector<16xf32>,
        %add3A_1270 = arith.constant 32 : i32
        %add3A_1271 = vector.broadcast %add3A_1270 : i32 to vector<16xi32>
        %add3A_1272 = arith.addi %add3A_25, %add3A_1271 : vector<16xi32>
        %mul3A_1273 = vector.broadcast %squeeze3A_1223 : f32 to vector<16xf32>
        %mul3A_1274 = arith.mulf %bitcast3A_1261, %mul3A_1273 : vector<16xf32>
        %scatter3A_1275 = arith.constant 0 : i32
        %scatter3A_1276 = tpu.memref_slice %arg12[%add3A_1227, %scatter3A_1275] : memref<128x128xf32, #tpu.memory_space<vmem>> -> memref<1x128xf32, #tpu.memory_space<vmem>>
        %scatter3A_1277 = tpu.memref_squeeze %scatter3A_1276 : memref<1x128xf32, #tpu.memory_space<vmem>> -> memref<128xf32, #tpu.memory_space<vmem>>
        tpu.vector_store_idx %scatter3A_1277[%add3A_1272], %mul3A_1274 : memref<128xf32, #tpu.memory_space<vmem>>[vector<16xi32>], vector<16xf32>,
        %get3A_1278 = arith.index_cast %add3A_1227 : i32 to index
        %get3A_1279 = arith.constant 32 : index
        %get3A_1280 = tpu.vector_load %arg10[%get3A_1278, %get3A_1279] {strides = array<i32>} : memref<128x64xi32, #tpu.memory_space<vmem>>, vector<16xi32>,
        %shift_left3A_1281 = arith.constant 16 : i32
        %shift_left3A_1282 = vector.broadcast %shift_left3A_1281 : i32 to vector<16xi32>
        %shift_left3A_1283 = arith.shli %get3A_1280, %shift_left3A_1282 : vector<16xi32>
        %bitcast3A_1284 = vector.bitcast %shift_left3A_1283 : vector<16xi32> to vector<16xf32>
        %and3A_1285 = arith.andi %get3A_1280, %broadcast_in_dim3A_27 : vector<16xi32>
        %bitcast3A_1286 = vector.bitcast %and3A_1285 : vector<16xi32> to vector<16xf32>
        %add3A_1287 = arith.constant 64 : i32
        %add3A_1288 = vector.broadcast %add3A_1287 : i32 to vector<16xi32>
        %add3A_1289 = arith.addi %mul3A_19, %add3A_1288 : vector<16xi32>
        %mul3A_1290 = vector.broadcast %squeeze3A_1223 : f32 to vector<16xf32>
        %mul3A_1291 = arith.mulf %bitcast3A_1284, %mul3A_1290 : vector<16xf32>
        %scatter3A_1292 = arith.constant 0 : i32
        %scatter3A_1293 = tpu.memref_slice %arg12[%add3A_1227, %scatter3A_1292] : memref<128x128xf32, #tpu.memory_space<vmem>> -> memref<1x128xf32, #tpu.memory_space<vmem>>
        %scatter3A_1294 = tpu.memref_squeeze %scatter3A_1293 : memref<1x128xf32, #tpu.memory_space<vmem>> -> memref<128xf32, #tpu.memory_space<vmem>>
        tpu.vector_store_idx %scatter3A_1294[%add3A_1289], %mul3A_1291 : memref<128xf32, #tpu.memory_space<vmem>>[vector<16xi32>], vector<16xf32>,
        %add3A_1295 = arith.constant 64 : i32
        %add3A_1296 = vector.broadcast %add3A_1295 : i32 to vector<16xi32>
        %add3A_1297 = arith.addi %add3A_25, %add3A_1296 : vector<16xi32>
        %mul3A_1298 = vector.broadcast %squeeze3A_1223 : f32 to vector<16xf32>
        %mul3A_1299 = arith.mulf %bitcast3A_1286, %mul3A_1298 : vector<16xf32>
        %scatter3A_1300 = arith.constant 0 : i32
        %scatter3A_1301 = tpu.memref_slice %arg12[%add3A_1227, %scatter3A_1300] : memref<128x128xf32, #tpu.memory_space<vmem>> -> memref<1x128xf32, #tpu.memory_space<vmem>>
        %scatter3A_1302 = tpu.memref_squeeze %scatter3A_1301 : memref<1x128xf32, #tpu.memory_space<vmem>> -> memref<128xf32, #tpu.memory_space<vmem>>
        tpu.vector_store_idx %scatter3A_1302[%add3A_1297], %mul3A_1299 : memref<128xf32, #tpu.memory_space<vmem>>[vector<16xi32>], vector<16xf32>,
        %get3A_1303 = arith.index_cast %add3A_1227 : i32 to index
        %get3A_1304 = arith.constant 48 : index
        %get3A_1305 = tpu.vector_load %arg10[%get3A_1303, %get3A_1304] {strides = array<i32>} : memref<128x64xi32, #tpu.memory_space<vmem>>, vector<16xi32>,
        %shift_left3A_1306 = arith.constant 16 : i32
        %shift_left3A_1307 = vector.broadcast %shift_left3A_1306 : i32 to vector<16xi32>
        %shift_left3A_1308 = arith.shli %get3A_1305, %shift_left3A_1307 : vector<16xi32>
        %bitcast3A_1309 = vector.bitcast %shift_left3A_1308 : vector<16xi32> to vector<16xf32>
        %and3A_1310 = arith.andi %get3A_1305, %broadcast_in_dim3A_27 : vector<16xi32>
        %bitcast3A_1311 = vector.bitcast %and3A_1310 : vector<16xi32> to vector<16xf32>
        %add3A_1312 = arith.constant 96 : i32
        %add3A_1313 = vector.broadcast %add3A_1312 : i32 to vector<16xi32>
        %add3A_1314 = arith.addi %mul3A_19, %add3A_1313 : vector<16xi32>
        %mul3A_1315 = vector.broadcast %squeeze3A_1223 : f32 to vector<16xf32>
        %mul3A_1316 = arith.mulf %bitcast3A_1309, %mul3A_1315 : vector<16xf32>
        %scatter3A_1317 = arith.constant 0 : i32
        %scatter3A_1318 = tpu.memref_slice %arg12[%add3A_1227, %scatter3A_1317] : memref<128x128xf32, #tpu.memory_space<vmem>> -> memref<1x128xf32, #tpu.memory_space<vmem>>
        %scatter3A_1319 = tpu.memref_squeeze %scatter3A_1318 : memref<1x128xf32, #tpu.memory_space<vmem>> -> memref<128xf32, #tpu.memory_space<vmem>>
        tpu.vector_store_idx %scatter3A_1319[%add3A_1314], %mul3A_1316 : memref<128xf32, #tpu.memory_space<vmem>>[vector<16xi32>], vector<16xf32>,
        %add3A_1320 = arith.constant 96 : i32
        %add3A_1321 = vector.broadcast %add3A_1320 : i32 to vector<16xi32>
        %add3A_1322 = arith.addi %add3A_25, %add3A_1321 : vector<16xi32>
        %mul3A_1323 = vector.broadcast %squeeze3A_1223 : f32 to vector<16xf32>
        %mul3A_1324 = arith.mulf %bitcast3A_1311, %mul3A_1323 : vector<16xf32>
        %scatter3A_1325 = arith.constant 0 : i32
        %scatter3A_1326 = tpu.memref_slice %arg12[%add3A_1227, %scatter3A_1325] : memref<128x128xf32, #tpu.memory_space<vmem>> -> memref<1x128xf32, #tpu.memory_space<vmem>>
        %scatter3A_1327 = tpu.memref_squeeze %scatter3A_1326 : memref<1x128xf32, #tpu.memory_space<vmem>> -> memref<128xf32, #tpu.memory_space<vmem>>
        tpu.vector_store_idx %scatter3A_1327[%add3A_1322], %mul3A_1324 : memref<128xf32, #tpu.memory_space<vmem>>[vector<16xi32>], vector<16xf32>,
        %slice3A_1328 = vector.extract_strided_slice %get3A_379 {offsets = [9], sizes = [1], strides = [1]} : vector<16xf32> to vector<1xf32>
        %squeeze3A_1329 = vector.extract %slice3A_1328[0] : f32 from vector<1xf32>
        %mul3A_1330 = arith.constant 16 : i32
        %mul3A_1331 = arith.muli %scan3A_373, %mul3A_1330 : i32
        %add3A_1332 = arith.constant 9 : i32
        %add3A_1333 = arith.addi %mul3A_1331, %add3A_1332 : i32
        %get3A_1334 = arith.index_cast %add3A_1333 : i32 to index
        %get3A_1335 = arith.constant 0 : index
        %get3A_1336 = tpu.vector_load %arg10[%get3A_1334, %get3A_1335] {strides = array<i32>} : memref<128x64xi32, #tpu.memory_space<vmem>>, vector<16xi32>,
        %shift_left3A_1337 = arith.constant 16 : i32
        %shift_left3A_1338 = vector.broadcast %shift_left3A_1337 : i32 to vector<16xi32>
        %shift_left3A_1339 = arith.shli %get3A_1336, %shift_left3A_1338 : vector<16xi32>
        %bitcast3A_1340 = vector.bitcast %shift_left3A_1339 : vector<16xi32> to vector<16xf32>
        %and3A_1341 = arith.andi %get3A_1336, %broadcast_in_dim3A_27 : vector<16xi32>
        %bitcast3A_1342 = vector.bitcast %and3A_1341 : vector<16xi32> to vector<16xf32>
        %add3A_1343 = arith.constant 0 : i32
        %add3A_1344 = vector.broadcast %add3A_1343 : i32 to vector<16xi32>
        %add3A_1345 = arith.addi %mul3A_19, %add3A_1344 : vector<16xi32>
        %mul3A_1346 = vector.broadcast %squeeze3A_1329 : f32 to vector<16xf32>
        %mul3A_1347 = arith.mulf %bitcast3A_1340, %mul3A_1346 : vector<16xf32>
        %scatter3A_1348 = arith.constant 0 : i32
        %scatter3A_1349 = tpu.memref_slice %arg12[%add3A_1333, %scatter3A_1348] : memref<128x128xf32, #tpu.memory_space<vmem>> -> memref<1x128xf32, #tpu.memory_space<vmem>>
        %scatter3A_1350 = tpu.memref_squeeze %scatter3A_1349 : memref<1x128xf32, #tpu.memory_space<vmem>> -> memref<128xf32, #tpu.memory_space<vmem>>
        tpu.vector_store_idx %scatter3A_1350[%add3A_1345], %mul3A_1347 : memref<128xf32, #tpu.memory_space<vmem>>[vector<16xi32>], vector<16xf32>,
        %add3A_1351 = arith.constant 0 : i32
        %add3A_1352 = vector.broadcast %add3A_1351 : i32 to vector<16xi32>
        %add3A_1353 = arith.addi %add3A_25, %add3A_1352 : vector<16xi32>
        %mul3A_1354 = vector.broadcast %squeeze3A_1329 : f32 to vector<16xf32>
        %mul3A_1355 = arith.mulf %bitcast3A_1342, %mul3A_1354 : vector<16xf32>
        %scatter3A_1356 = arith.constant 0 : i32
        %scatter3A_1357 = tpu.memref_slice %arg12[%add3A_1333, %scatter3A_1356] : memref<128x128xf32, #tpu.memory_space<vmem>> -> memref<1x128xf32, #tpu.memory_space<vmem>>
        %scatter3A_1358 = tpu.memref_squeeze %scatter3A_1357 : memref<1x128xf32, #tpu.memory_space<vmem>> -> memref<128xf32, #tpu.memory_space<vmem>>
        tpu.vector_store_idx %scatter3A_1358[%add3A_1353], %mul3A_1355 : memref<128xf32, #tpu.memory_space<vmem>>[vector<16xi32>], vector<16xf32>,
        %get3A_1359 = arith.index_cast %add3A_1333 : i32 to index
        %get3A_1360 = arith.constant 16 : index
        %get3A_1361 = tpu.vector_load %arg10[%get3A_1359, %get3A_1360] {strides = array<i32>} : memref<128x64xi32, #tpu.memory_space<vmem>>, vector<16xi32>,
        %shift_left3A_1362 = arith.constant 16 : i32
        %shift_left3A_1363 = vector.broadcast %shift_left3A_1362 : i32 to vector<16xi32>
        %shift_left3A_1364 = arith.shli %get3A_1361, %shift_left3A_1363 : vector<16xi32>
        %bitcast3A_1365 = vector.bitcast %shift_left3A_1364 : vector<16xi32> to vector<16xf32>
        %and3A_1366 = arith.andi %get3A_1361, %broadcast_in_dim3A_27 : vector<16xi32>
        %bitcast3A_1367 = vector.bitcast %and3A_1366 : vector<16xi32> to vector<16xf32>
        %add3A_1368 = arith.constant 32 : i32
        %add3A_1369 = vector.broadcast %add3A_1368 : i32 to vector<16xi32>
        %add3A_1370 = arith.addi %mul3A_19, %add3A_1369 : vector<16xi32>
        %mul3A_1371 = vector.broadcast %squeeze3A_1329 : f32 to vector<16xf32>
        %mul3A_1372 = arith.mulf %bitcast3A_1365, %mul3A_1371 : vector<16xf32>
        %scatter3A_1373 = arith.constant 0 : i32
        %scatter3A_1374 = tpu.memref_slice %arg12[%add3A_1333, %scatter3A_1373] : memref<128x128xf32, #tpu.memory_space<vmem>> -> memref<1x128xf32, #tpu.memory_space<vmem>>
        %scatter3A_1375 = tpu.memref_squeeze %scatter3A_1374 : memref<1x128xf32, #tpu.memory_space<vmem>> -> memref<128xf32, #tpu.memory_space<vmem>>
        tpu.vector_store_idx %scatter3A_1375[%add3A_1370], %mul3A_1372 : memref<128xf32, #tpu.memory_space<vmem>>[vector<16xi32>], vector<16xf32>,
        %add3A_1376 = arith.constant 32 : i32
        %add3A_1377 = vector.broadcast %add3A_1376 : i32 to vector<16xi32>
        %add3A_1378 = arith.addi %add3A_25, %add3A_1377 : vector<16xi32>
        %mul3A_1379 = vector.broadcast %squeeze3A_1329 : f32 to vector<16xf32>
        %mul3A_1380 = arith.mulf %bitcast3A_1367, %mul3A_1379 : vector<16xf32>
        %scatter3A_1381 = arith.constant 0 : i32
        %scatter3A_1382 = tpu.memref_slice %arg12[%add3A_1333, %scatter3A_1381] : memref<128x128xf32, #tpu.memory_space<vmem>> -> memref<1x128xf32, #tpu.memory_space<vmem>>
        %scatter3A_1383 = tpu.memref_squeeze %scatter3A_1382 : memref<1x128xf32, #tpu.memory_space<vmem>> -> memref<128xf32, #tpu.memory_space<vmem>>
        tpu.vector_store_idx %scatter3A_1383[%add3A_1378], %mul3A_1380 : memref<128xf32, #tpu.memory_space<vmem>>[vector<16xi32>], vector<16xf32>,
        %get3A_1384 = arith.index_cast %add3A_1333 : i32 to index
        %get3A_1385 = arith.constant 32 : index
        %get3A_1386 = tpu.vector_load %arg10[%get3A_1384, %get3A_1385] {strides = array<i32>} : memref<128x64xi32, #tpu.memory_space<vmem>>, vector<16xi32>,
        %shift_left3A_1387 = arith.constant 16 : i32
        %shift_left3A_1388 = vector.broadcast %shift_left3A_1387 : i32 to vector<16xi32>
        %shift_left3A_1389 = arith.shli %get3A_1386, %shift_left3A_1388 : vector<16xi32>
        %bitcast3A_1390 = vector.bitcast %shift_left3A_1389 : vector<16xi32> to vector<16xf32>
        %and3A_1391 = arith.andi %get3A_1386, %broadcast_in_dim3A_27 : vector<16xi32>
        %bitcast3A_1392 = vector.bitcast %and3A_1391 : vector<16xi32> to vector<16xf32>
        %add3A_1393 = arith.constant 64 : i32
        %add3A_1394 = vector.broadcast %add3A_1393 : i32 to vector<16xi32>
        %add3A_1395 = arith.addi %mul3A_19, %add3A_1394 : vector<16xi32>
        %mul3A_1396 = vector.broadcast %squeeze3A_1329 : f32 to vector<16xf32>
        %mul3A_1397 = arith.mulf %bitcast3A_1390, %mul3A_1396 : vector<16xf32>
        %scatter3A_1398 = arith.constant 0 : i32
        %scatter3A_1399 = tpu.memref_slice %arg12[%add3A_1333, %scatter3A_1398] : memref<128x128xf32, #tpu.memory_space<vmem>> -> memref<1x128xf32, #tpu.memory_space<vmem>>
        %scatter3A_1400 = tpu.memref_squeeze %scatter3A_1399 : memref<1x128xf32, #tpu.memory_space<vmem>> -> memref<128xf32, #tpu.memory_space<vmem>>
        tpu.vector_store_idx %scatter3A_1400[%add3A_1395], %mul3A_1397 : memref<128xf32, #tpu.memory_space<vmem>>[vector<16xi32>], vector<16xf32>,
        %add3A_1401 = arith.constant 64 : i32
        %add3A_1402 = vector.broadcast %add3A_1401 : i32 to vector<16xi32>
        %add3A_1403 = arith.addi %add3A_25, %add3A_1402 : vector<16xi32>
        %mul3A_1404 = vector.broadcast %squeeze3A_1329 : f32 to vector<16xf32>
        %mul3A_1405 = arith.mulf %bitcast3A_1392, %mul3A_1404 : vector<16xf32>
        %scatter3A_1406 = arith.constant 0 : i32
        %scatter3A_1407 = tpu.memref_slice %arg12[%add3A_1333, %scatter3A_1406] : memref<128x128xf32, #tpu.memory_space<vmem>> -> memref<1x128xf32, #tpu.memory_space<vmem>>
        %scatter3A_1408 = tpu.memref_squeeze %scatter3A_1407 : memref<1x128xf32, #tpu.memory_space<vmem>> -> memref<128xf32, #tpu.memory_space<vmem>>
        tpu.vector_store_idx %scatter3A_1408[%add3A_1403], %mul3A_1405 : memref<128xf32, #tpu.memory_space<vmem>>[vector<16xi32>], vector<16xf32>,
        %get3A_1409 = arith.index_cast %add3A_1333 : i32 to index
        %get3A_1410 = arith.constant 48 : index
        %get3A_1411 = tpu.vector_load %arg10[%get3A_1409, %get3A_1410] {strides = array<i32>} : memref<128x64xi32, #tpu.memory_space<vmem>>, vector<16xi32>,
        %shift_left3A_1412 = arith.constant 16 : i32
        %shift_left3A_1413 = vector.broadcast %shift_left3A_1412 : i32 to vector<16xi32>
        %shift_left3A_1414 = arith.shli %get3A_1411, %shift_left3A_1413 : vector<16xi32>
        %bitcast3A_1415 = vector.bitcast %shift_left3A_1414 : vector<16xi32> to vector<16xf32>
        %and3A_1416 = arith.andi %get3A_1411, %broadcast_in_dim3A_27 : vector<16xi32>
        %bitcast3A_1417 = vector.bitcast %and3A_1416 : vector<16xi32> to vector<16xf32>
        %add3A_1418 = arith.constant 96 : i32
        %add3A_1419 = vector.broadcast %add3A_1418 : i32 to vector<16xi32>
        %add3A_1420 = arith.addi %mul3A_19, %add3A_1419 : vector<16xi32>
        %mul3A_1421 = vector.broadcast %squeeze3A_1329 : f32 to vector<16xf32>
        %mul3A_1422 = arith.mulf %bitcast3A_1415, %mul3A_1421 : vector<16xf32>
        %scatter3A_1423 = arith.constant 0 : i32
        %scatter3A_1424 = tpu.memref_slice %arg12[%add3A_1333, %scatter3A_1423] : memref<128x128xf32, #tpu.memory_space<vmem>> -> memref<1x128xf32, #tpu.memory_space<vmem>>
        %scatter3A_1425 = tpu.memref_squeeze %scatter3A_1424 : memref<1x128xf32, #tpu.memory_space<vmem>> -> memref<128xf32, #tpu.memory_space<vmem>>
        tpu.vector_store_idx %scatter3A_1425[%add3A_1420], %mul3A_1422 : memref<128xf32, #tpu.memory_space<vmem>>[vector<16xi32>], vector<16xf32>,
        %add3A_1426 = arith.constant 96 : i32
        %add3A_1427 = vector.broadcast %add3A_1426 : i32 to vector<16xi32>
        %add3A_1428 = arith.addi %add3A_25, %add3A_1427 : vector<16xi32>
        %mul3A_1429 = vector.broadcast %squeeze3A_1329 : f32 to vector<16xf32>
        %mul3A_1430 = arith.mulf %bitcast3A_1417, %mul3A_1429 : vector<16xf32>
        %scatter3A_1431 = arith.constant 0 : i32
        %scatter3A_1432 = tpu.memref_slice %arg12[%add3A_1333, %scatter3A_1431] : memref<128x128xf32, #tpu.memory_space<vmem>> -> memref<1x128xf32, #tpu.memory_space<vmem>>
        %scatter3A_1433 = tpu.memref_squeeze %scatter3A_1432 : memref<1x128xf32, #tpu.memory_space<vmem>> -> memref<128xf32, #tpu.memory_space<vmem>>
        tpu.vector_store_idx %scatter3A_1433[%add3A_1428], %mul3A_1430 : memref<128xf32, #tpu.memory_space<vmem>>[vector<16xi32>], vector<16xf32>,
        %slice3A_1434 = vector.extract_strided_slice %get3A_379 {offsets = [10], sizes = [1], strides = [1]} : vector<16xf32> to vector<1xf32>
        %squeeze3A_1435 = vector.extract %slice3A_1434[0] : f32 from vector<1xf32>
        %mul3A_1436 = arith.constant 16 : i32
        %mul3A_1437 = arith.muli %scan3A_373, %mul3A_1436 : i32
        %add3A_1438 = arith.constant 10 : i32
        %add3A_1439 = arith.addi %mul3A_1437, %add3A_1438 : i32
        %get3A_1440 = arith.index_cast %add3A_1439 : i32 to index
        %get3A_1441 = arith.constant 0 : index
        %get3A_1442 = tpu.vector_load %arg10[%get3A_1440, %get3A_1441] {strides = array<i32>} : memref<128x64xi32, #tpu.memory_space<vmem>>, vector<16xi32>,
        %shift_left3A_1443 = arith.constant 16 : i32
        %shift_left3A_1444 = vector.broadcast %shift_left3A_1443 : i32 to vector<16xi32>
        %shift_left3A_1445 = arith.shli %get3A_1442, %shift_left3A_1444 : vector<16xi32>
        %bitcast3A_1446 = vector.bitcast %shift_left3A_1445 : vector<16xi32> to vector<16xf32>
        %and3A_1447 = arith.andi %get3A_1442, %broadcast_in_dim3A_27 : vector<16xi32>
        %bitcast3A_1448 = vector.bitcast %and3A_1447 : vector<16xi32> to vector<16xf32>
        %add3A_1449 = arith.constant 0 : i32
        %add3A_1450 = vector.broadcast %add3A_1449 : i32 to vector<16xi32>
        %add3A_1451 = arith.addi %mul3A_19, %add3A_1450 : vector<16xi32>
        %mul3A_1452 = vector.broadcast %squeeze3A_1435 : f32 to vector<16xf32>
        %mul3A_1453 = arith.mulf %bitcast3A_1446, %mul3A_1452 : vector<16xf32>
        %scatter3A_1454 = arith.constant 0 : i32
        %scatter3A_1455 = tpu.memref_slice %arg12[%add3A_1439, %scatter3A_1454] : memref<128x128xf32, #tpu.memory_space<vmem>> -> memref<1x128xf32, #tpu.memory_space<vmem>>
        %scatter3A_1456 = tpu.memref_squeeze %scatter3A_1455 : memref<1x128xf32, #tpu.memory_space<vmem>> -> memref<128xf32, #tpu.memory_space<vmem>>
        tpu.vector_store_idx %scatter3A_1456[%add3A_1451], %mul3A_1453 : memref<128xf32, #tpu.memory_space<vmem>>[vector<16xi32>], vector<16xf32>,
        %add3A_1457 = arith.constant 0 : i32
        %add3A_1458 = vector.broadcast %add3A_1457 : i32 to vector<16xi32>
        %add3A_1459 = arith.addi %add3A_25, %add3A_1458 : vector<16xi32>
        %mul3A_1460 = vector.broadcast %squeeze3A_1435 : f32 to vector<16xf32>
        %mul3A_1461 = arith.mulf %bitcast3A_1448, %mul3A_1460 : vector<16xf32>
        %scatter3A_1462 = arith.constant 0 : i32
        %scatter3A_1463 = tpu.memref_slice %arg12[%add3A_1439, %scatter3A_1462] : memref<128x128xf32, #tpu.memory_space<vmem>> -> memref<1x128xf32, #tpu.memory_space<vmem>>
        %scatter3A_1464 = tpu.memref_squeeze %scatter3A_1463 : memref<1x128xf32, #tpu.memory_space<vmem>> -> memref<128xf32, #tpu.memory_space<vmem>>
        tpu.vector_store_idx %scatter3A_1464[%add3A_1459], %mul3A_1461 : memref<128xf32, #tpu.memory_space<vmem>>[vector<16xi32>], vector<16xf32>,
        %get3A_1465 = arith.index_cast %add3A_1439 : i32 to index
        %get3A_1466 = arith.constant 16 : index
        %get3A_1467 = tpu.vector_load %arg10[%get3A_1465, %get3A_1466] {strides = array<i32>} : memref<128x64xi32, #tpu.memory_space<vmem>>, vector<16xi32>,
        %shift_left3A_1468 = arith.constant 16 : i32
        %shift_left3A_1469 = vector.broadcast %shift_left3A_1468 : i32 to vector<16xi32>
        %shift_left3A_1470 = arith.shli %get3A_1467, %shift_left3A_1469 : vector<16xi32>
        %bitcast3A_1471 = vector.bitcast %shift_left3A_1470 : vector<16xi32> to vector<16xf32>
        %and3A_1472 = arith.andi %get3A_1467, %broadcast_in_dim3A_27 : vector<16xi32>
        %bitcast3A_1473 = vector.bitcast %and3A_1472 : vector<16xi32> to vector<16xf32>
        %add3A_1474 = arith.constant 32 : i32
        %add3A_1475 = vector.broadcast %add3A_1474 : i32 to vector<16xi32>
        %add3A_1476 = arith.addi %mul3A_19, %add3A_1475 : vector<16xi32>
        %mul3A_1477 = vector.broadcast %squeeze3A_1435 : f32 to vector<16xf32>
        %mul3A_1478 = arith.mulf %bitcast3A_1471, %mul3A_1477 : vector<16xf32>
        %scatter3A_1479 = arith.constant 0 : i32
        %scatter3A_1480 = tpu.memref_slice %arg12[%add3A_1439, %scatter3A_1479] : memref<128x128xf32, #tpu.memory_space<vmem>> -> memref<1x128xf32, #tpu.memory_space<vmem>>
        %scatter3A_1481 = tpu.memref_squeeze %scatter3A_1480 : memref<1x128xf32, #tpu.memory_space<vmem>> -> memref<128xf32, #tpu.memory_space<vmem>>
        tpu.vector_store_idx %scatter3A_1481[%add3A_1476], %mul3A_1478 : memref<128xf32, #tpu.memory_space<vmem>>[vector<16xi32>], vector<16xf32>,
        %add3A_1482 = arith.constant 32 : i32
        %add3A_1483 = vector.broadcast %add3A_1482 : i32 to vector<16xi32>
        %add3A_1484 = arith.addi %add3A_25, %add3A_1483 : vector<16xi32>
        %mul3A_1485 = vector.broadcast %squeeze3A_1435 : f32 to vector<16xf32>
        %mul3A_1486 = arith.mulf %bitcast3A_1473, %mul3A_1485 : vector<16xf32>
        %scatter3A_1487 = arith.constant 0 : i32
        %scatter3A_1488 = tpu.memref_slice %arg12[%add3A_1439, %scatter3A_1487] : memref<128x128xf32, #tpu.memory_space<vmem>> -> memref<1x128xf32, #tpu.memory_space<vmem>>
        %scatter3A_1489 = tpu.memref_squeeze %scatter3A_1488 : memref<1x128xf32, #tpu.memory_space<vmem>> -> memref<128xf32, #tpu.memory_space<vmem>>
        tpu.vector_store_idx %scatter3A_1489[%add3A_1484], %mul3A_1486 : memref<128xf32, #tpu.memory_space<vmem>>[vector<16xi32>], vector<16xf32>,
        %get3A_1490 = arith.index_cast %add3A_1439 : i32 to index
        %get3A_1491 = arith.constant 32 : index
        %get3A_1492 = tpu.vector_load %arg10[%get3A_1490, %get3A_1491] {strides = array<i32>} : memref<128x64xi32, #tpu.memory_space<vmem>>, vector<16xi32>,
        %shift_left3A_1493 = arith.constant 16 : i32
        %shift_left3A_1494 = vector.broadcast %shift_left3A_1493 : i32 to vector<16xi32>
        %shift_left3A_1495 = arith.shli %get3A_1492, %shift_left3A_1494 : vector<16xi32>
        %bitcast3A_1496 = vector.bitcast %shift_left3A_1495 : vector<16xi32> to vector<16xf32>
        %and3A_1497 = arith.andi %get3A_1492, %broadcast_in_dim3A_27 : vector<16xi32>
        %bitcast3A_1498 = vector.bitcast %and3A_1497 : vector<16xi32> to vector<16xf32>
        %add3A_1499 = arith.constant 64 : i32
        %add3A_1500 = vector.broadcast %add3A_1499 : i32 to vector<16xi32>
        %add3A_1501 = arith.addi %mul3A_19, %add3A_1500 : vector<16xi32>
        %mul3A_1502 = vector.broadcast %squeeze3A_1435 : f32 to vector<16xf32>
        %mul3A_1503 = arith.mulf %bitcast3A_1496, %mul3A_1502 : vector<16xf32>
        %scatter3A_1504 = arith.constant 0 : i32
        %scatter3A_1505 = tpu.memref_slice %arg12[%add3A_1439, %scatter3A_1504] : memref<128x128xf32, #tpu.memory_space<vmem>> -> memref<1x128xf32, #tpu.memory_space<vmem>>
        %scatter3A_1506 = tpu.memref_squeeze %scatter3A_1505 : memref<1x128xf32, #tpu.memory_space<vmem>> -> memref<128xf32, #tpu.memory_space<vmem>>
        tpu.vector_store_idx %scatter3A_1506[%add3A_1501], %mul3A_1503 : memref<128xf32, #tpu.memory_space<vmem>>[vector<16xi32>], vector<16xf32>,
        %add3A_1507 = arith.constant 64 : i32
        %add3A_1508 = vector.broadcast %add3A_1507 : i32 to vector<16xi32>
        %add3A_1509 = arith.addi %add3A_25, %add3A_1508 : vector<16xi32>
        %mul3A_1510 = vector.broadcast %squeeze3A_1435 : f32 to vector<16xf32>
        %mul3A_1511 = arith.mulf %bitcast3A_1498, %mul3A_1510 : vector<16xf32>
        %scatter3A_1512 = arith.constant 0 : i32
        %scatter3A_1513 = tpu.memref_slice %arg12[%add3A_1439, %scatter3A_1512] : memref<128x128xf32, #tpu.memory_space<vmem>> -> memref<1x128xf32, #tpu.memory_space<vmem>>
        %scatter3A_1514 = tpu.memref_squeeze %scatter3A_1513 : memref<1x128xf32, #tpu.memory_space<vmem>> -> memref<128xf32, #tpu.memory_space<vmem>>
        tpu.vector_store_idx %scatter3A_1514[%add3A_1509], %mul3A_1511 : memref<128xf32, #tpu.memory_space<vmem>>[vector<16xi32>], vector<16xf32>,
        %get3A_1515 = arith.index_cast %add3A_1439 : i32 to index
        %get3A_1516 = arith.constant 48 : index
        %get3A_1517 = tpu.vector_load %arg10[%get3A_1515, %get3A_1516] {strides = array<i32>} : memref<128x64xi32, #tpu.memory_space<vmem>>, vector<16xi32>,
        %shift_left3A_1518 = arith.constant 16 : i32
        %shift_left3A_1519 = vector.broadcast %shift_left3A_1518 : i32 to vector<16xi32>
        %shift_left3A_1520 = arith.shli %get3A_1517, %shift_left3A_1519 : vector<16xi32>
        %bitcast3A_1521 = vector.bitcast %shift_left3A_1520 : vector<16xi32> to vector<16xf32>
        %and3A_1522 = arith.andi %get3A_1517, %broadcast_in_dim3A_27 : vector<16xi32>
        %bitcast3A_1523 = vector.bitcast %and3A_1522 : vector<16xi32> to vector<16xf32>
        %add3A_1524 = arith.constant 96 : i32
        %add3A_1525 = vector.broadcast %add3A_1524 : i32 to vector<16xi32>
        %add3A_1526 = arith.addi %mul3A_19, %add3A_1525 : vector<16xi32>
        %mul3A_1527 = vector.broadcast %squeeze3A_1435 : f32 to vector<16xf32>
        %mul3A_1528 = arith.mulf %bitcast3A_1521, %mul3A_1527 : vector<16xf32>
        %scatter3A_1529 = arith.constant 0 : i32
        %scatter3A_1530 = tpu.memref_slice %arg12[%add3A_1439, %scatter3A_1529] : memref<128x128xf32, #tpu.memory_space<vmem>> -> memref<1x128xf32, #tpu.memory_space<vmem>>
        %scatter3A_1531 = tpu.memref_squeeze %scatter3A_1530 : memref<1x128xf32, #tpu.memory_space<vmem>> -> memref<128xf32, #tpu.memory_space<vmem>>
        tpu.vector_store_idx %scatter3A_1531[%add3A_1526], %mul3A_1528 : memref<128xf32, #tpu.memory_space<vmem>>[vector<16xi32>], vector<16xf32>,
        %add3A_1532 = arith.constant 96 : i32
        %add3A_1533 = vector.broadcast %add3A_1532 : i32 to vector<16xi32>
        %add3A_1534 = arith.addi %add3A_25, %add3A_1533 : vector<16xi32>
        %mul3A_1535 = vector.broadcast %squeeze3A_1435 : f32 to vector<16xf32>
        %mul3A_1536 = arith.mulf %bitcast3A_1523, %mul3A_1535 : vector<16xf32>
        %scatter3A_1537 = arith.constant 0 : i32
        %scatter3A_1538 = tpu.memref_slice %arg12[%add3A_1439, %scatter3A_1537] : memref<128x128xf32, #tpu.memory_space<vmem>> -> memref<1x128xf32, #tpu.memory_space<vmem>>
        %scatter3A_1539 = tpu.memref_squeeze %scatter3A_1538 : memref<1x128xf32, #tpu.memory_space<vmem>> -> memref<128xf32, #tpu.memory_space<vmem>>
        tpu.vector_store_idx %scatter3A_1539[%add3A_1534], %mul3A_1536 : memref<128xf32, #tpu.memory_space<vmem>>[vector<16xi32>], vector<16xf32>,
        %slice3A_1540 = vector.extract_strided_slice %get3A_379 {offsets = [11], sizes = [1], strides = [1]} : vector<16xf32> to vector<1xf32>
        %squeeze3A_1541 = vector.extract %slice3A_1540[0] : f32 from vector<1xf32>
        %mul3A_1542 = arith.constant 16 : i32
        %mul3A_1543 = arith.muli %scan3A_373, %mul3A_1542 : i32
        %add3A_1544 = arith.constant 11 : i32
        %add3A_1545 = arith.addi %mul3A_1543, %add3A_1544 : i32
        %get3A_1546 = arith.index_cast %add3A_1545 : i32 to index
        %get3A_1547 = arith.constant 0 : index
        %get3A_1548 = tpu.vector_load %arg10[%get3A_1546, %get3A_1547] {strides = array<i32>} : memref<128x64xi32, #tpu.memory_space<vmem>>, vector<16xi32>,
        %shift_left3A_1549 = arith.constant 16 : i32
        %shift_left3A_1550 = vector.broadcast %shift_left3A_1549 : i32 to vector<16xi32>
        %shift_left3A_1551 = arith.shli %get3A_1548, %shift_left3A_1550 : vector<16xi32>
        %bitcast3A_1552 = vector.bitcast %shift_left3A_1551 : vector<16xi32> to vector<16xf32>
        %and3A_1553 = arith.andi %get3A_1548, %broadcast_in_dim3A_27 : vector<16xi32>
        %bitcast3A_1554 = vector.bitcast %and3A_1553 : vector<16xi32> to vector<16xf32>
        %add3A_1555 = arith.constant 0 : i32
        %add3A_1556 = vector.broadcast %add3A_1555 : i32 to vector<16xi32>
        %add3A_1557 = arith.addi %mul3A_19, %add3A_1556 : vector<16xi32>
        %mul3A_1558 = vector.broadcast %squeeze3A_1541 : f32 to vector<16xf32>
        %mul3A_1559 = arith.mulf %bitcast3A_1552, %mul3A_1558 : vector<16xf32>
        %scatter3A_1560 = arith.constant 0 : i32
        %scatter3A_1561 = tpu.memref_slice %arg12[%add3A_1545, %scatter3A_1560] : memref<128x128xf32, #tpu.memory_space<vmem>> -> memref<1x128xf32, #tpu.memory_space<vmem>>
        %scatter3A_1562 = tpu.memref_squeeze %scatter3A_1561 : memref<1x128xf32, #tpu.memory_space<vmem>> -> memref<128xf32, #tpu.memory_space<vmem>>
        tpu.vector_store_idx %scatter3A_1562[%add3A_1557], %mul3A_1559 : memref<128xf32, #tpu.memory_space<vmem>>[vector<16xi32>], vector<16xf32>,
        %add3A_1563 = arith.constant 0 : i32
        %add3A_1564 = vector.broadcast %add3A_1563 : i32 to vector<16xi32>
        %add3A_1565 = arith.addi %add3A_25, %add3A_1564 : vector<16xi32>
        %mul3A_1566 = vector.broadcast %squeeze3A_1541 : f32 to vector<16xf32>
        %mul3A_1567 = arith.mulf %bitcast3A_1554, %mul3A_1566 : vector<16xf32>
        %scatter3A_1568 = arith.constant 0 : i32
        %scatter3A_1569 = tpu.memref_slice %arg12[%add3A_1545, %scatter3A_1568] : memref<128x128xf32, #tpu.memory_space<vmem>> -> memref<1x128xf32, #tpu.memory_space<vmem>>
        %scatter3A_1570 = tpu.memref_squeeze %scatter3A_1569 : memref<1x128xf32, #tpu.memory_space<vmem>> -> memref<128xf32, #tpu.memory_space<vmem>>
        tpu.vector_store_idx %scatter3A_1570[%add3A_1565], %mul3A_1567 : memref<128xf32, #tpu.memory_space<vmem>>[vector<16xi32>], vector<16xf32>,
        %get3A_1571 = arith.index_cast %add3A_1545 : i32 to index
        %get3A_1572 = arith.constant 16 : index
        %get3A_1573 = tpu.vector_load %arg10[%get3A_1571, %get3A_1572] {strides = array<i32>} : memref<128x64xi32, #tpu.memory_space<vmem>>, vector<16xi32>,
        %shift_left3A_1574 = arith.constant 16 : i32
        %shift_left3A_1575 = vector.broadcast %shift_left3A_1574 : i32 to vector<16xi32>
        %shift_left3A_1576 = arith.shli %get3A_1573, %shift_left3A_1575 : vector<16xi32>
        %bitcast3A_1577 = vector.bitcast %shift_left3A_1576 : vector<16xi32> to vector<16xf32>
        %and3A_1578 = arith.andi %get3A_1573, %broadcast_in_dim3A_27 : vector<16xi32>
        %bitcast3A_1579 = vector.bitcast %and3A_1578 : vector<16xi32> to vector<16xf32>
        %add3A_1580 = arith.constant 32 : i32
        %add3A_1581 = vector.broadcast %add3A_1580 : i32 to vector<16xi32>
        %add3A_1582 = arith.addi %mul3A_19, %add3A_1581 : vector<16xi32>
        %mul3A_1583 = vector.broadcast %squeeze3A_1541 : f32 to vector<16xf32>
        %mul3A_1584 = arith.mulf %bitcast3A_1577, %mul3A_1583 : vector<16xf32>
        %scatter3A_1585 = arith.constant 0 : i32
        %scatter3A_1586 = tpu.memref_slice %arg12[%add3A_1545, %scatter3A_1585] : memref<128x128xf32, #tpu.memory_space<vmem>> -> memref<1x128xf32, #tpu.memory_space<vmem>>
        %scatter3A_1587 = tpu.memref_squeeze %scatter3A_1586 : memref<1x128xf32, #tpu.memory_space<vmem>> -> memref<128xf32, #tpu.memory_space<vmem>>
        tpu.vector_store_idx %scatter3A_1587[%add3A_1582], %mul3A_1584 : memref<128xf32, #tpu.memory_space<vmem>>[vector<16xi32>], vector<16xf32>,
        %add3A_1588 = arith.constant 32 : i32
        %add3A_1589 = vector.broadcast %add3A_1588 : i32 to vector<16xi32>
        %add3A_1590 = arith.addi %add3A_25, %add3A_1589 : vector<16xi32>
        %mul3A_1591 = vector.broadcast %squeeze3A_1541 : f32 to vector<16xf32>
        %mul3A_1592 = arith.mulf %bitcast3A_1579, %mul3A_1591 : vector<16xf32>
        %scatter3A_1593 = arith.constant 0 : i32
        %scatter3A_1594 = tpu.memref_slice %arg12[%add3A_1545, %scatter3A_1593] : memref<128x128xf32, #tpu.memory_space<vmem>> -> memref<1x128xf32, #tpu.memory_space<vmem>>
        %scatter3A_1595 = tpu.memref_squeeze %scatter3A_1594 : memref<1x128xf32, #tpu.memory_space<vmem>> -> memref<128xf32, #tpu.memory_space<vmem>>
        tpu.vector_store_idx %scatter3A_1595[%add3A_1590], %mul3A_1592 : memref<128xf32, #tpu.memory_space<vmem>>[vector<16xi32>], vector<16xf32>,
        %get3A_1596 = arith.index_cast %add3A_1545 : i32 to index
        %get3A_1597 = arith.constant 32 : index
        %get3A_1598 = tpu.vector_load %arg10[%get3A_1596, %get3A_1597] {strides = array<i32>} : memref<128x64xi32, #tpu.memory_space<vmem>>, vector<16xi32>,
        %shift_left3A_1599 = arith.constant 16 : i32
        %shift_left3A_1600 = vector.broadcast %shift_left3A_1599 : i32 to vector<16xi32>
        %shift_left3A_1601 = arith.shli %get3A_1598, %shift_left3A_1600 : vector<16xi32>
        %bitcast3A_1602 = vector.bitcast %shift_left3A_1601 : vector<16xi32> to vector<16xf32>
        %and3A_1603 = arith.andi %get3A_1598, %broadcast_in_dim3A_27 : vector<16xi32>
        %bitcast3A_1604 = vector.bitcast %and3A_1603 : vector<16xi32> to vector<16xf32>
        %add3A_1605 = arith.constant 64 : i32
        %add3A_1606 = vector.broadcast %add3A_1605 : i32 to vector<16xi32>
        %add3A_1607 = arith.addi %mul3A_19, %add3A_1606 : vector<16xi32>
        %mul3A_1608 = vector.broadcast %squeeze3A_1541 : f32 to vector<16xf32>
        %mul3A_1609 = arith.mulf %bitcast3A_1602, %mul3A_1608 : vector<16xf32>
        %scatter3A_1610 = arith.constant 0 : i32
        %scatter3A_1611 = tpu.memref_slice %arg12[%add3A_1545, %scatter3A_1610] : memref<128x128xf32, #tpu.memory_space<vmem>> -> memref<1x128xf32, #tpu.memory_space<vmem>>
        %scatter3A_1612 = tpu.memref_squeeze %scatter3A_1611 : memref<1x128xf32, #tpu.memory_space<vmem>> -> memref<128xf32, #tpu.memory_space<vmem>>
        tpu.vector_store_idx %scatter3A_1612[%add3A_1607], %mul3A_1609 : memref<128xf32, #tpu.memory_space<vmem>>[vector<16xi32>], vector<16xf32>,
        %add3A_1613 = arith.constant 64 : i32
        %add3A_1614 = vector.broadcast %add3A_1613 : i32 to vector<16xi32>
        %add3A_1615 = arith.addi %add3A_25, %add3A_1614 : vector<16xi32>
        %mul3A_1616 = vector.broadcast %squeeze3A_1541 : f32 to vector<16xf32>
        %mul3A_1617 = arith.mulf %bitcast3A_1604, %mul3A_1616 : vector<16xf32>
        %scatter3A_1618 = arith.constant 0 : i32
        %scatter3A_1619 = tpu.memref_slice %arg12[%add3A_1545, %scatter3A_1618] : memref<128x128xf32, #tpu.memory_space<vmem>> -> memref<1x128xf32, #tpu.memory_space<vmem>>
        %scatter3A_1620 = tpu.memref_squeeze %scatter3A_1619 : memref<1x128xf32, #tpu.memory_space<vmem>> -> memref<128xf32, #tpu.memory_space<vmem>>
        tpu.vector_store_idx %scatter3A_1620[%add3A_1615], %mul3A_1617 : memref<128xf32, #tpu.memory_space<vmem>>[vector<16xi32>], vector<16xf32>,
        %get3A_1621 = arith.index_cast %add3A_1545 : i32 to index
        %get3A_1622 = arith.constant 48 : index
        %get3A_1623 = tpu.vector_load %arg10[%get3A_1621, %get3A_1622] {strides = array<i32>} : memref<128x64xi32, #tpu.memory_space<vmem>>, vector<16xi32>,
        %shift_left3A_1624 = arith.constant 16 : i32
        %shift_left3A_1625 = vector.broadcast %shift_left3A_1624 : i32 to vector<16xi32>
        %shift_left3A_1626 = arith.shli %get3A_1623, %shift_left3A_1625 : vector<16xi32>
        %bitcast3A_1627 = vector.bitcast %shift_left3A_1626 : vector<16xi32> to vector<16xf32>
        %and3A_1628 = arith.andi %get3A_1623, %broadcast_in_dim3A_27 : vector<16xi32>
        %bitcast3A_1629 = vector.bitcast %and3A_1628 : vector<16xi32> to vector<16xf32>
        %add3A_1630 = arith.constant 96 : i32
        %add3A_1631 = vector.broadcast %add3A_1630 : i32 to vector<16xi32>
        %add3A_1632 = arith.addi %mul3A_19, %add3A_1631 : vector<16xi32>
        %mul3A_1633 = vector.broadcast %squeeze3A_1541 : f32 to vector<16xf32>
        %mul3A_1634 = arith.mulf %bitcast3A_1627, %mul3A_1633 : vector<16xf32>
        %scatter3A_1635 = arith.constant 0 : i32
        %scatter3A_1636 = tpu.memref_slice %arg12[%add3A_1545, %scatter3A_1635] : memref<128x128xf32, #tpu.memory_space<vmem>> -> memref<1x128xf32, #tpu.memory_space<vmem>>
        %scatter3A_1637 = tpu.memref_squeeze %scatter3A_1636 : memref<1x128xf32, #tpu.memory_space<vmem>> -> memref<128xf32, #tpu.memory_space<vmem>>
        tpu.vector_store_idx %scatter3A_1637[%add3A_1632], %mul3A_1634 : memref<128xf32, #tpu.memory_space<vmem>>[vector<16xi32>], vector<16xf32>,
        %add3A_1638 = arith.constant 96 : i32
        %add3A_1639 = vector.broadcast %add3A_1638 : i32 to vector<16xi32>
        %add3A_1640 = arith.addi %add3A_25, %add3A_1639 : vector<16xi32>
        %mul3A_1641 = vector.broadcast %squeeze3A_1541 : f32 to vector<16xf32>
        %mul3A_1642 = arith.mulf %bitcast3A_1629, %mul3A_1641 : vector<16xf32>
        %scatter3A_1643 = arith.constant 0 : i32
        %scatter3A_1644 = tpu.memref_slice %arg12[%add3A_1545, %scatter3A_1643] : memref<128x128xf32, #tpu.memory_space<vmem>> -> memref<1x128xf32, #tpu.memory_space<vmem>>
        %scatter3A_1645 = tpu.memref_squeeze %scatter3A_1644 : memref<1x128xf32, #tpu.memory_space<vmem>> -> memref<128xf32, #tpu.memory_space<vmem>>
        tpu.vector_store_idx %scatter3A_1645[%add3A_1640], %mul3A_1642 : memref<128xf32, #tpu.memory_space<vmem>>[vector<16xi32>], vector<16xf32>,
        %slice3A_1646 = vector.extract_strided_slice %get3A_379 {offsets = [12], sizes = [1], strides = [1]} : vector<16xf32> to vector<1xf32>
        %squeeze3A_1647 = vector.extract %slice3A_1646[0] : f32 from vector<1xf32>
        %mul3A_1648 = arith.constant 16 : i32
        %mul3A_1649 = arith.muli %scan3A_373, %mul3A_1648 : i32
        %add3A_1650 = arith.constant 12 : i32
        %add3A_1651 = arith.addi %mul3A_1649, %add3A_1650 : i32
        %get3A_1652 = arith.index_cast %add3A_1651 : i32 to index
        %get3A_1653 = arith.constant 0 : index
        %get3A_1654 = tpu.vector_load %arg10[%get3A_1652, %get3A_1653] {strides = array<i32>} : memref<128x64xi32, #tpu.memory_space<vmem>>, vector<16xi32>,
        %shift_left3A_1655 = arith.constant 16 : i32
        %shift_left3A_1656 = vector.broadcast %shift_left3A_1655 : i32 to vector<16xi32>
        %shift_left3A_1657 = arith.shli %get3A_1654, %shift_left3A_1656 : vector<16xi32>
        %bitcast3A_1658 = vector.bitcast %shift_left3A_1657 : vector<16xi32> to vector<16xf32>
        %and3A_1659 = arith.andi %get3A_1654, %broadcast_in_dim3A_27 : vector<16xi32>
        %bitcast3A_1660 = vector.bitcast %and3A_1659 : vector<16xi32> to vector<16xf32>
        %add3A_1661 = arith.constant 0 : i32
        %add3A_1662 = vector.broadcast %add3A_1661 : i32 to vector<16xi32>
        %add3A_1663 = arith.addi %mul3A_19, %add3A_1662 : vector<16xi32>
        %mul3A_1664 = vector.broadcast %squeeze3A_1647 : f32 to vector<16xf32>
        %mul3A_1665 = arith.mulf %bitcast3A_1658, %mul3A_1664 : vector<16xf32>
        %scatter3A_1666 = arith.constant 0 : i32
        %scatter3A_1667 = tpu.memref_slice %arg12[%add3A_1651, %scatter3A_1666] : memref<128x128xf32, #tpu.memory_space<vmem>> -> memref<1x128xf32, #tpu.memory_space<vmem>>
        %scatter3A_1668 = tpu.memref_squeeze %scatter3A_1667 : memref<1x128xf32, #tpu.memory_space<vmem>> -> memref<128xf32, #tpu.memory_space<vmem>>
        tpu.vector_store_idx %scatter3A_1668[%add3A_1663], %mul3A_1665 : memref<128xf32, #tpu.memory_space<vmem>>[vector<16xi32>], vector<16xf32>,
        %add3A_1669 = arith.constant 0 : i32
        %add3A_1670 = vector.broadcast %add3A_1669 : i32 to vector<16xi32>
        %add3A_1671 = arith.addi %add3A_25, %add3A_1670 : vector<16xi32>
        %mul3A_1672 = vector.broadcast %squeeze3A_1647 : f32 to vector<16xf32>
        %mul3A_1673 = arith.mulf %bitcast3A_1660, %mul3A_1672 : vector<16xf32>
        %scatter3A_1674 = arith.constant 0 : i32
        %scatter3A_1675 = tpu.memref_slice %arg12[%add3A_1651, %scatter3A_1674] : memref<128x128xf32, #tpu.memory_space<vmem>> -> memref<1x128xf32, #tpu.memory_space<vmem>>
        %scatter3A_1676 = tpu.memref_squeeze %scatter3A_1675 : memref<1x128xf32, #tpu.memory_space<vmem>> -> memref<128xf32, #tpu.memory_space<vmem>>
        tpu.vector_store_idx %scatter3A_1676[%add3A_1671], %mul3A_1673 : memref<128xf32, #tpu.memory_space<vmem>>[vector<16xi32>], vector<16xf32>,
        %get3A_1677 = arith.index_cast %add3A_1651 : i32 to index
        %get3A_1678 = arith.constant 16 : index
        %get3A_1679 = tpu.vector_load %arg10[%get3A_1677, %get3A_1678] {strides = array<i32>} : memref<128x64xi32, #tpu.memory_space<vmem>>, vector<16xi32>,
        %shift_left3A_1680 = arith.constant 16 : i32
        %shift_left3A_1681 = vector.broadcast %shift_left3A_1680 : i32 to vector<16xi32>
        %shift_left3A_1682 = arith.shli %get3A_1679, %shift_left3A_1681 : vector<16xi32>
        %bitcast3A_1683 = vector.bitcast %shift_left3A_1682 : vector<16xi32> to vector<16xf32>
        %and3A_1684 = arith.andi %get3A_1679, %broadcast_in_dim3A_27 : vector<16xi32>
        %bitcast3A_1685 = vector.bitcast %and3A_1684 : vector<16xi32> to vector<16xf32>
        %add3A_1686 = arith.constant 32 : i32
        %add3A_1687 = vector.broadcast %add3A_1686 : i32 to vector<16xi32>
        %add3A_1688 = arith.addi %mul3A_19, %add3A_1687 : vector<16xi32>
        %mul3A_1689 = vector.broadcast %squeeze3A_1647 : f32 to vector<16xf32>
        %mul3A_1690 = arith.mulf %bitcast3A_1683, %mul3A_1689 : vector<16xf32>
        %scatter3A_1691 = arith.constant 0 : i32
        %scatter3A_1692 = tpu.memref_slice %arg12[%add3A_1651, %scatter3A_1691] : memref<128x128xf32, #tpu.memory_space<vmem>> -> memref<1x128xf32, #tpu.memory_space<vmem>>
        %scatter3A_1693 = tpu.memref_squeeze %scatter3A_1692 : memref<1x128xf32, #tpu.memory_space<vmem>> -> memref<128xf32, #tpu.memory_space<vmem>>
        tpu.vector_store_idx %scatter3A_1693[%add3A_1688], %mul3A_1690 : memref<128xf32, #tpu.memory_space<vmem>>[vector<16xi32>], vector<16xf32>,
        %add3A_1694 = arith.constant 32 : i32
        %add3A_1695 = vector.broadcast %add3A_1694 : i32 to vector<16xi32>
        %add3A_1696 = arith.addi %add3A_25, %add3A_1695 : vector<16xi32>
        %mul3A_1697 = vector.broadcast %squeeze3A_1647 : f32 to vector<16xf32>
        %mul3A_1698 = arith.mulf %bitcast3A_1685, %mul3A_1697 : vector<16xf32>
        %scatter3A_1699 = arith.constant 0 : i32
        %scatter3A_1700 = tpu.memref_slice %arg12[%add3A_1651, %scatter3A_1699] : memref<128x128xf32, #tpu.memory_space<vmem>> -> memref<1x128xf32, #tpu.memory_space<vmem>>
        %scatter3A_1701 = tpu.memref_squeeze %scatter3A_1700 : memref<1x128xf32, #tpu.memory_space<vmem>> -> memref<128xf32, #tpu.memory_space<vmem>>
        tpu.vector_store_idx %scatter3A_1701[%add3A_1696], %mul3A_1698 : memref<128xf32, #tpu.memory_space<vmem>>[vector<16xi32>], vector<16xf32>,
        %get3A_1702 = arith.index_cast %add3A_1651 : i32 to index
        %get3A_1703 = arith.constant 32 : index
        %get3A_1704 = tpu.vector_load %arg10[%get3A_1702, %get3A_1703] {strides = array<i32>} : memref<128x64xi32, #tpu.memory_space<vmem>>, vector<16xi32>,
        %shift_left3A_1705 = arith.constant 16 : i32
        %shift_left3A_1706 = vector.broadcast %shift_left3A_1705 : i32 to vector<16xi32>
        %shift_left3A_1707 = arith.shli %get3A_1704, %shift_left3A_1706 : vector<16xi32>
        %bitcast3A_1708 = vector.bitcast %shift_left3A_1707 : vector<16xi32> to vector<16xf32>
        %and3A_1709 = arith.andi %get3A_1704, %broadcast_in_dim3A_27 : vector<16xi32>
        %bitcast3A_1710 = vector.bitcast %and3A_1709 : vector<16xi32> to vector<16xf32>
        %add3A_1711 = arith.constant 64 : i32
        %add3A_1712 = vector.broadcast %add3A_1711 : i32 to vector<16xi32>
        %add3A_1713 = arith.addi %mul3A_19, %add3A_1712 : vector<16xi32>
        %mul3A_1714 = vector.broadcast %squeeze3A_1647 : f32 to vector<16xf32>
        %mul3A_1715 = arith.mulf %bitcast3A_1708, %mul3A_1714 : vector<16xf32>
        %scatter3A_1716 = arith.constant 0 : i32
        %scatter3A_1717 = tpu.memref_slice %arg12[%add3A_1651, %scatter3A_1716] : memref<128x128xf32, #tpu.memory_space<vmem>> -> memref<1x128xf32, #tpu.memory_space<vmem>>
        %scatter3A_1718 = tpu.memref_squeeze %scatter3A_1717 : memref<1x128xf32, #tpu.memory_space<vmem>> -> memref<128xf32, #tpu.memory_space<vmem>>
        tpu.vector_store_idx %scatter3A_1718[%add3A_1713], %mul3A_1715 : memref<128xf32, #tpu.memory_space<vmem>>[vector<16xi32>], vector<16xf32>,
        %add3A_1719 = arith.constant 64 : i32
        %add3A_1720 = vector.broadcast %add3A_1719 : i32 to vector<16xi32>
        %add3A_1721 = arith.addi %add3A_25, %add3A_1720 : vector<16xi32>
        %mul3A_1722 = vector.broadcast %squeeze3A_1647 : f32 to vector<16xf32>
        %mul3A_1723 = arith.mulf %bitcast3A_1710, %mul3A_1722 : vector<16xf32>
        %scatter3A_1724 = arith.constant 0 : i32
        %scatter3A_1725 = tpu.memref_slice %arg12[%add3A_1651, %scatter3A_1724] : memref<128x128xf32, #tpu.memory_space<vmem>> -> memref<1x128xf32, #tpu.memory_space<vmem>>
        %scatter3A_1726 = tpu.memref_squeeze %scatter3A_1725 : memref<1x128xf32, #tpu.memory_space<vmem>> -> memref<128xf32, #tpu.memory_space<vmem>>
        tpu.vector_store_idx %scatter3A_1726[%add3A_1721], %mul3A_1723 : memref<128xf32, #tpu.memory_space<vmem>>[vector<16xi32>], vector<16xf32>,
        %get3A_1727 = arith.index_cast %add3A_1651 : i32 to index
        %get3A_1728 = arith.constant 48 : index
        %get3A_1729 = tpu.vector_load %arg10[%get3A_1727, %get3A_1728] {strides = array<i32>} : memref<128x64xi32, #tpu.memory_space<vmem>>, vector<16xi32>,
        %shift_left3A_1730 = arith.constant 16 : i32
        %shift_left3A_1731 = vector.broadcast %shift_left3A_1730 : i32 to vector<16xi32>
        %shift_left3A_1732 = arith.shli %get3A_1729, %shift_left3A_1731 : vector<16xi32>
        %bitcast3A_1733 = vector.bitcast %shift_left3A_1732 : vector<16xi32> to vector<16xf32>
        %and3A_1734 = arith.andi %get3A_1729, %broadcast_in_dim3A_27 : vector<16xi32>
        %bitcast3A_1735 = vector.bitcast %and3A_1734 : vector<16xi32> to vector<16xf32>
        %add3A_1736 = arith.constant 96 : i32
        %add3A_1737 = vector.broadcast %add3A_1736 : i32 to vector<16xi32>
        %add3A_1738 = arith.addi %mul3A_19, %add3A_1737 : vector<16xi32>
        %mul3A_1739 = vector.broadcast %squeeze3A_1647 : f32 to vector<16xf32>
        %mul3A_1740 = arith.mulf %bitcast3A_1733, %mul3A_1739 : vector<16xf32>
        %scatter3A_1741 = arith.constant 0 : i32
        %scatter3A_1742 = tpu.memref_slice %arg12[%add3A_1651, %scatter3A_1741] : memref<128x128xf32, #tpu.memory_space<vmem>> -> memref<1x128xf32, #tpu.memory_space<vmem>>
        %scatter3A_1743 = tpu.memref_squeeze %scatter3A_1742 : memref<1x128xf32, #tpu.memory_space<vmem>> -> memref<128xf32, #tpu.memory_space<vmem>>
        tpu.vector_store_idx %scatter3A_1743[%add3A_1738], %mul3A_1740 : memref<128xf32, #tpu.memory_space<vmem>>[vector<16xi32>], vector<16xf32>,
        %add3A_1744 = arith.constant 96 : i32
        %add3A_1745 = vector.broadcast %add3A_1744 : i32 to vector<16xi32>
        %add3A_1746 = arith.addi %add3A_25, %add3A_1745 : vector<16xi32>
        %mul3A_1747 = vector.broadcast %squeeze3A_1647 : f32 to vector<16xf32>
        %mul3A_1748 = arith.mulf %bitcast3A_1735, %mul3A_1747 : vector<16xf32>
        %scatter3A_1749 = arith.constant 0 : i32
        %scatter3A_1750 = tpu.memref_slice %arg12[%add3A_1651, %scatter3A_1749] : memref<128x128xf32, #tpu.memory_space<vmem>> -> memref<1x128xf32, #tpu.memory_space<vmem>>
        %scatter3A_1751 = tpu.memref_squeeze %scatter3A_1750 : memref<1x128xf32, #tpu.memory_space<vmem>> -> memref<128xf32, #tpu.memory_space<vmem>>
        tpu.vector_store_idx %scatter3A_1751[%add3A_1746], %mul3A_1748 : memref<128xf32, #tpu.memory_space<vmem>>[vector<16xi32>], vector<16xf32>,
        %slice3A_1752 = vector.extract_strided_slice %get3A_379 {offsets = [13], sizes = [1], strides = [1]} : vector<16xf32> to vector<1xf32>
        %squeeze3A_1753 = vector.extract %slice3A_1752[0] : f32 from vector<1xf32>
        %mul3A_1754 = arith.constant 16 : i32
        %mul3A_1755 = arith.muli %scan3A_373, %mul3A_1754 : i32
        %add3A_1756 = arith.constant 13 : i32
        %add3A_1757 = arith.addi %mul3A_1755, %add3A_1756 : i32
        %get3A_1758 = arith.index_cast %add3A_1757 : i32 to index
        %get3A_1759 = arith.constant 0 : index
        %get3A_1760 = tpu.vector_load %arg10[%get3A_1758, %get3A_1759] {strides = array<i32>} : memref<128x64xi32, #tpu.memory_space<vmem>>, vector<16xi32>,
        %shift_left3A_1761 = arith.constant 16 : i32
        %shift_left3A_1762 = vector.broadcast %shift_left3A_1761 : i32 to vector<16xi32>
        %shift_left3A_1763 = arith.shli %get3A_1760, %shift_left3A_1762 : vector<16xi32>
        %bitcast3A_1764 = vector.bitcast %shift_left3A_1763 : vector<16xi32> to vector<16xf32>
        %and3A_1765 = arith.andi %get3A_1760, %broadcast_in_dim3A_27 : vector<16xi32>
        %bitcast3A_1766 = vector.bitcast %and3A_1765 : vector<16xi32> to vector<16xf32>
        %add3A_1767 = arith.constant 0 : i32
        %add3A_1768 = vector.broadcast %add3A_1767 : i32 to vector<16xi32>
        %add3A_1769 = arith.addi %mul3A_19, %add3A_1768 : vector<16xi32>
        %mul3A_1770 = vector.broadcast %squeeze3A_1753 : f32 to vector<16xf32>
        %mul3A_1771 = arith.mulf %bitcast3A_1764, %mul3A_1770 : vector<16xf32>
        %scatter3A_1772 = arith.constant 0 : i32
        %scatter3A_1773 = tpu.memref_slice %arg12[%add3A_1757, %scatter3A_1772] : memref<128x128xf32, #tpu.memory_space<vmem>> -> memref<1x128xf32, #tpu.memory_space<vmem>>
        %scatter3A_1774 = tpu.memref_squeeze %scatter3A_1773 : memref<1x128xf32, #tpu.memory_space<vmem>> -> memref<128xf32, #tpu.memory_space<vmem>>
        tpu.vector_store_idx %scatter3A_1774[%add3A_1769], %mul3A_1771 : memref<128xf32, #tpu.memory_space<vmem>>[vector<16xi32>], vector<16xf32>,
        %add3A_1775 = arith.constant 0 : i32
        %add3A_1776 = vector.broadcast %add3A_1775 : i32 to vector<16xi32>
        %add3A_1777 = arith.addi %add3A_25, %add3A_1776 : vector<16xi32>
        %mul3A_1778 = vector.broadcast %squeeze3A_1753 : f32 to vector<16xf32>
        %mul3A_1779 = arith.mulf %bitcast3A_1766, %mul3A_1778 : vector<16xf32>
        %scatter3A_1780 = arith.constant 0 : i32
        %scatter3A_1781 = tpu.memref_slice %arg12[%add3A_1757, %scatter3A_1780] : memref<128x128xf32, #tpu.memory_space<vmem>> -> memref<1x128xf32, #tpu.memory_space<vmem>>
        %scatter3A_1782 = tpu.memref_squeeze %scatter3A_1781 : memref<1x128xf32, #tpu.memory_space<vmem>> -> memref<128xf32, #tpu.memory_space<vmem>>
        tpu.vector_store_idx %scatter3A_1782[%add3A_1777], %mul3A_1779 : memref<128xf32, #tpu.memory_space<vmem>>[vector<16xi32>], vector<16xf32>,
        %get3A_1783 = arith.index_cast %add3A_1757 : i32 to index
        %get3A_1784 = arith.constant 16 : index
        %get3A_1785 = tpu.vector_load %arg10[%get3A_1783, %get3A_1784] {strides = array<i32>} : memref<128x64xi32, #tpu.memory_space<vmem>>, vector<16xi32>,
        %shift_left3A_1786 = arith.constant 16 : i32
        %shift_left3A_1787 = vector.broadcast %shift_left3A_1786 : i32 to vector<16xi32>
        %shift_left3A_1788 = arith.shli %get3A_1785, %shift_left3A_1787 : vector<16xi32>
        %bitcast3A_1789 = vector.bitcast %shift_left3A_1788 : vector<16xi32> to vector<16xf32>
        %and3A_1790 = arith.andi %get3A_1785, %broadcast_in_dim3A_27 : vector<16xi32>
        %bitcast3A_1791 = vector.bitcast %and3A_1790 : vector<16xi32> to vector<16xf32>
        %add3A_1792 = arith.constant 32 : i32
        %add3A_1793 = vector.broadcast %add3A_1792 : i32 to vector<16xi32>
        %add3A_1794 = arith.addi %mul3A_19, %add3A_1793 : vector<16xi32>
        %mul3A_1795 = vector.broadcast %squeeze3A_1753 : f32 to vector<16xf32>
        %mul3A_1796 = arith.mulf %bitcast3A_1789, %mul3A_1795 : vector<16xf32>
        %scatter3A_1797 = arith.constant 0 : i32
        %scatter3A_1798 = tpu.memref_slice %arg12[%add3A_1757, %scatter3A_1797] : memref<128x128xf32, #tpu.memory_space<vmem>> -> memref<1x128xf32, #tpu.memory_space<vmem>>
        %scatter3A_1799 = tpu.memref_squeeze %scatter3A_1798 : memref<1x128xf32, #tpu.memory_space<vmem>> -> memref<128xf32, #tpu.memory_space<vmem>>
        tpu.vector_store_idx %scatter3A_1799[%add3A_1794], %mul3A_1796 : memref<128xf32, #tpu.memory_space<vmem>>[vector<16xi32>], vector<16xf32>,
        %add3A_1800 = arith.constant 32 : i32
        %add3A_1801 = vector.broadcast %add3A_1800 : i32 to vector<16xi32>
        %add3A_1802 = arith.addi %add3A_25, %add3A_1801 : vector<16xi32>
        %mul3A_1803 = vector.broadcast %squeeze3A_1753 : f32 to vector<16xf32>
        %mul3A_1804 = arith.mulf %bitcast3A_1791, %mul3A_1803 : vector<16xf32>
        %scatter3A_1805 = arith.constant 0 : i32
        %scatter3A_1806 = tpu.memref_slice %arg12[%add3A_1757, %scatter3A_1805] : memref<128x128xf32, #tpu.memory_space<vmem>> -> memref<1x128xf32, #tpu.memory_space<vmem>>
        %scatter3A_1807 = tpu.memref_squeeze %scatter3A_1806 : memref<1x128xf32, #tpu.memory_space<vmem>> -> memref<128xf32, #tpu.memory_space<vmem>>
        tpu.vector_store_idx %scatter3A_1807[%add3A_1802], %mul3A_1804 : memref<128xf32, #tpu.memory_space<vmem>>[vector<16xi32>], vector<16xf32>,
        %get3A_1808 = arith.index_cast %add3A_1757 : i32 to index
        %get3A_1809 = arith.constant 32 : index
        %get3A_1810 = tpu.vector_load %arg10[%get3A_1808, %get3A_1809] {strides = array<i32>} : memref<128x64xi32, #tpu.memory_space<vmem>>, vector<16xi32>,
        %shift_left3A_1811 = arith.constant 16 : i32
        %shift_left3A_1812 = vector.broadcast %shift_left3A_1811 : i32 to vector<16xi32>
        %shift_left3A_1813 = arith.shli %get3A_1810, %shift_left3A_1812 : vector<16xi32>
        %bitcast3A_1814 = vector.bitcast %shift_left3A_1813 : vector<16xi32> to vector<16xf32>
        %and3A_1815 = arith.andi %get3A_1810, %broadcast_in_dim3A_27 : vector<16xi32>
        %bitcast3A_1816 = vector.bitcast %and3A_1815 : vector<16xi32> to vector<16xf32>
        %add3A_1817 = arith.constant 64 : i32
        %add3A_1818 = vector.broadcast %add3A_1817 : i32 to vector<16xi32>
        %add3A_1819 = arith.addi %mul3A_19, %add3A_1818 : vector<16xi32>
        %mul3A_1820 = vector.broadcast %squeeze3A_1753 : f32 to vector<16xf32>
        %mul3A_1821 = arith.mulf %bitcast3A_1814, %mul3A_1820 : vector<16xf32>
        %scatter3A_1822 = arith.constant 0 : i32
        %scatter3A_1823 = tpu.memref_slice %arg12[%add3A_1757, %scatter3A_1822] : memref<128x128xf32, #tpu.memory_space<vmem>> -> memref<1x128xf32, #tpu.memory_space<vmem>>
        %scatter3A_1824 = tpu.memref_squeeze %scatter3A_1823 : memref<1x128xf32, #tpu.memory_space<vmem>> -> memref<128xf32, #tpu.memory_space<vmem>>
        tpu.vector_store_idx %scatter3A_1824[%add3A_1819], %mul3A_1821 : memref<128xf32, #tpu.memory_space<vmem>>[vector<16xi32>], vector<16xf32>,
        %add3A_1825 = arith.constant 64 : i32
        %add3A_1826 = vector.broadcast %add3A_1825 : i32 to vector<16xi32>
        %add3A_1827 = arith.addi %add3A_25, %add3A_1826 : vector<16xi32>
        %mul3A_1828 = vector.broadcast %squeeze3A_1753 : f32 to vector<16xf32>
        %mul3A_1829 = arith.mulf %bitcast3A_1816, %mul3A_1828 : vector<16xf32>
        %scatter3A_1830 = arith.constant 0 : i32
        %scatter3A_1831 = tpu.memref_slice %arg12[%add3A_1757, %scatter3A_1830] : memref<128x128xf32, #tpu.memory_space<vmem>> -> memref<1x128xf32, #tpu.memory_space<vmem>>
        %scatter3A_1832 = tpu.memref_squeeze %scatter3A_1831 : memref<1x128xf32, #tpu.memory_space<vmem>> -> memref<128xf32, #tpu.memory_space<vmem>>
        tpu.vector_store_idx %scatter3A_1832[%add3A_1827], %mul3A_1829 : memref<128xf32, #tpu.memory_space<vmem>>[vector<16xi32>], vector<16xf32>,
        %get3A_1833 = arith.index_cast %add3A_1757 : i32 to index
        %get3A_1834 = arith.constant 48 : index
        %get3A_1835 = tpu.vector_load %arg10[%get3A_1833, %get3A_1834] {strides = array<i32>} : memref<128x64xi32, #tpu.memory_space<vmem>>, vector<16xi32>,
        %shift_left3A_1836 = arith.constant 16 : i32
        %shift_left3A_1837 = vector.broadcast %shift_left3A_1836 : i32 to vector<16xi32>
        %shift_left3A_1838 = arith.shli %get3A_1835, %shift_left3A_1837 : vector<16xi32>
        %bitcast3A_1839 = vector.bitcast %shift_left3A_1838 : vector<16xi32> to vector<16xf32>
        %and3A_1840 = arith.andi %get3A_1835, %broadcast_in_dim3A_27 : vector<16xi32>
        %bitcast3A_1841 = vector.bitcast %and3A_1840 : vector<16xi32> to vector<16xf32>
        %add3A_1842 = arith.constant 96 : i32
        %add3A_1843 = vector.broadcast %add3A_1842 : i32 to vector<16xi32>
        %add3A_1844 = arith.addi %mul3A_19, %add3A_1843 : vector<16xi32>
        %mul3A_1845 = vector.broadcast %squeeze3A_1753 : f32 to vector<16xf32>
        %mul3A_1846 = arith.mulf %bitcast3A_1839, %mul3A_1845 : vector<16xf32>
        %scatter3A_1847 = arith.constant 0 : i32
        %scatter3A_1848 = tpu.memref_slice %arg12[%add3A_1757, %scatter3A_1847] : memref<128x128xf32, #tpu.memory_space<vmem>> -> memref<1x128xf32, #tpu.memory_space<vmem>>
        %scatter3A_1849 = tpu.memref_squeeze %scatter3A_1848 : memref<1x128xf32, #tpu.memory_space<vmem>> -> memref<128xf32, #tpu.memory_space<vmem>>
        tpu.vector_store_idx %scatter3A_1849[%add3A_1844], %mul3A_1846 : memref<128xf32, #tpu.memory_space<vmem>>[vector<16xi32>], vector<16xf32>,
        %add3A_1850 = arith.constant 96 : i32
        %add3A_1851 = vector.broadcast %add3A_1850 : i32 to vector<16xi32>
        %add3A_1852 = arith.addi %add3A_25, %add3A_1851 : vector<16xi32>
        %mul3A_1853 = vector.broadcast %squeeze3A_1753 : f32 to vector<16xf32>
        %mul3A_1854 = arith.mulf %bitcast3A_1841, %mul3A_1853 : vector<16xf32>
        %scatter3A_1855 = arith.constant 0 : i32
        %scatter3A_1856 = tpu.memref_slice %arg12[%add3A_1757, %scatter3A_1855] : memref<128x128xf32, #tpu.memory_space<vmem>> -> memref<1x128xf32, #tpu.memory_space<vmem>>
        %scatter3A_1857 = tpu.memref_squeeze %scatter3A_1856 : memref<1x128xf32, #tpu.memory_space<vmem>> -> memref<128xf32, #tpu.memory_space<vmem>>
        tpu.vector_store_idx %scatter3A_1857[%add3A_1852], %mul3A_1854 : memref<128xf32, #tpu.memory_space<vmem>>[vector<16xi32>], vector<16xf32>,
        %slice3A_1858 = vector.extract_strided_slice %get3A_379 {offsets = [14], sizes = [1], strides = [1]} : vector<16xf32> to vector<1xf32>
        %squeeze3A_1859 = vector.extract %slice3A_1858[0] : f32 from vector<1xf32>
        %mul3A_1860 = arith.constant 16 : i32
        %mul3A_1861 = arith.muli %scan3A_373, %mul3A_1860 : i32
        %add3A_1862 = arith.constant 14 : i32
        %add3A_1863 = arith.addi %mul3A_1861, %add3A_1862 : i32
        %get3A_1864 = arith.index_cast %add3A_1863 : i32 to index
        %get3A_1865 = arith.constant 0 : index
        %get3A_1866 = tpu.vector_load %arg10[%get3A_1864, %get3A_1865] {strides = array<i32>} : memref<128x64xi32, #tpu.memory_space<vmem>>, vector<16xi32>,
        %shift_left3A_1867 = arith.constant 16 : i32
        %shift_left3A_1868 = vector.broadcast %shift_left3A_1867 : i32 to vector<16xi32>
        %shift_left3A_1869 = arith.shli %get3A_1866, %shift_left3A_1868 : vector<16xi32>
        %bitcast3A_1870 = vector.bitcast %shift_left3A_1869 : vector<16xi32> to vector<16xf32>
        %and3A_1871 = arith.andi %get3A_1866, %broadcast_in_dim3A_27 : vector<16xi32>
        %bitcast3A_1872 = vector.bitcast %and3A_1871 : vector<16xi32> to vector<16xf32>
        %add3A_1873 = arith.constant 0 : i32
        %add3A_1874 = vector.broadcast %add3A_1873 : i32 to vector<16xi32>
        %add3A_1875 = arith.addi %mul3A_19, %add3A_1874 : vector<16xi32>
        %mul3A_1876 = vector.broadcast %squeeze3A_1859 : f32 to vector<16xf32>
        %mul3A_1877 = arith.mulf %bitcast3A_1870, %mul3A_1876 : vector<16xf32>
        %scatter3A_1878 = arith.constant 0 : i32
        %scatter3A_1879 = tpu.memref_slice %arg12[%add3A_1863, %scatter3A_1878] : memref<128x128xf32, #tpu.memory_space<vmem>> -> memref<1x128xf32, #tpu.memory_space<vmem>>
        %scatter3A_1880 = tpu.memref_squeeze %scatter3A_1879 : memref<1x128xf32, #tpu.memory_space<vmem>> -> memref<128xf32, #tpu.memory_space<vmem>>
        tpu.vector_store_idx %scatter3A_1880[%add3A_1875], %mul3A_1877 : memref<128xf32, #tpu.memory_space<vmem>>[vector<16xi32>], vector<16xf32>,
        %add3A_1881 = arith.constant 0 : i32
        %add3A_1882 = vector.broadcast %add3A_1881 : i32 to vector<16xi32>
        %add3A_1883 = arith.addi %add3A_25, %add3A_1882 : vector<16xi32>
        %mul3A_1884 = vector.broadcast %squeeze3A_1859 : f32 to vector<16xf32>
        %mul3A_1885 = arith.mulf %bitcast3A_1872, %mul3A_1884 : vector<16xf32>
        %scatter3A_1886 = arith.constant 0 : i32
        %scatter3A_1887 = tpu.memref_slice %arg12[%add3A_1863, %scatter3A_1886] : memref<128x128xf32, #tpu.memory_space<vmem>> -> memref<1x128xf32, #tpu.memory_space<vmem>>
        %scatter3A_1888 = tpu.memref_squeeze %scatter3A_1887 : memref<1x128xf32, #tpu.memory_space<vmem>> -> memref<128xf32, #tpu.memory_space<vmem>>
        tpu.vector_store_idx %scatter3A_1888[%add3A_1883], %mul3A_1885 : memref<128xf32, #tpu.memory_space<vmem>>[vector<16xi32>], vector<16xf32>,
        %get3A_1889 = arith.index_cast %add3A_1863 : i32 to index
        %get3A_1890 = arith.constant 16 : index
        %get3A_1891 = tpu.vector_load %arg10[%get3A_1889, %get3A_1890] {strides = array<i32>} : memref<128x64xi32, #tpu.memory_space<vmem>>, vector<16xi32>,
        %shift_left3A_1892 = arith.constant 16 : i32
        %shift_left3A_1893 = vector.broadcast %shift_left3A_1892 : i32 to vector<16xi32>
        %shift_left3A_1894 = arith.shli %get3A_1891, %shift_left3A_1893 : vector<16xi32>
        %bitcast3A_1895 = vector.bitcast %shift_left3A_1894 : vector<16xi32> to vector<16xf32>
        %and3A_1896 = arith.andi %get3A_1891, %broadcast_in_dim3A_27 : vector<16xi32>
        %bitcast3A_1897 = vector.bitcast %and3A_1896 : vector<16xi32> to vector<16xf32>
        %add3A_1898 = arith.constant 32 : i32
        %add3A_1899 = vector.broadcast %add3A_1898 : i32 to vector<16xi32>
        %add3A_1900 = arith.addi %mul3A_19, %add3A_1899 : vector<16xi32>
        %mul3A_1901 = vector.broadcast %squeeze3A_1859 : f32 to vector<16xf32>
        %mul3A_1902 = arith.mulf %bitcast3A_1895, %mul3A_1901 : vector<16xf32>
        %scatter3A_1903 = arith.constant 0 : i32
        %scatter3A_1904 = tpu.memref_slice %arg12[%add3A_1863, %scatter3A_1903] : memref<128x128xf32, #tpu.memory_space<vmem>> -> memref<1x128xf32, #tpu.memory_space<vmem>>
        %scatter3A_1905 = tpu.memref_squeeze %scatter3A_1904 : memref<1x128xf32, #tpu.memory_space<vmem>> -> memref<128xf32, #tpu.memory_space<vmem>>
        tpu.vector_store_idx %scatter3A_1905[%add3A_1900], %mul3A_1902 : memref<128xf32, #tpu.memory_space<vmem>>[vector<16xi32>], vector<16xf32>,
        %add3A_1906 = arith.constant 32 : i32
        %add3A_1907 = vector.broadcast %add3A_1906 : i32 to vector<16xi32>
        %add3A_1908 = arith.addi %add3A_25, %add3A_1907 : vector<16xi32>
        %mul3A_1909 = vector.broadcast %squeeze3A_1859 : f32 to vector<16xf32>
        %mul3A_1910 = arith.mulf %bitcast3A_1897, %mul3A_1909 : vector<16xf32>
        %scatter3A_1911 = arith.constant 0 : i32
        %scatter3A_1912 = tpu.memref_slice %arg12[%add3A_1863, %scatter3A_1911] : memref<128x128xf32, #tpu.memory_space<vmem>> -> memref<1x128xf32, #tpu.memory_space<vmem>>
        %scatter3A_1913 = tpu.memref_squeeze %scatter3A_1912 : memref<1x128xf32, #tpu.memory_space<vmem>> -> memref<128xf32, #tpu.memory_space<vmem>>
        tpu.vector_store_idx %scatter3A_1913[%add3A_1908], %mul3A_1910 : memref<128xf32, #tpu.memory_space<vmem>>[vector<16xi32>], vector<16xf32>,
        %get3A_1914 = arith.index_cast %add3A_1863 : i32 to index
        %get3A_1915 = arith.constant 32 : index
        %get3A_1916 = tpu.vector_load %arg10[%get3A_1914, %get3A_1915] {strides = array<i32>} : memref<128x64xi32, #tpu.memory_space<vmem>>, vector<16xi32>,
        %shift_left3A_1917 = arith.constant 16 : i32
        %shift_left3A_1918 = vector.broadcast %shift_left3A_1917 : i32 to vector<16xi32>
        %shift_left3A_1919 = arith.shli %get3A_1916, %shift_left3A_1918 : vector<16xi32>
        %bitcast3A_1920 = vector.bitcast %shift_left3A_1919 : vector<16xi32> to vector<16xf32>
        %and3A_1921 = arith.andi %get3A_1916, %broadcast_in_dim3A_27 : vector<16xi32>
        %bitcast3A_1922 = vector.bitcast %and3A_1921 : vector<16xi32> to vector<16xf32>
        %add3A_1923 = arith.constant 64 : i32
        %add3A_1924 = vector.broadcast %add3A_1923 : i32 to vector<16xi32>
        %add3A_1925 = arith.addi %mul3A_19, %add3A_1924 : vector<16xi32>
        %mul3A_1926 = vector.broadcast %squeeze3A_1859 : f32 to vector<16xf32>
        %mul3A_1927 = arith.mulf %bitcast3A_1920, %mul3A_1926 : vector<16xf32>
        %scatter3A_1928 = arith.constant 0 : i32
        %scatter3A_1929 = tpu.memref_slice %arg12[%add3A_1863, %scatter3A_1928] : memref<128x128xf32, #tpu.memory_space<vmem>> -> memref<1x128xf32, #tpu.memory_space<vmem>>
        %scatter3A_1930 = tpu.memref_squeeze %scatter3A_1929 : memref<1x128xf32, #tpu.memory_space<vmem>> -> memref<128xf32, #tpu.memory_space<vmem>>
        tpu.vector_store_idx %scatter3A_1930[%add3A_1925], %mul3A_1927 : memref<128xf32, #tpu.memory_space<vmem>>[vector<16xi32>], vector<16xf32>,
        %add3A_1931 = arith.constant 64 : i32
        %add3A_1932 = vector.broadcast %add3A_1931 : i32 to vector<16xi32>
        %add3A_1933 = arith.addi %add3A_25, %add3A_1932 : vector<16xi32>
        %mul3A_1934 = vector.broadcast %squeeze3A_1859 : f32 to vector<16xf32>
        %mul3A_1935 = arith.mulf %bitcast3A_1922, %mul3A_1934 : vector<16xf32>
        %scatter3A_1936 = arith.constant 0 : i32
        %scatter3A_1937 = tpu.memref_slice %arg12[%add3A_1863, %scatter3A_1936] : memref<128x128xf32, #tpu.memory_space<vmem>> -> memref<1x128xf32, #tpu.memory_space<vmem>>
        %scatter3A_1938 = tpu.memref_squeeze %scatter3A_1937 : memref<1x128xf32, #tpu.memory_space<vmem>> -> memref<128xf32, #tpu.memory_space<vmem>>
        tpu.vector_store_idx %scatter3A_1938[%add3A_1933], %mul3A_1935 : memref<128xf32, #tpu.memory_space<vmem>>[vector<16xi32>], vector<16xf32>,
        %get3A_1939 = arith.index_cast %add3A_1863 : i32 to index
        %get3A_1940 = arith.constant 48 : index
        %get3A_1941 = tpu.vector_load %arg10[%get3A_1939, %get3A_1940] {strides = array<i32>} : memref<128x64xi32, #tpu.memory_space<vmem>>, vector<16xi32>,
        %shift_left3A_1942 = arith.constant 16 : i32
        %shift_left3A_1943 = vector.broadcast %shift_left3A_1942 : i32 to vector<16xi32>
        %shift_left3A_1944 = arith.shli %get3A_1941, %shift_left3A_1943 : vector<16xi32>
        %bitcast3A_1945 = vector.bitcast %shift_left3A_1944 : vector<16xi32> to vector<16xf32>
        %and3A_1946 = arith.andi %get3A_1941, %broadcast_in_dim3A_27 : vector<16xi32>
        %bitcast3A_1947 = vector.bitcast %and3A_1946 : vector<16xi32> to vector<16xf32>
        %add3A_1948 = arith.constant 96 : i32
        %add3A_1949 = vector.broadcast %add3A_1948 : i32 to vector<16xi32>
        %add3A_1950 = arith.addi %mul3A_19, %add3A_1949 : vector<16xi32>
        %mul3A_1951 = vector.broadcast %squeeze3A_1859 : f32 to vector<16xf32>
        %mul3A_1952 = arith.mulf %bitcast3A_1945, %mul3A_1951 : vector<16xf32>
        %scatter3A_1953 = arith.constant 0 : i32
        %scatter3A_1954 = tpu.memref_slice %arg12[%add3A_1863, %scatter3A_1953] : memref<128x128xf32, #tpu.memory_space<vmem>> -> memref<1x128xf32, #tpu.memory_space<vmem>>
        %scatter3A_1955 = tpu.memref_squeeze %scatter3A_1954 : memref<1x128xf32, #tpu.memory_space<vmem>> -> memref<128xf32, #tpu.memory_space<vmem>>
        tpu.vector_store_idx %scatter3A_1955[%add3A_1950], %mul3A_1952 : memref<128xf32, #tpu.memory_space<vmem>>[vector<16xi32>], vector<16xf32>,
        %add3A_1956 = arith.constant 96 : i32
        %add3A_1957 = vector.broadcast %add3A_1956 : i32 to vector<16xi32>
        %add3A_1958 = arith.addi %add3A_25, %add3A_1957 : vector<16xi32>
        %mul3A_1959 = vector.broadcast %squeeze3A_1859 : f32 to vector<16xf32>
        %mul3A_1960 = arith.mulf %bitcast3A_1947, %mul3A_1959 : vector<16xf32>
        %scatter3A_1961 = arith.constant 0 : i32
        %scatter3A_1962 = tpu.memref_slice %arg12[%add3A_1863, %scatter3A_1961] : memref<128x128xf32, #tpu.memory_space<vmem>> -> memref<1x128xf32, #tpu.memory_space<vmem>>
        %scatter3A_1963 = tpu.memref_squeeze %scatter3A_1962 : memref<1x128xf32, #tpu.memory_space<vmem>> -> memref<128xf32, #tpu.memory_space<vmem>>
        tpu.vector_store_idx %scatter3A_1963[%add3A_1958], %mul3A_1960 : memref<128xf32, #tpu.memory_space<vmem>>[vector<16xi32>], vector<16xf32>,
        %slice3A_1964 = vector.extract_strided_slice %get3A_379 {offsets = [15], sizes = [1], strides = [1]} : vector<16xf32> to vector<1xf32>
        %squeeze3A_1965 = vector.extract %slice3A_1964[0] : f32 from vector<1xf32>
        %mul3A_1966 = arith.constant 16 : i32
        %mul3A_1967 = arith.muli %scan3A_373, %mul3A_1966 : i32
        %add3A_1968 = arith.constant 15 : i32
        %add3A_1969 = arith.addi %mul3A_1967, %add3A_1968 : i32
        %get3A_1970 = arith.index_cast %add3A_1969 : i32 to index
        %get3A_1971 = arith.constant 0 : index
        %get3A_1972 = tpu.vector_load %arg10[%get3A_1970, %get3A_1971] {strides = array<i32>} : memref<128x64xi32, #tpu.memory_space<vmem>>, vector<16xi32>,
        %shift_left3A_1973 = arith.constant 16 : i32
        %shift_left3A_1974 = vector.broadcast %shift_left3A_1973 : i32 to vector<16xi32>
        %shift_left3A_1975 = arith.shli %get3A_1972, %shift_left3A_1974 : vector<16xi32>
        %bitcast3A_1976 = vector.bitcast %shift_left3A_1975 : vector<16xi32> to vector<16xf32>
        %and3A_1977 = arith.andi %get3A_1972, %broadcast_in_dim3A_27 : vector<16xi32>
        %bitcast3A_1978 = vector.bitcast %and3A_1977 : vector<16xi32> to vector<16xf32>
        %add3A_1979 = arith.constant 0 : i32
        %add3A_1980 = vector.broadcast %add3A_1979 : i32 to vector<16xi32>
        %add3A_1981 = arith.addi %mul3A_19, %add3A_1980 : vector<16xi32>
        %mul3A_1982 = vector.broadcast %squeeze3A_1965 : f32 to vector<16xf32>
        %mul3A_1983 = arith.mulf %bitcast3A_1976, %mul3A_1982 : vector<16xf32>
        %scatter3A_1984 = arith.constant 0 : i32
        %scatter3A_1985 = tpu.memref_slice %arg12[%add3A_1969, %scatter3A_1984] : memref<128x128xf32, #tpu.memory_space<vmem>> -> memref<1x128xf32, #tpu.memory_space<vmem>>
        %scatter3A_1986 = tpu.memref_squeeze %scatter3A_1985 : memref<1x128xf32, #tpu.memory_space<vmem>> -> memref<128xf32, #tpu.memory_space<vmem>>
        tpu.vector_store_idx %scatter3A_1986[%add3A_1981], %mul3A_1983 : memref<128xf32, #tpu.memory_space<vmem>>[vector<16xi32>], vector<16xf32>,
        %add3A_1987 = arith.constant 0 : i32
        %add3A_1988 = vector.broadcast %add3A_1987 : i32 to vector<16xi32>
        %add3A_1989 = arith.addi %add3A_25, %add3A_1988 : vector<16xi32>
        %mul3A_1990 = vector.broadcast %squeeze3A_1965 : f32 to vector<16xf32>
        %mul3A_1991 = arith.mulf %bitcast3A_1978, %mul3A_1990 : vector<16xf32>
        %scatter3A_1992 = arith.constant 0 : i32
        %scatter3A_1993 = tpu.memref_slice %arg12[%add3A_1969, %scatter3A_1992] : memref<128x128xf32, #tpu.memory_space<vmem>> -> memref<1x128xf32, #tpu.memory_space<vmem>>
        %scatter3A_1994 = tpu.memref_squeeze %scatter3A_1993 : memref<1x128xf32, #tpu.memory_space<vmem>> -> memref<128xf32, #tpu.memory_space<vmem>>
        tpu.vector_store_idx %scatter3A_1994[%add3A_1989], %mul3A_1991 : memref<128xf32, #tpu.memory_space<vmem>>[vector<16xi32>], vector<16xf32>,
        %get3A_1995 = arith.index_cast %add3A_1969 : i32 to index
        %get3A_1996 = arith.constant 16 : index
        %get3A_1997 = tpu.vector_load %arg10[%get3A_1995, %get3A_1996] {strides = array<i32>} : memref<128x64xi32, #tpu.memory_space<vmem>>, vector<16xi32>,
        %shift_left3A_1998 = arith.constant 16 : i32
        %shift_left3A_1999 = vector.broadcast %shift_left3A_1998 : i32 to vector<16xi32>
        %shift_left3A_2000 = arith.shli %get3A_1997, %shift_left3A_1999 : vector<16xi32>
        %bitcast3A_2001 = vector.bitcast %shift_left3A_2000 : vector<16xi32> to vector<16xf32>
        %and3A_2002 = arith.andi %get3A_1997, %broadcast_in_dim3A_27 : vector<16xi32>
        %bitcast3A_2003 = vector.bitcast %and3A_2002 : vector<16xi32> to vector<16xf32>
        %add3A_2004 = arith.constant 32 : i32
        %add3A_2005 = vector.broadcast %add3A_2004 : i32 to vector<16xi32>
        %add3A_2006 = arith.addi %mul3A_19, %add3A_2005 : vector<16xi32>
        %mul3A_2007 = vector.broadcast %squeeze3A_1965 : f32 to vector<16xf32>
        %mul3A_2008 = arith.mulf %bitcast3A_2001, %mul3A_2007 : vector<16xf32>
        %scatter3A_2009 = arith.constant 0 : i32
        %scatter3A_2010 = tpu.memref_slice %arg12[%add3A_1969, %scatter3A_2009] : memref<128x128xf32, #tpu.memory_space<vmem>> -> memref<1x128xf32, #tpu.memory_space<vmem>>
        %scatter3A_2011 = tpu.memref_squeeze %scatter3A_2010 : memref<1x128xf32, #tpu.memory_space<vmem>> -> memref<128xf32, #tpu.memory_space<vmem>>
        tpu.vector_store_idx %scatter3A_2011[%add3A_2006], %mul3A_2008 : memref<128xf32, #tpu.memory_space<vmem>>[vector<16xi32>], vector<16xf32>,
        %add3A_2012 = arith.constant 32 : i32
        %add3A_2013 = vector.broadcast %add3A_2012 : i32 to vector<16xi32>
        %add3A_2014 = arith.addi %add3A_25, %add3A_2013 : vector<16xi32>
        %mul3A_2015 = vector.broadcast %squeeze3A_1965 : f32 to vector<16xf32>
        %mul3A_2016 = arith.mulf %bitcast3A_2003, %mul3A_2015 : vector<16xf32>
        %scatter3A_2017 = arith.constant 0 : i32
        %scatter3A_2018 = tpu.memref_slice %arg12[%add3A_1969, %scatter3A_2017] : memref<128x128xf32, #tpu.memory_space<vmem>> -> memref<1x128xf32, #tpu.memory_space<vmem>>
        %scatter3A_2019 = tpu.memref_squeeze %scatter3A_2018 : memref<1x128xf32, #tpu.memory_space<vmem>> -> memref<128xf32, #tpu.memory_space<vmem>>
        tpu.vector_store_idx %scatter3A_2019[%add3A_2014], %mul3A_2016 : memref<128xf32, #tpu.memory_space<vmem>>[vector<16xi32>], vector<16xf32>,
        %get3A_2020 = arith.index_cast %add3A_1969 : i32 to index
        %get3A_2021 = arith.constant 32 : index
        %get3A_2022 = tpu.vector_load %arg10[%get3A_2020, %get3A_2021] {strides = array<i32>} : memref<128x64xi32, #tpu.memory_space<vmem>>, vector<16xi32>,
        %shift_left3A_2023 = arith.constant 16 : i32
        %shift_left3A_2024 = vector.broadcast %shift_left3A_2023 : i32 to vector<16xi32>
        %shift_left3A_2025 = arith.shli %get3A_2022, %shift_left3A_2024 : vector<16xi32>
        %bitcast3A_2026 = vector.bitcast %shift_left3A_2025 : vector<16xi32> to vector<16xf32>
        %and3A_2027 = arith.andi %get3A_2022, %broadcast_in_dim3A_27 : vector<16xi32>
        %bitcast3A_2028 = vector.bitcast %and3A_2027 : vector<16xi32> to vector<16xf32>
        %add3A_2029 = arith.constant 64 : i32
        %add3A_2030 = vector.broadcast %add3A_2029 : i32 to vector<16xi32>
        %add3A_2031 = arith.addi %mul3A_19, %add3A_2030 : vector<16xi32>
        %mul3A_2032 = vector.broadcast %squeeze3A_1965 : f32 to vector<16xf32>
        %mul3A_2033 = arith.mulf %bitcast3A_2026, %mul3A_2032 : vector<16xf32>
        %scatter3A_2034 = arith.constant 0 : i32
        %scatter3A_2035 = tpu.memref_slice %arg12[%add3A_1969, %scatter3A_2034] : memref<128x128xf32, #tpu.memory_space<vmem>> -> memref<1x128xf32, #tpu.memory_space<vmem>>
        %scatter3A_2036 = tpu.memref_squeeze %scatter3A_2035 : memref<1x128xf32, #tpu.memory_space<vmem>> -> memref<128xf32, #tpu.memory_space<vmem>>
        tpu.vector_store_idx %scatter3A_2036[%add3A_2031], %mul3A_2033 : memref<128xf32, #tpu.memory_space<vmem>>[vector<16xi32>], vector<16xf32>,
        %add3A_2037 = arith.constant 64 : i32
        %add3A_2038 = vector.broadcast %add3A_2037 : i32 to vector<16xi32>
        %add3A_2039 = arith.addi %add3A_25, %add3A_2038 : vector<16xi32>
        %mul3A_2040 = vector.broadcast %squeeze3A_1965 : f32 to vector<16xf32>
        %mul3A_2041 = arith.mulf %bitcast3A_2028, %mul3A_2040 : vector<16xf32>
        %scatter3A_2042 = arith.constant 0 : i32
        %scatter3A_2043 = tpu.memref_slice %arg12[%add3A_1969, %scatter3A_2042] : memref<128x128xf32, #tpu.memory_space<vmem>> -> memref<1x128xf32, #tpu.memory_space<vmem>>
        %scatter3A_2044 = tpu.memref_squeeze %scatter3A_2043 : memref<1x128xf32, #tpu.memory_space<vmem>> -> memref<128xf32, #tpu.memory_space<vmem>>
        tpu.vector_store_idx %scatter3A_2044[%add3A_2039], %mul3A_2041 : memref<128xf32, #tpu.memory_space<vmem>>[vector<16xi32>], vector<16xf32>,
        %get3A_2045 = arith.index_cast %add3A_1969 : i32 to index
        %get3A_2046 = arith.constant 48 : index
        %get3A_2047 = tpu.vector_load %arg10[%get3A_2045, %get3A_2046] {strides = array<i32>} : memref<128x64xi32, #tpu.memory_space<vmem>>, vector<16xi32>,
        %shift_left3A_2048 = arith.constant 16 : i32
        %shift_left3A_2049 = vector.broadcast %shift_left3A_2048 : i32 to vector<16xi32>
        %shift_left3A_2050 = arith.shli %get3A_2047, %shift_left3A_2049 : vector<16xi32>
        %bitcast3A_2051 = vector.bitcast %shift_left3A_2050 : vector<16xi32> to vector<16xf32>
        %and3A_2052 = arith.andi %get3A_2047, %broadcast_in_dim3A_27 : vector<16xi32>
        %bitcast3A_2053 = vector.bitcast %and3A_2052 : vector<16xi32> to vector<16xf32>
        %add3A_2054 = arith.constant 96 : i32
        %add3A_2055 = vector.broadcast %add3A_2054 : i32 to vector<16xi32>
        %add3A_2056 = arith.addi %mul3A_19, %add3A_2055 : vector<16xi32>
        %mul3A_2057 = vector.broadcast %squeeze3A_1965 : f32 to vector<16xf32>
        %mul3A_2058 = arith.mulf %bitcast3A_2051, %mul3A_2057 : vector<16xf32>
        %scatter3A_2059 = arith.constant 0 : i32
        %scatter3A_2060 = tpu.memref_slice %arg12[%add3A_1969, %scatter3A_2059] : memref<128x128xf32, #tpu.memory_space<vmem>> -> memref<1x128xf32, #tpu.memory_space<vmem>>
        %scatter3A_2061 = tpu.memref_squeeze %scatter3A_2060 : memref<1x128xf32, #tpu.memory_space<vmem>> -> memref<128xf32, #tpu.memory_space<vmem>>
        tpu.vector_store_idx %scatter3A_2061[%add3A_2056], %mul3A_2058 : memref<128xf32, #tpu.memory_space<vmem>>[vector<16xi32>], vector<16xf32>,
        %add3A_2062 = arith.constant 96 : i32
        %add3A_2063 = vector.broadcast %add3A_2062 : i32 to vector<16xi32>
        %add3A_2064 = arith.addi %add3A_25, %add3A_2063 : vector<16xi32>
        %mul3A_2065 = vector.broadcast %squeeze3A_1965 : f32 to vector<16xf32>
        %mul3A_2066 = arith.mulf %bitcast3A_2053, %mul3A_2065 : vector<16xf32>
        %scatter3A_2067 = arith.constant 0 : i32
        %scatter3A_2068 = tpu.memref_slice %arg12[%add3A_1969, %scatter3A_2067] : memref<128x128xf32, #tpu.memory_space<vmem>> -> memref<1x128xf32, #tpu.memory_space<vmem>>
        %scatter3A_2069 = tpu.memref_squeeze %scatter3A_2068 : memref<1x128xf32, #tpu.memory_space<vmem>> -> memref<128xf32, #tpu.memory_space<vmem>>
        tpu.vector_store_idx %scatter3A_2069[%add3A_2064], %mul3A_2066 : memref<128xf32, #tpu.memory_space<vmem>>[vector<16xi32>], vector<16xf32>,
        %scan3A_2070 = arith.constant 0 : i32
        scf.yield %scan3A_2070 : i32
      }
      %scan3A_216 = arith.constant 8 : i32
      %run_scoped3A_217 = arith.constant 0 : i32
      "tpu.region"() ({
        %run_scoped3A_373 = tpu.sem_alloc : memref<!tpu.dma_semaphore, #tpu.memory_space<semaphore_mem>>
        %dma_start3A_374 = arith.constant 0 : i32
        %dma_start3A_375 = tpu.memref_slice %arg8[%run_scoped3A_217, %dma_start3A_374] : memref<2x128xi32, #tpu.memory_space<vmem>> -> memref<1x128xi32, #tpu.memory_space<vmem>>
        %dma_start3A_376 = tpu.memref_squeeze %dma_start3A_375 : memref<1x128xi32, #tpu.memory_space<vmem>> -> memref<128xi32, #tpu.memory_space<vmem>>
        %dma_start3A_377 = arith.constant 0 : i32
        %dma_start3A_378 = arith.constant 0 : i32
        %dma_start3A_379 = tpu.memref_slice %arg14[%dma_start3A_377, %dma_start3A_378] : memref<10000x128xf32, #tpu.memory_space<vmem_shared>> -> memref<10000x128xf32, #tpu.memory_space<vmem_shared>>
        tpu.enqueue_indirect_dma source(%arg12 : memref<128x128xf32, #tpu.memory_space<vmem>>) target(%dma_start3A_379 : memref<10000x128xf32, #tpu.memory_space<vmem_shared>>) offsets(%dma_start3A_376 : memref<128xi32, #tpu.memory_space<vmem>>) semaphore(%run_scoped3A_373 : memref<!tpu.dma_semaphore, #tpu.memory_space<semaphore_mem>>) {add = true}
        %dma_wait3A_380 = arith.constant 0 : i32
        %dma_wait3A_381 = tpu.memref_slice %arg8[%run_scoped3A_217, %dma_wait3A_380] : memref<2x128xi32, #tpu.memory_space<vmem>> -> memref<1x128xi32, #tpu.memory_space<vmem>>
        %dma_wait3A_382 = tpu.memref_squeeze %dma_wait3A_381 : memref<1x128xi32, #tpu.memory_space<vmem>> -> memref<128xi32, #tpu.memory_space<vmem>>
        %dma_wait3A_383 = arith.constant 0 : i32
        %dma_wait3A_384 = arith.constant 0 : i32
        %dma_wait3A_385 = tpu.memref_slice %arg14[%dma_wait3A_383, %dma_wait3A_384] : memref<10000x128xf32, #tpu.memory_space<vmem_shared>> -> memref<10000x128xf32, #tpu.memory_space<vmem_shared>>
        tpu.wait_indirect_dma semaphore(%run_scoped3A_373 : memref<!tpu.dma_semaphore, #tpu.memory_space<semaphore_mem>>) src(%arg12 : memref<128x128xf32, #tpu.memory_space<vmem>>) dst(%dma_wait3A_385 : memref<10000x128xf32, #tpu.memory_space<vmem_shared>>)
        tpu.yield
      }) : () -> ()
      %add3A_218 = arith.constant 2 : i32
      %add3A_219 = arith.addi %mul3A_131, %add3A_218 : i32
      %rem3A_220 = arith.constant 80 : i32
      %rem3A_221 = arith.remsi %add3A_219, %rem3A_220 : i32
      %mul3A_222 = arith.constant 128 : i32
      %mul3A_223 = arith.muli %rem3A_221, %mul3A_222 : i32
      %add3A_224 = arith.addi %mul3A_2, %mul3A_223 : i32
      %dma_start3A_225 = arith.constant 0 : i32
      %dma_start3A_226 = arith.constant 0 : i32
      %dma_start3A_227 = tpu.memref_slice %arg8[%dma_start3A_225, %dma_start3A_226] : memref<2x128xi32, #tpu.memory_space<vmem>> -> memref<1x128xi32, #tpu.memory_space<vmem>>
      %dma_start3A_228 = tpu.memref_squeeze %dma_start3A_227 : memref<1x128xi32, #tpu.memory_space<vmem>> -> memref<128xi32, #tpu.memory_space<vmem>>
      %dma_start3A_229 = tpu.memref_slice %arg3[%add3A_224] : memref<327680xi32, #tpu.memory_space<hbm>> -> memref<128xi32, #tpu.memory_space<hbm>>
      %dma_start3A_230 = arith.constant 0 : i32
      %dma_start3A_231 = tpu.memref_slice %arg8[%dma_start3A_225, %dma_start3A_230] : memref<2x128xi32, #tpu.memory_space<vmem>> -> memref<1x128xi32, #tpu.memory_space<vmem>>
      %dma_start3A_232 = tpu.memref_squeeze %dma_start3A_231 : memref<1x128xi32, #tpu.memory_space<vmem>> -> memref<128xi32, #tpu.memory_space<vmem>>
      %dma_start3A_233 = tpu.memref_slice %arg3[%add3A_224] : memref<327680xi32, #tpu.memory_space<hbm>> -> memref<128xi32, #tpu.memory_space<hbm>>
      tpu.enqueue_dma source(%dma_start3A_233 : memref<128xi32, #tpu.memory_space<hbm>>) target(%dma_start3A_232 : memref<128xi32, #tpu.memory_space<vmem>>) target_semaphore(%arg17 : memref<!tpu.dma_semaphore, #tpu.memory_space<semaphore_mem>>)
      %add3A_234 = arith.constant 2 : i32
      %add3A_235 = arith.addi %mul3A_131, %add3A_234 : i32
      %rem3A_236 = arith.constant 80 : i32
      %rem3A_237 = arith.remsi %add3A_235, %rem3A_236 : i32
      %mul3A_238 = arith.constant 128 : i32
      %mul3A_239 = arith.muli %rem3A_237, %mul3A_238 : i32
      %add3A_240 = arith.addi %mul3A_2, %mul3A_239 : i32
      %dma_start3A_241 = arith.constant 0 : i32
      %dma_start3A_242 = arith.constant 0 : i32
      %dma_start3A_243 = tpu.memref_slice %arg9[%dma_start3A_241, %dma_start3A_242] : memref<2x128xf32, #tpu.memory_space<vmem>> -> memref<1x128xf32, #tpu.memory_space<vmem>>
      %dma_start3A_244 = tpu.memref_squeeze %dma_start3A_243 : memref<1x128xf32, #tpu.memory_space<vmem>> -> memref<128xf32, #tpu.memory_space<vmem>>
      %dma_start3A_245 = tpu.memref_slice %arg4[%add3A_240] : memref<327680xf32, #tpu.memory_space<hbm>> -> memref<128xf32, #tpu.memory_space<hbm>>
      %dma_start3A_246 = arith.constant 0 : i32
      %dma_start3A_247 = tpu.memref_slice %arg9[%dma_start3A_241, %dma_start3A_246] : memref<2x128xf32, #tpu.memory_space<vmem>> -> memref<1x128xf32, #tpu.memory_space<vmem>>
      %dma_start3A_248 = tpu.memref_squeeze %dma_start3A_247 : memref<1x128xf32, #tpu.memory_space<vmem>> -> memref<128xf32, #tpu.memory_space<vmem>>
      %dma_start3A_249 = tpu.memref_slice %arg4[%add3A_240] : memref<327680xf32, #tpu.memory_space<hbm>> -> memref<128xf32, #tpu.memory_space<hbm>>
      tpu.enqueue_dma source(%dma_start3A_249 : memref<128xf32, #tpu.memory_space<hbm>>) target(%dma_start3A_248 : memref<128xf32, #tpu.memory_space<vmem>>) target_semaphore(%arg17 : memref<!tpu.dma_semaphore, #tpu.memory_space<semaphore_mem>>)
      %mul3A_250 = arith.constant 2 : i32
      %mul3A_251 = arith.muli %mul3A_250, %scan3A_128 : i32
      %add3A_252 = arith.constant 1 : i32
      %add3A_253 = arith.addi %mul3A_251, %add3A_252 : i32
      %add3A_254 = arith.constant 1 : i32
      %add3A_255 = arith.addi %add3A_253, %add3A_254 : i32
      %rem3A_256 = arith.constant 80 : i32
      %rem3A_257 = arith.remsi %add3A_255, %rem3A_256 : i32
      %mul3A_258 = arith.constant 128 : i32
      %mul3A_259 = arith.muli %rem3A_257, %mul3A_258 : i32
      %add3A_260 = arith.addi %mul3A_2, %mul3A_259 : i32
      %dma_wait3A_261 = arith.constant 0 : i32
      %dma_wait3A_262 = arith.constant 0 : i32
      %dma_wait3A_263 = tpu.memref_slice %arg7[%dma_wait3A_261, %dma_wait3A_262] : memref<2x128xi32, #tpu.memory_space<vmem>> -> memref<1x128xi32, #tpu.memory_space<vmem>>
      %dma_wait3A_264 = tpu.memref_squeeze %dma_wait3A_263 : memref<1x128xi32, #tpu.memory_space<vmem>> -> memref<128xi32, #tpu.memory_space<vmem>>
      %dma_wait3A_265 = tpu.memref_slice %arg2[%add3A_260] : memref<327680xi32, #tpu.memory_space<hbm>> -> memref<128xi32, #tpu.memory_space<hbm>>
      %dma_wait3A_266 = arith.constant 0 : i32
      %dma_wait3A_267 = tpu.memref_slice %arg7[%dma_wait3A_261, %dma_wait3A_266] : memref<2x128xi32, #tpu.memory_space<vmem>> -> memref<1x128xi32, #tpu.memory_space<vmem>>
      %dma_wait3A_268 = tpu.memref_squeeze %dma_wait3A_267 : memref<1x128xi32, #tpu.memory_space<vmem>> -> memref<128xi32, #tpu.memory_space<vmem>>
      %dma_wait3A_269 = tpu.memref_slice %arg2[%add3A_260] : memref<327680xi32, #tpu.memory_space<hbm>> -> memref<128xi32, #tpu.memory_space<hbm>>
      tpu.wait_dma2 semaphore(%arg15 : memref<!tpu.dma_semaphore, #tpu.memory_space<semaphore_mem>>) src(%dma_wait3A_269 : memref<128xi32, #tpu.memory_space<hbm>>) dst(%dma_wait3A_268 : memref<128xi32, #tpu.memory_space<vmem>>)
      %add3A_270 = arith.constant 1 : i32
      %add3A_271 = arith.addi %add3A_253, %add3A_270 : i32
      %rem3A_272 = arith.constant 80 : i32
      %rem3A_273 = arith.remsi %add3A_271, %rem3A_272 : i32
      %mul3A_274 = arith.constant 128 : i32
      %mul3A_275 = arith.muli %rem3A_273, %mul3A_274 : i32
      %add3A_276 = arith.addi %mul3A_2, %mul3A_275 : i32
      %dma_wait3A_277 = arith.constant 0 : i32
      %dma_wait3A_278 = arith.constant 0 : i32
      %dma_wait3A_279 = tpu.memref_slice %arg8[%dma_wait3A_277, %dma_wait3A_278] : memref<2x128xi32, #tpu.memory_space<vmem>> -> memref<1x128xi32, #tpu.memory_space<vmem>>
      %dma_wait3A_280 = tpu.memref_squeeze %dma_wait3A_279 : memref<1x128xi32, #tpu.memory_space<vmem>> -> memref<128xi32, #tpu.memory_space<vmem>>
      %dma_wait3A_281 = tpu.memref_slice %arg3[%add3A_276] : memref<327680xi32, #tpu.memory_space<hbm>> -> memref<128xi32, #tpu.memory_space<hbm>>
      %dma_wait3A_282 = arith.constant 0 : i32
      %dma_wait3A_283 = tpu.memref_slice %arg8[%dma_wait3A_277, %dma_wait3A_282] : memref<2x128xi32, #tpu.memory_space<vmem>> -> memref<1x128xi32, #tpu.memory_space<vmem>>
      %dma_wait3A_284 = tpu.memref_squeeze %dma_wait3A_283 : memref<1x128xi32, #tpu.memory_space<vmem>> -> memref<128xi32, #tpu.memory_space<vmem>>
      %dma_wait3A_285 = tpu.memref_slice %arg3[%add3A_276] : memref<327680xi32, #tpu.memory_space<hbm>> -> memref<128xi32, #tpu.memory_space<hbm>>
      tpu.wait_dma2 semaphore(%arg17 : memref<!tpu.dma_semaphore, #tpu.memory_space<semaphore_mem>>) src(%dma_wait3A_285 : memref<128xi32, #tpu.memory_space<hbm>>) dst(%dma_wait3A_284 : memref<128xi32, #tpu.memory_space<vmem>>)
      %add3A_286 = arith.constant 1 : i32
      %add3A_287 = arith.addi %add3A_253, %add3A_286 : i32
      %rem3A_288 = arith.constant 80 : i32
      %rem3A_289 = arith.remsi %add3A_287, %rem3A_288 : i32
      %mul3A_290 = arith.constant 128 : i32
      %mul3A_291 = arith.muli %rem3A_289, %mul3A_290 : i32
      %add3A_292 = arith.addi %mul3A_2, %mul3A_291 : i32
      %dma_wait3A_293 = arith.constant 0 : i32
      %dma_wait3A_294 = arith.constant 0 : i32
      %dma_wait3A_295 = tpu.memref_slice %arg9[%dma_wait3A_293, %dma_wait3A_294] : memref<2x128xf32, #tpu.memory_space<vmem>> -> memref<1x128xf32, #tpu.memory_space<vmem>>
      %dma_wait3A_296 = tpu.memref_squeeze %dma_wait3A_295 : memref<1x128xf32, #tpu.memory_space<vmem>> -> memref<128xf32, #tpu.memory_space<vmem>>
      %dma_wait3A_297 = tpu.memref_slice %arg4[%add3A_292] : memref<327680xf32, #tpu.memory_space<hbm>> -> memref<128xf32, #tpu.memory_space<hbm>>
      %dma_wait3A_298 = arith.constant 0 : i32
      %dma_wait3A_299 = tpu.memref_slice %arg9[%dma_wait3A_293, %dma_wait3A_298] : memref<2x128xf32, #tpu.memory_space<vmem>> -> memref<1x128xf32, #tpu.memory_space<vmem>>
      %dma_wait3A_300 = tpu.memref_squeeze %dma_wait3A_299 : memref<1x128xf32, #tpu.memory_space<vmem>> -> memref<128xf32, #tpu.memory_space<vmem>>
      %dma_wait3A_301 = tpu.memref_slice %arg4[%add3A_292] : memref<327680xf32, #tpu.memory_space<hbm>> -> memref<128xf32, #tpu.memory_space<hbm>>
      tpu.wait_dma2 semaphore(%arg17 : memref<!tpu.dma_semaphore, #tpu.memory_space<semaphore_mem>>) src(%dma_wait3A_301 : memref<128xf32, #tpu.memory_space<hbm>>) dst(%dma_wait3A_300 : memref<128xf32, #tpu.memory_space<vmem>>)
      %dma_start3A_302 = arith.constant 0 : i32
      %dma_start3A_303 = arith.constant 0 : i32
      %dma_start3A_304 = tpu.memref_slice %arg7[%dma_start3A_302, %dma_start3A_303] : memref<2x128xi32, #tpu.memory_space<vmem>> -> memref<1x128xi32, #tpu.memory_space<vmem>>
      %dma_start3A_305 = tpu.memref_squeeze %dma_start3A_304 : memref<1x128xi32, #tpu.memory_space<vmem>> -> memref<128xi32, #tpu.memory_space<vmem>>
      %dma_start3A_306 = arith.constant 0 : i32
      %dma_start3A_307 = arith.constant 0 : i32
      %dma_start3A_308 = tpu.memref_slice %arg5[%dma_start3A_306, %dma_start3A_307] : memref<10000x64xi32, #tpu.memory_space<hbm>> -> memref<10000x64xi32, #tpu.memory_space<hbm>>
      tpu.enqueue_indirect_dma source(%dma_start3A_308 : memref<10000x64xi32, #tpu.memory_space<hbm>>) target(%arg10 : memref<128x64xi32, #tpu.memory_space<vmem>>) offsets(%dma_start3A_305 : memref<128xi32, #tpu.memory_space<vmem>>) semaphore(%arg19 : memref<!tpu.dma_semaphore, #tpu.memory_space<semaphore_mem>>)
      %add3A_309 = arith.constant 2 : i32
      %add3A_310 = arith.addi %add3A_253, %add3A_309 : i32
      %rem3A_311 = arith.constant 80 : i32
      %rem3A_312 = arith.remsi %add3A_310, %rem3A_311 : i32
      %mul3A_313 = arith.constant 128 : i32
      %mul3A_314 = arith.muli %rem3A_312, %mul3A_313 : i32
      %add3A_315 = arith.addi %mul3A_2, %mul3A_314 : i32
      %dma_start3A_316 = arith.constant 1 : i32
      %dma_start3A_317 = arith.constant 0 : i32
      %dma_start3A_318 = tpu.memref_slice %arg7[%dma_start3A_316, %dma_start3A_317] : memref<2x128xi32, #tpu.memory_space<vmem>> -> memref<1x128xi32, #tpu.memory_space<vmem>>
      %dma_start3A_319 = tpu.memref_squeeze %dma_start3A_318 : memref<1x128xi32, #tpu.memory_space<vmem>> -> memref<128xi32, #tpu.memory_space<vmem>>
      %dma_start3A_320 = tpu.memref_slice %arg2[%add3A_315] : memref<327680xi32, #tpu.memory_space<hbm>> -> memref<128xi32, #tpu.memory_space<hbm>>
      %dma_start3A_321 = arith.constant 0 : i32
      %dma_start3A_322 = tpu.memref_slice %arg7[%dma_start3A_316, %dma_start3A_321] : memref<2x128xi32, #tpu.memory_space<vmem>> -> memref<1x128xi32, #tpu.memory_space<vmem>>
      %dma_start3A_323 = tpu.memref_squeeze %dma_start3A_322 : memref<1x128xi32, #tpu.memory_space<vmem>> -> memref<128xi32, #tpu.memory_space<vmem>>
      %dma_start3A_324 = tpu.memref_slice %arg2[%add3A_315] : memref<327680xi32, #tpu.memory_space<hbm>> -> memref<128xi32, #tpu.memory_space<hbm>>
      tpu.enqueue_dma source(%dma_start3A_324 : memref<128xi32, #tpu.memory_space<hbm>>) target(%dma_start3A_323 : memref<128xi32, #tpu.memory_space<vmem>>) target_semaphore(%arg16 : memref<!tpu.dma_semaphore, #tpu.memory_space<semaphore_mem>>)
      %dma_wait3A_325 = arith.constant 1 : i32
      %dma_wait3A_326 = arith.constant 0 : i32
      %dma_wait3A_327 = tpu.memref_slice %arg7[%dma_wait3A_325, %dma_wait3A_326] : memref<2x128xi32, #tpu.memory_space<vmem>> -> memref<1x128xi32, #tpu.memory_space<vmem>>
      %dma_wait3A_328 = tpu.memref_squeeze %dma_wait3A_327 : memref<1x128xi32, #tpu.memory_space<vmem>> -> memref<128xi32, #tpu.memory_space<vmem>>
      %dma_wait3A_329 = arith.constant 0 : i32
      %dma_wait3A_330 = arith.constant 0 : i32
      %dma_wait3A_331 = tpu.memref_slice %arg5[%dma_wait3A_329, %dma_wait3A_330] : memref<10000x64xi32, #tpu.memory_space<hbm>> -> memref<10000x64xi32, #tpu.memory_space<hbm>>
      tpu.wait_indirect_dma semaphore(%arg20 : memref<!tpu.dma_semaphore, #tpu.memory_space<semaphore_mem>>) src(%dma_wait3A_331 : memref<10000x64xi32, #tpu.memory_space<hbm>>) dst(%arg11 : memref<128x64xi32, #tpu.memory_space<vmem>>)
      %scan3A_332 = arith.constant 0 : i32
      %scan3A_333 = arith.constant 0 : i32
      %scan3A_334 = arith.constant 8 : i32
      %scan3A_335 = arith.addi %scan3A_333, %scan3A_334 : i32
      %scan3A_336 = arith.constant 1 : i32
      %scan3A_337 = scf.for %scan3A_373 = %scan3A_333 to %scan3A_335 step %scan3A_336 iter_args(%scan3A_374 = %scan3A_332) -> (i32)  : i32 {
        %mul3A_375 = arith.constant 16 : i32
        %mul3A_376 = arith.muli %scan3A_373, %mul3A_375 : i32
        %get3A = arith.constant 1 : i32
        %get3A_377 = arith.index_cast %get3A : i32 to index
        %get3A_378 = arith.index_cast %mul3A_376 : i32 to index
        %get3A_379 = tpu.vector_load %arg9[%get3A_377, %get3A_378] {strides = array<i32>} : memref<2x128xf32, #tpu.memory_space<vmem>>, vector<16xf32>,
        %slice3A = vector.extract_strided_slice %get3A_379 {offsets = [0], sizes = [1], strides = [1]} : vector<16xf32> to vector<1xf32>
        %squeeze3A = vector.extract %slice3A[0] : f32 from vector<1xf32>
        %mul3A_380 = arith.constant 16 : i32
        %mul3A_381 = arith.muli %scan3A_373, %mul3A_380 : i32
        %add3A_382 = arith.constant 0 : i32
        %add3A_383 = arith.addi %mul3A_381, %add3A_382 : i32
        %get3A_384 = arith.index_cast %add3A_383 : i32 to index
        %get3A_385 = arith.constant 0 : index
        %get3A_386 = tpu.vector_load %arg11[%get3A_384, %get3A_385] {strides = array<i32>} : memref<128x64xi32, #tpu.memory_space<vmem>>, vector<16xi32>,
        %shift_left3A = arith.constant 16 : i32
        %shift_left3A_387 = vector.broadcast %shift_left3A : i32 to vector<16xi32>
        %shift_left3A_388 = arith.shli %get3A_386, %shift_left3A_387 : vector<16xi32>
        %bitcast3A = vector.bitcast %shift_left3A_388 : vector<16xi32> to vector<16xf32>
        %and3A = arith.andi %get3A_386, %broadcast_in_dim3A_27 : vector<16xi32>
        %bitcast3A_389 = vector.bitcast %and3A : vector<16xi32> to vector<16xf32>
        %add3A_390 = arith.constant 0 : i32
        %add3A_391 = vector.broadcast %add3A_390 : i32 to vector<16xi32>
        %add3A_392 = arith.addi %mul3A_19, %add3A_391 : vector<16xi32>
        %mul3A_393 = vector.broadcast %squeeze3A : f32 to vector<16xf32>
        %mul3A_394 = arith.mulf %bitcast3A, %mul3A_393 : vector<16xf32>
        %scatter3A = arith.constant 0 : i32
        %scatter3A_395 = tpu.memref_slice %arg12[%add3A_383, %scatter3A] : memref<128x128xf32, #tpu.memory_space<vmem>> -> memref<1x128xf32, #tpu.memory_space<vmem>>
        %scatter3A_396 = tpu.memref_squeeze %scatter3A_395 : memref<1x128xf32, #tpu.memory_space<vmem>> -> memref<128xf32, #tpu.memory_space<vmem>>
        tpu.vector_store_idx %scatter3A_396[%add3A_392], %mul3A_394 : memref<128xf32, #tpu.memory_space<vmem>>[vector<16xi32>], vector<16xf32>,
        %add3A_397 = arith.constant 0 : i32
        %add3A_398 = vector.broadcast %add3A_397 : i32 to vector<16xi32>
        %add3A_399 = arith.addi %add3A_25, %add3A_398 : vector<16xi32>
        %mul3A_400 = vector.broadcast %squeeze3A : f32 to vector<16xf32>
        %mul3A_401 = arith.mulf %bitcast3A_389, %mul3A_400 : vector<16xf32>
        %scatter3A_402 = arith.constant 0 : i32
        %scatter3A_403 = tpu.memref_slice %arg12[%add3A_383, %scatter3A_402] : memref<128x128xf32, #tpu.memory_space<vmem>> -> memref<1x128xf32, #tpu.memory_space<vmem>>
        %scatter3A_404 = tpu.memref_squeeze %scatter3A_403 : memref<1x128xf32, #tpu.memory_space<vmem>> -> memref<128xf32, #tpu.memory_space<vmem>>
        tpu.vector_store_idx %scatter3A_404[%add3A_399], %mul3A_401 : memref<128xf32, #tpu.memory_space<vmem>>[vector<16xi32>], vector<16xf32>,
        %get3A_405 = arith.index_cast %add3A_383 : i32 to index
        %get3A_406 = arith.constant 16 : index
        %get3A_407 = tpu.vector_load %arg11[%get3A_405, %get3A_406] {strides = array<i32>} : memref<128x64xi32, #tpu.memory_space<vmem>>, vector<16xi32>,
        %shift_left3A_408 = arith.constant 16 : i32
        %shift_left3A_409 = vector.broadcast %shift_left3A_408 : i32 to vector<16xi32>
        %shift_left3A_410 = arith.shli %get3A_407, %shift_left3A_409 : vector<16xi32>
        %bitcast3A_411 = vector.bitcast %shift_left3A_410 : vector<16xi32> to vector<16xf32>
        %and3A_412 = arith.andi %get3A_407, %broadcast_in_dim3A_27 : vector<16xi32>
        %bitcast3A_413 = vector.bitcast %and3A_412 : vector<16xi32> to vector<16xf32>
        %add3A_414 = arith.constant 32 : i32
        %add3A_415 = vector.broadcast %add3A_414 : i32 to vector<16xi32>
        %add3A_416 = arith.addi %mul3A_19, %add3A_415 : vector<16xi32>
        %mul3A_417 = vector.broadcast %squeeze3A : f32 to vector<16xf32>
        %mul3A_418 = arith.mulf %bitcast3A_411, %mul3A_417 : vector<16xf32>
        %scatter3A_419 = arith.constant 0 : i32
        %scatter3A_420 = tpu.memref_slice %arg12[%add3A_383, %scatter3A_419] : memref<128x128xf32, #tpu.memory_space<vmem>> -> memref<1x128xf32, #tpu.memory_space<vmem>>
        %scatter3A_421 = tpu.memref_squeeze %scatter3A_420 : memref<1x128xf32, #tpu.memory_space<vmem>> -> memref<128xf32, #tpu.memory_space<vmem>>
        tpu.vector_store_idx %scatter3A_421[%add3A_416], %mul3A_418 : memref<128xf32, #tpu.memory_space<vmem>>[vector<16xi32>], vector<16xf32>,
        %add3A_422 = arith.constant 32 : i32
        %add3A_423 = vector.broadcast %add3A_422 : i32 to vector<16xi32>
        %add3A_424 = arith.addi %add3A_25, %add3A_423 : vector<16xi32>
        %mul3A_425 = vector.broadcast %squeeze3A : f32 to vector<16xf32>
        %mul3A_426 = arith.mulf %bitcast3A_413, %mul3A_425 : vector<16xf32>
        %scatter3A_427 = arith.constant 0 : i32
        %scatter3A_428 = tpu.memref_slice %arg12[%add3A_383, %scatter3A_427] : memref<128x128xf32, #tpu.memory_space<vmem>> -> memref<1x128xf32, #tpu.memory_space<vmem>>
        %scatter3A_429 = tpu.memref_squeeze %scatter3A_428 : memref<1x128xf32, #tpu.memory_space<vmem>> -> memref<128xf32, #tpu.memory_space<vmem>>
        tpu.vector_store_idx %scatter3A_429[%add3A_424], %mul3A_426 : memref<128xf32, #tpu.memory_space<vmem>>[vector<16xi32>], vector<16xf32>,
        %get3A_430 = arith.index_cast %add3A_383 : i32 to index
        %get3A_431 = arith.constant 32 : index
        %get3A_432 = tpu.vector_load %arg11[%get3A_430, %get3A_431] {strides = array<i32>} : memref<128x64xi32, #tpu.memory_space<vmem>>, vector<16xi32>,
        %shift_left3A_433 = arith.constant 16 : i32
        %shift_left3A_434 = vector.broadcast %shift_left3A_433 : i32 to vector<16xi32>
        %shift_left3A_435 = arith.shli %get3A_432, %shift_left3A_434 : vector<16xi32>
        %bitcast3A_436 = vector.bitcast %shift_left3A_435 : vector<16xi32> to vector<16xf32>
        %and3A_437 = arith.andi %get3A_432, %broadcast_in_dim3A_27 : vector<16xi32>
        %bitcast3A_438 = vector.bitcast %and3A_437 : vector<16xi32> to vector<16xf32>
        %add3A_439 = arith.constant 64 : i32
        %add3A_440 = vector.broadcast %add3A_439 : i32 to vector<16xi32>
        %add3A_441 = arith.addi %mul3A_19, %add3A_440 : vector<16xi32>
        %mul3A_442 = vector.broadcast %squeeze3A : f32 to vector<16xf32>
        %mul3A_443 = arith.mulf %bitcast3A_436, %mul3A_442 : vector<16xf32>
        %scatter3A_444 = arith.constant 0 : i32
        %scatter3A_445 = tpu.memref_slice %arg12[%add3A_383, %scatter3A_444] : memref<128x128xf32, #tpu.memory_space<vmem>> -> memref<1x128xf32, #tpu.memory_space<vmem>>
        %scatter3A_446 = tpu.memref_squeeze %scatter3A_445 : memref<1x128xf32, #tpu.memory_space<vmem>> -> memref<128xf32, #tpu.memory_space<vmem>>
        tpu.vector_store_idx %scatter3A_446[%add3A_441], %mul3A_443 : memref<128xf32, #tpu.memory_space<vmem>>[vector<16xi32>], vector<16xf32>,
        %add3A_447 = arith.constant 64 : i32
        %add3A_448 = vector.broadcast %add3A_447 : i32 to vector<16xi32>
        %add3A_449 = arith.addi %add3A_25, %add3A_448 : vector<16xi32>
        %mul3A_450 = vector.broadcast %squeeze3A : f32 to vector<16xf32>
        %mul3A_451 = arith.mulf %bitcast3A_438, %mul3A_450 : vector<16xf32>
        %scatter3A_452 = arith.constant 0 : i32
        %scatter3A_453 = tpu.memref_slice %arg12[%add3A_383, %scatter3A_452] : memref<128x128xf32, #tpu.memory_space<vmem>> -> memref<1x128xf32, #tpu.memory_space<vmem>>
        %scatter3A_454 = tpu.memref_squeeze %scatter3A_453 : memref<1x128xf32, #tpu.memory_space<vmem>> -> memref<128xf32, #tpu.memory_space<vmem>>
        tpu.vector_store_idx %scatter3A_454[%add3A_449], %mul3A_451 : memref<128xf32, #tpu.memory_space<vmem>>[vector<16xi32>], vector<16xf32>,
        %get3A_455 = arith.index_cast %add3A_383 : i32 to index
        %get3A_456 = arith.constant 48 : index
        %get3A_457 = tpu.vector_load %arg11[%get3A_455, %get3A_456] {strides = array<i32>} : memref<128x64xi32, #tpu.memory_space<vmem>>, vector<16xi32>,
        %shift_left3A_458 = arith.constant 16 : i32
        %shift_left3A_459 = vector.broadcast %shift_left3A_458 : i32 to vector<16xi32>
        %shift_left3A_460 = arith.shli %get3A_457, %shift_left3A_459 : vector<16xi32>
        %bitcast3A_461 = vector.bitcast %shift_left3A_460 : vector<16xi32> to vector<16xf32>
        %and3A_462 = arith.andi %get3A_457, %broadcast_in_dim3A_27 : vector<16xi32>
        %bitcast3A_463 = vector.bitcast %and3A_462 : vector<16xi32> to vector<16xf32>
        %add3A_464 = arith.constant 96 : i32
        %add3A_465 = vector.broadcast %add3A_464 : i32 to vector<16xi32>
        %add3A_466 = arith.addi %mul3A_19, %add3A_465 : vector<16xi32>
        %mul3A_467 = vector.broadcast %squeeze3A : f32 to vector<16xf32>
        %mul3A_468 = arith.mulf %bitcast3A_461, %mul3A_467 : vector<16xf32>
        %scatter3A_469 = arith.constant 0 : i32
        %scatter3A_470 = tpu.memref_slice %arg12[%add3A_383, %scatter3A_469] : memref<128x128xf32, #tpu.memory_space<vmem>> -> memref<1x128xf32, #tpu.memory_space<vmem>>
        %scatter3A_471 = tpu.memref_squeeze %scatter3A_470 : memref<1x128xf32, #tpu.memory_space<vmem>> -> memref<128xf32, #tpu.memory_space<vmem>>
        tpu.vector_store_idx %scatter3A_471[%add3A_466], %mul3A_468 : memref<128xf32, #tpu.memory_space<vmem>>[vector<16xi32>], vector<16xf32>,
        %add3A_472 = arith.constant 96 : i32
        %add3A_473 = vector.broadcast %add3A_472 : i32 to vector<16xi32>
        %add3A_474 = arith.addi %add3A_25, %add3A_473 : vector<16xi32>
        %mul3A_475 = vector.broadcast %squeeze3A : f32 to vector<16xf32>
        %mul3A_476 = arith.mulf %bitcast3A_463, %mul3A_475 : vector<16xf32>
        %scatter3A_477 = arith.constant 0 : i32
        %scatter3A_478 = tpu.memref_slice %arg12[%add3A_383, %scatter3A_477] : memref<128x128xf32, #tpu.memory_space<vmem>> -> memref<1x128xf32, #tpu.memory_space<vmem>>
        %scatter3A_479 = tpu.memref_squeeze %scatter3A_478 : memref<1x128xf32, #tpu.memory_space<vmem>> -> memref<128xf32, #tpu.memory_space<vmem>>
        tpu.vector_store_idx %scatter3A_479[%add3A_474], %mul3A_476 : memref<128xf32, #tpu.memory_space<vmem>>[vector<16xi32>], vector<16xf32>,
        %slice3A_480 = vector.extract_strided_slice %get3A_379 {offsets = [1], sizes = [1], strides = [1]} : vector<16xf32> to vector<1xf32>
        %squeeze3A_481 = vector.extract %slice3A_480[0] : f32 from vector<1xf32>
        %mul3A_482 = arith.constant 16 : i32
        %mul3A_483 = arith.muli %scan3A_373, %mul3A_482 : i32
        %add3A_484 = arith.constant 1 : i32
        %add3A_485 = arith.addi %mul3A_483, %add3A_484 : i32
        %get3A_486 = arith.index_cast %add3A_485 : i32 to index
        %get3A_487 = arith.constant 0 : index
        %get3A_488 = tpu.vector_load %arg11[%get3A_486, %get3A_487] {strides = array<i32>} : memref<128x64xi32, #tpu.memory_space<vmem>>, vector<16xi32>,
        %shift_left3A_489 = arith.constant 16 : i32
        %shift_left3A_490 = vector.broadcast %shift_left3A_489 : i32 to vector<16xi32>
        %shift_left3A_491 = arith.shli %get3A_488, %shift_left3A_490 : vector<16xi32>
        %bitcast3A_492 = vector.bitcast %shift_left3A_491 : vector<16xi32> to vector<16xf32>
        %and3A_493 = arith.andi %get3A_488, %broadcast_in_dim3A_27 : vector<16xi32>
        %bitcast3A_494 = vector.bitcast %and3A_493 : vector<16xi32> to vector<16xf32>
        %add3A_495 = arith.constant 0 : i32
        %add3A_496 = vector.broadcast %add3A_495 : i32 to vector<16xi32>
        %add3A_497 = arith.addi %mul3A_19, %add3A_496 : vector<16xi32>
        %mul3A_498 = vector.broadcast %squeeze3A_481 : f32 to vector<16xf32>
        %mul3A_499 = arith.mulf %bitcast3A_492, %mul3A_498 : vector<16xf32>
        %scatter3A_500 = arith.constant 0 : i32
        %scatter3A_501 = tpu.memref_slice %arg12[%add3A_485, %scatter3A_500] : memref<128x128xf32, #tpu.memory_space<vmem>> -> memref<1x128xf32, #tpu.memory_space<vmem>>
        %scatter3A_502 = tpu.memref_squeeze %scatter3A_501 : memref<1x128xf32, #tpu.memory_space<vmem>> -> memref<128xf32, #tpu.memory_space<vmem>>
        tpu.vector_store_idx %scatter3A_502[%add3A_497], %mul3A_499 : memref<128xf32, #tpu.memory_space<vmem>>[vector<16xi32>], vector<16xf32>,
        %add3A_503 = arith.constant 0 : i32
        %add3A_504 = vector.broadcast %add3A_503 : i32 to vector<16xi32>
        %add3A_505 = arith.addi %add3A_25, %add3A_504 : vector<16xi32>
        %mul3A_506 = vector.broadcast %squeeze3A_481 : f32 to vector<16xf32>
        %mul3A_507 = arith.mulf %bitcast3A_494, %mul3A_506 : vector<16xf32>
        %scatter3A_508 = arith.constant 0 : i32
        %scatter3A_509 = tpu.memref_slice %arg12[%add3A_485, %scatter3A_508] : memref<128x128xf32, #tpu.memory_space<vmem>> -> memref<1x128xf32, #tpu.memory_space<vmem>>
        %scatter3A_510 = tpu.memref_squeeze %scatter3A_509 : memref<1x128xf32, #tpu.memory_space<vmem>> -> memref<128xf32, #tpu.memory_space<vmem>>
        tpu.vector_store_idx %scatter3A_510[%add3A_505], %mul3A_507 : memref<128xf32, #tpu.memory_space<vmem>>[vector<16xi32>], vector<16xf32>,
        %get3A_511 = arith.index_cast %add3A_485 : i32 to index
        %get3A_512 = arith.constant 16 : index
        %get3A_513 = tpu.vector_load %arg11[%get3A_511, %get3A_512] {strides = array<i32>} : memref<128x64xi32, #tpu.memory_space<vmem>>, vector<16xi32>,
        %shift_left3A_514 = arith.constant 16 : i32
        %shift_left3A_515 = vector.broadcast %shift_left3A_514 : i32 to vector<16xi32>
        %shift_left3A_516 = arith.shli %get3A_513, %shift_left3A_515 : vector<16xi32>
        %bitcast3A_517 = vector.bitcast %shift_left3A_516 : vector<16xi32> to vector<16xf32>
        %and3A_518 = arith.andi %get3A_513, %broadcast_in_dim3A_27 : vector<16xi32>
        %bitcast3A_519 = vector.bitcast %and3A_518 : vector<16xi32> to vector<16xf32>
        %add3A_520 = arith.constant 32 : i32
        %add3A_521 = vector.broadcast %add3A_520 : i32 to vector<16xi32>
        %add3A_522 = arith.addi %mul3A_19, %add3A_521 : vector<16xi32>
        %mul3A_523 = vector.broadcast %squeeze3A_481 : f32 to vector<16xf32>
        %mul3A_524 = arith.mulf %bitcast3A_517, %mul3A_523 : vector<16xf32>
        %scatter3A_525 = arith.constant 0 : i32
        %scatter3A_526 = tpu.memref_slice %arg12[%add3A_485, %scatter3A_525] : memref<128x128xf32, #tpu.memory_space<vmem>> -> memref<1x128xf32, #tpu.memory_space<vmem>>
        %scatter3A_527 = tpu.memref_squeeze %scatter3A_526 : memref<1x128xf32, #tpu.memory_space<vmem>> -> memref<128xf32, #tpu.memory_space<vmem>>
        tpu.vector_store_idx %scatter3A_527[%add3A_522], %mul3A_524 : memref<128xf32, #tpu.memory_space<vmem>>[vector<16xi32>], vector<16xf32>,
        %add3A_528 = arith.constant 32 : i32
        %add3A_529 = vector.broadcast %add3A_528 : i32 to vector<16xi32>
        %add3A_530 = arith.addi %add3A_25, %add3A_529 : vector<16xi32>
        %mul3A_531 = vector.broadcast %squeeze3A_481 : f32 to vector<16xf32>
        %mul3A_532 = arith.mulf %bitcast3A_519, %mul3A_531 : vector<16xf32>
        %scatter3A_533 = arith.constant 0 : i32
        %scatter3A_534 = tpu.memref_slice %arg12[%add3A_485, %scatter3A_533] : memref<128x128xf32, #tpu.memory_space<vmem>> -> memref<1x128xf32, #tpu.memory_space<vmem>>
        %scatter3A_535 = tpu.memref_squeeze %scatter3A_534 : memref<1x128xf32, #tpu.memory_space<vmem>> -> memref<128xf32, #tpu.memory_space<vmem>>
        tpu.vector_store_idx %scatter3A_535[%add3A_530], %mul3A_532 : memref<128xf32, #tpu.memory_space<vmem>>[vector<16xi32>], vector<16xf32>,
        %get3A_536 = arith.index_cast %add3A_485 : i32 to index
        %get3A_537 = arith.constant 32 : index
        %get3A_538 = tpu.vector_load %arg11[%get3A_536, %get3A_537] {strides = array<i32>} : memref<128x64xi32, #tpu.memory_space<vmem>>, vector<16xi32>,
        %shift_left3A_539 = arith.constant 16 : i32
        %shift_left3A_540 = vector.broadcast %shift_left3A_539 : i32 to vector<16xi32>
        %shift_left3A_541 = arith.shli %get3A_538, %shift_left3A_540 : vector<16xi32>
        %bitcast3A_542 = vector.bitcast %shift_left3A_541 : vector<16xi32> to vector<16xf32>
        %and3A_543 = arith.andi %get3A_538, %broadcast_in_dim3A_27 : vector<16xi32>
        %bitcast3A_544 = vector.bitcast %and3A_543 : vector<16xi32> to vector<16xf32>
        %add3A_545 = arith.constant 64 : i32
        %add3A_546 = vector.broadcast %add3A_545 : i32 to vector<16xi32>
        %add3A_547 = arith.addi %mul3A_19, %add3A_546 : vector<16xi32>
        %mul3A_548 = vector.broadcast %squeeze3A_481 : f32 to vector<16xf32>
        %mul3A_549 = arith.mulf %bitcast3A_542, %mul3A_548 : vector<16xf32>
        %scatter3A_550 = arith.constant 0 : i32
        %scatter3A_551 = tpu.memref_slice %arg12[%add3A_485, %scatter3A_550] : memref<128x128xf32, #tpu.memory_space<vmem>> -> memref<1x128xf32, #tpu.memory_space<vmem>>
        %scatter3A_552 = tpu.memref_squeeze %scatter3A_551 : memref<1x128xf32, #tpu.memory_space<vmem>> -> memref<128xf32, #tpu.memory_space<vmem>>
        tpu.vector_store_idx %scatter3A_552[%add3A_547], %mul3A_549 : memref<128xf32, #tpu.memory_space<vmem>>[vector<16xi32>], vector<16xf32>,
        %add3A_553 = arith.constant 64 : i32
        %add3A_554 = vector.broadcast %add3A_553 : i32 to vector<16xi32>
        %add3A_555 = arith.addi %add3A_25, %add3A_554 : vector<16xi32>
        %mul3A_556 = vector.broadcast %squeeze3A_481 : f32 to vector<16xf32>
        %mul3A_557 = arith.mulf %bitcast3A_544, %mul3A_556 : vector<16xf32>
        %scatter3A_558 = arith.constant 0 : i32
        %scatter3A_559 = tpu.memref_slice %arg12[%add3A_485, %scatter3A_558] : memref<128x128xf32, #tpu.memory_space<vmem>> -> memref<1x128xf32, #tpu.memory_space<vmem>>
        %scatter3A_560 = tpu.memref_squeeze %scatter3A_559 : memref<1x128xf32, #tpu.memory_space<vmem>> -> memref<128xf32, #tpu.memory_space<vmem>>
        tpu.vector_store_idx %scatter3A_560[%add3A_555], %mul3A_557 : memref<128xf32, #tpu.memory_space<vmem>>[vector<16xi32>], vector<16xf32>,
        %get3A_561 = arith.index_cast %add3A_485 : i32 to index
        %get3A_562 = arith.constant 48 : index
        %get3A_563 = tpu.vector_load %arg11[%get3A_561, %get3A_562] {strides = array<i32>} : memref<128x64xi32, #tpu.memory_space<vmem>>, vector<16xi32>,
        %shift_left3A_564 = arith.constant 16 : i32
        %shift_left3A_565 = vector.broadcast %shift_left3A_564 : i32 to vector<16xi32>
        %shift_left3A_566 = arith.shli %get3A_563, %shift_left3A_565 : vector<16xi32>
        %bitcast3A_567 = vector.bitcast %shift_left3A_566 : vector<16xi32> to vector<16xf32>
        %and3A_568 = arith.andi %get3A_563, %broadcast_in_dim3A_27 : vector<16xi32>
        %bitcast3A_569 = vector.bitcast %and3A_568 : vector<16xi32> to vector<16xf32>
        %add3A_570 = arith.constant 96 : i32
        %add3A_571 = vector.broadcast %add3A_570 : i32 to vector<16xi32>
        %add3A_572 = arith.addi %mul3A_19, %add3A_571 : vector<16xi32>
        %mul3A_573 = vector.broadcast %squeeze3A_481 : f32 to vector<16xf32>
        %mul3A_574 = arith.mulf %bitcast3A_567, %mul3A_573 : vector<16xf32>
        %scatter3A_575 = arith.constant 0 : i32
        %scatter3A_576 = tpu.memref_slice %arg12[%add3A_485, %scatter3A_575] : memref<128x128xf32, #tpu.memory_space<vmem>> -> memref<1x128xf32, #tpu.memory_space<vmem>>
        %scatter3A_577 = tpu.memref_squeeze %scatter3A_576 : memref<1x128xf32, #tpu.memory_space<vmem>> -> memref<128xf32, #tpu.memory_space<vmem>>
        tpu.vector_store_idx %scatter3A_577[%add3A_572], %mul3A_574 : memref<128xf32, #tpu.memory_space<vmem>>[vector<16xi32>], vector<16xf32>,
        %add3A_578 = arith.constant 96 : i32
        %add3A_579 = vector.broadcast %add3A_578 : i32 to vector<16xi32>
        %add3A_580 = arith.addi %add3A_25, %add3A_579 : vector<16xi32>
        %mul3A_581 = vector.broadcast %squeeze3A_481 : f32 to vector<16xf32>
        %mul3A_582 = arith.mulf %bitcast3A_569, %mul3A_581 : vector<16xf32>
        %scatter3A_583 = arith.constant 0 : i32
        %scatter3A_584 = tpu.memref_slice %arg12[%add3A_485, %scatter3A_583] : memref<128x128xf32, #tpu.memory_space<vmem>> -> memref<1x128xf32, #tpu.memory_space<vmem>>
        %scatter3A_585 = tpu.memref_squeeze %scatter3A_584 : memref<1x128xf32, #tpu.memory_space<vmem>> -> memref<128xf32, #tpu.memory_space<vmem>>
        tpu.vector_store_idx %scatter3A_585[%add3A_580], %mul3A_582 : memref<128xf32, #tpu.memory_space<vmem>>[vector<16xi32>], vector<16xf32>,
        %slice3A_586 = vector.extract_strided_slice %get3A_379 {offsets = [2], sizes = [1], strides = [1]} : vector<16xf32> to vector<1xf32>
        %squeeze3A_587 = vector.extract %slice3A_586[0] : f32 from vector<1xf32>
        %mul3A_588 = arith.constant 16 : i32
        %mul3A_589 = arith.muli %scan3A_373, %mul3A_588 : i32
        %add3A_590 = arith.constant 2 : i32
        %add3A_591 = arith.addi %mul3A_589, %add3A_590 : i32
        %get3A_592 = arith.index_cast %add3A_591 : i32 to index
        %get3A_593 = arith.constant 0 : index
        %get3A_594 = tpu.vector_load %arg11[%get3A_592, %get3A_593] {strides = array<i32>} : memref<128x64xi32, #tpu.memory_space<vmem>>, vector<16xi32>,
        %shift_left3A_595 = arith.constant 16 : i32
        %shift_left3A_596 = vector.broadcast %shift_left3A_595 : i32 to vector<16xi32>
        %shift_left3A_597 = arith.shli %get3A_594, %shift_left3A_596 : vector<16xi32>
        %bitcast3A_598 = vector.bitcast %shift_left3A_597 : vector<16xi32> to vector<16xf32>
        %and3A_599 = arith.andi %get3A_594, %broadcast_in_dim3A_27 : vector<16xi32>
        %bitcast3A_600 = vector.bitcast %and3A_599 : vector<16xi32> to vector<16xf32>
        %add3A_601 = arith.constant 0 : i32
        %add3A_602 = vector.broadcast %add3A_601 : i32 to vector<16xi32>
        %add3A_603 = arith.addi %mul3A_19, %add3A_602 : vector<16xi32>
        %mul3A_604 = vector.broadcast %squeeze3A_587 : f32 to vector<16xf32>
        %mul3A_605 = arith.mulf %bitcast3A_598, %mul3A_604 : vector<16xf32>
        %scatter3A_606 = arith.constant 0 : i32
        %scatter3A_607 = tpu.memref_slice %arg12[%add3A_591, %scatter3A_606] : memref<128x128xf32, #tpu.memory_space<vmem>> -> memref<1x128xf32, #tpu.memory_space<vmem>>
        %scatter3A_608 = tpu.memref_squeeze %scatter3A_607 : memref<1x128xf32, #tpu.memory_space<vmem>> -> memref<128xf32, #tpu.memory_space<vmem>>
        tpu.vector_store_idx %scatter3A_608[%add3A_603], %mul3A_605 : memref<128xf32, #tpu.memory_space<vmem>>[vector<16xi32>], vector<16xf32>,
        %add3A_609 = arith.constant 0 : i32
        %add3A_610 = vector.broadcast %add3A_609 : i32 to vector<16xi32>
        %add3A_611 = arith.addi %add3A_25, %add3A_610 : vector<16xi32>
        %mul3A_612 = vector.broadcast %squeeze3A_587 : f32 to vector<16xf32>
        %mul3A_613 = arith.mulf %bitcast3A_600, %mul3A_612 : vector<16xf32>
        %scatter3A_614 = arith.constant 0 : i32
        %scatter3A_615 = tpu.memref_slice %arg12[%add3A_591, %scatter3A_614] : memref<128x128xf32, #tpu.memory_space<vmem>> -> memref<1x128xf32, #tpu.memory_space<vmem>>
        %scatter3A_616 = tpu.memref_squeeze %scatter3A_615 : memref<1x128xf32, #tpu.memory_space<vmem>> -> memref<128xf32, #tpu.memory_space<vmem>>
        tpu.vector_store_idx %scatter3A_616[%add3A_611], %mul3A_613 : memref<128xf32, #tpu.memory_space<vmem>>[vector<16xi32>], vector<16xf32>,
        %get3A_617 = arith.index_cast %add3A_591 : i32 to index
        %get3A_618 = arith.constant 16 : index
        %get3A_619 = tpu.vector_load %arg11[%get3A_617, %get3A_618] {strides = array<i32>} : memref<128x64xi32, #tpu.memory_space<vmem>>, vector<16xi32>,
        %shift_left3A_620 = arith.constant 16 : i32
        %shift_left3A_621 = vector.broadcast %shift_left3A_620 : i32 to vector<16xi32>
        %shift_left3A_622 = arith.shli %get3A_619, %shift_left3A_621 : vector<16xi32>
        %bitcast3A_623 = vector.bitcast %shift_left3A_622 : vector<16xi32> to vector<16xf32>
        %and3A_624 = arith.andi %get3A_619, %broadcast_in_dim3A_27 : vector<16xi32>
        %bitcast3A_625 = vector.bitcast %and3A_624 : vector<16xi32> to vector<16xf32>
        %add3A_626 = arith.constant 32 : i32
        %add3A_627 = vector.broadcast %add3A_626 : i32 to vector<16xi32>
        %add3A_628 = arith.addi %mul3A_19, %add3A_627 : vector<16xi32>
        %mul3A_629 = vector.broadcast %squeeze3A_587 : f32 to vector<16xf32>
        %mul3A_630 = arith.mulf %bitcast3A_623, %mul3A_629 : vector<16xf32>
        %scatter3A_631 = arith.constant 0 : i32
        %scatter3A_632 = tpu.memref_slice %arg12[%add3A_591, %scatter3A_631] : memref<128x128xf32, #tpu.memory_space<vmem>> -> memref<1x128xf32, #tpu.memory_space<vmem>>
        %scatter3A_633 = tpu.memref_squeeze %scatter3A_632 : memref<1x128xf32, #tpu.memory_space<vmem>> -> memref<128xf32, #tpu.memory_space<vmem>>
        tpu.vector_store_idx %scatter3A_633[%add3A_628], %mul3A_630 : memref<128xf32, #tpu.memory_space<vmem>>[vector<16xi32>], vector<16xf32>,
        %add3A_634 = arith.constant 32 : i32
        %add3A_635 = vector.broadcast %add3A_634 : i32 to vector<16xi32>
        %add3A_636 = arith.addi %add3A_25, %add3A_635 : vector<16xi32>
        %mul3A_637 = vector.broadcast %squeeze3A_587 : f32 to vector<16xf32>
        %mul3A_638 = arith.mulf %bitcast3A_625, %mul3A_637 : vector<16xf32>
        %scatter3A_639 = arith.constant 0 : i32
        %scatter3A_640 = tpu.memref_slice %arg12[%add3A_591, %scatter3A_639] : memref<128x128xf32, #tpu.memory_space<vmem>> -> memref<1x128xf32, #tpu.memory_space<vmem>>
        %scatter3A_641 = tpu.memref_squeeze %scatter3A_640 : memref<1x128xf32, #tpu.memory_space<vmem>> -> memref<128xf32, #tpu.memory_space<vmem>>
        tpu.vector_store_idx %scatter3A_641[%add3A_636], %mul3A_638 : memref<128xf32, #tpu.memory_space<vmem>>[vector<16xi32>], vector<16xf32>,
        %get3A_642 = arith.index_cast %add3A_591 : i32 to index
        %get3A_643 = arith.constant 32 : index
        %get3A_644 = tpu.vector_load %arg11[%get3A_642, %get3A_643] {strides = array<i32>} : memref<128x64xi32, #tpu.memory_space<vmem>>, vector<16xi32>,
        %shift_left3A_645 = arith.constant 16 : i32
        %shift_left3A_646 = vector.broadcast %shift_left3A_645 : i32 to vector<16xi32>
        %shift_left3A_647 = arith.shli %get3A_644, %shift_left3A_646 : vector<16xi32>
        %bitcast3A_648 = vector.bitcast %shift_left3A_647 : vector<16xi32> to vector<16xf32>
        %and3A_649 = arith.andi %get3A_644, %broadcast_in_dim3A_27 : vector<16xi32>
        %bitcast3A_650 = vector.bitcast %and3A_649 : vector<16xi32> to vector<16xf32>
        %add3A_651 = arith.constant 64 : i32
        %add3A_652 = vector.broadcast %add3A_651 : i32 to vector<16xi32>
        %add3A_653 = arith.addi %mul3A_19, %add3A_652 : vector<16xi32>
        %mul3A_654 = vector.broadcast %squeeze3A_587 : f32 to vector<16xf32>
        %mul3A_655 = arith.mulf %bitcast3A_648, %mul3A_654 : vector<16xf32>
        %scatter3A_656 = arith.constant 0 : i32
        %scatter3A_657 = tpu.memref_slice %arg12[%add3A_591, %scatter3A_656] : memref<128x128xf32, #tpu.memory_space<vmem>> -> memref<1x128xf32, #tpu.memory_space<vmem>>
        %scatter3A_658 = tpu.memref_squeeze %scatter3A_657 : memref<1x128xf32, #tpu.memory_space<vmem>> -> memref<128xf32, #tpu.memory_space<vmem>>
        tpu.vector_store_idx %scatter3A_658[%add3A_653], %mul3A_655 : memref<128xf32, #tpu.memory_space<vmem>>[vector<16xi32>], vector<16xf32>,
        %add3A_659 = arith.constant 64 : i32
        %add3A_660 = vector.broadcast %add3A_659 : i32 to vector<16xi32>
        %add3A_661 = arith.addi %add3A_25, %add3A_660 : vector<16xi32>
        %mul3A_662 = vector.broadcast %squeeze3A_587 : f32 to vector<16xf32>
        %mul3A_663 = arith.mulf %bitcast3A_650, %mul3A_662 : vector<16xf32>
        %scatter3A_664 = arith.constant 0 : i32
        %scatter3A_665 = tpu.memref_slice %arg12[%add3A_591, %scatter3A_664] : memref<128x128xf32, #tpu.memory_space<vmem>> -> memref<1x128xf32, #tpu.memory_space<vmem>>
        %scatter3A_666 = tpu.memref_squeeze %scatter3A_665 : memref<1x128xf32, #tpu.memory_space<vmem>> -> memref<128xf32, #tpu.memory_space<vmem>>
        tpu.vector_store_idx %scatter3A_666[%add3A_661], %mul3A_663 : memref<128xf32, #tpu.memory_space<vmem>>[vector<16xi32>], vector<16xf32>,
        %get3A_667 = arith.index_cast %add3A_591 : i32 to index
        %get3A_668 = arith.constant 48 : index
        %get3A_669 = tpu.vector_load %arg11[%get3A_667, %get3A_668] {strides = array<i32>} : memref<128x64xi32, #tpu.memory_space<vmem>>, vector<16xi32>,
        %shift_left3A_670 = arith.constant 16 : i32
        %shift_left3A_671 = vector.broadcast %shift_left3A_670 : i32 to vector<16xi32>
        %shift_left3A_672 = arith.shli %get3A_669, %shift_left3A_671 : vector<16xi32>
        %bitcast3A_673 = vector.bitcast %shift_left3A_672 : vector<16xi32> to vector<16xf32>
        %and3A_674 = arith.andi %get3A_669, %broadcast_in_dim3A_27 : vector<16xi32>
        %bitcast3A_675 = vector.bitcast %and3A_674 : vector<16xi32> to vector<16xf32>
        %add3A_676 = arith.constant 96 : i32
        %add3A_677 = vector.broadcast %add3A_676 : i32 to vector<16xi32>
        %add3A_678 = arith.addi %mul3A_19, %add3A_677 : vector<16xi32>
        %mul3A_679 = vector.broadcast %squeeze3A_587 : f32 to vector<16xf32>
        %mul3A_680 = arith.mulf %bitcast3A_673, %mul3A_679 : vector<16xf32>
        %scatter3A_681 = arith.constant 0 : i32
        %scatter3A_682 = tpu.memref_slice %arg12[%add3A_591, %scatter3A_681] : memref<128x128xf32, #tpu.memory_space<vmem>> -> memref<1x128xf32, #tpu.memory_space<vmem>>
        %scatter3A_683 = tpu.memref_squeeze %scatter3A_682 : memref<1x128xf32, #tpu.memory_space<vmem>> -> memref<128xf32, #tpu.memory_space<vmem>>
        tpu.vector_store_idx %scatter3A_683[%add3A_678], %mul3A_680 : memref<128xf32, #tpu.memory_space<vmem>>[vector<16xi32>], vector<16xf32>,
        %add3A_684 = arith.constant 96 : i32
        %add3A_685 = vector.broadcast %add3A_684 : i32 to vector<16xi32>
        %add3A_686 = arith.addi %add3A_25, %add3A_685 : vector<16xi32>
        %mul3A_687 = vector.broadcast %squeeze3A_587 : f32 to vector<16xf32>
        %mul3A_688 = arith.mulf %bitcast3A_675, %mul3A_687 : vector<16xf32>
        %scatter3A_689 = arith.constant 0 : i32
        %scatter3A_690 = tpu.memref_slice %arg12[%add3A_591, %scatter3A_689] : memref<128x128xf32, #tpu.memory_space<vmem>> -> memref<1x128xf32, #tpu.memory_space<vmem>>
        %scatter3A_691 = tpu.memref_squeeze %scatter3A_690 : memref<1x128xf32, #tpu.memory_space<vmem>> -> memref<128xf32, #tpu.memory_space<vmem>>
        tpu.vector_store_idx %scatter3A_691[%add3A_686], %mul3A_688 : memref<128xf32, #tpu.memory_space<vmem>>[vector<16xi32>], vector<16xf32>,
        %slice3A_692 = vector.extract_strided_slice %get3A_379 {offsets = [3], sizes = [1], strides = [1]} : vector<16xf32> to vector<1xf32>
        %squeeze3A_693 = vector.extract %slice3A_692[0] : f32 from vector<1xf32>
        %mul3A_694 = arith.constant 16 : i32
        %mul3A_695 = arith.muli %scan3A_373, %mul3A_694 : i32
        %add3A_696 = arith.constant 3 : i32
        %add3A_697 = arith.addi %mul3A_695, %add3A_696 : i32
        %get3A_698 = arith.index_cast %add3A_697 : i32 to index
        %get3A_699 = arith.constant 0 : index
        %get3A_700 = tpu.vector_load %arg11[%get3A_698, %get3A_699] {strides = array<i32>} : memref<128x64xi32, #tpu.memory_space<vmem>>, vector<16xi32>,
        %shift_left3A_701 = arith.constant 16 : i32
        %shift_left3A_702 = vector.broadcast %shift_left3A_701 : i32 to vector<16xi32>
        %shift_left3A_703 = arith.shli %get3A_700, %shift_left3A_702 : vector<16xi32>
        %bitcast3A_704 = vector.bitcast %shift_left3A_703 : vector<16xi32> to vector<16xf32>
        %and3A_705 = arith.andi %get3A_700, %broadcast_in_dim3A_27 : vector<16xi32>
        %bitcast3A_706 = vector.bitcast %and3A_705 : vector<16xi32> to vector<16xf32>
        %add3A_707 = arith.constant 0 : i32
        %add3A_708 = vector.broadcast %add3A_707 : i32 to vector<16xi32>
        %add3A_709 = arith.addi %mul3A_19, %add3A_708 : vector<16xi32>
        %mul3A_710 = vector.broadcast %squeeze3A_693 : f32 to vector<16xf32>
        %mul3A_711 = arith.mulf %bitcast3A_704, %mul3A_710 : vector<16xf32>
        %scatter3A_712 = arith.constant 0 : i32
        %scatter3A_713 = tpu.memref_slice %arg12[%add3A_697, %scatter3A_712] : memref<128x128xf32, #tpu.memory_space<vmem>> -> memref<1x128xf32, #tpu.memory_space<vmem>>
        %scatter3A_714 = tpu.memref_squeeze %scatter3A_713 : memref<1x128xf32, #tpu.memory_space<vmem>> -> memref<128xf32, #tpu.memory_space<vmem>>
        tpu.vector_store_idx %scatter3A_714[%add3A_709], %mul3A_711 : memref<128xf32, #tpu.memory_space<vmem>>[vector<16xi32>], vector<16xf32>,
        %add3A_715 = arith.constant 0 : i32
        %add3A_716 = vector.broadcast %add3A_715 : i32 to vector<16xi32>
        %add3A_717 = arith.addi %add3A_25, %add3A_716 : vector<16xi32>
        %mul3A_718 = vector.broadcast %squeeze3A_693 : f32 to vector<16xf32>
        %mul3A_719 = arith.mulf %bitcast3A_706, %mul3A_718 : vector<16xf32>
        %scatter3A_720 = arith.constant 0 : i32
        %scatter3A_721 = tpu.memref_slice %arg12[%add3A_697, %scatter3A_720] : memref<128x128xf32, #tpu.memory_space<vmem>> -> memref<1x128xf32, #tpu.memory_space<vmem>>
        %scatter3A_722 = tpu.memref_squeeze %scatter3A_721 : memref<1x128xf32, #tpu.memory_space<vmem>> -> memref<128xf32, #tpu.memory_space<vmem>>
        tpu.vector_store_idx %scatter3A_722[%add3A_717], %mul3A_719 : memref<128xf32, #tpu.memory_space<vmem>>[vector<16xi32>], vector<16xf32>,
        %get3A_723 = arith.index_cast %add3A_697 : i32 to index
        %get3A_724 = arith.constant 16 : index
        %get3A_725 = tpu.vector_load %arg11[%get3A_723, %get3A_724] {strides = array<i32>} : memref<128x64xi32, #tpu.memory_space<vmem>>, vector<16xi32>,
        %shift_left3A_726 = arith.constant 16 : i32
        %shift_left3A_727 = vector.broadcast %shift_left3A_726 : i32 to vector<16xi32>
        %shift_left3A_728 = arith.shli %get3A_725, %shift_left3A_727 : vector<16xi32>
        %bitcast3A_729 = vector.bitcast %shift_left3A_728 : vector<16xi32> to vector<16xf32>
        %and3A_730 = arith.andi %get3A_725, %broadcast_in_dim3A_27 : vector<16xi32>
        %bitcast3A_731 = vector.bitcast %and3A_730 : vector<16xi32> to vector<16xf32>
        %add3A_732 = arith.constant 32 : i32
        %add3A_733 = vector.broadcast %add3A_732 : i32 to vector<16xi32>
        %add3A_734 = arith.addi %mul3A_19, %add3A_733 : vector<16xi32>
        %mul3A_735 = vector.broadcast %squeeze3A_693 : f32 to vector<16xf32>
        %mul3A_736 = arith.mulf %bitcast3A_729, %mul3A_735 : vector<16xf32>
        %scatter3A_737 = arith.constant 0 : i32
        %scatter3A_738 = tpu.memref_slice %arg12[%add3A_697, %scatter3A_737] : memref<128x128xf32, #tpu.memory_space<vmem>> -> memref<1x128xf32, #tpu.memory_space<vmem>>
        %scatter3A_739 = tpu.memref_squeeze %scatter3A_738 : memref<1x128xf32, #tpu.memory_space<vmem>> -> memref<128xf32, #tpu.memory_space<vmem>>
        tpu.vector_store_idx %scatter3A_739[%add3A_734], %mul3A_736 : memref<128xf32, #tpu.memory_space<vmem>>[vector<16xi32>], vector<16xf32>,
        %add3A_740 = arith.constant 32 : i32
        %add3A_741 = vector.broadcast %add3A_740 : i32 to vector<16xi32>
        %add3A_742 = arith.addi %add3A_25, %add3A_741 : vector<16xi32>
        %mul3A_743 = vector.broadcast %squeeze3A_693 : f32 to vector<16xf32>
        %mul3A_744 = arith.mulf %bitcast3A_731, %mul3A_743 : vector<16xf32>
        %scatter3A_745 = arith.constant 0 : i32
        %scatter3A_746 = tpu.memref_slice %arg12[%add3A_697, %scatter3A_745] : memref<128x128xf32, #tpu.memory_space<vmem>> -> memref<1x128xf32, #tpu.memory_space<vmem>>
        %scatter3A_747 = tpu.memref_squeeze %scatter3A_746 : memref<1x128xf32, #tpu.memory_space<vmem>> -> memref<128xf32, #tpu.memory_space<vmem>>
        tpu.vector_store_idx %scatter3A_747[%add3A_742], %mul3A_744 : memref<128xf32, #tpu.memory_space<vmem>>[vector<16xi32>], vector<16xf32>,
        %get3A_748 = arith.index_cast %add3A_697 : i32 to index
        %get3A_749 = arith.constant 32 : index
        %get3A_750 = tpu.vector_load %arg11[%get3A_748, %get3A_749] {strides = array<i32>} : memref<128x64xi32, #tpu.memory_space<vmem>>, vector<16xi32>,
        %shift_left3A_751 = arith.constant 16 : i32
        %shift_left3A_752 = vector.broadcast %shift_left3A_751 : i32 to vector<16xi32>
        %shift_left3A_753 = arith.shli %get3A_750, %shift_left3A_752 : vector<16xi32>
        %bitcast3A_754 = vector.bitcast %shift_left3A_753 : vector<16xi32> to vector<16xf32>
        %and3A_755 = arith.andi %get3A_750, %broadcast_in_dim3A_27 : vector<16xi32>
        %bitcast3A_756 = vector.bitcast %and3A_755 : vector<16xi32> to vector<16xf32>
        %add3A_757 = arith.constant 64 : i32
        %add3A_758 = vector.broadcast %add3A_757 : i32 to vector<16xi32>
        %add3A_759 = arith.addi %mul3A_19, %add3A_758 : vector<16xi32>
        %mul3A_760 = vector.broadcast %squeeze3A_693 : f32 to vector<16xf32>
        %mul3A_761 = arith.mulf %bitcast3A_754, %mul3A_760 : vector<16xf32>
        %scatter3A_762 = arith.constant 0 : i32
        %scatter3A_763 = tpu.memref_slice %arg12[%add3A_697, %scatter3A_762] : memref<128x128xf32, #tpu.memory_space<vmem>> -> memref<1x128xf32, #tpu.memory_space<vmem>>
        %scatter3A_764 = tpu.memref_squeeze %scatter3A_763 : memref<1x128xf32, #tpu.memory_space<vmem>> -> memref<128xf32, #tpu.memory_space<vmem>>
        tpu.vector_store_idx %scatter3A_764[%add3A_759], %mul3A_761 : memref<128xf32, #tpu.memory_space<vmem>>[vector<16xi32>], vector<16xf32>,
        %add3A_765 = arith.constant 64 : i32
        %add3A_766 = vector.broadcast %add3A_765 : i32 to vector<16xi32>
        %add3A_767 = arith.addi %add3A_25, %add3A_766 : vector<16xi32>
        %mul3A_768 = vector.broadcast %squeeze3A_693 : f32 to vector<16xf32>
        %mul3A_769 = arith.mulf %bitcast3A_756, %mul3A_768 : vector<16xf32>
        %scatter3A_770 = arith.constant 0 : i32
        %scatter3A_771 = tpu.memref_slice %arg12[%add3A_697, %scatter3A_770] : memref<128x128xf32, #tpu.memory_space<vmem>> -> memref<1x128xf32, #tpu.memory_space<vmem>>
        %scatter3A_772 = tpu.memref_squeeze %scatter3A_771 : memref<1x128xf32, #tpu.memory_space<vmem>> -> memref<128xf32, #tpu.memory_space<vmem>>
        tpu.vector_store_idx %scatter3A_772[%add3A_767], %mul3A_769 : memref<128xf32, #tpu.memory_space<vmem>>[vector<16xi32>], vector<16xf32>,
        %get3A_773 = arith.index_cast %add3A_697 : i32 to index
        %get3A_774 = arith.constant 48 : index
        %get3A_775 = tpu.vector_load %arg11[%get3A_773, %get3A_774] {strides = array<i32>} : memref<128x64xi32, #tpu.memory_space<vmem>>, vector<16xi32>,
        %shift_left3A_776 = arith.constant 16 : i32
        %shift_left3A_777 = vector.broadcast %shift_left3A_776 : i32 to vector<16xi32>
        %shift_left3A_778 = arith.shli %get3A_775, %shift_left3A_777 : vector<16xi32>
        %bitcast3A_779 = vector.bitcast %shift_left3A_778 : vector<16xi32> to vector<16xf32>
        %and3A_780 = arith.andi %get3A_775, %broadcast_in_dim3A_27 : vector<16xi32>
        %bitcast3A_781 = vector.bitcast %and3A_780 : vector<16xi32> to vector<16xf32>
        %add3A_782 = arith.constant 96 : i32
        %add3A_783 = vector.broadcast %add3A_782 : i32 to vector<16xi32>
        %add3A_784 = arith.addi %mul3A_19, %add3A_783 : vector<16xi32>
        %mul3A_785 = vector.broadcast %squeeze3A_693 : f32 to vector<16xf32>
        %mul3A_786 = arith.mulf %bitcast3A_779, %mul3A_785 : vector<16xf32>
        %scatter3A_787 = arith.constant 0 : i32
        %scatter3A_788 = tpu.memref_slice %arg12[%add3A_697, %scatter3A_787] : memref<128x128xf32, #tpu.memory_space<vmem>> -> memref<1x128xf32, #tpu.memory_space<vmem>>
        %scatter3A_789 = tpu.memref_squeeze %scatter3A_788 : memref<1x128xf32, #tpu.memory_space<vmem>> -> memref<128xf32, #tpu.memory_space<vmem>>
        tpu.vector_store_idx %scatter3A_789[%add3A_784], %mul3A_786 : memref<128xf32, #tpu.memory_space<vmem>>[vector<16xi32>], vector<16xf32>,
        %add3A_790 = arith.constant 96 : i32
        %add3A_791 = vector.broadcast %add3A_790 : i32 to vector<16xi32>
        %add3A_792 = arith.addi %add3A_25, %add3A_791 : vector<16xi32>
        %mul3A_793 = vector.broadcast %squeeze3A_693 : f32 to vector<16xf32>
        %mul3A_794 = arith.mulf %bitcast3A_781, %mul3A_793 : vector<16xf32>
        %scatter3A_795 = arith.constant 0 : i32
        %scatter3A_796 = tpu.memref_slice %arg12[%add3A_697, %scatter3A_795] : memref<128x128xf32, #tpu.memory_space<vmem>> -> memref<1x128xf32, #tpu.memory_space<vmem>>
        %scatter3A_797 = tpu.memref_squeeze %scatter3A_796 : memref<1x128xf32, #tpu.memory_space<vmem>> -> memref<128xf32, #tpu.memory_space<vmem>>
        tpu.vector_store_idx %scatter3A_797[%add3A_792], %mul3A_794 : memref<128xf32, #tpu.memory_space<vmem>>[vector<16xi32>], vector<16xf32>,
        %slice3A_798 = vector.extract_strided_slice %get3A_379 {offsets = [4], sizes = [1], strides = [1]} : vector<16xf32> to vector<1xf32>
        %squeeze3A_799 = vector.extract %slice3A_798[0] : f32 from vector<1xf32>
        %mul3A_800 = arith.constant 16 : i32
        %mul3A_801 = arith.muli %scan3A_373, %mul3A_800 : i32
        %add3A_802 = arith.constant 4 : i32
        %add3A_803 = arith.addi %mul3A_801, %add3A_802 : i32
        %get3A_804 = arith.index_cast %add3A_803 : i32 to index
        %get3A_805 = arith.constant 0 : index
        %get3A_806 = tpu.vector_load %arg11[%get3A_804, %get3A_805] {strides = array<i32>} : memref<128x64xi32, #tpu.memory_space<vmem>>, vector<16xi32>,
        %shift_left3A_807 = arith.constant 16 : i32
        %shift_left3A_808 = vector.broadcast %shift_left3A_807 : i32 to vector<16xi32>
        %shift_left3A_809 = arith.shli %get3A_806, %shift_left3A_808 : vector<16xi32>
        %bitcast3A_810 = vector.bitcast %shift_left3A_809 : vector<16xi32> to vector<16xf32>
        %and3A_811 = arith.andi %get3A_806, %broadcast_in_dim3A_27 : vector<16xi32>
        %bitcast3A_812 = vector.bitcast %and3A_811 : vector<16xi32> to vector<16xf32>
        %add3A_813 = arith.constant 0 : i32
        %add3A_814 = vector.broadcast %add3A_813 : i32 to vector<16xi32>
        %add3A_815 = arith.addi %mul3A_19, %add3A_814 : vector<16xi32>
        %mul3A_816 = vector.broadcast %squeeze3A_799 : f32 to vector<16xf32>
        %mul3A_817 = arith.mulf %bitcast3A_810, %mul3A_816 : vector<16xf32>
        %scatter3A_818 = arith.constant 0 : i32
        %scatter3A_819 = tpu.memref_slice %arg12[%add3A_803, %scatter3A_818] : memref<128x128xf32, #tpu.memory_space<vmem>> -> memref<1x128xf32, #tpu.memory_space<vmem>>
        %scatter3A_820 = tpu.memref_squeeze %scatter3A_819 : memref<1x128xf32, #tpu.memory_space<vmem>> -> memref<128xf32, #tpu.memory_space<vmem>>
        tpu.vector_store_idx %scatter3A_820[%add3A_815], %mul3A_817 : memref<128xf32, #tpu.memory_space<vmem>>[vector<16xi32>], vector<16xf32>,
        %add3A_821 = arith.constant 0 : i32
        %add3A_822 = vector.broadcast %add3A_821 : i32 to vector<16xi32>
        %add3A_823 = arith.addi %add3A_25, %add3A_822 : vector<16xi32>
        %mul3A_824 = vector.broadcast %squeeze3A_799 : f32 to vector<16xf32>
        %mul3A_825 = arith.mulf %bitcast3A_812, %mul3A_824 : vector<16xf32>
        %scatter3A_826 = arith.constant 0 : i32
        %scatter3A_827 = tpu.memref_slice %arg12[%add3A_803, %scatter3A_826] : memref<128x128xf32, #tpu.memory_space<vmem>> -> memref<1x128xf32, #tpu.memory_space<vmem>>
        %scatter3A_828 = tpu.memref_squeeze %scatter3A_827 : memref<1x128xf32, #tpu.memory_space<vmem>> -> memref<128xf32, #tpu.memory_space<vmem>>
        tpu.vector_store_idx %scatter3A_828[%add3A_823], %mul3A_825 : memref<128xf32, #tpu.memory_space<vmem>>[vector<16xi32>], vector<16xf32>,
        %get3A_829 = arith.index_cast %add3A_803 : i32 to index
        %get3A_830 = arith.constant 16 : index
        %get3A_831 = tpu.vector_load %arg11[%get3A_829, %get3A_830] {strides = array<i32>} : memref<128x64xi32, #tpu.memory_space<vmem>>, vector<16xi32>,
        %shift_left3A_832 = arith.constant 16 : i32
        %shift_left3A_833 = vector.broadcast %shift_left3A_832 : i32 to vector<16xi32>
        %shift_left3A_834 = arith.shli %get3A_831, %shift_left3A_833 : vector<16xi32>
        %bitcast3A_835 = vector.bitcast %shift_left3A_834 : vector<16xi32> to vector<16xf32>
        %and3A_836 = arith.andi %get3A_831, %broadcast_in_dim3A_27 : vector<16xi32>
        %bitcast3A_837 = vector.bitcast %and3A_836 : vector<16xi32> to vector<16xf32>
        %add3A_838 = arith.constant 32 : i32
        %add3A_839 = vector.broadcast %add3A_838 : i32 to vector<16xi32>
        %add3A_840 = arith.addi %mul3A_19, %add3A_839 : vector<16xi32>
        %mul3A_841 = vector.broadcast %squeeze3A_799 : f32 to vector<16xf32>
        %mul3A_842 = arith.mulf %bitcast3A_835, %mul3A_841 : vector<16xf32>
        %scatter3A_843 = arith.constant 0 : i32
        %scatter3A_844 = tpu.memref_slice %arg12[%add3A_803, %scatter3A_843] : memref<128x128xf32, #tpu.memory_space<vmem>> -> memref<1x128xf32, #tpu.memory_space<vmem>>
        %scatter3A_845 = tpu.memref_squeeze %scatter3A_844 : memref<1x128xf32, #tpu.memory_space<vmem>> -> memref<128xf32, #tpu.memory_space<vmem>>
        tpu.vector_store_idx %scatter3A_845[%add3A_840], %mul3A_842 : memref<128xf32, #tpu.memory_space<vmem>>[vector<16xi32>], vector<16xf32>,
        %add3A_846 = arith.constant 32 : i32
        %add3A_847 = vector.broadcast %add3A_846 : i32 to vector<16xi32>
        %add3A_848 = arith.addi %add3A_25, %add3A_847 : vector<16xi32>
        %mul3A_849 = vector.broadcast %squeeze3A_799 : f32 to vector<16xf32>
        %mul3A_850 = arith.mulf %bitcast3A_837, %mul3A_849 : vector<16xf32>
        %scatter3A_851 = arith.constant 0 : i32
        %scatter3A_852 = tpu.memref_slice %arg12[%add3A_803, %scatter3A_851] : memref<128x128xf32, #tpu.memory_space<vmem>> -> memref<1x128xf32, #tpu.memory_space<vmem>>
        %scatter3A_853 = tpu.memref_squeeze %scatter3A_852 : memref<1x128xf32, #tpu.memory_space<vmem>> -> memref<128xf32, #tpu.memory_space<vmem>>
        tpu.vector_store_idx %scatter3A_853[%add3A_848], %mul3A_850 : memref<128xf32, #tpu.memory_space<vmem>>[vector<16xi32>], vector<16xf32>,
        %get3A_854 = arith.index_cast %add3A_803 : i32 to index
        %get3A_855 = arith.constant 32 : index
        %get3A_856 = tpu.vector_load %arg11[%get3A_854, %get3A_855] {strides = array<i32>} : memref<128x64xi32, #tpu.memory_space<vmem>>, vector<16xi32>,
        %shift_left3A_857 = arith.constant 16 : i32
        %shift_left3A_858 = vector.broadcast %shift_left3A_857 : i32 to vector<16xi32>
        %shift_left3A_859 = arith.shli %get3A_856, %shift_left3A_858 : vector<16xi32>
        %bitcast3A_860 = vector.bitcast %shift_left3A_859 : vector<16xi32> to vector<16xf32>
        %and3A_861 = arith.andi %get3A_856, %broadcast_in_dim3A_27 : vector<16xi32>
        %bitcast3A_862 = vector.bitcast %and3A_861 : vector<16xi32> to vector<16xf32>
        %add3A_863 = arith.constant 64 : i32
        %add3A_864 = vector.broadcast %add3A_863 : i32 to vector<16xi32>
        %add3A_865 = arith.addi %mul3A_19, %add3A_864 : vector<16xi32>
        %mul3A_866 = vector.broadcast %squeeze3A_799 : f32 to vector<16xf32>
        %mul3A_867 = arith.mulf %bitcast3A_860, %mul3A_866 : vector<16xf32>
        %scatter3A_868 = arith.constant 0 : i32
        %scatter3A_869 = tpu.memref_slice %arg12[%add3A_803, %scatter3A_868] : memref<128x128xf32, #tpu.memory_space<vmem>> -> memref<1x128xf32, #tpu.memory_space<vmem>>
        %scatter3A_870 = tpu.memref_squeeze %scatter3A_869 : memref<1x128xf32, #tpu.memory_space<vmem>> -> memref<128xf32, #tpu.memory_space<vmem>>
        tpu.vector_store_idx %scatter3A_870[%add3A_865], %mul3A_867 : memref<128xf32, #tpu.memory_space<vmem>>[vector<16xi32>], vector<16xf32>,
        %add3A_871 = arith.constant 64 : i32
        %add3A_872 = vector.broadcast %add3A_871 : i32 to vector<16xi32>
        %add3A_873 = arith.addi %add3A_25, %add3A_872 : vector<16xi32>
        %mul3A_874 = vector.broadcast %squeeze3A_799 : f32 to vector<16xf32>
        %mul3A_875 = arith.mulf %bitcast3A_862, %mul3A_874 : vector<16xf32>
        %scatter3A_876 = arith.constant 0 : i32
        %scatter3A_877 = tpu.memref_slice %arg12[%add3A_803, %scatter3A_876] : memref<128x128xf32, #tpu.memory_space<vmem>> -> memref<1x128xf32, #tpu.memory_space<vmem>>
        %scatter3A_878 = tpu.memref_squeeze %scatter3A_877 : memref<1x128xf32, #tpu.memory_space<vmem>> -> memref<128xf32, #tpu.memory_space<vmem>>
        tpu.vector_store_idx %scatter3A_878[%add3A_873], %mul3A_875 : memref<128xf32, #tpu.memory_space<vmem>>[vector<16xi32>], vector<16xf32>,
        %get3A_879 = arith.index_cast %add3A_803 : i32 to index
        %get3A_880 = arith.constant 48 : index
        %get3A_881 = tpu.vector_load %arg11[%get3A_879, %get3A_880] {strides = array<i32>} : memref<128x64xi32, #tpu.memory_space<vmem>>, vector<16xi32>,
        %shift_left3A_882 = arith.constant 16 : i32
        %shift_left3A_883 = vector.broadcast %shift_left3A_882 : i32 to vector<16xi32>
        %shift_left3A_884 = arith.shli %get3A_881, %shift_left3A_883 : vector<16xi32>
        %bitcast3A_885 = vector.bitcast %shift_left3A_884 : vector<16xi32> to vector<16xf32>
        %and3A_886 = arith.andi %get3A_881, %broadcast_in_dim3A_27 : vector<16xi32>
        %bitcast3A_887 = vector.bitcast %and3A_886 : vector<16xi32> to vector<16xf32>
        %add3A_888 = arith.constant 96 : i32
        %add3A_889 = vector.broadcast %add3A_888 : i32 to vector<16xi32>
        %add3A_890 = arith.addi %mul3A_19, %add3A_889 : vector<16xi32>
        %mul3A_891 = vector.broadcast %squeeze3A_799 : f32 to vector<16xf32>
        %mul3A_892 = arith.mulf %bitcast3A_885, %mul3A_891 : vector<16xf32>
        %scatter3A_893 = arith.constant 0 : i32
        %scatter3A_894 = tpu.memref_slice %arg12[%add3A_803, %scatter3A_893] : memref<128x128xf32, #tpu.memory_space<vmem>> -> memref<1x128xf32, #tpu.memory_space<vmem>>
        %scatter3A_895 = tpu.memref_squeeze %scatter3A_894 : memref<1x128xf32, #tpu.memory_space<vmem>> -> memref<128xf32, #tpu.memory_space<vmem>>
        tpu.vector_store_idx %scatter3A_895[%add3A_890], %mul3A_892 : memref<128xf32, #tpu.memory_space<vmem>>[vector<16xi32>], vector<16xf32>,
        %add3A_896 = arith.constant 96 : i32
        %add3A_897 = vector.broadcast %add3A_896 : i32 to vector<16xi32>
        %add3A_898 = arith.addi %add3A_25, %add3A_897 : vector<16xi32>
        %mul3A_899 = vector.broadcast %squeeze3A_799 : f32 to vector<16xf32>
        %mul3A_900 = arith.mulf %bitcast3A_887, %mul3A_899 : vector<16xf32>
        %scatter3A_901 = arith.constant 0 : i32
        %scatter3A_902 = tpu.memref_slice %arg12[%add3A_803, %scatter3A_901] : memref<128x128xf32, #tpu.memory_space<vmem>> -> memref<1x128xf32, #tpu.memory_space<vmem>>
        %scatter3A_903 = tpu.memref_squeeze %scatter3A_902 : memref<1x128xf32, #tpu.memory_space<vmem>> -> memref<128xf32, #tpu.memory_space<vmem>>
        tpu.vector_store_idx %scatter3A_903[%add3A_898], %mul3A_900 : memref<128xf32, #tpu.memory_space<vmem>>[vector<16xi32>], vector<16xf32>,
        %slice3A_904 = vector.extract_strided_slice %get3A_379 {offsets = [5], sizes = [1], strides = [1]} : vector<16xf32> to vector<1xf32>
        %squeeze3A_905 = vector.extract %slice3A_904[0] : f32 from vector<1xf32>
        %mul3A_906 = arith.constant 16 : i32
        %mul3A_907 = arith.muli %scan3A_373, %mul3A_906 : i32
        %add3A_908 = arith.constant 5 : i32
        %add3A_909 = arith.addi %mul3A_907, %add3A_908 : i32
        %get3A_910 = arith.index_cast %add3A_909 : i32 to index
        %get3A_911 = arith.constant 0 : index
        %get3A_912 = tpu.vector_load %arg11[%get3A_910, %get3A_911] {strides = array<i32>} : memref<128x64xi32, #tpu.memory_space<vmem>>, vector<16xi32>,
        %shift_left3A_913 = arith.constant 16 : i32
        %shift_left3A_914 = vector.broadcast %shift_left3A_913 : i32 to vector<16xi32>
        %shift_left3A_915 = arith.shli %get3A_912, %shift_left3A_914 : vector<16xi32>
        %bitcast3A_916 = vector.bitcast %shift_left3A_915 : vector<16xi32> to vector<16xf32>
        %and3A_917 = arith.andi %get3A_912, %broadcast_in_dim3A_27 : vector<16xi32>
        %bitcast3A_918 = vector.bitcast %and3A_917 : vector<16xi32> to vector<16xf32>
        %add3A_919 = arith.constant 0 : i32
        %add3A_920 = vector.broadcast %add3A_919 : i32 to vector<16xi32>
        %add3A_921 = arith.addi %mul3A_19, %add3A_920 : vector<16xi32>
        %mul3A_922 = vector.broadcast %squeeze3A_905 : f32 to vector<16xf32>
        %mul3A_923 = arith.mulf %bitcast3A_916, %mul3A_922 : vector<16xf32>
        %scatter3A_924 = arith.constant 0 : i32
        %scatter3A_925 = tpu.memref_slice %arg12[%add3A_909, %scatter3A_924] : memref<128x128xf32, #tpu.memory_space<vmem>> -> memref<1x128xf32, #tpu.memory_space<vmem>>
        %scatter3A_926 = tpu.memref_squeeze %scatter3A_925 : memref<1x128xf32, #tpu.memory_space<vmem>> -> memref<128xf32, #tpu.memory_space<vmem>>
        tpu.vector_store_idx %scatter3A_926[%add3A_921], %mul3A_923 : memref<128xf32, #tpu.memory_space<vmem>>[vector<16xi32>], vector<16xf32>,
        %add3A_927 = arith.constant 0 : i32
        %add3A_928 = vector.broadcast %add3A_927 : i32 to vector<16xi32>
        %add3A_929 = arith.addi %add3A_25, %add3A_928 : vector<16xi32>
        %mul3A_930 = vector.broadcast %squeeze3A_905 : f32 to vector<16xf32>
        %mul3A_931 = arith.mulf %bitcast3A_918, %mul3A_930 : vector<16xf32>
        %scatter3A_932 = arith.constant 0 : i32
        %scatter3A_933 = tpu.memref_slice %arg12[%add3A_909, %scatter3A_932] : memref<128x128xf32, #tpu.memory_space<vmem>> -> memref<1x128xf32, #tpu.memory_space<vmem>>
        %scatter3A_934 = tpu.memref_squeeze %scatter3A_933 : memref<1x128xf32, #tpu.memory_space<vmem>> -> memref<128xf32, #tpu.memory_space<vmem>>
        tpu.vector_store_idx %scatter3A_934[%add3A_929], %mul3A_931 : memref<128xf32, #tpu.memory_space<vmem>>[vector<16xi32>], vector<16xf32>,
        %get3A_935 = arith.index_cast %add3A_909 : i32 to index
        %get3A_936 = arith.constant 16 : index
        %get3A_937 = tpu.vector_load %arg11[%get3A_935, %get3A_936] {strides = array<i32>} : memref<128x64xi32, #tpu.memory_space<vmem>>, vector<16xi32>,
        %shift_left3A_938 = arith.constant 16 : i32
        %shift_left3A_939 = vector.broadcast %shift_left3A_938 : i32 to vector<16xi32>
        %shift_left3A_940 = arith.shli %get3A_937, %shift_left3A_939 : vector<16xi32>
        %bitcast3A_941 = vector.bitcast %shift_left3A_940 : vector<16xi32> to vector<16xf32>
        %and3A_942 = arith.andi %get3A_937, %broadcast_in_dim3A_27 : vector<16xi32>
        %bitcast3A_943 = vector.bitcast %and3A_942 : vector<16xi32> to vector<16xf32>
        %add3A_944 = arith.constant 32 : i32
        %add3A_945 = vector.broadcast %add3A_944 : i32 to vector<16xi32>
        %add3A_946 = arith.addi %mul3A_19, %add3A_945 : vector<16xi32>
        %mul3A_947 = vector.broadcast %squeeze3A_905 : f32 to vector<16xf32>
        %mul3A_948 = arith.mulf %bitcast3A_941, %mul3A_947 : vector<16xf32>
        %scatter3A_949 = arith.constant 0 : i32
        %scatter3A_950 = tpu.memref_slice %arg12[%add3A_909, %scatter3A_949] : memref<128x128xf32, #tpu.memory_space<vmem>> -> memref<1x128xf32, #tpu.memory_space<vmem>>
        %scatter3A_951 = tpu.memref_squeeze %scatter3A_950 : memref<1x128xf32, #tpu.memory_space<vmem>> -> memref<128xf32, #tpu.memory_space<vmem>>
        tpu.vector_store_idx %scatter3A_951[%add3A_946], %mul3A_948 : memref<128xf32, #tpu.memory_space<vmem>>[vector<16xi32>], vector<16xf32>,
        %add3A_952 = arith.constant 32 : i32
        %add3A_953 = vector.broadcast %add3A_952 : i32 to vector<16xi32>
        %add3A_954 = arith.addi %add3A_25, %add3A_953 : vector<16xi32>
        %mul3A_955 = vector.broadcast %squeeze3A_905 : f32 to vector<16xf32>
        %mul3A_956 = arith.mulf %bitcast3A_943, %mul3A_955 : vector<16xf32>
        %scatter3A_957 = arith.constant 0 : i32
        %scatter3A_958 = tpu.memref_slice %arg12[%add3A_909, %scatter3A_957] : memref<128x128xf32, #tpu.memory_space<vmem>> -> memref<1x128xf32, #tpu.memory_space<vmem>>
        %scatter3A_959 = tpu.memref_squeeze %scatter3A_958 : memref<1x128xf32, #tpu.memory_space<vmem>> -> memref<128xf32, #tpu.memory_space<vmem>>
        tpu.vector_store_idx %scatter3A_959[%add3A_954], %mul3A_956 : memref<128xf32, #tpu.memory_space<vmem>>[vector<16xi32>], vector<16xf32>,
        %get3A_960 = arith.index_cast %add3A_909 : i32 to index
        %get3A_961 = arith.constant 32 : index
        %get3A_962 = tpu.vector_load %arg11[%get3A_960, %get3A_961] {strides = array<i32>} : memref<128x64xi32, #tpu.memory_space<vmem>>, vector<16xi32>,
        %shift_left3A_963 = arith.constant 16 : i32
        %shift_left3A_964 = vector.broadcast %shift_left3A_963 : i32 to vector<16xi32>
        %shift_left3A_965 = arith.shli %get3A_962, %shift_left3A_964 : vector<16xi32>
        %bitcast3A_966 = vector.bitcast %shift_left3A_965 : vector<16xi32> to vector<16xf32>
        %and3A_967 = arith.andi %get3A_962, %broadcast_in_dim3A_27 : vector<16xi32>
        %bitcast3A_968 = vector.bitcast %and3A_967 : vector<16xi32> to vector<16xf32>
        %add3A_969 = arith.constant 64 : i32
        %add3A_970 = vector.broadcast %add3A_969 : i32 to vector<16xi32>
        %add3A_971 = arith.addi %mul3A_19, %add3A_970 : vector<16xi32>
        %mul3A_972 = vector.broadcast %squeeze3A_905 : f32 to vector<16xf32>
        %mul3A_973 = arith.mulf %bitcast3A_966, %mul3A_972 : vector<16xf32>
        %scatter3A_974 = arith.constant 0 : i32
        %scatter3A_975 = tpu.memref_slice %arg12[%add3A_909, %scatter3A_974] : memref<128x128xf32, #tpu.memory_space<vmem>> -> memref<1x128xf32, #tpu.memory_space<vmem>>
        %scatter3A_976 = tpu.memref_squeeze %scatter3A_975 : memref<1x128xf32, #tpu.memory_space<vmem>> -> memref<128xf32, #tpu.memory_space<vmem>>
        tpu.vector_store_idx %scatter3A_976[%add3A_971], %mul3A_973 : memref<128xf32, #tpu.memory_space<vmem>>[vector<16xi32>], vector<16xf32>,
        %add3A_977 = arith.constant 64 : i32
        %add3A_978 = vector.broadcast %add3A_977 : i32 to vector<16xi32>
        %add3A_979 = arith.addi %add3A_25, %add3A_978 : vector<16xi32>
        %mul3A_980 = vector.broadcast %squeeze3A_905 : f32 to vector<16xf32>
        %mul3A_981 = arith.mulf %bitcast3A_968, %mul3A_980 : vector<16xf32>
        %scatter3A_982 = arith.constant 0 : i32
        %scatter3A_983 = tpu.memref_slice %arg12[%add3A_909, %scatter3A_982] : memref<128x128xf32, #tpu.memory_space<vmem>> -> memref<1x128xf32, #tpu.memory_space<vmem>>
        %scatter3A_984 = tpu.memref_squeeze %scatter3A_983 : memref<1x128xf32, #tpu.memory_space<vmem>> -> memref<128xf32, #tpu.memory_space<vmem>>
        tpu.vector_store_idx %scatter3A_984[%add3A_979], %mul3A_981 : memref<128xf32, #tpu.memory_space<vmem>>[vector<16xi32>], vector<16xf32>,
        %get3A_985 = arith.index_cast %add3A_909 : i32 to index
        %get3A_986 = arith.constant 48 : index
        %get3A_987 = tpu.vector_load %arg11[%get3A_985, %get3A_986] {strides = array<i32>} : memref<128x64xi32, #tpu.memory_space<vmem>>, vector<16xi32>,
        %shift_left3A_988 = arith.constant 16 : i32
        %shift_left3A_989 = vector.broadcast %shift_left3A_988 : i32 to vector<16xi32>
        %shift_left3A_990 = arith.shli %get3A_987, %shift_left3A_989 : vector<16xi32>
        %bitcast3A_991 = vector.bitcast %shift_left3A_990 : vector<16xi32> to vector<16xf32>
        %and3A_992 = arith.andi %get3A_987, %broadcast_in_dim3A_27 : vector<16xi32>
        %bitcast3A_993 = vector.bitcast %and3A_992 : vector<16xi32> to vector<16xf32>
        %add3A_994 = arith.constant 96 : i32
        %add3A_995 = vector.broadcast %add3A_994 : i32 to vector<16xi32>
        %add3A_996 = arith.addi %mul3A_19, %add3A_995 : vector<16xi32>
        %mul3A_997 = vector.broadcast %squeeze3A_905 : f32 to vector<16xf32>
        %mul3A_998 = arith.mulf %bitcast3A_991, %mul3A_997 : vector<16xf32>
        %scatter3A_999 = arith.constant 0 : i32
        %scatter3A_1000 = tpu.memref_slice %arg12[%add3A_909, %scatter3A_999] : memref<128x128xf32, #tpu.memory_space<vmem>> -> memref<1x128xf32, #tpu.memory_space<vmem>>
        %scatter3A_1001 = tpu.memref_squeeze %scatter3A_1000 : memref<1x128xf32, #tpu.memory_space<vmem>> -> memref<128xf32, #tpu.memory_space<vmem>>
        tpu.vector_store_idx %scatter3A_1001[%add3A_996], %mul3A_998 : memref<128xf32, #tpu.memory_space<vmem>>[vector<16xi32>], vector<16xf32>,
        %add3A_1002 = arith.constant 96 : i32
        %add3A_1003 = vector.broadcast %add3A_1002 : i32 to vector<16xi32>
        %add3A_1004 = arith.addi %add3A_25, %add3A_1003 : vector<16xi32>
        %mul3A_1005 = vector.broadcast %squeeze3A_905 : f32 to vector<16xf32>
        %mul3A_1006 = arith.mulf %bitcast3A_993, %mul3A_1005 : vector<16xf32>
        %scatter3A_1007 = arith.constant 0 : i32
        %scatter3A_1008 = tpu.memref_slice %arg12[%add3A_909, %scatter3A_1007] : memref<128x128xf32, #tpu.memory_space<vmem>> -> memref<1x128xf32, #tpu.memory_space<vmem>>
        %scatter3A_1009 = tpu.memref_squeeze %scatter3A_1008 : memref<1x128xf32, #tpu.memory_space<vmem>> -> memref<128xf32, #tpu.memory_space<vmem>>
        tpu.vector_store_idx %scatter3A_1009[%add3A_1004], %mul3A_1006 : memref<128xf32, #tpu.memory_space<vmem>>[vector<16xi32>], vector<16xf32>,
        %slice3A_1010 = vector.extract_strided_slice %get3A_379 {offsets = [6], sizes = [1], strides = [1]} : vector<16xf32> to vector<1xf32>
        %squeeze3A_1011 = vector.extract %slice3A_1010[0] : f32 from vector<1xf32>
        %mul3A_1012 = arith.constant 16 : i32
        %mul3A_1013 = arith.muli %scan3A_373, %mul3A_1012 : i32
        %add3A_1014 = arith.constant 6 : i32
        %add3A_1015 = arith.addi %mul3A_1013, %add3A_1014 : i32
        %get3A_1016 = arith.index_cast %add3A_1015 : i32 to index
        %get3A_1017 = arith.constant 0 : index
        %get3A_1018 = tpu.vector_load %arg11[%get3A_1016, %get3A_1017] {strides = array<i32>} : memref<128x64xi32, #tpu.memory_space<vmem>>, vector<16xi32>,
        %shift_left3A_1019 = arith.constant 16 : i32
        %shift_left3A_1020 = vector.broadcast %shift_left3A_1019 : i32 to vector<16xi32>
        %shift_left3A_1021 = arith.shli %get3A_1018, %shift_left3A_1020 : vector<16xi32>
        %bitcast3A_1022 = vector.bitcast %shift_left3A_1021 : vector<16xi32> to vector<16xf32>
        %and3A_1023 = arith.andi %get3A_1018, %broadcast_in_dim3A_27 : vector<16xi32>
        %bitcast3A_1024 = vector.bitcast %and3A_1023 : vector<16xi32> to vector<16xf32>
        %add3A_1025 = arith.constant 0 : i32
        %add3A_1026 = vector.broadcast %add3A_1025 : i32 to vector<16xi32>
        %add3A_1027 = arith.addi %mul3A_19, %add3A_1026 : vector<16xi32>
        %mul3A_1028 = vector.broadcast %squeeze3A_1011 : f32 to vector<16xf32>
        %mul3A_1029 = arith.mulf %bitcast3A_1022, %mul3A_1028 : vector<16xf32>
        %scatter3A_1030 = arith.constant 0 : i32
        %scatter3A_1031 = tpu.memref_slice %arg12[%add3A_1015, %scatter3A_1030] : memref<128x128xf32, #tpu.memory_space<vmem>> -> memref<1x128xf32, #tpu.memory_space<vmem>>
        %scatter3A_1032 = tpu.memref_squeeze %scatter3A_1031 : memref<1x128xf32, #tpu.memory_space<vmem>> -> memref<128xf32, #tpu.memory_space<vmem>>
        tpu.vector_store_idx %scatter3A_1032[%add3A_1027], %mul3A_1029 : memref<128xf32, #tpu.memory_space<vmem>>[vector<16xi32>], vector<16xf32>,
        %add3A_1033 = arith.constant 0 : i32
        %add3A_1034 = vector.broadcast %add3A_1033 : i32 to vector<16xi32>
        %add3A_1035 = arith.addi %add3A_25, %add3A_1034 : vector<16xi32>
        %mul3A_1036 = vector.broadcast %squeeze3A_1011 : f32 to vector<16xf32>
        %mul3A_1037 = arith.mulf %bitcast3A_1024, %mul3A_1036 : vector<16xf32>
        %scatter3A_1038 = arith.constant 0 : i32
        %scatter3A_1039 = tpu.memref_slice %arg12[%add3A_1015, %scatter3A_1038] : memref<128x128xf32, #tpu.memory_space<vmem>> -> memref<1x128xf32, #tpu.memory_space<vmem>>
        %scatter3A_1040 = tpu.memref_squeeze %scatter3A_1039 : memref<1x128xf32, #tpu.memory_space<vmem>> -> memref<128xf32, #tpu.memory_space<vmem>>
        tpu.vector_store_idx %scatter3A_1040[%add3A_1035], %mul3A_1037 : memref<128xf32, #tpu.memory_space<vmem>>[vector<16xi32>], vector<16xf32>,
        %get3A_1041 = arith.index_cast %add3A_1015 : i32 to index
        %get3A_1042 = arith.constant 16 : index
        %get3A_1043 = tpu.vector_load %arg11[%get3A_1041, %get3A_1042] {strides = array<i32>} : memref<128x64xi32, #tpu.memory_space<vmem>>, vector<16xi32>,
        %shift_left3A_1044 = arith.constant 16 : i32
        %shift_left3A_1045 = vector.broadcast %shift_left3A_1044 : i32 to vector<16xi32>
        %shift_left3A_1046 = arith.shli %get3A_1043, %shift_left3A_1045 : vector<16xi32>
        %bitcast3A_1047 = vector.bitcast %shift_left3A_1046 : vector<16xi32> to vector<16xf32>
        %and3A_1048 = arith.andi %get3A_1043, %broadcast_in_dim3A_27 : vector<16xi32>
        %bitcast3A_1049 = vector.bitcast %and3A_1048 : vector<16xi32> to vector<16xf32>
        %add3A_1050 = arith.constant 32 : i32
        %add3A_1051 = vector.broadcast %add3A_1050 : i32 to vector<16xi32>
        %add3A_1052 = arith.addi %mul3A_19, %add3A_1051 : vector<16xi32>
        %mul3A_1053 = vector.broadcast %squeeze3A_1011 : f32 to vector<16xf32>
        %mul3A_1054 = arith.mulf %bitcast3A_1047, %mul3A_1053 : vector<16xf32>
        %scatter3A_1055 = arith.constant 0 : i32
        %scatter3A_1056 = tpu.memref_slice %arg12[%add3A_1015, %scatter3A_1055] : memref<128x128xf32, #tpu.memory_space<vmem>> -> memref<1x128xf32, #tpu.memory_space<vmem>>
        %scatter3A_1057 = tpu.memref_squeeze %scatter3A_1056 : memref<1x128xf32, #tpu.memory_space<vmem>> -> memref<128xf32, #tpu.memory_space<vmem>>
        tpu.vector_store_idx %scatter3A_1057[%add3A_1052], %mul3A_1054 : memref<128xf32, #tpu.memory_space<vmem>>[vector<16xi32>], vector<16xf32>,
        %add3A_1058 = arith.constant 32 : i32
        %add3A_1059 = vector.broadcast %add3A_1058 : i32 to vector<16xi32>
        %add3A_1060 = arith.addi %add3A_25, %add3A_1059 : vector<16xi32>
        %mul3A_1061 = vector.broadcast %squeeze3A_1011 : f32 to vector<16xf32>
        %mul3A_1062 = arith.mulf %bitcast3A_1049, %mul3A_1061 : vector<16xf32>
        %scatter3A_1063 = arith.constant 0 : i32
        %scatter3A_1064 = tpu.memref_slice %arg12[%add3A_1015, %scatter3A_1063] : memref<128x128xf32, #tpu.memory_space<vmem>> -> memref<1x128xf32, #tpu.memory_space<vmem>>
        %scatter3A_1065 = tpu.memref_squeeze %scatter3A_1064 : memref<1x128xf32, #tpu.memory_space<vmem>> -> memref<128xf32, #tpu.memory_space<vmem>>
        tpu.vector_store_idx %scatter3A_1065[%add3A_1060], %mul3A_1062 : memref<128xf32, #tpu.memory_space<vmem>>[vector<16xi32>], vector<16xf32>,
        %get3A_1066 = arith.index_cast %add3A_1015 : i32 to index
        %get3A_1067 = arith.constant 32 : index
        %get3A_1068 = tpu.vector_load %arg11[%get3A_1066, %get3A_1067] {strides = array<i32>} : memref<128x64xi32, #tpu.memory_space<vmem>>, vector<16xi32>,
        %shift_left3A_1069 = arith.constant 16 : i32
        %shift_left3A_1070 = vector.broadcast %shift_left3A_1069 : i32 to vector<16xi32>
        %shift_left3A_1071 = arith.shli %get3A_1068, %shift_left3A_1070 : vector<16xi32>
        %bitcast3A_1072 = vector.bitcast %shift_left3A_1071 : vector<16xi32> to vector<16xf32>
        %and3A_1073 = arith.andi %get3A_1068, %broadcast_in_dim3A_27 : vector<16xi32>
        %bitcast3A_1074 = vector.bitcast %and3A_1073 : vector<16xi32> to vector<16xf32>
        %add3A_1075 = arith.constant 64 : i32
        %add3A_1076 = vector.broadcast %add3A_1075 : i32 to vector<16xi32>
        %add3A_1077 = arith.addi %mul3A_19, %add3A_1076 : vector<16xi32>
        %mul3A_1078 = vector.broadcast %squeeze3A_1011 : f32 to vector<16xf32>
        %mul3A_1079 = arith.mulf %bitcast3A_1072, %mul3A_1078 : vector<16xf32>
        %scatter3A_1080 = arith.constant 0 : i32
        %scatter3A_1081 = tpu.memref_slice %arg12[%add3A_1015, %scatter3A_1080] : memref<128x128xf32, #tpu.memory_space<vmem>> -> memref<1x128xf32, #tpu.memory_space<vmem>>
        %scatter3A_1082 = tpu.memref_squeeze %scatter3A_1081 : memref<1x128xf32, #tpu.memory_space<vmem>> -> memref<128xf32, #tpu.memory_space<vmem>>
        tpu.vector_store_idx %scatter3A_1082[%add3A_1077], %mul3A_1079 : memref<128xf32, #tpu.memory_space<vmem>>[vector<16xi32>], vector<16xf32>,
        %add3A_1083 = arith.constant 64 : i32
        %add3A_1084 = vector.broadcast %add3A_1083 : i32 to vector<16xi32>
        %add3A_1085 = arith.addi %add3A_25, %add3A_1084 : vector<16xi32>
        %mul3A_1086 = vector.broadcast %squeeze3A_1011 : f32 to vector<16xf32>
        %mul3A_1087 = arith.mulf %bitcast3A_1074, %mul3A_1086 : vector<16xf32>
        %scatter3A_1088 = arith.constant 0 : i32
        %scatter3A_1089 = tpu.memref_slice %arg12[%add3A_1015, %scatter3A_1088] : memref<128x128xf32, #tpu.memory_space<vmem>> -> memref<1x128xf32, #tpu.memory_space<vmem>>
        %scatter3A_1090 = tpu.memref_squeeze %scatter3A_1089 : memref<1x128xf32, #tpu.memory_space<vmem>> -> memref<128xf32, #tpu.memory_space<vmem>>
        tpu.vector_store_idx %scatter3A_1090[%add3A_1085], %mul3A_1087 : memref<128xf32, #tpu.memory_space<vmem>>[vector<16xi32>], vector<16xf32>,
        %get3A_1091 = arith.index_cast %add3A_1015 : i32 to index
        %get3A_1092 = arith.constant 48 : index
        %get3A_1093 = tpu.vector_load %arg11[%get3A_1091, %get3A_1092] {strides = array<i32>} : memref<128x64xi32, #tpu.memory_space<vmem>>, vector<16xi32>,
        %shift_left3A_1094 = arith.constant 16 : i32
        %shift_left3A_1095 = vector.broadcast %shift_left3A_1094 : i32 to vector<16xi32>
        %shift_left3A_1096 = arith.shli %get3A_1093, %shift_left3A_1095 : vector<16xi32>
        %bitcast3A_1097 = vector.bitcast %shift_left3A_1096 : vector<16xi32> to vector<16xf32>
        %and3A_1098 = arith.andi %get3A_1093, %broadcast_in_dim3A_27 : vector<16xi32>
        %bitcast3A_1099 = vector.bitcast %and3A_1098 : vector<16xi32> to vector<16xf32>
        %add3A_1100 = arith.constant 96 : i32
        %add3A_1101 = vector.broadcast %add3A_1100 : i32 to vector<16xi32>
        %add3A_1102 = arith.addi %mul3A_19, %add3A_1101 : vector<16xi32>
        %mul3A_1103 = vector.broadcast %squeeze3A_1011 : f32 to vector<16xf32>
        %mul3A_1104 = arith.mulf %bitcast3A_1097, %mul3A_1103 : vector<16xf32>
        %scatter3A_1105 = arith.constant 0 : i32
        %scatter3A_1106 = tpu.memref_slice %arg12[%add3A_1015, %scatter3A_1105] : memref<128x128xf32, #tpu.memory_space<vmem>> -> memref<1x128xf32, #tpu.memory_space<vmem>>
        %scatter3A_1107 = tpu.memref_squeeze %scatter3A_1106 : memref<1x128xf32, #tpu.memory_space<vmem>> -> memref<128xf32, #tpu.memory_space<vmem>>
        tpu.vector_store_idx %scatter3A_1107[%add3A_1102], %mul3A_1104 : memref<128xf32, #tpu.memory_space<vmem>>[vector<16xi32>], vector<16xf32>,
        %add3A_1108 = arith.constant 96 : i32
        %add3A_1109 = vector.broadcast %add3A_1108 : i32 to vector<16xi32>
        %add3A_1110 = arith.addi %add3A_25, %add3A_1109 : vector<16xi32>
        %mul3A_1111 = vector.broadcast %squeeze3A_1011 : f32 to vector<16xf32>
        %mul3A_1112 = arith.mulf %bitcast3A_1099, %mul3A_1111 : vector<16xf32>
        %scatter3A_1113 = arith.constant 0 : i32
        %scatter3A_1114 = tpu.memref_slice %arg12[%add3A_1015, %scatter3A_1113] : memref<128x128xf32, #tpu.memory_space<vmem>> -> memref<1x128xf32, #tpu.memory_space<vmem>>
        %scatter3A_1115 = tpu.memref_squeeze %scatter3A_1114 : memref<1x128xf32, #tpu.memory_space<vmem>> -> memref<128xf32, #tpu.memory_space<vmem>>
        tpu.vector_store_idx %scatter3A_1115[%add3A_1110], %mul3A_1112 : memref<128xf32, #tpu.memory_space<vmem>>[vector<16xi32>], vector<16xf32>,
        %slice3A_1116 = vector.extract_strided_slice %get3A_379 {offsets = [7], sizes = [1], strides = [1]} : vector<16xf32> to vector<1xf32>
        %squeeze3A_1117 = vector.extract %slice3A_1116[0] : f32 from vector<1xf32>
        %mul3A_1118 = arith.constant 16 : i32
        %mul3A_1119 = arith.muli %scan3A_373, %mul3A_1118 : i32
        %add3A_1120 = arith.constant 7 : i32
        %add3A_1121 = arith.addi %mul3A_1119, %add3A_1120 : i32
        %get3A_1122 = arith.index_cast %add3A_1121 : i32 to index
        %get3A_1123 = arith.constant 0 : index
        %get3A_1124 = tpu.vector_load %arg11[%get3A_1122, %get3A_1123] {strides = array<i32>} : memref<128x64xi32, #tpu.memory_space<vmem>>, vector<16xi32>,
        %shift_left3A_1125 = arith.constant 16 : i32
        %shift_left3A_1126 = vector.broadcast %shift_left3A_1125 : i32 to vector<16xi32>
        %shift_left3A_1127 = arith.shli %get3A_1124, %shift_left3A_1126 : vector<16xi32>
        %bitcast3A_1128 = vector.bitcast %shift_left3A_1127 : vector<16xi32> to vector<16xf32>
        %and3A_1129 = arith.andi %get3A_1124, %broadcast_in_dim3A_27 : vector<16xi32>
        %bitcast3A_1130 = vector.bitcast %and3A_1129 : vector<16xi32> to vector<16xf32>
        %add3A_1131 = arith.constant 0 : i32
        %add3A_1132 = vector.broadcast %add3A_1131 : i32 to vector<16xi32>
        %add3A_1133 = arith.addi %mul3A_19, %add3A_1132 : vector<16xi32>
        %mul3A_1134 = vector.broadcast %squeeze3A_1117 : f32 to vector<16xf32>
        %mul3A_1135 = arith.mulf %bitcast3A_1128, %mul3A_1134 : vector<16xf32>
        %scatter3A_1136 = arith.constant 0 : i32
        %scatter3A_1137 = tpu.memref_slice %arg12[%add3A_1121, %scatter3A_1136] : memref<128x128xf32, #tpu.memory_space<vmem>> -> memref<1x128xf32, #tpu.memory_space<vmem>>
        %scatter3A_1138 = tpu.memref_squeeze %scatter3A_1137 : memref<1x128xf32, #tpu.memory_space<vmem>> -> memref<128xf32, #tpu.memory_space<vmem>>
        tpu.vector_store_idx %scatter3A_1138[%add3A_1133], %mul3A_1135 : memref<128xf32, #tpu.memory_space<vmem>>[vector<16xi32>], vector<16xf32>,
        %add3A_1139 = arith.constant 0 : i32
        %add3A_1140 = vector.broadcast %add3A_1139 : i32 to vector<16xi32>
        %add3A_1141 = arith.addi %add3A_25, %add3A_1140 : vector<16xi32>
        %mul3A_1142 = vector.broadcast %squeeze3A_1117 : f32 to vector<16xf32>
        %mul3A_1143 = arith.mulf %bitcast3A_1130, %mul3A_1142 : vector<16xf32>
        %scatter3A_1144 = arith.constant 0 : i32
        %scatter3A_1145 = tpu.memref_slice %arg12[%add3A_1121, %scatter3A_1144] : memref<128x128xf32, #tpu.memory_space<vmem>> -> memref<1x128xf32, #tpu.memory_space<vmem>>
        %scatter3A_1146 = tpu.memref_squeeze %scatter3A_1145 : memref<1x128xf32, #tpu.memory_space<vmem>> -> memref<128xf32, #tpu.memory_space<vmem>>
        tpu.vector_store_idx %scatter3A_1146[%add3A_1141], %mul3A_1143 : memref<128xf32, #tpu.memory_space<vmem>>[vector<16xi32>], vector<16xf32>,
        %get3A_1147 = arith.index_cast %add3A_1121 : i32 to index
        %get3A_1148 = arith.constant 16 : index
        %get3A_1149 = tpu.vector_load %arg11[%get3A_1147, %get3A_1148] {strides = array<i32>} : memref<128x64xi32, #tpu.memory_space<vmem>>, vector<16xi32>,
        %shift_left3A_1150 = arith.constant 16 : i32
        %shift_left3A_1151 = vector.broadcast %shift_left3A_1150 : i32 to vector<16xi32>
        %shift_left3A_1152 = arith.shli %get3A_1149, %shift_left3A_1151 : vector<16xi32>
        %bitcast3A_1153 = vector.bitcast %shift_left3A_1152 : vector<16xi32> to vector<16xf32>
        %and3A_1154 = arith.andi %get3A_1149, %broadcast_in_dim3A_27 : vector<16xi32>
        %bitcast3A_1155 = vector.bitcast %and3A_1154 : vector<16xi32> to vector<16xf32>
        %add3A_1156 = arith.constant 32 : i32
        %add3A_1157 = vector.broadcast %add3A_1156 : i32 to vector<16xi32>
        %add3A_1158 = arith.addi %mul3A_19, %add3A_1157 : vector<16xi32>
        %mul3A_1159 = vector.broadcast %squeeze3A_1117 : f32 to vector<16xf32>
        %mul3A_1160 = arith.mulf %bitcast3A_1153, %mul3A_1159 : vector<16xf32>
        %scatter3A_1161 = arith.constant 0 : i32
        %scatter3A_1162 = tpu.memref_slice %arg12[%add3A_1121, %scatter3A_1161] : memref<128x128xf32, #tpu.memory_space<vmem>> -> memref<1x128xf32, #tpu.memory_space<vmem>>
        %scatter3A_1163 = tpu.memref_squeeze %scatter3A_1162 : memref<1x128xf32, #tpu.memory_space<vmem>> -> memref<128xf32, #tpu.memory_space<vmem>>
        tpu.vector_store_idx %scatter3A_1163[%add3A_1158], %mul3A_1160 : memref<128xf32, #tpu.memory_space<vmem>>[vector<16xi32>], vector<16xf32>,
        %add3A_1164 = arith.constant 32 : i32
        %add3A_1165 = vector.broadcast %add3A_1164 : i32 to vector<16xi32>
        %add3A_1166 = arith.addi %add3A_25, %add3A_1165 : vector<16xi32>
        %mul3A_1167 = vector.broadcast %squeeze3A_1117 : f32 to vector<16xf32>
        %mul3A_1168 = arith.mulf %bitcast3A_1155, %mul3A_1167 : vector<16xf32>
        %scatter3A_1169 = arith.constant 0 : i32
        %scatter3A_1170 = tpu.memref_slice %arg12[%add3A_1121, %scatter3A_1169] : memref<128x128xf32, #tpu.memory_space<vmem>> -> memref<1x128xf32, #tpu.memory_space<vmem>>
        %scatter3A_1171 = tpu.memref_squeeze %scatter3A_1170 : memref<1x128xf32, #tpu.memory_space<vmem>> -> memref<128xf32, #tpu.memory_space<vmem>>
        tpu.vector_store_idx %scatter3A_1171[%add3A_1166], %mul3A_1168 : memref<128xf32, #tpu.memory_space<vmem>>[vector<16xi32>], vector<16xf32>,
        %get3A_1172 = arith.index_cast %add3A_1121 : i32 to index
        %get3A_1173 = arith.constant 32 : index
        %get3A_1174 = tpu.vector_load %arg11[%get3A_1172, %get3A_1173] {strides = array<i32>} : memref<128x64xi32, #tpu.memory_space<vmem>>, vector<16xi32>,
        %shift_left3A_1175 = arith.constant 16 : i32
        %shift_left3A_1176 = vector.broadcast %shift_left3A_1175 : i32 to vector<16xi32>
        %shift_left3A_1177 = arith.shli %get3A_1174, %shift_left3A_1176 : vector<16xi32>
        %bitcast3A_1178 = vector.bitcast %shift_left3A_1177 : vector<16xi32> to vector<16xf32>
        %and3A_1179 = arith.andi %get3A_1174, %broadcast_in_dim3A_27 : vector<16xi32>
        %bitcast3A_1180 = vector.bitcast %and3A_1179 : vector<16xi32> to vector<16xf32>
        %add3A_1181 = arith.constant 64 : i32
        %add3A_1182 = vector.broadcast %add3A_1181 : i32 to vector<16xi32>
        %add3A_1183 = arith.addi %mul3A_19, %add3A_1182 : vector<16xi32>
        %mul3A_1184 = vector.broadcast %squeeze3A_1117 : f32 to vector<16xf32>
        %mul3A_1185 = arith.mulf %bitcast3A_1178, %mul3A_1184 : vector<16xf32>
        %scatter3A_1186 = arith.constant 0 : i32
        %scatter3A_1187 = tpu.memref_slice %arg12[%add3A_1121, %scatter3A_1186] : memref<128x128xf32, #tpu.memory_space<vmem>> -> memref<1x128xf32, #tpu.memory_space<vmem>>
        %scatter3A_1188 = tpu.memref_squeeze %scatter3A_1187 : memref<1x128xf32, #tpu.memory_space<vmem>> -> memref<128xf32, #tpu.memory_space<vmem>>
        tpu.vector_store_idx %scatter3A_1188[%add3A_1183], %mul3A_1185 : memref<128xf32, #tpu.memory_space<vmem>>[vector<16xi32>], vector<16xf32>,
        %add3A_1189 = arith.constant 64 : i32
        %add3A_1190 = vector.broadcast %add3A_1189 : i32 to vector<16xi32>
        %add3A_1191 = arith.addi %add3A_25, %add3A_1190 : vector<16xi32>
        %mul3A_1192 = vector.broadcast %squeeze3A_1117 : f32 to vector<16xf32>
        %mul3A_1193 = arith.mulf %bitcast3A_1180, %mul3A_1192 : vector<16xf32>
        %scatter3A_1194 = arith.constant 0 : i32
        %scatter3A_1195 = tpu.memref_slice %arg12[%add3A_1121, %scatter3A_1194] : memref<128x128xf32, #tpu.memory_space<vmem>> -> memref<1x128xf32, #tpu.memory_space<vmem>>
        %scatter3A_1196 = tpu.memref_squeeze %scatter3A_1195 : memref<1x128xf32, #tpu.memory_space<vmem>> -> memref<128xf32, #tpu.memory_space<vmem>>
        tpu.vector_store_idx %scatter3A_1196[%add3A_1191], %mul3A_1193 : memref<128xf32, #tpu.memory_space<vmem>>[vector<16xi32>], vector<16xf32>,
        %get3A_1197 = arith.index_cast %add3A_1121 : i32 to index
        %get3A_1198 = arith.constant 48 : index
        %get3A_1199 = tpu.vector_load %arg11[%get3A_1197, %get3A_1198] {strides = array<i32>} : memref<128x64xi32, #tpu.memory_space<vmem>>, vector<16xi32>,
        %shift_left3A_1200 = arith.constant 16 : i32
        %shift_left3A_1201 = vector.broadcast %shift_left3A_1200 : i32 to vector<16xi32>
        %shift_left3A_1202 = arith.shli %get3A_1199, %shift_left3A_1201 : vector<16xi32>
        %bitcast3A_1203 = vector.bitcast %shift_left3A_1202 : vector<16xi32> to vector<16xf32>
        %and3A_1204 = arith.andi %get3A_1199, %broadcast_in_dim3A_27 : vector<16xi32>
        %bitcast3A_1205 = vector.bitcast %and3A_1204 : vector<16xi32> to vector<16xf32>
        %add3A_1206 = arith.constant 96 : i32
        %add3A_1207 = vector.broadcast %add3A_1206 : i32 to vector<16xi32>
        %add3A_1208 = arith.addi %mul3A_19, %add3A_1207 : vector<16xi32>
        %mul3A_1209 = vector.broadcast %squeeze3A_1117 : f32 to vector<16xf32>
        %mul3A_1210 = arith.mulf %bitcast3A_1203, %mul3A_1209 : vector<16xf32>
        %scatter3A_1211 = arith.constant 0 : i32
        %scatter3A_1212 = tpu.memref_slice %arg12[%add3A_1121, %scatter3A_1211] : memref<128x128xf32, #tpu.memory_space<vmem>> -> memref<1x128xf32, #tpu.memory_space<vmem>>
        %scatter3A_1213 = tpu.memref_squeeze %scatter3A_1212 : memref<1x128xf32, #tpu.memory_space<vmem>> -> memref<128xf32, #tpu.memory_space<vmem>>
        tpu.vector_store_idx %scatter3A_1213[%add3A_1208], %mul3A_1210 : memref<128xf32, #tpu.memory_space<vmem>>[vector<16xi32>], vector<16xf32>,
        %add3A_1214 = arith.constant 96 : i32
        %add3A_1215 = vector.broadcast %add3A_1214 : i32 to vector<16xi32>
        %add3A_1216 = arith.addi %add3A_25, %add3A_1215 : vector<16xi32>
        %mul3A_1217 = vector.broadcast %squeeze3A_1117 : f32 to vector<16xf32>
        %mul3A_1218 = arith.mulf %bitcast3A_1205, %mul3A_1217 : vector<16xf32>
        %scatter3A_1219 = arith.constant 0 : i32
        %scatter3A_1220 = tpu.memref_slice %arg12[%add3A_1121, %scatter3A_1219] : memref<128x128xf32, #tpu.memory_space<vmem>> -> memref<1x128xf32, #tpu.memory_space<vmem>>
        %scatter3A_1221 = tpu.memref_squeeze %scatter3A_1220 : memref<1x128xf32, #tpu.memory_space<vmem>> -> memref<128xf32, #tpu.memory_space<vmem>>
        tpu.vector_store_idx %scatter3A_1221[%add3A_1216], %mul3A_1218 : memref<128xf32, #tpu.memory_space<vmem>>[vector<16xi32>], vector<16xf32>,
        %slice3A_1222 = vector.extract_strided_slice %get3A_379 {offsets = [8], sizes = [1], strides = [1]} : vector<16xf32> to vector<1xf32>
        %squeeze3A_1223 = vector.extract %slice3A_1222[0] : f32 from vector<1xf32>
        %mul3A_1224 = arith.constant 16 : i32
        %mul3A_1225 = arith.muli %scan3A_373, %mul3A_1224 : i32
        %add3A_1226 = arith.constant 8 : i32
        %add3A_1227 = arith.addi %mul3A_1225, %add3A_1226 : i32
        %get3A_1228 = arith.index_cast %add3A_1227 : i32 to index
        %get3A_1229 = arith.constant 0 : index
        %get3A_1230 = tpu.vector_load %arg11[%get3A_1228, %get3A_1229] {strides = array<i32>} : memref<128x64xi32, #tpu.memory_space<vmem>>, vector<16xi32>,
        %shift_left3A_1231 = arith.constant 16 : i32
        %shift_left3A_1232 = vector.broadcast %shift_left3A_1231 : i32 to vector<16xi32>
        %shift_left3A_1233 = arith.shli %get3A_1230, %shift_left3A_1232 : vector<16xi32>
        %bitcast3A_1234 = vector.bitcast %shift_left3A_1233 : vector<16xi32> to vector<16xf32>
        %and3A_1235 = arith.andi %get3A_1230, %broadcast_in_dim3A_27 : vector<16xi32>
        %bitcast3A_1236 = vector.bitcast %and3A_1235 : vector<16xi32> to vector<16xf32>
        %add3A_1237 = arith.constant 0 : i32
        %add3A_1238 = vector.broadcast %add3A_1237 : i32 to vector<16xi32>
        %add3A_1239 = arith.addi %mul3A_19, %add3A_1238 : vector<16xi32>
        %mul3A_1240 = vector.broadcast %squeeze3A_1223 : f32 to vector<16xf32>
        %mul3A_1241 = arith.mulf %bitcast3A_1234, %mul3A_1240 : vector<16xf32>
        %scatter3A_1242 = arith.constant 0 : i32
        %scatter3A_1243 = tpu.memref_slice %arg12[%add3A_1227, %scatter3A_1242] : memref<128x128xf32, #tpu.memory_space<vmem>> -> memref<1x128xf32, #tpu.memory_space<vmem>>
        %scatter3A_1244 = tpu.memref_squeeze %scatter3A_1243 : memref<1x128xf32, #tpu.memory_space<vmem>> -> memref<128xf32, #tpu.memory_space<vmem>>
        tpu.vector_store_idx %scatter3A_1244[%add3A_1239], %mul3A_1241 : memref<128xf32, #tpu.memory_space<vmem>>[vector<16xi32>], vector<16xf32>,
        %add3A_1245 = arith.constant 0 : i32
        %add3A_1246 = vector.broadcast %add3A_1245 : i32 to vector<16xi32>
        %add3A_1247 = arith.addi %add3A_25, %add3A_1246 : vector<16xi32>
        %mul3A_1248 = vector.broadcast %squeeze3A_1223 : f32 to vector<16xf32>
        %mul3A_1249 = arith.mulf %bitcast3A_1236, %mul3A_1248 : vector<16xf32>
        %scatter3A_1250 = arith.constant 0 : i32
        %scatter3A_1251 = tpu.memref_slice %arg12[%add3A_1227, %scatter3A_1250] : memref<128x128xf32, #tpu.memory_space<vmem>> -> memref<1x128xf32, #tpu.memory_space<vmem>>
        %scatter3A_1252 = tpu.memref_squeeze %scatter3A_1251 : memref<1x128xf32, #tpu.memory_space<vmem>> -> memref<128xf32, #tpu.memory_space<vmem>>
        tpu.vector_store_idx %scatter3A_1252[%add3A_1247], %mul3A_1249 : memref<128xf32, #tpu.memory_space<vmem>>[vector<16xi32>], vector<16xf32>,
        %get3A_1253 = arith.index_cast %add3A_1227 : i32 to index
        %get3A_1254 = arith.constant 16 : index
        %get3A_1255 = tpu.vector_load %arg11[%get3A_1253, %get3A_1254] {strides = array<i32>} : memref<128x64xi32, #tpu.memory_space<vmem>>, vector<16xi32>,
        %shift_left3A_1256 = arith.constant 16 : i32
        %shift_left3A_1257 = vector.broadcast %shift_left3A_1256 : i32 to vector<16xi32>
        %shift_left3A_1258 = arith.shli %get3A_1255, %shift_left3A_1257 : vector<16xi32>
        %bitcast3A_1259 = vector.bitcast %shift_left3A_1258 : vector<16xi32> to vector<16xf32>
        %and3A_1260 = arith.andi %get3A_1255, %broadcast_in_dim3A_27 : vector<16xi32>
        %bitcast3A_1261 = vector.bitcast %and3A_1260 : vector<16xi32> to vector<16xf32>
        %add3A_1262 = arith.constant 32 : i32
        %add3A_1263 = vector.broadcast %add3A_1262 : i32 to vector<16xi32>
        %add3A_1264 = arith.addi %mul3A_19, %add3A_1263 : vector<16xi32>
        %mul3A_1265 = vector.broadcast %squeeze3A_1223 : f32 to vector<16xf32>
        %mul3A_1266 = arith.mulf %bitcast3A_1259, %mul3A_1265 : vector<16xf32>
        %scatter3A_1267 = arith.constant 0 : i32
        %scatter3A_1268 = tpu.memref_slice %arg12[%add3A_1227, %scatter3A_1267] : memref<128x128xf32, #tpu.memory_space<vmem>> -> memref<1x128xf32, #tpu.memory_space<vmem>>
        %scatter3A_1269 = tpu.memref_squeeze %scatter3A_1268 : memref<1x128xf32, #tpu.memory_space<vmem>> -> memref<128xf32, #tpu.memory_space<vmem>>
        tpu.vector_store_idx %scatter3A_1269[%add3A_1264], %mul3A_1266 : memref<128xf32, #tpu.memory_space<vmem>>[vector<16xi32>], vector<16xf32>,
        %add3A_1270 = arith.constant 32 : i32
        %add3A_1271 = vector.broadcast %add3A_1270 : i32 to vector<16xi32>
        %add3A_1272 = arith.addi %add3A_25, %add3A_1271 : vector<16xi32>
        %mul3A_1273 = vector.broadcast %squeeze3A_1223 : f32 to vector<16xf32>
        %mul3A_1274 = arith.mulf %bitcast3A_1261, %mul3A_1273 : vector<16xf32>
        %scatter3A_1275 = arith.constant 0 : i32
        %scatter3A_1276 = tpu.memref_slice %arg12[%add3A_1227, %scatter3A_1275] : memref<128x128xf32, #tpu.memory_space<vmem>> -> memref<1x128xf32, #tpu.memory_space<vmem>>
        %scatter3A_1277 = tpu.memref_squeeze %scatter3A_1276 : memref<1x128xf32, #tpu.memory_space<vmem>> -> memref<128xf32, #tpu.memory_space<vmem>>
        tpu.vector_store_idx %scatter3A_1277[%add3A_1272], %mul3A_1274 : memref<128xf32, #tpu.memory_space<vmem>>[vector<16xi32>], vector<16xf32>,
        %get3A_1278 = arith.index_cast %add3A_1227 : i32 to index
        %get3A_1279 = arith.constant 32 : index
        %get3A_1280 = tpu.vector_load %arg11[%get3A_1278, %get3A_1279] {strides = array<i32>} : memref<128x64xi32, #tpu.memory_space<vmem>>, vector<16xi32>,
        %shift_left3A_1281 = arith.constant 16 : i32
        %shift_left3A_1282 = vector.broadcast %shift_left3A_1281 : i32 to vector<16xi32>
        %shift_left3A_1283 = arith.shli %get3A_1280, %shift_left3A_1282 : vector<16xi32>
        %bitcast3A_1284 = vector.bitcast %shift_left3A_1283 : vector<16xi32> to vector<16xf32>
        %and3A_1285 = arith.andi %get3A_1280, %broadcast_in_dim3A_27 : vector<16xi32>
        %bitcast3A_1286 = vector.bitcast %and3A_1285 : vector<16xi32> to vector<16xf32>
        %add3A_1287 = arith.constant 64 : i32
        %add3A_1288 = vector.broadcast %add3A_1287 : i32 to vector<16xi32>
        %add3A_1289 = arith.addi %mul3A_19, %add3A_1288 : vector<16xi32>
        %mul3A_1290 = vector.broadcast %squeeze3A_1223 : f32 to vector<16xf32>
        %mul3A_1291 = arith.mulf %bitcast3A_1284, %mul3A_1290 : vector<16xf32>
        %scatter3A_1292 = arith.constant 0 : i32
        %scatter3A_1293 = tpu.memref_slice %arg12[%add3A_1227, %scatter3A_1292] : memref<128x128xf32, #tpu.memory_space<vmem>> -> memref<1x128xf32, #tpu.memory_space<vmem>>
        %scatter3A_1294 = tpu.memref_squeeze %scatter3A_1293 : memref<1x128xf32, #tpu.memory_space<vmem>> -> memref<128xf32, #tpu.memory_space<vmem>>
        tpu.vector_store_idx %scatter3A_1294[%add3A_1289], %mul3A_1291 : memref<128xf32, #tpu.memory_space<vmem>>[vector<16xi32>], vector<16xf32>,
        %add3A_1295 = arith.constant 64 : i32
        %add3A_1296 = vector.broadcast %add3A_1295 : i32 to vector<16xi32>
        %add3A_1297 = arith.addi %add3A_25, %add3A_1296 : vector<16xi32>
        %mul3A_1298 = vector.broadcast %squeeze3A_1223 : f32 to vector<16xf32>
        %mul3A_1299 = arith.mulf %bitcast3A_1286, %mul3A_1298 : vector<16xf32>
        %scatter3A_1300 = arith.constant 0 : i32
        %scatter3A_1301 = tpu.memref_slice %arg12[%add3A_1227, %scatter3A_1300] : memref<128x128xf32, #tpu.memory_space<vmem>> -> memref<1x128xf32, #tpu.memory_space<vmem>>
        %scatter3A_1302 = tpu.memref_squeeze %scatter3A_1301 : memref<1x128xf32, #tpu.memory_space<vmem>> -> memref<128xf32, #tpu.memory_space<vmem>>
        tpu.vector_store_idx %scatter3A_1302[%add3A_1297], %mul3A_1299 : memref<128xf32, #tpu.memory_space<vmem>>[vector<16xi32>], vector<16xf32>,
        %get3A_1303 = arith.index_cast %add3A_1227 : i32 to index
        %get3A_1304 = arith.constant 48 : index
        %get3A_1305 = tpu.vector_load %arg11[%get3A_1303, %get3A_1304] {strides = array<i32>} : memref<128x64xi32, #tpu.memory_space<vmem>>, vector<16xi32>,
        %shift_left3A_1306 = arith.constant 16 : i32
        %shift_left3A_1307 = vector.broadcast %shift_left3A_1306 : i32 to vector<16xi32>
        %shift_left3A_1308 = arith.shli %get3A_1305, %shift_left3A_1307 : vector<16xi32>
        %bitcast3A_1309 = vector.bitcast %shift_left3A_1308 : vector<16xi32> to vector<16xf32>
        %and3A_1310 = arith.andi %get3A_1305, %broadcast_in_dim3A_27 : vector<16xi32>
        %bitcast3A_1311 = vector.bitcast %and3A_1310 : vector<16xi32> to vector<16xf32>
        %add3A_1312 = arith.constant 96 : i32
        %add3A_1313 = vector.broadcast %add3A_1312 : i32 to vector<16xi32>
        %add3A_1314 = arith.addi %mul3A_19, %add3A_1313 : vector<16xi32>
        %mul3A_1315 = vector.broadcast %squeeze3A_1223 : f32 to vector<16xf32>
        %mul3A_1316 = arith.mulf %bitcast3A_1309, %mul3A_1315 : vector<16xf32>
        %scatter3A_1317 = arith.constant 0 : i32
        %scatter3A_1318 = tpu.memref_slice %arg12[%add3A_1227, %scatter3A_1317] : memref<128x128xf32, #tpu.memory_space<vmem>> -> memref<1x128xf32, #tpu.memory_space<vmem>>
        %scatter3A_1319 = tpu.memref_squeeze %scatter3A_1318 : memref<1x128xf32, #tpu.memory_space<vmem>> -> memref<128xf32, #tpu.memory_space<vmem>>
        tpu.vector_store_idx %scatter3A_1319[%add3A_1314], %mul3A_1316 : memref<128xf32, #tpu.memory_space<vmem>>[vector<16xi32>], vector<16xf32>,
        %add3A_1320 = arith.constant 96 : i32
        %add3A_1321 = vector.broadcast %add3A_1320 : i32 to vector<16xi32>
        %add3A_1322 = arith.addi %add3A_25, %add3A_1321 : vector<16xi32>
        %mul3A_1323 = vector.broadcast %squeeze3A_1223 : f32 to vector<16xf32>
        %mul3A_1324 = arith.mulf %bitcast3A_1311, %mul3A_1323 : vector<16xf32>
        %scatter3A_1325 = arith.constant 0 : i32
        %scatter3A_1326 = tpu.memref_slice %arg12[%add3A_1227, %scatter3A_1325] : memref<128x128xf32, #tpu.memory_space<vmem>> -> memref<1x128xf32, #tpu.memory_space<vmem>>
        %scatter3A_1327 = tpu.memref_squeeze %scatter3A_1326 : memref<1x128xf32, #tpu.memory_space<vmem>> -> memref<128xf32, #tpu.memory_space<vmem>>
        tpu.vector_store_idx %scatter3A_1327[%add3A_1322], %mul3A_1324 : memref<128xf32, #tpu.memory_space<vmem>>[vector<16xi32>], vector<16xf32>,
        %slice3A_1328 = vector.extract_strided_slice %get3A_379 {offsets = [9], sizes = [1], strides = [1]} : vector<16xf32> to vector<1xf32>
        %squeeze3A_1329 = vector.extract %slice3A_1328[0] : f32 from vector<1xf32>
        %mul3A_1330 = arith.constant 16 : i32
        %mul3A_1331 = arith.muli %scan3A_373, %mul3A_1330 : i32
        %add3A_1332 = arith.constant 9 : i32
        %add3A_1333 = arith.addi %mul3A_1331, %add3A_1332 : i32
        %get3A_1334 = arith.index_cast %add3A_1333 : i32 to index
        %get3A_1335 = arith.constant 0 : index
        %get3A_1336 = tpu.vector_load %arg11[%get3A_1334, %get3A_1335] {strides = array<i32>} : memref<128x64xi32, #tpu.memory_space<vmem>>, vector<16xi32>,
        %shift_left3A_1337 = arith.constant 16 : i32
        %shift_left3A_1338 = vector.broadcast %shift_left3A_1337 : i32 to vector<16xi32>
        %shift_left3A_1339 = arith.shli %get3A_1336, %shift_left3A_1338 : vector<16xi32>
        %bitcast3A_1340 = vector.bitcast %shift_left3A_1339 : vector<16xi32> to vector<16xf32>
        %and3A_1341 = arith.andi %get3A_1336, %broadcast_in_dim3A_27 : vector<16xi32>
        %bitcast3A_1342 = vector.bitcast %and3A_1341 : vector<16xi32> to vector<16xf32>
        %add3A_1343 = arith.constant 0 : i32
        %add3A_1344 = vector.broadcast %add3A_1343 : i32 to vector<16xi32>
        %add3A_1345 = arith.addi %mul3A_19, %add3A_1344 : vector<16xi32>
        %mul3A_1346 = vector.broadcast %squeeze3A_1329 : f32 to vector<16xf32>
        %mul3A_1347 = arith.mulf %bitcast3A_1340, %mul3A_1346 : vector<16xf32>
        %scatter3A_1348 = arith.constant 0 : i32
        %scatter3A_1349 = tpu.memref_slice %arg12[%add3A_1333, %scatter3A_1348] : memref<128x128xf32, #tpu.memory_space<vmem>> -> memref<1x128xf32, #tpu.memory_space<vmem>>
        %scatter3A_1350 = tpu.memref_squeeze %scatter3A_1349 : memref<1x128xf32, #tpu.memory_space<vmem>> -> memref<128xf32, #tpu.memory_space<vmem>>
        tpu.vector_store_idx %scatter3A_1350[%add3A_1345], %mul3A_1347 : memref<128xf32, #tpu.memory_space<vmem>>[vector<16xi32>], vector<16xf32>,
        %add3A_1351 = arith.constant 0 : i32
        %add3A_1352 = vector.broadcast %add3A_1351 : i32 to vector<16xi32>
        %add3A_1353 = arith.addi %add3A_25, %add3A_1352 : vector<16xi32>
        %mul3A_1354 = vector.broadcast %squeeze3A_1329 : f32 to vector<16xf32>
        %mul3A_1355 = arith.mulf %bitcast3A_1342, %mul3A_1354 : vector<16xf32>
        %scatter3A_1356 = arith.constant 0 : i32
        %scatter3A_1357 = tpu.memref_slice %arg12[%add3A_1333, %scatter3A_1356] : memref<128x128xf32, #tpu.memory_space<vmem>> -> memref<1x128xf32, #tpu.memory_space<vmem>>
        %scatter3A_1358 = tpu.memref_squeeze %scatter3A_1357 : memref<1x128xf32, #tpu.memory_space<vmem>> -> memref<128xf32, #tpu.memory_space<vmem>>
        tpu.vector_store_idx %scatter3A_1358[%add3A_1353], %mul3A_1355 : memref<128xf32, #tpu.memory_space<vmem>>[vector<16xi32>], vector<16xf32>,
        %get3A_1359 = arith.index_cast %add3A_1333 : i32 to index
        %get3A_1360 = arith.constant 16 : index
        %get3A_1361 = tpu.vector_load %arg11[%get3A_1359, %get3A_1360] {strides = array<i32>} : memref<128x64xi32, #tpu.memory_space<vmem>>, vector<16xi32>,
        %shift_left3A_1362 = arith.constant 16 : i32
        %shift_left3A_1363 = vector.broadcast %shift_left3A_1362 : i32 to vector<16xi32>
        %shift_left3A_1364 = arith.shli %get3A_1361, %shift_left3A_1363 : vector<16xi32>
        %bitcast3A_1365 = vector.bitcast %shift_left3A_1364 : vector<16xi32> to vector<16xf32>
        %and3A_1366 = arith.andi %get3A_1361, %broadcast_in_dim3A_27 : vector<16xi32>
        %bitcast3A_1367 = vector.bitcast %and3A_1366 : vector<16xi32> to vector<16xf32>
        %add3A_1368 = arith.constant 32 : i32
        %add3A_1369 = vector.broadcast %add3A_1368 : i32 to vector<16xi32>
        %add3A_1370 = arith.addi %mul3A_19, %add3A_1369 : vector<16xi32>
        %mul3A_1371 = vector.broadcast %squeeze3A_1329 : f32 to vector<16xf32>
        %mul3A_1372 = arith.mulf %bitcast3A_1365, %mul3A_1371 : vector<16xf32>
        %scatter3A_1373 = arith.constant 0 : i32
        %scatter3A_1374 = tpu.memref_slice %arg12[%add3A_1333, %scatter3A_1373] : memref<128x128xf32, #tpu.memory_space<vmem>> -> memref<1x128xf32, #tpu.memory_space<vmem>>
        %scatter3A_1375 = tpu.memref_squeeze %scatter3A_1374 : memref<1x128xf32, #tpu.memory_space<vmem>> -> memref<128xf32, #tpu.memory_space<vmem>>
        tpu.vector_store_idx %scatter3A_1375[%add3A_1370], %mul3A_1372 : memref<128xf32, #tpu.memory_space<vmem>>[vector<16xi32>], vector<16xf32>,
        %add3A_1376 = arith.constant 32 : i32
        %add3A_1377 = vector.broadcast %add3A_1376 : i32 to vector<16xi32>
        %add3A_1378 = arith.addi %add3A_25, %add3A_1377 : vector<16xi32>
        %mul3A_1379 = vector.broadcast %squeeze3A_1329 : f32 to vector<16xf32>
        %mul3A_1380 = arith.mulf %bitcast3A_1367, %mul3A_1379 : vector<16xf32>
        %scatter3A_1381 = arith.constant 0 : i32
        %scatter3A_1382 = tpu.memref_slice %arg12[%add3A_1333, %scatter3A_1381] : memref<128x128xf32, #tpu.memory_space<vmem>> -> memref<1x128xf32, #tpu.memory_space<vmem>>
        %scatter3A_1383 = tpu.memref_squeeze %scatter3A_1382 : memref<1x128xf32, #tpu.memory_space<vmem>> -> memref<128xf32, #tpu.memory_space<vmem>>
        tpu.vector_store_idx %scatter3A_1383[%add3A_1378], %mul3A_1380 : memref<128xf32, #tpu.memory_space<vmem>>[vector<16xi32>], vector<16xf32>,
        %get3A_1384 = arith.index_cast %add3A_1333 : i32 to index
        %get3A_1385 = arith.constant 32 : index
        %get3A_1386 = tpu.vector_load %arg11[%get3A_1384, %get3A_1385] {strides = array<i32>} : memref<128x64xi32, #tpu.memory_space<vmem>>, vector<16xi32>,
        %shift_left3A_1387 = arith.constant 16 : i32
        %shift_left3A_1388 = vector.broadcast %shift_left3A_1387 : i32 to vector<16xi32>
        %shift_left3A_1389 = arith.shli %get3A_1386, %shift_left3A_1388 : vector<16xi32>
        %bitcast3A_1390 = vector.bitcast %shift_left3A_1389 : vector<16xi32> to vector<16xf32>
        %and3A_1391 = arith.andi %get3A_1386, %broadcast_in_dim3A_27 : vector<16xi32>
        %bitcast3A_1392 = vector.bitcast %and3A_1391 : vector<16xi32> to vector<16xf32>
        %add3A_1393 = arith.constant 64 : i32
        %add3A_1394 = vector.broadcast %add3A_1393 : i32 to vector<16xi32>
        %add3A_1395 = arith.addi %mul3A_19, %add3A_1394 : vector<16xi32>
        %mul3A_1396 = vector.broadcast %squeeze3A_1329 : f32 to vector<16xf32>
        %mul3A_1397 = arith.mulf %bitcast3A_1390, %mul3A_1396 : vector<16xf32>
        %scatter3A_1398 = arith.constant 0 : i32
        %scatter3A_1399 = tpu.memref_slice %arg12[%add3A_1333, %scatter3A_1398] : memref<128x128xf32, #tpu.memory_space<vmem>> -> memref<1x128xf32, #tpu.memory_space<vmem>>
        %scatter3A_1400 = tpu.memref_squeeze %scatter3A_1399 : memref<1x128xf32, #tpu.memory_space<vmem>> -> memref<128xf32, #tpu.memory_space<vmem>>
        tpu.vector_store_idx %scatter3A_1400[%add3A_1395], %mul3A_1397 : memref<128xf32, #tpu.memory_space<vmem>>[vector<16xi32>], vector<16xf32>,
        %add3A_1401 = arith.constant 64 : i32
        %add3A_1402 = vector.broadcast %add3A_1401 : i32 to vector<16xi32>
        %add3A_1403 = arith.addi %add3A_25, %add3A_1402 : vector<16xi32>
        %mul3A_1404 = vector.broadcast %squeeze3A_1329 : f32 to vector<16xf32>
        %mul3A_1405 = arith.mulf %bitcast3A_1392, %mul3A_1404 : vector<16xf32>
        %scatter3A_1406 = arith.constant 0 : i32
        %scatter3A_1407 = tpu.memref_slice %arg12[%add3A_1333, %scatter3A_1406] : memref<128x128xf32, #tpu.memory_space<vmem>> -> memref<1x128xf32, #tpu.memory_space<vmem>>
        %scatter3A_1408 = tpu.memref_squeeze %scatter3A_1407 : memref<1x128xf32, #tpu.memory_space<vmem>> -> memref<128xf32, #tpu.memory_space<vmem>>
        tpu.vector_store_idx %scatter3A_1408[%add3A_1403], %mul3A_1405 : memref<128xf32, #tpu.memory_space<vmem>>[vector<16xi32>], vector<16xf32>,
        %get3A_1409 = arith.index_cast %add3A_1333 : i32 to index
        %get3A_1410 = arith.constant 48 : index
        %get3A_1411 = tpu.vector_load %arg11[%get3A_1409, %get3A_1410] {strides = array<i32>} : memref<128x64xi32, #tpu.memory_space<vmem>>, vector<16xi32>,
        %shift_left3A_1412 = arith.constant 16 : i32
        %shift_left3A_1413 = vector.broadcast %shift_left3A_1412 : i32 to vector<16xi32>
        %shift_left3A_1414 = arith.shli %get3A_1411, %shift_left3A_1413 : vector<16xi32>
        %bitcast3A_1415 = vector.bitcast %shift_left3A_1414 : vector<16xi32> to vector<16xf32>
        %and3A_1416 = arith.andi %get3A_1411, %broadcast_in_dim3A_27 : vector<16xi32>
        %bitcast3A_1417 = vector.bitcast %and3A_1416 : vector<16xi32> to vector<16xf32>
        %add3A_1418 = arith.constant 96 : i32
        %add3A_1419 = vector.broadcast %add3A_1418 : i32 to vector<16xi32>
        %add3A_1420 = arith.addi %mul3A_19, %add3A_1419 : vector<16xi32>
        %mul3A_1421 = vector.broadcast %squeeze3A_1329 : f32 to vector<16xf32>
        %mul3A_1422 = arith.mulf %bitcast3A_1415, %mul3A_1421 : vector<16xf32>
        %scatter3A_1423 = arith.constant 0 : i32
        %scatter3A_1424 = tpu.memref_slice %arg12[%add3A_1333, %scatter3A_1423] : memref<128x128xf32, #tpu.memory_space<vmem>> -> memref<1x128xf32, #tpu.memory_space<vmem>>
        %scatter3A_1425 = tpu.memref_squeeze %scatter3A_1424 : memref<1x128xf32, #tpu.memory_space<vmem>> -> memref<128xf32, #tpu.memory_space<vmem>>
        tpu.vector_store_idx %scatter3A_1425[%add3A_1420], %mul3A_1422 : memref<128xf32, #tpu.memory_space<vmem>>[vector<16xi32>], vector<16xf32>,
        %add3A_1426 = arith.constant 96 : i32
        %add3A_1427 = vector.broadcast %add3A_1426 : i32 to vector<16xi32>
        %add3A_1428 = arith.addi %add3A_25, %add3A_1427 : vector<16xi32>
        %mul3A_1429 = vector.broadcast %squeeze3A_1329 : f32 to vector<16xf32>
        %mul3A_1430 = arith.mulf %bitcast3A_1417, %mul3A_1429 : vector<16xf32>
        %scatter3A_1431 = arith.constant 0 : i32
        %scatter3A_1432 = tpu.memref_slice %arg12[%add3A_1333, %scatter3A_1431] : memref<128x128xf32, #tpu.memory_space<vmem>> -> memref<1x128xf32, #tpu.memory_space<vmem>>
        %scatter3A_1433 = tpu.memref_squeeze %scatter3A_1432 : memref<1x128xf32, #tpu.memory_space<vmem>> -> memref<128xf32, #tpu.memory_space<vmem>>
        tpu.vector_store_idx %scatter3A_1433[%add3A_1428], %mul3A_1430 : memref<128xf32, #tpu.memory_space<vmem>>[vector<16xi32>], vector<16xf32>,
        %slice3A_1434 = vector.extract_strided_slice %get3A_379 {offsets = [10], sizes = [1], strides = [1]} : vector<16xf32> to vector<1xf32>
        %squeeze3A_1435 = vector.extract %slice3A_1434[0] : f32 from vector<1xf32>
        %mul3A_1436 = arith.constant 16 : i32
        %mul3A_1437 = arith.muli %scan3A_373, %mul3A_1436 : i32
        %add3A_1438 = arith.constant 10 : i32
        %add3A_1439 = arith.addi %mul3A_1437, %add3A_1438 : i32
        %get3A_1440 = arith.index_cast %add3A_1439 : i32 to index
        %get3A_1441 = arith.constant 0 : index
        %get3A_1442 = tpu.vector_load %arg11[%get3A_1440, %get3A_1441] {strides = array<i32>} : memref<128x64xi32, #tpu.memory_space<vmem>>, vector<16xi32>,
        %shift_left3A_1443 = arith.constant 16 : i32
        %shift_left3A_1444 = vector.broadcast %shift_left3A_1443 : i32 to vector<16xi32>
        %shift_left3A_1445 = arith.shli %get3A_1442, %shift_left3A_1444 : vector<16xi32>
        %bitcast3A_1446 = vector.bitcast %shift_left3A_1445 : vector<16xi32> to vector<16xf32>
        %and3A_1447 = arith.andi %get3A_1442, %broadcast_in_dim3A_27 : vector<16xi32>
        %bitcast3A_1448 = vector.bitcast %and3A_1447 : vector<16xi32> to vector<16xf32>
        %add3A_1449 = arith.constant 0 : i32
        %add3A_1450 = vector.broadcast %add3A_1449 : i32 to vector<16xi32>
        %add3A_1451 = arith.addi %mul3A_19, %add3A_1450 : vector<16xi32>
        %mul3A_1452 = vector.broadcast %squeeze3A_1435 : f32 to vector<16xf32>
        %mul3A_1453 = arith.mulf %bitcast3A_1446, %mul3A_1452 : vector<16xf32>
        %scatter3A_1454 = arith.constant 0 : i32
        %scatter3A_1455 = tpu.memref_slice %arg12[%add3A_1439, %scatter3A_1454] : memref<128x128xf32, #tpu.memory_space<vmem>> -> memref<1x128xf32, #tpu.memory_space<vmem>>
        %scatter3A_1456 = tpu.memref_squeeze %scatter3A_1455 : memref<1x128xf32, #tpu.memory_space<vmem>> -> memref<128xf32, #tpu.memory_space<vmem>>
        tpu.vector_store_idx %scatter3A_1456[%add3A_1451], %mul3A_1453 : memref<128xf32, #tpu.memory_space<vmem>>[vector<16xi32>], vector<16xf32>,
        %add3A_1457 = arith.constant 0 : i32
        %add3A_1458 = vector.broadcast %add3A_1457 : i32 to vector<16xi32>
        %add3A_1459 = arith.addi %add3A_25, %add3A_1458 : vector<16xi32>
        %mul3A_1460 = vector.broadcast %squeeze3A_1435 : f32 to vector<16xf32>
        %mul3A_1461 = arith.mulf %bitcast3A_1448, %mul3A_1460 : vector<16xf32>
        %scatter3A_1462 = arith.constant 0 : i32
        %scatter3A_1463 = tpu.memref_slice %arg12[%add3A_1439, %scatter3A_1462] : memref<128x128xf32, #tpu.memory_space<vmem>> -> memref<1x128xf32, #tpu.memory_space<vmem>>
        %scatter3A_1464 = tpu.memref_squeeze %scatter3A_1463 : memref<1x128xf32, #tpu.memory_space<vmem>> -> memref<128xf32, #tpu.memory_space<vmem>>
        tpu.vector_store_idx %scatter3A_1464[%add3A_1459], %mul3A_1461 : memref<128xf32, #tpu.memory_space<vmem>>[vector<16xi32>], vector<16xf32>,
        %get3A_1465 = arith.index_cast %add3A_1439 : i32 to index
        %get3A_1466 = arith.constant 16 : index
        %get3A_1467 = tpu.vector_load %arg11[%get3A_1465, %get3A_1466] {strides = array<i32>} : memref<128x64xi32, #tpu.memory_space<vmem>>, vector<16xi32>,
        %shift_left3A_1468 = arith.constant 16 : i32
        %shift_left3A_1469 = vector.broadcast %shift_left3A_1468 : i32 to vector<16xi32>
        %shift_left3A_1470 = arith.shli %get3A_1467, %shift_left3A_1469 : vector<16xi32>
        %bitcast3A_1471 = vector.bitcast %shift_left3A_1470 : vector<16xi32> to vector<16xf32>
        %and3A_1472 = arith.andi %get3A_1467, %broadcast_in_dim3A_27 : vector<16xi32>
        %bitcast3A_1473 = vector.bitcast %and3A_1472 : vector<16xi32> to vector<16xf32>
        %add3A_1474 = arith.constant 32 : i32
        %add3A_1475 = vector.broadcast %add3A_1474 : i32 to vector<16xi32>
        %add3A_1476 = arith.addi %mul3A_19, %add3A_1475 : vector<16xi32>
        %mul3A_1477 = vector.broadcast %squeeze3A_1435 : f32 to vector<16xf32>
        %mul3A_1478 = arith.mulf %bitcast3A_1471, %mul3A_1477 : vector<16xf32>
        %scatter3A_1479 = arith.constant 0 : i32
        %scatter3A_1480 = tpu.memref_slice %arg12[%add3A_1439, %scatter3A_1479] : memref<128x128xf32, #tpu.memory_space<vmem>> -> memref<1x128xf32, #tpu.memory_space<vmem>>
        %scatter3A_1481 = tpu.memref_squeeze %scatter3A_1480 : memref<1x128xf32, #tpu.memory_space<vmem>> -> memref<128xf32, #tpu.memory_space<vmem>>
        tpu.vector_store_idx %scatter3A_1481[%add3A_1476], %mul3A_1478 : memref<128xf32, #tpu.memory_space<vmem>>[vector<16xi32>], vector<16xf32>,
        %add3A_1482 = arith.constant 32 : i32
        %add3A_1483 = vector.broadcast %add3A_1482 : i32 to vector<16xi32>
        %add3A_1484 = arith.addi %add3A_25, %add3A_1483 : vector<16xi32>
        %mul3A_1485 = vector.broadcast %squeeze3A_1435 : f32 to vector<16xf32>
        %mul3A_1486 = arith.mulf %bitcast3A_1473, %mul3A_1485 : vector<16xf32>
        %scatter3A_1487 = arith.constant 0 : i32
        %scatter3A_1488 = tpu.memref_slice %arg12[%add3A_1439, %scatter3A_1487] : memref<128x128xf32, #tpu.memory_space<vmem>> -> memref<1x128xf32, #tpu.memory_space<vmem>>
        %scatter3A_1489 = tpu.memref_squeeze %scatter3A_1488 : memref<1x128xf32, #tpu.memory_space<vmem>> -> memref<128xf32, #tpu.memory_space<vmem>>
        tpu.vector_store_idx %scatter3A_1489[%add3A_1484], %mul3A_1486 : memref<128xf32, #tpu.memory_space<vmem>>[vector<16xi32>], vector<16xf32>,
        %get3A_1490 = arith.index_cast %add3A_1439 : i32 to index
        %get3A_1491 = arith.constant 32 : index
        %get3A_1492 = tpu.vector_load %arg11[%get3A_1490, %get3A_1491] {strides = array<i32>} : memref<128x64xi32, #tpu.memory_space<vmem>>, vector<16xi32>,
        %shift_left3A_1493 = arith.constant 16 : i32
        %shift_left3A_1494 = vector.broadcast %shift_left3A_1493 : i32 to vector<16xi32>
        %shift_left3A_1495 = arith.shli %get3A_1492, %shift_left3A_1494 : vector<16xi32>
        %bitcast3A_1496 = vector.bitcast %shift_left3A_1495 : vector<16xi32> to vector<16xf32>
        %and3A_1497 = arith.andi %get3A_1492, %broadcast_in_dim3A_27 : vector<16xi32>
        %bitcast3A_1498 = vector.bitcast %and3A_1497 : vector<16xi32> to vector<16xf32>
        %add3A_1499 = arith.constant 64 : i32
        %add3A_1500 = vector.broadcast %add3A_1499 : i32 to vector<16xi32>
        %add3A_1501 = arith.addi %mul3A_19, %add3A_1500 : vector<16xi32>
        %mul3A_1502 = vector.broadcast %squeeze3A_1435 : f32 to vector<16xf32>
        %mul3A_1503 = arith.mulf %bitcast3A_1496, %mul3A_1502 : vector<16xf32>
        %scatter3A_1504 = arith.constant 0 : i32
        %scatter3A_1505 = tpu.memref_slice %arg12[%add3A_1439, %scatter3A_1504] : memref<128x128xf32, #tpu.memory_space<vmem>> -> memref<1x128xf32, #tpu.memory_space<vmem>>
        %scatter3A_1506 = tpu.memref_squeeze %scatter3A_1505 : memref<1x128xf32, #tpu.memory_space<vmem>> -> memref<128xf32, #tpu.memory_space<vmem>>
        tpu.vector_store_idx %scatter3A_1506[%add3A_1501], %mul3A_1503 : memref<128xf32, #tpu.memory_space<vmem>>[vector<16xi32>], vector<16xf32>,
        %add3A_1507 = arith.constant 64 : i32
        %add3A_1508 = vector.broadcast %add3A_1507 : i32 to vector<16xi32>
        %add3A_1509 = arith.addi %add3A_25, %add3A_1508 : vector<16xi32>
        %mul3A_1510 = vector.broadcast %squeeze3A_1435 : f32 to vector<16xf32>
        %mul3A_1511 = arith.mulf %bitcast3A_1498, %mul3A_1510 : vector<16xf32>
        %scatter3A_1512 = arith.constant 0 : i32
        %scatter3A_1513 = tpu.memref_slice %arg12[%add3A_1439, %scatter3A_1512] : memref<128x128xf32, #tpu.memory_space<vmem>> -> memref<1x128xf32, #tpu.memory_space<vmem>>
        %scatter3A_1514 = tpu.memref_squeeze %scatter3A_1513 : memref<1x128xf32, #tpu.memory_space<vmem>> -> memref<128xf32, #tpu.memory_space<vmem>>
        tpu.vector_store_idx %scatter3A_1514[%add3A_1509], %mul3A_1511 : memref<128xf32, #tpu.memory_space<vmem>>[vector<16xi32>], vector<16xf32>,
        %get3A_1515 = arith.index_cast %add3A_1439 : i32 to index
        %get3A_1516 = arith.constant 48 : index
        %get3A_1517 = tpu.vector_load %arg11[%get3A_1515, %get3A_1516] {strides = array<i32>} : memref<128x64xi32, #tpu.memory_space<vmem>>, vector<16xi32>,
        %shift_left3A_1518 = arith.constant 16 : i32
        %shift_left3A_1519 = vector.broadcast %shift_left3A_1518 : i32 to vector<16xi32>
        %shift_left3A_1520 = arith.shli %get3A_1517, %shift_left3A_1519 : vector<16xi32>
        %bitcast3A_1521 = vector.bitcast %shift_left3A_1520 : vector<16xi32> to vector<16xf32>
        %and3A_1522 = arith.andi %get3A_1517, %broadcast_in_dim3A_27 : vector<16xi32>
        %bitcast3A_1523 = vector.bitcast %and3A_1522 : vector<16xi32> to vector<16xf32>
        %add3A_1524 = arith.constant 96 : i32
        %add3A_1525 = vector.broadcast %add3A_1524 : i32 to vector<16xi32>
        %add3A_1526 = arith.addi %mul3A_19, %add3A_1525 : vector<16xi32>
        %mul3A_1527 = vector.broadcast %squeeze3A_1435 : f32 to vector<16xf32>
        %mul3A_1528 = arith.mulf %bitcast3A_1521, %mul3A_1527 : vector<16xf32>
        %scatter3A_1529 = arith.constant 0 : i32
        %scatter3A_1530 = tpu.memref_slice %arg12[%add3A_1439, %scatter3A_1529] : memref<128x128xf32, #tpu.memory_space<vmem>> -> memref<1x128xf32, #tpu.memory_space<vmem>>
        %scatter3A_1531 = tpu.memref_squeeze %scatter3A_1530 : memref<1x128xf32, #tpu.memory_space<vmem>> -> memref<128xf32, #tpu.memory_space<vmem>>
        tpu.vector_store_idx %scatter3A_1531[%add3A_1526], %mul3A_1528 : memref<128xf32, #tpu.memory_space<vmem>>[vector<16xi32>], vector<16xf32>,
        %add3A_1532 = arith.constant 96 : i32
        %add3A_1533 = vector.broadcast %add3A_1532 : i32 to vector<16xi32>
        %add3A_1534 = arith.addi %add3A_25, %add3A_1533 : vector<16xi32>
        %mul3A_1535 = vector.broadcast %squeeze3A_1435 : f32 to vector<16xf32>
        %mul3A_1536 = arith.mulf %bitcast3A_1523, %mul3A_1535 : vector<16xf32>
        %scatter3A_1537 = arith.constant 0 : i32
        %scatter3A_1538 = tpu.memref_slice %arg12[%add3A_1439, %scatter3A_1537] : memref<128x128xf32, #tpu.memory_space<vmem>> -> memref<1x128xf32, #tpu.memory_space<vmem>>
        %scatter3A_1539 = tpu.memref_squeeze %scatter3A_1538 : memref<1x128xf32, #tpu.memory_space<vmem>> -> memref<128xf32, #tpu.memory_space<vmem>>
        tpu.vector_store_idx %scatter3A_1539[%add3A_1534], %mul3A_1536 : memref<128xf32, #tpu.memory_space<vmem>>[vector<16xi32>], vector<16xf32>,
        %slice3A_1540 = vector.extract_strided_slice %get3A_379 {offsets = [11], sizes = [1], strides = [1]} : vector<16xf32> to vector<1xf32>
        %squeeze3A_1541 = vector.extract %slice3A_1540[0] : f32 from vector<1xf32>
        %mul3A_1542 = arith.constant 16 : i32
        %mul3A_1543 = arith.muli %scan3A_373, %mul3A_1542 : i32
        %add3A_1544 = arith.constant 11 : i32
        %add3A_1545 = arith.addi %mul3A_1543, %add3A_1544 : i32
        %get3A_1546 = arith.index_cast %add3A_1545 : i32 to index
        %get3A_1547 = arith.constant 0 : index
        %get3A_1548 = tpu.vector_load %arg11[%get3A_1546, %get3A_1547] {strides = array<i32>} : memref<128x64xi32, #tpu.memory_space<vmem>>, vector<16xi32>,
        %shift_left3A_1549 = arith.constant 16 : i32
        %shift_left3A_1550 = vector.broadcast %shift_left3A_1549 : i32 to vector<16xi32>
        %shift_left3A_1551 = arith.shli %get3A_1548, %shift_left3A_1550 : vector<16xi32>
        %bitcast3A_1552 = vector.bitcast %shift_left3A_1551 : vector<16xi32> to vector<16xf32>
        %and3A_1553 = arith.andi %get3A_1548, %broadcast_in_dim3A_27 : vector<16xi32>
        %bitcast3A_1554 = vector.bitcast %and3A_1553 : vector<16xi32> to vector<16xf32>
        %add3A_1555 = arith.constant 0 : i32
        %add3A_1556 = vector.broadcast %add3A_1555 : i32 to vector<16xi32>
        %add3A_1557 = arith.addi %mul3A_19, %add3A_1556 : vector<16xi32>
        %mul3A_1558 = vector.broadcast %squeeze3A_1541 : f32 to vector<16xf32>
        %mul3A_1559 = arith.mulf %bitcast3A_1552, %mul3A_1558 : vector<16xf32>
        %scatter3A_1560 = arith.constant 0 : i32
        %scatter3A_1561 = tpu.memref_slice %arg12[%add3A_1545, %scatter3A_1560] : memref<128x128xf32, #tpu.memory_space<vmem>> -> memref<1x128xf32, #tpu.memory_space<vmem>>
        %scatter3A_1562 = tpu.memref_squeeze %scatter3A_1561 : memref<1x128xf32, #tpu.memory_space<vmem>> -> memref<128xf32, #tpu.memory_space<vmem>>
        tpu.vector_store_idx %scatter3A_1562[%add3A_1557], %mul3A_1559 : memref<128xf32, #tpu.memory_space<vmem>>[vector<16xi32>], vector<16xf32>,
        %add3A_1563 = arith.constant 0 : i32
        %add3A_1564 = vector.broadcast %add3A_1563 : i32 to vector<16xi32>
        %add3A_1565 = arith.addi %add3A_25, %add3A_1564 : vector<16xi32>
        %mul3A_1566 = vector.broadcast %squeeze3A_1541 : f32 to vector<16xf32>
        %mul3A_1567 = arith.mulf %bitcast3A_1554, %mul3A_1566 : vector<16xf32>
        %scatter3A_1568 = arith.constant 0 : i32
        %scatter3A_1569 = tpu.memref_slice %arg12[%add3A_1545, %scatter3A_1568] : memref<128x128xf32, #tpu.memory_space<vmem>> -> memref<1x128xf32, #tpu.memory_space<vmem>>
        %scatter3A_1570 = tpu.memref_squeeze %scatter3A_1569 : memref<1x128xf32, #tpu.memory_space<vmem>> -> memref<128xf32, #tpu.memory_space<vmem>>
        tpu.vector_store_idx %scatter3A_1570[%add3A_1565], %mul3A_1567 : memref<128xf32, #tpu.memory_space<vmem>>[vector<16xi32>], vector<16xf32>,
        %get3A_1571 = arith.index_cast %add3A_1545 : i32 to index
        %get3A_1572 = arith.constant 16 : index
        %get3A_1573 = tpu.vector_load %arg11[%get3A_1571, %get3A_1572] {strides = array<i32>} : memref<128x64xi32, #tpu.memory_space<vmem>>, vector<16xi32>,
        %shift_left3A_1574 = arith.constant 16 : i32
        %shift_left3A_1575 = vector.broadcast %shift_left3A_1574 : i32 to vector<16xi32>
        %shift_left3A_1576 = arith.shli %get3A_1573, %shift_left3A_1575 : vector<16xi32>
        %bitcast3A_1577 = vector.bitcast %shift_left3A_1576 : vector<16xi32> to vector<16xf32>
        %and3A_1578 = arith.andi %get3A_1573, %broadcast_in_dim3A_27 : vector<16xi32>
        %bitcast3A_1579 = vector.bitcast %and3A_1578 : vector<16xi32> to vector<16xf32>
        %add3A_1580 = arith.constant 32 : i32
        %add3A_1581 = vector.broadcast %add3A_1580 : i32 to vector<16xi32>
        %add3A_1582 = arith.addi %mul3A_19, %add3A_1581 : vector<16xi32>
        %mul3A_1583 = vector.broadcast %squeeze3A_1541 : f32 to vector<16xf32>
        %mul3A_1584 = arith.mulf %bitcast3A_1577, %mul3A_1583 : vector<16xf32>
        %scatter3A_1585 = arith.constant 0 : i32
        %scatter3A_1586 = tpu.memref_slice %arg12[%add3A_1545, %scatter3A_1585] : memref<128x128xf32, #tpu.memory_space<vmem>> -> memref<1x128xf32, #tpu.memory_space<vmem>>
        %scatter3A_1587 = tpu.memref_squeeze %scatter3A_1586 : memref<1x128xf32, #tpu.memory_space<vmem>> -> memref<128xf32, #tpu.memory_space<vmem>>
        tpu.vector_store_idx %scatter3A_1587[%add3A_1582], %mul3A_1584 : memref<128xf32, #tpu.memory_space<vmem>>[vector<16xi32>], vector<16xf32>,
        %add3A_1588 = arith.constant 32 : i32
        %add3A_1589 = vector.broadcast %add3A_1588 : i32 to vector<16xi32>
        %add3A_1590 = arith.addi %add3A_25, %add3A_1589 : vector<16xi32>
        %mul3A_1591 = vector.broadcast %squeeze3A_1541 : f32 to vector<16xf32>
        %mul3A_1592 = arith.mulf %bitcast3A_1579, %mul3A_1591 : vector<16xf32>
        %scatter3A_1593 = arith.constant 0 : i32
        %scatter3A_1594 = tpu.memref_slice %arg12[%add3A_1545, %scatter3A_1593] : memref<128x128xf32, #tpu.memory_space<vmem>> -> memref<1x128xf32, #tpu.memory_space<vmem>>
        %scatter3A_1595 = tpu.memref_squeeze %scatter3A_1594 : memref<1x128xf32, #tpu.memory_space<vmem>> -> memref<128xf32, #tpu.memory_space<vmem>>
        tpu.vector_store_idx %scatter3A_1595[%add3A_1590], %mul3A_1592 : memref<128xf32, #tpu.memory_space<vmem>>[vector<16xi32>], vector<16xf32>,
        %get3A_1596 = arith.index_cast %add3A_1545 : i32 to index
        %get3A_1597 = arith.constant 32 : index
        %get3A_1598 = tpu.vector_load %arg11[%get3A_1596, %get3A_1597] {strides = array<i32>} : memref<128x64xi32, #tpu.memory_space<vmem>>, vector<16xi32>,
        %shift_left3A_1599 = arith.constant 16 : i32
        %shift_left3A_1600 = vector.broadcast %shift_left3A_1599 : i32 to vector<16xi32>
        %shift_left3A_1601 = arith.shli %get3A_1598, %shift_left3A_1600 : vector<16xi32>
        %bitcast3A_1602 = vector.bitcast %shift_left3A_1601 : vector<16xi32> to vector<16xf32>
        %and3A_1603 = arith.andi %get3A_1598, %broadcast_in_dim3A_27 : vector<16xi32>
        %bitcast3A_1604 = vector.bitcast %and3A_1603 : vector<16xi32> to vector<16xf32>
        %add3A_1605 = arith.constant 64 : i32
        %add3A_1606 = vector.broadcast %add3A_1605 : i32 to vector<16xi32>
        %add3A_1607 = arith.addi %mul3A_19, %add3A_1606 : vector<16xi32>
        %mul3A_1608 = vector.broadcast %squeeze3A_1541 : f32 to vector<16xf32>
        %mul3A_1609 = arith.mulf %bitcast3A_1602, %mul3A_1608 : vector<16xf32>
        %scatter3A_1610 = arith.constant 0 : i32
        %scatter3A_1611 = tpu.memref_slice %arg12[%add3A_1545, %scatter3A_1610] : memref<128x128xf32, #tpu.memory_space<vmem>> -> memref<1x128xf32, #tpu.memory_space<vmem>>
        %scatter3A_1612 = tpu.memref_squeeze %scatter3A_1611 : memref<1x128xf32, #tpu.memory_space<vmem>> -> memref<128xf32, #tpu.memory_space<vmem>>
        tpu.vector_store_idx %scatter3A_1612[%add3A_1607], %mul3A_1609 : memref<128xf32, #tpu.memory_space<vmem>>[vector<16xi32>], vector<16xf32>,
        %add3A_1613 = arith.constant 64 : i32
        %add3A_1614 = vector.broadcast %add3A_1613 : i32 to vector<16xi32>
        %add3A_1615 = arith.addi %add3A_25, %add3A_1614 : vector<16xi32>
        %mul3A_1616 = vector.broadcast %squeeze3A_1541 : f32 to vector<16xf32>
        %mul3A_1617 = arith.mulf %bitcast3A_1604, %mul3A_1616 : vector<16xf32>
        %scatter3A_1618 = arith.constant 0 : i32
        %scatter3A_1619 = tpu.memref_slice %arg12[%add3A_1545, %scatter3A_1618] : memref<128x128xf32, #tpu.memory_space<vmem>> -> memref<1x128xf32, #tpu.memory_space<vmem>>
        %scatter3A_1620 = tpu.memref_squeeze %scatter3A_1619 : memref<1x128xf32, #tpu.memory_space<vmem>> -> memref<128xf32, #tpu.memory_space<vmem>>
        tpu.vector_store_idx %scatter3A_1620[%add3A_1615], %mul3A_1617 : memref<128xf32, #tpu.memory_space<vmem>>[vector<16xi32>], vector<16xf32>,
        %get3A_1621 = arith.index_cast %add3A_1545 : i32 to index
        %get3A_1622 = arith.constant 48 : index
        %get3A_1623 = tpu.vector_load %arg11[%get3A_1621, %get3A_1622] {strides = array<i32>} : memref<128x64xi32, #tpu.memory_space<vmem>>, vector<16xi32>,
        %shift_left3A_1624 = arith.constant 16 : i32
        %shift_left3A_1625 = vector.broadcast %shift_left3A_1624 : i32 to vector<16xi32>
        %shift_left3A_1626 = arith.shli %get3A_1623, %shift_left3A_1625 : vector<16xi32>
        %bitcast3A_1627 = vector.bitcast %shift_left3A_1626 : vector<16xi32> to vector<16xf32>
        %and3A_1628 = arith.andi %get3A_1623, %broadcast_in_dim3A_27 : vector<16xi32>
        %bitcast3A_1629 = vector.bitcast %and3A_1628 : vector<16xi32> to vector<16xf32>
        %add3A_1630 = arith.constant 96 : i32
        %add3A_1631 = vector.broadcast %add3A_1630 : i32 to vector<16xi32>
        %add3A_1632 = arith.addi %mul3A_19, %add3A_1631 : vector<16xi32>
        %mul3A_1633 = vector.broadcast %squeeze3A_1541 : f32 to vector<16xf32>
        %mul3A_1634 = arith.mulf %bitcast3A_1627, %mul3A_1633 : vector<16xf32>
        %scatter3A_1635 = arith.constant 0 : i32
        %scatter3A_1636 = tpu.memref_slice %arg12[%add3A_1545, %scatter3A_1635] : memref<128x128xf32, #tpu.memory_space<vmem>> -> memref<1x128xf32, #tpu.memory_space<vmem>>
        %scatter3A_1637 = tpu.memref_squeeze %scatter3A_1636 : memref<1x128xf32, #tpu.memory_space<vmem>> -> memref<128xf32, #tpu.memory_space<vmem>>
        tpu.vector_store_idx %scatter3A_1637[%add3A_1632], %mul3A_1634 : memref<128xf32, #tpu.memory_space<vmem>>[vector<16xi32>], vector<16xf32>,
        %add3A_1638 = arith.constant 96 : i32
        %add3A_1639 = vector.broadcast %add3A_1638 : i32 to vector<16xi32>
        %add3A_1640 = arith.addi %add3A_25, %add3A_1639 : vector<16xi32>
        %mul3A_1641 = vector.broadcast %squeeze3A_1541 : f32 to vector<16xf32>
        %mul3A_1642 = arith.mulf %bitcast3A_1629, %mul3A_1641 : vector<16xf32>
        %scatter3A_1643 = arith.constant 0 : i32
        %scatter3A_1644 = tpu.memref_slice %arg12[%add3A_1545, %scatter3A_1643] : memref<128x128xf32, #tpu.memory_space<vmem>> -> memref<1x128xf32, #tpu.memory_space<vmem>>
        %scatter3A_1645 = tpu.memref_squeeze %scatter3A_1644 : memref<1x128xf32, #tpu.memory_space<vmem>> -> memref<128xf32, #tpu.memory_space<vmem>>
        tpu.vector_store_idx %scatter3A_1645[%add3A_1640], %mul3A_1642 : memref<128xf32, #tpu.memory_space<vmem>>[vector<16xi32>], vector<16xf32>,
        %slice3A_1646 = vector.extract_strided_slice %get3A_379 {offsets = [12], sizes = [1], strides = [1]} : vector<16xf32> to vector<1xf32>
        %squeeze3A_1647 = vector.extract %slice3A_1646[0] : f32 from vector<1xf32>
        %mul3A_1648 = arith.constant 16 : i32
        %mul3A_1649 = arith.muli %scan3A_373, %mul3A_1648 : i32
        %add3A_1650 = arith.constant 12 : i32
        %add3A_1651 = arith.addi %mul3A_1649, %add3A_1650 : i32
        %get3A_1652 = arith.index_cast %add3A_1651 : i32 to index
        %get3A_1653 = arith.constant 0 : index
        %get3A_1654 = tpu.vector_load %arg11[%get3A_1652, %get3A_1653] {strides = array<i32>} : memref<128x64xi32, #tpu.memory_space<vmem>>, vector<16xi32>,
        %shift_left3A_1655 = arith.constant 16 : i32
        %shift_left3A_1656 = vector.broadcast %shift_left3A_1655 : i32 to vector<16xi32>
        %shift_left3A_1657 = arith.shli %get3A_1654, %shift_left3A_1656 : vector<16xi32>
        %bitcast3A_1658 = vector.bitcast %shift_left3A_1657 : vector<16xi32> to vector<16xf32>
        %and3A_1659 = arith.andi %get3A_1654, %broadcast_in_dim3A_27 : vector<16xi32>
        %bitcast3A_1660 = vector.bitcast %and3A_1659 : vector<16xi32> to vector<16xf32>
        %add3A_1661 = arith.constant 0 : i32
        %add3A_1662 = vector.broadcast %add3A_1661 : i32 to vector<16xi32>
        %add3A_1663 = arith.addi %mul3A_19, %add3A_1662 : vector<16xi32>
        %mul3A_1664 = vector.broadcast %squeeze3A_1647 : f32 to vector<16xf32>
        %mul3A_1665 = arith.mulf %bitcast3A_1658, %mul3A_1664 : vector<16xf32>
        %scatter3A_1666 = arith.constant 0 : i32
        %scatter3A_1667 = tpu.memref_slice %arg12[%add3A_1651, %scatter3A_1666] : memref<128x128xf32, #tpu.memory_space<vmem>> -> memref<1x128xf32, #tpu.memory_space<vmem>>
        %scatter3A_1668 = tpu.memref_squeeze %scatter3A_1667 : memref<1x128xf32, #tpu.memory_space<vmem>> -> memref<128xf32, #tpu.memory_space<vmem>>
        tpu.vector_store_idx %scatter3A_1668[%add3A_1663], %mul3A_1665 : memref<128xf32, #tpu.memory_space<vmem>>[vector<16xi32>], vector<16xf32>,
        %add3A_1669 = arith.constant 0 : i32
        %add3A_1670 = vector.broadcast %add3A_1669 : i32 to vector<16xi32>
        %add3A_1671 = arith.addi %add3A_25, %add3A_1670 : vector<16xi32>
        %mul3A_1672 = vector.broadcast %squeeze3A_1647 : f32 to vector<16xf32>
        %mul3A_1673 = arith.mulf %bitcast3A_1660, %mul3A_1672 : vector<16xf32>
        %scatter3A_1674 = arith.constant 0 : i32
        %scatter3A_1675 = tpu.memref_slice %arg12[%add3A_1651, %scatter3A_1674] : memref<128x128xf32, #tpu.memory_space<vmem>> -> memref<1x128xf32, #tpu.memory_space<vmem>>
        %scatter3A_1676 = tpu.memref_squeeze %scatter3A_1675 : memref<1x128xf32, #tpu.memory_space<vmem>> -> memref<128xf32, #tpu.memory_space<vmem>>
        tpu.vector_store_idx %scatter3A_1676[%add3A_1671], %mul3A_1673 : memref<128xf32, #tpu.memory_space<vmem>>[vector<16xi32>], vector<16xf32>,
        %get3A_1677 = arith.index_cast %add3A_1651 : i32 to index
        %get3A_1678 = arith.constant 16 : index
        %get3A_1679 = tpu.vector_load %arg11[%get3A_1677, %get3A_1678] {strides = array<i32>} : memref<128x64xi32, #tpu.memory_space<vmem>>, vector<16xi32>,
        %shift_left3A_1680 = arith.constant 16 : i32
        %shift_left3A_1681 = vector.broadcast %shift_left3A_1680 : i32 to vector<16xi32>
        %shift_left3A_1682 = arith.shli %get3A_1679, %shift_left3A_1681 : vector<16xi32>
        %bitcast3A_1683 = vector.bitcast %shift_left3A_1682 : vector<16xi32> to vector<16xf32>
        %and3A_1684 = arith.andi %get3A_1679, %broadcast_in_dim3A_27 : vector<16xi32>
        %bitcast3A_1685 = vector.bitcast %and3A_1684 : vector<16xi32> to vector<16xf32>
        %add3A_1686 = arith.constant 32 : i32
        %add3A_1687 = vector.broadcast %add3A_1686 : i32 to vector<16xi32>
        %add3A_1688 = arith.addi %mul3A_19, %add3A_1687 : vector<16xi32>
        %mul3A_1689 = vector.broadcast %squeeze3A_1647 : f32 to vector<16xf32>
        %mul3A_1690 = arith.mulf %bitcast3A_1683, %mul3A_1689 : vector<16xf32>
        %scatter3A_1691 = arith.constant 0 : i32
        %scatter3A_1692 = tpu.memref_slice %arg12[%add3A_1651, %scatter3A_1691] : memref<128x128xf32, #tpu.memory_space<vmem>> -> memref<1x128xf32, #tpu.memory_space<vmem>>
        %scatter3A_1693 = tpu.memref_squeeze %scatter3A_1692 : memref<1x128xf32, #tpu.memory_space<vmem>> -> memref<128xf32, #tpu.memory_space<vmem>>
        tpu.vector_store_idx %scatter3A_1693[%add3A_1688], %mul3A_1690 : memref<128xf32, #tpu.memory_space<vmem>>[vector<16xi32>], vector<16xf32>,
        %add3A_1694 = arith.constant 32 : i32
        %add3A_1695 = vector.broadcast %add3A_1694 : i32 to vector<16xi32>
        %add3A_1696 = arith.addi %add3A_25, %add3A_1695 : vector<16xi32>
        %mul3A_1697 = vector.broadcast %squeeze3A_1647 : f32 to vector<16xf32>
        %mul3A_1698 = arith.mulf %bitcast3A_1685, %mul3A_1697 : vector<16xf32>
        %scatter3A_1699 = arith.constant 0 : i32
        %scatter3A_1700 = tpu.memref_slice %arg12[%add3A_1651, %scatter3A_1699] : memref<128x128xf32, #tpu.memory_space<vmem>> -> memref<1x128xf32, #tpu.memory_space<vmem>>
        %scatter3A_1701 = tpu.memref_squeeze %scatter3A_1700 : memref<1x128xf32, #tpu.memory_space<vmem>> -> memref<128xf32, #tpu.memory_space<vmem>>
        tpu.vector_store_idx %scatter3A_1701[%add3A_1696], %mul3A_1698 : memref<128xf32, #tpu.memory_space<vmem>>[vector<16xi32>], vector<16xf32>,
        %get3A_1702 = arith.index_cast %add3A_1651 : i32 to index
        %get3A_1703 = arith.constant 32 : index
        %get3A_1704 = tpu.vector_load %arg11[%get3A_1702, %get3A_1703] {strides = array<i32>} : memref<128x64xi32, #tpu.memory_space<vmem>>, vector<16xi32>,
        %shift_left3A_1705 = arith.constant 16 : i32
        %shift_left3A_1706 = vector.broadcast %shift_left3A_1705 : i32 to vector<16xi32>
        %shift_left3A_1707 = arith.shli %get3A_1704, %shift_left3A_1706 : vector<16xi32>
        %bitcast3A_1708 = vector.bitcast %shift_left3A_1707 : vector<16xi32> to vector<16xf32>
        %and3A_1709 = arith.andi %get3A_1704, %broadcast_in_dim3A_27 : vector<16xi32>
        %bitcast3A_1710 = vector.bitcast %and3A_1709 : vector<16xi32> to vector<16xf32>
        %add3A_1711 = arith.constant 64 : i32
        %add3A_1712 = vector.broadcast %add3A_1711 : i32 to vector<16xi32>
        %add3A_1713 = arith.addi %mul3A_19, %add3A_1712 : vector<16xi32>
        %mul3A_1714 = vector.broadcast %squeeze3A_1647 : f32 to vector<16xf32>
        %mul3A_1715 = arith.mulf %bitcast3A_1708, %mul3A_1714 : vector<16xf32>
        %scatter3A_1716 = arith.constant 0 : i32
        %scatter3A_1717 = tpu.memref_slice %arg12[%add3A_1651, %scatter3A_1716] : memref<128x128xf32, #tpu.memory_space<vmem>> -> memref<1x128xf32, #tpu.memory_space<vmem>>
        %scatter3A_1718 = tpu.memref_squeeze %scatter3A_1717 : memref<1x128xf32, #tpu.memory_space<vmem>> -> memref<128xf32, #tpu.memory_space<vmem>>
        tpu.vector_store_idx %scatter3A_1718[%add3A_1713], %mul3A_1715 : memref<128xf32, #tpu.memory_space<vmem>>[vector<16xi32>], vector<16xf32>,
        %add3A_1719 = arith.constant 64 : i32
        %add3A_1720 = vector.broadcast %add3A_1719 : i32 to vector<16xi32>
        %add3A_1721 = arith.addi %add3A_25, %add3A_1720 : vector<16xi32>
        %mul3A_1722 = vector.broadcast %squeeze3A_1647 : f32 to vector<16xf32>
        %mul3A_1723 = arith.mulf %bitcast3A_1710, %mul3A_1722 : vector<16xf32>
        %scatter3A_1724 = arith.constant 0 : i32
        %scatter3A_1725 = tpu.memref_slice %arg12[%add3A_1651, %scatter3A_1724] : memref<128x128xf32, #tpu.memory_space<vmem>> -> memref<1x128xf32, #tpu.memory_space<vmem>>
        %scatter3A_1726 = tpu.memref_squeeze %scatter3A_1725 : memref<1x128xf32, #tpu.memory_space<vmem>> -> memref<128xf32, #tpu.memory_space<vmem>>
        tpu.vector_store_idx %scatter3A_1726[%add3A_1721], %mul3A_1723 : memref<128xf32, #tpu.memory_space<vmem>>[vector<16xi32>], vector<16xf32>,
        %get3A_1727 = arith.index_cast %add3A_1651 : i32 to index
        %get3A_1728 = arith.constant 48 : index
        %get3A_1729 = tpu.vector_load %arg11[%get3A_1727, %get3A_1728] {strides = array<i32>} : memref<128x64xi32, #tpu.memory_space<vmem>>, vector<16xi32>,
        %shift_left3A_1730 = arith.constant 16 : i32
        %shift_left3A_1731 = vector.broadcast %shift_left3A_1730 : i32 to vector<16xi32>
        %shift_left3A_1732 = arith.shli %get3A_1729, %shift_left3A_1731 : vector<16xi32>
        %bitcast3A_1733 = vector.bitcast %shift_left3A_1732 : vector<16xi32> to vector<16xf32>
        %and3A_1734 = arith.andi %get3A_1729, %broadcast_in_dim3A_27 : vector<16xi32>
        %bitcast3A_1735 = vector.bitcast %and3A_1734 : vector<16xi32> to vector<16xf32>
        %add3A_1736 = arith.constant 96 : i32
        %add3A_1737 = vector.broadcast %add3A_1736 : i32 to vector<16xi32>
        %add3A_1738 = arith.addi %mul3A_19, %add3A_1737 : vector<16xi32>
        %mul3A_1739 = vector.broadcast %squeeze3A_1647 : f32 to vector<16xf32>
        %mul3A_1740 = arith.mulf %bitcast3A_1733, %mul3A_1739 : vector<16xf32>
        %scatter3A_1741 = arith.constant 0 : i32
        %scatter3A_1742 = tpu.memref_slice %arg12[%add3A_1651, %scatter3A_1741] : memref<128x128xf32, #tpu.memory_space<vmem>> -> memref<1x128xf32, #tpu.memory_space<vmem>>
        %scatter3A_1743 = tpu.memref_squeeze %scatter3A_1742 : memref<1x128xf32, #tpu.memory_space<vmem>> -> memref<128xf32, #tpu.memory_space<vmem>>
        tpu.vector_store_idx %scatter3A_1743[%add3A_1738], %mul3A_1740 : memref<128xf32, #tpu.memory_space<vmem>>[vector<16xi32>], vector<16xf32>,
        %add3A_1744 = arith.constant 96 : i32
        %add3A_1745 = vector.broadcast %add3A_1744 : i32 to vector<16xi32>
        %add3A_1746 = arith.addi %add3A_25, %add3A_1745 : vector<16xi32>
        %mul3A_1747 = vector.broadcast %squeeze3A_1647 : f32 to vector<16xf32>
        %mul3A_1748 = arith.mulf %bitcast3A_1735, %mul3A_1747 : vector<16xf32>
        %scatter3A_1749 = arith.constant 0 : i32
        %scatter3A_1750 = tpu.memref_slice %arg12[%add3A_1651, %scatter3A_1749] : memref<128x128xf32, #tpu.memory_space<vmem>> -> memref<1x128xf32, #tpu.memory_space<vmem>>
        %scatter3A_1751 = tpu.memref_squeeze %scatter3A_1750 : memref<1x128xf32, #tpu.memory_space<vmem>> -> memref<128xf32, #tpu.memory_space<vmem>>
        tpu.vector_store_idx %scatter3A_1751[%add3A_1746], %mul3A_1748 : memref<128xf32, #tpu.memory_space<vmem>>[vector<16xi32>], vector<16xf32>,
        %slice3A_1752 = vector.extract_strided_slice %get3A_379 {offsets = [13], sizes = [1], strides = [1]} : vector<16xf32> to vector<1xf32>
        %squeeze3A_1753 = vector.extract %slice3A_1752[0] : f32 from vector<1xf32>
        %mul3A_1754 = arith.constant 16 : i32
        %mul3A_1755 = arith.muli %scan3A_373, %mul3A_1754 : i32
        %add3A_1756 = arith.constant 13 : i32
        %add3A_1757 = arith.addi %mul3A_1755, %add3A_1756 : i32
        %get3A_1758 = arith.index_cast %add3A_1757 : i32 to index
        %get3A_1759 = arith.constant 0 : index
        %get3A_1760 = tpu.vector_load %arg11[%get3A_1758, %get3A_1759] {strides = array<i32>} : memref<128x64xi32, #tpu.memory_space<vmem>>, vector<16xi32>,
        %shift_left3A_1761 = arith.constant 16 : i32
        %shift_left3A_1762 = vector.broadcast %shift_left3A_1761 : i32 to vector<16xi32>
        %shift_left3A_1763 = arith.shli %get3A_1760, %shift_left3A_1762 : vector<16xi32>
        %bitcast3A_1764 = vector.bitcast %shift_left3A_1763 : vector<16xi32> to vector<16xf32>
        %and3A_1765 = arith.andi %get3A_1760, %broadcast_in_dim3A_27 : vector<16xi32>
        %bitcast3A_1766 = vector.bitcast %and3A_1765 : vector<16xi32> to vector<16xf32>
        %add3A_1767 = arith.constant 0 : i32
        %add3A_1768 = vector.broadcast %add3A_1767 : i32 to vector<16xi32>
        %add3A_1769 = arith.addi %mul3A_19, %add3A_1768 : vector<16xi32>
        %mul3A_1770 = vector.broadcast %squeeze3A_1753 : f32 to vector<16xf32>
        %mul3A_1771 = arith.mulf %bitcast3A_1764, %mul3A_1770 : vector<16xf32>
        %scatter3A_1772 = arith.constant 0 : i32
        %scatter3A_1773 = tpu.memref_slice %arg12[%add3A_1757, %scatter3A_1772] : memref<128x128xf32, #tpu.memory_space<vmem>> -> memref<1x128xf32, #tpu.memory_space<vmem>>
        %scatter3A_1774 = tpu.memref_squeeze %scatter3A_1773 : memref<1x128xf32, #tpu.memory_space<vmem>> -> memref<128xf32, #tpu.memory_space<vmem>>
        tpu.vector_store_idx %scatter3A_1774[%add3A_1769], %mul3A_1771 : memref<128xf32, #tpu.memory_space<vmem>>[vector<16xi32>], vector<16xf32>,
        %add3A_1775 = arith.constant 0 : i32
        %add3A_1776 = vector.broadcast %add3A_1775 : i32 to vector<16xi32>
        %add3A_1777 = arith.addi %add3A_25, %add3A_1776 : vector<16xi32>
        %mul3A_1778 = vector.broadcast %squeeze3A_1753 : f32 to vector<16xf32>
        %mul3A_1779 = arith.mulf %bitcast3A_1766, %mul3A_1778 : vector<16xf32>
        %scatter3A_1780 = arith.constant 0 : i32
        %scatter3A_1781 = tpu.memref_slice %arg12[%add3A_1757, %scatter3A_1780] : memref<128x128xf32, #tpu.memory_space<vmem>> -> memref<1x128xf32, #tpu.memory_space<vmem>>
        %scatter3A_1782 = tpu.memref_squeeze %scatter3A_1781 : memref<1x128xf32, #tpu.memory_space<vmem>> -> memref<128xf32, #tpu.memory_space<vmem>>
        tpu.vector_store_idx %scatter3A_1782[%add3A_1777], %mul3A_1779 : memref<128xf32, #tpu.memory_space<vmem>>[vector<16xi32>], vector<16xf32>,
        %get3A_1783 = arith.index_cast %add3A_1757 : i32 to index
        %get3A_1784 = arith.constant 16 : index
        %get3A_1785 = tpu.vector_load %arg11[%get3A_1783, %get3A_1784] {strides = array<i32>} : memref<128x64xi32, #tpu.memory_space<vmem>>, vector<16xi32>,
        %shift_left3A_1786 = arith.constant 16 : i32
        %shift_left3A_1787 = vector.broadcast %shift_left3A_1786 : i32 to vector<16xi32>
        %shift_left3A_1788 = arith.shli %get3A_1785, %shift_left3A_1787 : vector<16xi32>
        %bitcast3A_1789 = vector.bitcast %shift_left3A_1788 : vector<16xi32> to vector<16xf32>
        %and3A_1790 = arith.andi %get3A_1785, %broadcast_in_dim3A_27 : vector<16xi32>
        %bitcast3A_1791 = vector.bitcast %and3A_1790 : vector<16xi32> to vector<16xf32>
        %add3A_1792 = arith.constant 32 : i32
        %add3A_1793 = vector.broadcast %add3A_1792 : i32 to vector<16xi32>
        %add3A_1794 = arith.addi %mul3A_19, %add3A_1793 : vector<16xi32>
        %mul3A_1795 = vector.broadcast %squeeze3A_1753 : f32 to vector<16xf32>
        %mul3A_1796 = arith.mulf %bitcast3A_1789, %mul3A_1795 : vector<16xf32>
        %scatter3A_1797 = arith.constant 0 : i32
        %scatter3A_1798 = tpu.memref_slice %arg12[%add3A_1757, %scatter3A_1797] : memref<128x128xf32, #tpu.memory_space<vmem>> -> memref<1x128xf32, #tpu.memory_space<vmem>>
        %scatter3A_1799 = tpu.memref_squeeze %scatter3A_1798 : memref<1x128xf32, #tpu.memory_space<vmem>> -> memref<128xf32, #tpu.memory_space<vmem>>
        tpu.vector_store_idx %scatter3A_1799[%add3A_1794], %mul3A_1796 : memref<128xf32, #tpu.memory_space<vmem>>[vector<16xi32>], vector<16xf32>,
        %add3A_1800 = arith.constant 32 : i32
        %add3A_1801 = vector.broadcast %add3A_1800 : i32 to vector<16xi32>
        %add3A_1802 = arith.addi %add3A_25, %add3A_1801 : vector<16xi32>
        %mul3A_1803 = vector.broadcast %squeeze3A_1753 : f32 to vector<16xf32>
        %mul3A_1804 = arith.mulf %bitcast3A_1791, %mul3A_1803 : vector<16xf32>
        %scatter3A_1805 = arith.constant 0 : i32
        %scatter3A_1806 = tpu.memref_slice %arg12[%add3A_1757, %scatter3A_1805] : memref<128x128xf32, #tpu.memory_space<vmem>> -> memref<1x128xf32, #tpu.memory_space<vmem>>
        %scatter3A_1807 = tpu.memref_squeeze %scatter3A_1806 : memref<1x128xf32, #tpu.memory_space<vmem>> -> memref<128xf32, #tpu.memory_space<vmem>>
        tpu.vector_store_idx %scatter3A_1807[%add3A_1802], %mul3A_1804 : memref<128xf32, #tpu.memory_space<vmem>>[vector<16xi32>], vector<16xf32>,
        %get3A_1808 = arith.index_cast %add3A_1757 : i32 to index
        %get3A_1809 = arith.constant 32 : index
        %get3A_1810 = tpu.vector_load %arg11[%get3A_1808, %get3A_1809] {strides = array<i32>} : memref<128x64xi32, #tpu.memory_space<vmem>>, vector<16xi32>,
        %shift_left3A_1811 = arith.constant 16 : i32
        %shift_left3A_1812 = vector.broadcast %shift_left3A_1811 : i32 to vector<16xi32>
        %shift_left3A_1813 = arith.shli %get3A_1810, %shift_left3A_1812 : vector<16xi32>
        %bitcast3A_1814 = vector.bitcast %shift_left3A_1813 : vector<16xi32> to vector<16xf32>
        %and3A_1815 = arith.andi %get3A_1810, %broadcast_in_dim3A_27 : vector<16xi32>
        %bitcast3A_1816 = vector.bitcast %and3A_1815 : vector<16xi32> to vector<16xf32>
        %add3A_1817 = arith.constant 64 : i32
        %add3A_1818 = vector.broadcast %add3A_1817 : i32 to vector<16xi32>
        %add3A_1819 = arith.addi %mul3A_19, %add3A_1818 : vector<16xi32>
        %mul3A_1820 = vector.broadcast %squeeze3A_1753 : f32 to vector<16xf32>
        %mul3A_1821 = arith.mulf %bitcast3A_1814, %mul3A_1820 : vector<16xf32>
        %scatter3A_1822 = arith.constant 0 : i32
        %scatter3A_1823 = tpu.memref_slice %arg12[%add3A_1757, %scatter3A_1822] : memref<128x128xf32, #tpu.memory_space<vmem>> -> memref<1x128xf32, #tpu.memory_space<vmem>>
        %scatter3A_1824 = tpu.memref_squeeze %scatter3A_1823 : memref<1x128xf32, #tpu.memory_space<vmem>> -> memref<128xf32, #tpu.memory_space<vmem>>
        tpu.vector_store_idx %scatter3A_1824[%add3A_1819], %mul3A_1821 : memref<128xf32, #tpu.memory_space<vmem>>[vector<16xi32>], vector<16xf32>,
        %add3A_1825 = arith.constant 64 : i32
        %add3A_1826 = vector.broadcast %add3A_1825 : i32 to vector<16xi32>
        %add3A_1827 = arith.addi %add3A_25, %add3A_1826 : vector<16xi32>
        %mul3A_1828 = vector.broadcast %squeeze3A_1753 : f32 to vector<16xf32>
        %mul3A_1829 = arith.mulf %bitcast3A_1816, %mul3A_1828 : vector<16xf32>
        %scatter3A_1830 = arith.constant 0 : i32
        %scatter3A_1831 = tpu.memref_slice %arg12[%add3A_1757, %scatter3A_1830] : memref<128x128xf32, #tpu.memory_space<vmem>> -> memref<1x128xf32, #tpu.memory_space<vmem>>
        %scatter3A_1832 = tpu.memref_squeeze %scatter3A_1831 : memref<1x128xf32, #tpu.memory_space<vmem>> -> memref<128xf32, #tpu.memory_space<vmem>>
        tpu.vector_store_idx %scatter3A_1832[%add3A_1827], %mul3A_1829 : memref<128xf32, #tpu.memory_space<vmem>>[vector<16xi32>], vector<16xf32>,
        %get3A_1833 = arith.index_cast %add3A_1757 : i32 to index
        %get3A_1834 = arith.constant 48 : index
        %get3A_1835 = tpu.vector_load %arg11[%get3A_1833, %get3A_1834] {strides = array<i32>} : memref<128x64xi32, #tpu.memory_space<vmem>>, vector<16xi32>,
        %shift_left3A_1836 = arith.constant 16 : i32
        %shift_left3A_1837 = vector.broadcast %shift_left3A_1836 : i32 to vector<16xi32>
        %shift_left3A_1838 = arith.shli %get3A_1835, %shift_left3A_1837 : vector<16xi32>
        %bitcast3A_1839 = vector.bitcast %shift_left3A_1838 : vector<16xi32> to vector<16xf32>
        %and3A_1840 = arith.andi %get3A_1835, %broadcast_in_dim3A_27 : vector<16xi32>
        %bitcast3A_1841 = vector.bitcast %and3A_1840 : vector<16xi32> to vector<16xf32>
        %add3A_1842 = arith.constant 96 : i32
        %add3A_1843 = vector.broadcast %add3A_1842 : i32 to vector<16xi32>
        %add3A_1844 = arith.addi %mul3A_19, %add3A_1843 : vector<16xi32>
        %mul3A_1845 = vector.broadcast %squeeze3A_1753 : f32 to vector<16xf32>
        %mul3A_1846 = arith.mulf %bitcast3A_1839, %mul3A_1845 : vector<16xf32>
        %scatter3A_1847 = arith.constant 0 : i32
        %scatter3A_1848 = tpu.memref_slice %arg12[%add3A_1757, %scatter3A_1847] : memref<128x128xf32, #tpu.memory_space<vmem>> -> memref<1x128xf32, #tpu.memory_space<vmem>>
        %scatter3A_1849 = tpu.memref_squeeze %scatter3A_1848 : memref<1x128xf32, #tpu.memory_space<vmem>> -> memref<128xf32, #tpu.memory_space<vmem>>
        tpu.vector_store_idx %scatter3A_1849[%add3A_1844], %mul3A_1846 : memref<128xf32, #tpu.memory_space<vmem>>[vector<16xi32>], vector<16xf32>,
        %add3A_1850 = arith.constant 96 : i32
        %add3A_1851 = vector.broadcast %add3A_1850 : i32 to vector<16xi32>
        %add3A_1852 = arith.addi %add3A_25, %add3A_1851 : vector<16xi32>
        %mul3A_1853 = vector.broadcast %squeeze3A_1753 : f32 to vector<16xf32>
        %mul3A_1854 = arith.mulf %bitcast3A_1841, %mul3A_1853 : vector<16xf32>
        %scatter3A_1855 = arith.constant 0 : i32
        %scatter3A_1856 = tpu.memref_slice %arg12[%add3A_1757, %scatter3A_1855] : memref<128x128xf32, #tpu.memory_space<vmem>> -> memref<1x128xf32, #tpu.memory_space<vmem>>
        %scatter3A_1857 = tpu.memref_squeeze %scatter3A_1856 : memref<1x128xf32, #tpu.memory_space<vmem>> -> memref<128xf32, #tpu.memory_space<vmem>>
        tpu.vector_store_idx %scatter3A_1857[%add3A_1852], %mul3A_1854 : memref<128xf32, #tpu.memory_space<vmem>>[vector<16xi32>], vector<16xf32>,
        %slice3A_1858 = vector.extract_strided_slice %get3A_379 {offsets = [14], sizes = [1], strides = [1]} : vector<16xf32> to vector<1xf32>
        %squeeze3A_1859 = vector.extract %slice3A_1858[0] : f32 from vector<1xf32>
        %mul3A_1860 = arith.constant 16 : i32
        %mul3A_1861 = arith.muli %scan3A_373, %mul3A_1860 : i32
        %add3A_1862 = arith.constant 14 : i32
        %add3A_1863 = arith.addi %mul3A_1861, %add3A_1862 : i32
        %get3A_1864 = arith.index_cast %add3A_1863 : i32 to index
        %get3A_1865 = arith.constant 0 : index
        %get3A_1866 = tpu.vector_load %arg11[%get3A_1864, %get3A_1865] {strides = array<i32>} : memref<128x64xi32, #tpu.memory_space<vmem>>, vector<16xi32>,
        %shift_left3A_1867 = arith.constant 16 : i32
        %shift_left3A_1868 = vector.broadcast %shift_left3A_1867 : i32 to vector<16xi32>
        %shift_left3A_1869 = arith.shli %get3A_1866, %shift_left3A_1868 : vector<16xi32>
        %bitcast3A_1870 = vector.bitcast %shift_left3A_1869 : vector<16xi32> to vector<16xf32>
        %and3A_1871 = arith.andi %get3A_1866, %broadcast_in_dim3A_27 : vector<16xi32>
        %bitcast3A_1872 = vector.bitcast %and3A_1871 : vector<16xi32> to vector<16xf32>
        %add3A_1873 = arith.constant 0 : i32
        %add3A_1874 = vector.broadcast %add3A_1873 : i32 to vector<16xi32>
        %add3A_1875 = arith.addi %mul3A_19, %add3A_1874 : vector<16xi32>
        %mul3A_1876 = vector.broadcast %squeeze3A_1859 : f32 to vector<16xf32>
        %mul3A_1877 = arith.mulf %bitcast3A_1870, %mul3A_1876 : vector<16xf32>
        %scatter3A_1878 = arith.constant 0 : i32
        %scatter3A_1879 = tpu.memref_slice %arg12[%add3A_1863, %scatter3A_1878] : memref<128x128xf32, #tpu.memory_space<vmem>> -> memref<1x128xf32, #tpu.memory_space<vmem>>
        %scatter3A_1880 = tpu.memref_squeeze %scatter3A_1879 : memref<1x128xf32, #tpu.memory_space<vmem>> -> memref<128xf32, #tpu.memory_space<vmem>>
        tpu.vector_store_idx %scatter3A_1880[%add3A_1875], %mul3A_1877 : memref<128xf32, #tpu.memory_space<vmem>>[vector<16xi32>], vector<16xf32>,
        %add3A_1881 = arith.constant 0 : i32
        %add3A_1882 = vector.broadcast %add3A_1881 : i32 to vector<16xi32>
        %add3A_1883 = arith.addi %add3A_25, %add3A_1882 : vector<16xi32>
        %mul3A_1884 = vector.broadcast %squeeze3A_1859 : f32 to vector<16xf32>
        %mul3A_1885 = arith.mulf %bitcast3A_1872, %mul3A_1884 : vector<16xf32>
        %scatter3A_1886 = arith.constant 0 : i32
        %scatter3A_1887 = tpu.memref_slice %arg12[%add3A_1863, %scatter3A_1886] : memref<128x128xf32, #tpu.memory_space<vmem>> -> memref<1x128xf32, #tpu.memory_space<vmem>>
        %scatter3A_1888 = tpu.memref_squeeze %scatter3A_1887 : memref<1x128xf32, #tpu.memory_space<vmem>> -> memref<128xf32, #tpu.memory_space<vmem>>
        tpu.vector_store_idx %scatter3A_1888[%add3A_1883], %mul3A_1885 : memref<128xf32, #tpu.memory_space<vmem>>[vector<16xi32>], vector<16xf32>,
        %get3A_1889 = arith.index_cast %add3A_1863 : i32 to index
        %get3A_1890 = arith.constant 16 : index
        %get3A_1891 = tpu.vector_load %arg11[%get3A_1889, %get3A_1890] {strides = array<i32>} : memref<128x64xi32, #tpu.memory_space<vmem>>, vector<16xi32>,
        %shift_left3A_1892 = arith.constant 16 : i32
        %shift_left3A_1893 = vector.broadcast %shift_left3A_1892 : i32 to vector<16xi32>
        %shift_left3A_1894 = arith.shli %get3A_1891, %shift_left3A_1893 : vector<16xi32>
        %bitcast3A_1895 = vector.bitcast %shift_left3A_1894 : vector<16xi32> to vector<16xf32>
        %and3A_1896 = arith.andi %get3A_1891, %broadcast_in_dim3A_27 : vector<16xi32>
        %bitcast3A_1897 = vector.bitcast %and3A_1896 : vector<16xi32> to vector<16xf32>
        %add3A_1898 = arith.constant 32 : i32
        %add3A_1899 = vector.broadcast %add3A_1898 : i32 to vector<16xi32>
        %add3A_1900 = arith.addi %mul3A_19, %add3A_1899 : vector<16xi32>
        %mul3A_1901 = vector.broadcast %squeeze3A_1859 : f32 to vector<16xf32>
        %mul3A_1902 = arith.mulf %bitcast3A_1895, %mul3A_1901 : vector<16xf32>
        %scatter3A_1903 = arith.constant 0 : i32
        %scatter3A_1904 = tpu.memref_slice %arg12[%add3A_1863, %scatter3A_1903] : memref<128x128xf32, #tpu.memory_space<vmem>> -> memref<1x128xf32, #tpu.memory_space<vmem>>
        %scatter3A_1905 = tpu.memref_squeeze %scatter3A_1904 : memref<1x128xf32, #tpu.memory_space<vmem>> -> memref<128xf32, #tpu.memory_space<vmem>>
        tpu.vector_store_idx %scatter3A_1905[%add3A_1900], %mul3A_1902 : memref<128xf32, #tpu.memory_space<vmem>>[vector<16xi32>], vector<16xf32>,
        %add3A_1906 = arith.constant 32 : i32
        %add3A_1907 = vector.broadcast %add3A_1906 : i32 to vector<16xi32>
        %add3A_1908 = arith.addi %add3A_25, %add3A_1907 : vector<16xi32>
        %mul3A_1909 = vector.broadcast %squeeze3A_1859 : f32 to vector<16xf32>
        %mul3A_1910 = arith.mulf %bitcast3A_1897, %mul3A_1909 : vector<16xf32>
        %scatter3A_1911 = arith.constant 0 : i32
        %scatter3A_1912 = tpu.memref_slice %arg12[%add3A_1863, %scatter3A_1911] : memref<128x128xf32, #tpu.memory_space<vmem>> -> memref<1x128xf32, #tpu.memory_space<vmem>>
        %scatter3A_1913 = tpu.memref_squeeze %scatter3A_1912 : memref<1x128xf32, #tpu.memory_space<vmem>> -> memref<128xf32, #tpu.memory_space<vmem>>
        tpu.vector_store_idx %scatter3A_1913[%add3A_1908], %mul3A_1910 : memref<128xf32, #tpu.memory_space<vmem>>[vector<16xi32>], vector<16xf32>,
        %get3A_1914 = arith.index_cast %add3A_1863 : i32 to index
        %get3A_1915 = arith.constant 32 : index
        %get3A_1916 = tpu.vector_load %arg11[%get3A_1914, %get3A_1915] {strides = array<i32>} : memref<128x64xi32, #tpu.memory_space<vmem>>, vector<16xi32>,
        %shift_left3A_1917 = arith.constant 16 : i32
        %shift_left3A_1918 = vector.broadcast %shift_left3A_1917 : i32 to vector<16xi32>
        %shift_left3A_1919 = arith.shli %get3A_1916, %shift_left3A_1918 : vector<16xi32>
        %bitcast3A_1920 = vector.bitcast %shift_left3A_1919 : vector<16xi32> to vector<16xf32>
        %and3A_1921 = arith.andi %get3A_1916, %broadcast_in_dim3A_27 : vector<16xi32>
        %bitcast3A_1922 = vector.bitcast %and3A_1921 : vector<16xi32> to vector<16xf32>
        %add3A_1923 = arith.constant 64 : i32
        %add3A_1924 = vector.broadcast %add3A_1923 : i32 to vector<16xi32>
        %add3A_1925 = arith.addi %mul3A_19, %add3A_1924 : vector<16xi32>
        %mul3A_1926 = vector.broadcast %squeeze3A_1859 : f32 to vector<16xf32>
        %mul3A_1927 = arith.mulf %bitcast3A_1920, %mul3A_1926 : vector<16xf32>
        %scatter3A_1928 = arith.constant 0 : i32
        %scatter3A_1929 = tpu.memref_slice %arg12[%add3A_1863, %scatter3A_1928] : memref<128x128xf32, #tpu.memory_space<vmem>> -> memref<1x128xf32, #tpu.memory_space<vmem>>
        %scatter3A_1930 = tpu.memref_squeeze %scatter3A_1929 : memref<1x128xf32, #tpu.memory_space<vmem>> -> memref<128xf32, #tpu.memory_space<vmem>>
        tpu.vector_store_idx %scatter3A_1930[%add3A_1925], %mul3A_1927 : memref<128xf32, #tpu.memory_space<vmem>>[vector<16xi32>], vector<16xf32>,
        %add3A_1931 = arith.constant 64 : i32
        %add3A_1932 = vector.broadcast %add3A_1931 : i32 to vector<16xi32>
        %add3A_1933 = arith.addi %add3A_25, %add3A_1932 : vector<16xi32>
        %mul3A_1934 = vector.broadcast %squeeze3A_1859 : f32 to vector<16xf32>
        %mul3A_1935 = arith.mulf %bitcast3A_1922, %mul3A_1934 : vector<16xf32>
        %scatter3A_1936 = arith.constant 0 : i32
        %scatter3A_1937 = tpu.memref_slice %arg12[%add3A_1863, %scatter3A_1936] : memref<128x128xf32, #tpu.memory_space<vmem>> -> memref<1x128xf32, #tpu.memory_space<vmem>>
        %scatter3A_1938 = tpu.memref_squeeze %scatter3A_1937 : memref<1x128xf32, #tpu.memory_space<vmem>> -> memref<128xf32, #tpu.memory_space<vmem>>
        tpu.vector_store_idx %scatter3A_1938[%add3A_1933], %mul3A_1935 : memref<128xf32, #tpu.memory_space<vmem>>[vector<16xi32>], vector<16xf32>,
        %get3A_1939 = arith.index_cast %add3A_1863 : i32 to index
        %get3A_1940 = arith.constant 48 : index
        %get3A_1941 = tpu.vector_load %arg11[%get3A_1939, %get3A_1940] {strides = array<i32>} : memref<128x64xi32, #tpu.memory_space<vmem>>, vector<16xi32>,
        %shift_left3A_1942 = arith.constant 16 : i32
        %shift_left3A_1943 = vector.broadcast %shift_left3A_1942 : i32 to vector<16xi32>
        %shift_left3A_1944 = arith.shli %get3A_1941, %shift_left3A_1943 : vector<16xi32>
        %bitcast3A_1945 = vector.bitcast %shift_left3A_1944 : vector<16xi32> to vector<16xf32>
        %and3A_1946 = arith.andi %get3A_1941, %broadcast_in_dim3A_27 : vector<16xi32>
        %bitcast3A_1947 = vector.bitcast %and3A_1946 : vector<16xi32> to vector<16xf32>
        %add3A_1948 = arith.constant 96 : i32
        %add3A_1949 = vector.broadcast %add3A_1948 : i32 to vector<16xi32>
        %add3A_1950 = arith.addi %mul3A_19, %add3A_1949 : vector<16xi32>
        %mul3A_1951 = vector.broadcast %squeeze3A_1859 : f32 to vector<16xf32>
        %mul3A_1952 = arith.mulf %bitcast3A_1945, %mul3A_1951 : vector<16xf32>
        %scatter3A_1953 = arith.constant 0 : i32
        %scatter3A_1954 = tpu.memref_slice %arg12[%add3A_1863, %scatter3A_1953] : memref<128x128xf32, #tpu.memory_space<vmem>> -> memref<1x128xf32, #tpu.memory_space<vmem>>
        %scatter3A_1955 = tpu.memref_squeeze %scatter3A_1954 : memref<1x128xf32, #tpu.memory_space<vmem>> -> memref<128xf32, #tpu.memory_space<vmem>>
        tpu.vector_store_idx %scatter3A_1955[%add3A_1950], %mul3A_1952 : memref<128xf32, #tpu.memory_space<vmem>>[vector<16xi32>], vector<16xf32>,
        %add3A_1956 = arith.constant 96 : i32
        %add3A_1957 = vector.broadcast %add3A_1956 : i32 to vector<16xi32>
        %add3A_1958 = arith.addi %add3A_25, %add3A_1957 : vector<16xi32>
        %mul3A_1959 = vector.broadcast %squeeze3A_1859 : f32 to vector<16xf32>
        %mul3A_1960 = arith.mulf %bitcast3A_1947, %mul3A_1959 : vector<16xf32>
        %scatter3A_1961 = arith.constant 0 : i32
        %scatter3A_1962 = tpu.memref_slice %arg12[%add3A_1863, %scatter3A_1961] : memref<128x128xf32, #tpu.memory_space<vmem>> -> memref<1x128xf32, #tpu.memory_space<vmem>>
        %scatter3A_1963 = tpu.memref_squeeze %scatter3A_1962 : memref<1x128xf32, #tpu.memory_space<vmem>> -> memref<128xf32, #tpu.memory_space<vmem>>
        tpu.vector_store_idx %scatter3A_1963[%add3A_1958], %mul3A_1960 : memref<128xf32, #tpu.memory_space<vmem>>[vector<16xi32>], vector<16xf32>,
        %slice3A_1964 = vector.extract_strided_slice %get3A_379 {offsets = [15], sizes = [1], strides = [1]} : vector<16xf32> to vector<1xf32>
        %squeeze3A_1965 = vector.extract %slice3A_1964[0] : f32 from vector<1xf32>
        %mul3A_1966 = arith.constant 16 : i32
        %mul3A_1967 = arith.muli %scan3A_373, %mul3A_1966 : i32
        %add3A_1968 = arith.constant 15 : i32
        %add3A_1969 = arith.addi %mul3A_1967, %add3A_1968 : i32
        %get3A_1970 = arith.index_cast %add3A_1969 : i32 to index
        %get3A_1971 = arith.constant 0 : index
        %get3A_1972 = tpu.vector_load %arg11[%get3A_1970, %get3A_1971] {strides = array<i32>} : memref<128x64xi32, #tpu.memory_space<vmem>>, vector<16xi32>,
        %shift_left3A_1973 = arith.constant 16 : i32
        %shift_left3A_1974 = vector.broadcast %shift_left3A_1973 : i32 to vector<16xi32>
        %shift_left3A_1975 = arith.shli %get3A_1972, %shift_left3A_1974 : vector<16xi32>
        %bitcast3A_1976 = vector.bitcast %shift_left3A_1975 : vector<16xi32> to vector<16xf32>
        %and3A_1977 = arith.andi %get3A_1972, %broadcast_in_dim3A_27 : vector<16xi32>
        %bitcast3A_1978 = vector.bitcast %and3A_1977 : vector<16xi32> to vector<16xf32>
        %add3A_1979 = arith.constant 0 : i32
        %add3A_1980 = vector.broadcast %add3A_1979 : i32 to vector<16xi32>
        %add3A_1981 = arith.addi %mul3A_19, %add3A_1980 : vector<16xi32>
        %mul3A_1982 = vector.broadcast %squeeze3A_1965 : f32 to vector<16xf32>
        %mul3A_1983 = arith.mulf %bitcast3A_1976, %mul3A_1982 : vector<16xf32>
        %scatter3A_1984 = arith.constant 0 : i32
        %scatter3A_1985 = tpu.memref_slice %arg12[%add3A_1969, %scatter3A_1984] : memref<128x128xf32, #tpu.memory_space<vmem>> -> memref<1x128xf32, #tpu.memory_space<vmem>>
        %scatter3A_1986 = tpu.memref_squeeze %scatter3A_1985 : memref<1x128xf32, #tpu.memory_space<vmem>> -> memref<128xf32, #tpu.memory_space<vmem>>
        tpu.vector_store_idx %scatter3A_1986[%add3A_1981], %mul3A_1983 : memref<128xf32, #tpu.memory_space<vmem>>[vector<16xi32>], vector<16xf32>,
        %add3A_1987 = arith.constant 0 : i32
        %add3A_1988 = vector.broadcast %add3A_1987 : i32 to vector<16xi32>
        %add3A_1989 = arith.addi %add3A_25, %add3A_1988 : vector<16xi32>
        %mul3A_1990 = vector.broadcast %squeeze3A_1965 : f32 to vector<16xf32>
        %mul3A_1991 = arith.mulf %bitcast3A_1978, %mul3A_1990 : vector<16xf32>
        %scatter3A_1992 = arith.constant 0 : i32
        %scatter3A_1993 = tpu.memref_slice %arg12[%add3A_1969, %scatter3A_1992] : memref<128x128xf32, #tpu.memory_space<vmem>> -> memref<1x128xf32, #tpu.memory_space<vmem>>
        %scatter3A_1994 = tpu.memref_squeeze %scatter3A_1993 : memref<1x128xf32, #tpu.memory_space<vmem>> -> memref<128xf32, #tpu.memory_space<vmem>>
        tpu.vector_store_idx %scatter3A_1994[%add3A_1989], %mul3A_1991 : memref<128xf32, #tpu.memory_space<vmem>>[vector<16xi32>], vector<16xf32>,
        %get3A_1995 = arith.index_cast %add3A_1969 : i32 to index
        %get3A_1996 = arith.constant 16 : index
        %get3A_1997 = tpu.vector_load %arg11[%get3A_1995, %get3A_1996] {strides = array<i32>} : memref<128x64xi32, #tpu.memory_space<vmem>>, vector<16xi32>,
        %shift_left3A_1998 = arith.constant 16 : i32
        %shift_left3A_1999 = vector.broadcast %shift_left3A_1998 : i32 to vector<16xi32>
        %shift_left3A_2000 = arith.shli %get3A_1997, %shift_left3A_1999 : vector<16xi32>
        %bitcast3A_2001 = vector.bitcast %shift_left3A_2000 : vector<16xi32> to vector<16xf32>
        %and3A_2002 = arith.andi %get3A_1997, %broadcast_in_dim3A_27 : vector<16xi32>
        %bitcast3A_2003 = vector.bitcast %and3A_2002 : vector<16xi32> to vector<16xf32>
        %add3A_2004 = arith.constant 32 : i32
        %add3A_2005 = vector.broadcast %add3A_2004 : i32 to vector<16xi32>
        %add3A_2006 = arith.addi %mul3A_19, %add3A_2005 : vector<16xi32>
        %mul3A_2007 = vector.broadcast %squeeze3A_1965 : f32 to vector<16xf32>
        %mul3A_2008 = arith.mulf %bitcast3A_2001, %mul3A_2007 : vector<16xf32>
        %scatter3A_2009 = arith.constant 0 : i32
        %scatter3A_2010 = tpu.memref_slice %arg12[%add3A_1969, %scatter3A_2009] : memref<128x128xf32, #tpu.memory_space<vmem>> -> memref<1x128xf32, #tpu.memory_space<vmem>>
        %scatter3A_2011 = tpu.memref_squeeze %scatter3A_2010 : memref<1x128xf32, #tpu.memory_space<vmem>> -> memref<128xf32, #tpu.memory_space<vmem>>
        tpu.vector_store_idx %scatter3A_2011[%add3A_2006], %mul3A_2008 : memref<128xf32, #tpu.memory_space<vmem>>[vector<16xi32>], vector<16xf32>,
        %add3A_2012 = arith.constant 32 : i32
        %add3A_2013 = vector.broadcast %add3A_2012 : i32 to vector<16xi32>
        %add3A_2014 = arith.addi %add3A_25, %add3A_2013 : vector<16xi32>
        %mul3A_2015 = vector.broadcast %squeeze3A_1965 : f32 to vector<16xf32>
        %mul3A_2016 = arith.mulf %bitcast3A_2003, %mul3A_2015 : vector<16xf32>
        %scatter3A_2017 = arith.constant 0 : i32
        %scatter3A_2018 = tpu.memref_slice %arg12[%add3A_1969, %scatter3A_2017] : memref<128x128xf32, #tpu.memory_space<vmem>> -> memref<1x128xf32, #tpu.memory_space<vmem>>
        %scatter3A_2019 = tpu.memref_squeeze %scatter3A_2018 : memref<1x128xf32, #tpu.memory_space<vmem>> -> memref<128xf32, #tpu.memory_space<vmem>>
        tpu.vector_store_idx %scatter3A_2019[%add3A_2014], %mul3A_2016 : memref<128xf32, #tpu.memory_space<vmem>>[vector<16xi32>], vector<16xf32>,
        %get3A_2020 = arith.index_cast %add3A_1969 : i32 to index
        %get3A_2021 = arith.constant 32 : index
        %get3A_2022 = tpu.vector_load %arg11[%get3A_2020, %get3A_2021] {strides = array<i32>} : memref<128x64xi32, #tpu.memory_space<vmem>>, vector<16xi32>,
        %shift_left3A_2023 = arith.constant 16 : i32
        %shift_left3A_2024 = vector.broadcast %shift_left3A_2023 : i32 to vector<16xi32>
        %shift_left3A_2025 = arith.shli %get3A_2022, %shift_left3A_2024 : vector<16xi32>
        %bitcast3A_2026 = vector.bitcast %shift_left3A_2025 : vector<16xi32> to vector<16xf32>
        %and3A_2027 = arith.andi %get3A_2022, %broadcast_in_dim3A_27 : vector<16xi32>
        %bitcast3A_2028 = vector.bitcast %and3A_2027 : vector<16xi32> to vector<16xf32>
        %add3A_2029 = arith.constant 64 : i32
        %add3A_2030 = vector.broadcast %add3A_2029 : i32 to vector<16xi32>
        %add3A_2031 = arith.addi %mul3A_19, %add3A_2030 : vector<16xi32>
        %mul3A_2032 = vector.broadcast %squeeze3A_1965 : f32 to vector<16xf32>
        %mul3A_2033 = arith.mulf %bitcast3A_2026, %mul3A_2032 : vector<16xf32>
        %scatter3A_2034 = arith.constant 0 : i32
        %scatter3A_2035 = tpu.memref_slice %arg12[%add3A_1969, %scatter3A_2034] : memref<128x128xf32, #tpu.memory_space<vmem>> -> memref<1x128xf32, #tpu.memory_space<vmem>>
        %scatter3A_2036 = tpu.memref_squeeze %scatter3A_2035 : memref<1x128xf32, #tpu.memory_space<vmem>> -> memref<128xf32, #tpu.memory_space<vmem>>
        tpu.vector_store_idx %scatter3A_2036[%add3A_2031], %mul3A_2033 : memref<128xf32, #tpu.memory_space<vmem>>[vector<16xi32>], vector<16xf32>,
        %add3A_2037 = arith.constant 64 : i32
        %add3A_2038 = vector.broadcast %add3A_2037 : i32 to vector<16xi32>
        %add3A_2039 = arith.addi %add3A_25, %add3A_2038 : vector<16xi32>
        %mul3A_2040 = vector.broadcast %squeeze3A_1965 : f32 to vector<16xf32>
        %mul3A_2041 = arith.mulf %bitcast3A_2028, %mul3A_2040 : vector<16xf32>
        %scatter3A_2042 = arith.constant 0 : i32
        %scatter3A_2043 = tpu.memref_slice %arg12[%add3A_1969, %scatter3A_2042] : memref<128x128xf32, #tpu.memory_space<vmem>> -> memref<1x128xf32, #tpu.memory_space<vmem>>
        %scatter3A_2044 = tpu.memref_squeeze %scatter3A_2043 : memref<1x128xf32, #tpu.memory_space<vmem>> -> memref<128xf32, #tpu.memory_space<vmem>>
        tpu.vector_store_idx %scatter3A_2044[%add3A_2039], %mul3A_2041 : memref<128xf32, #tpu.memory_space<vmem>>[vector<16xi32>], vector<16xf32>,
        %get3A_2045 = arith.index_cast %add3A_1969 : i32 to index
        %get3A_2046 = arith.constant 48 : index
        %get3A_2047 = tpu.vector_load %arg11[%get3A_2045, %get3A_2046] {strides = array<i32>} : memref<128x64xi32, #tpu.memory_space<vmem>>, vector<16xi32>,
        %shift_left3A_2048 = arith.constant 16 : i32
        %shift_left3A_2049 = vector.broadcast %shift_left3A_2048 : i32 to vector<16xi32>
        %shift_left3A_2050 = arith.shli %get3A_2047, %shift_left3A_2049 : vector<16xi32>
        %bitcast3A_2051 = vector.bitcast %shift_left3A_2050 : vector<16xi32> to vector<16xf32>
        %and3A_2052 = arith.andi %get3A_2047, %broadcast_in_dim3A_27 : vector<16xi32>
        %bitcast3A_2053 = vector.bitcast %and3A_2052 : vector<16xi32> to vector<16xf32>
        %add3A_2054 = arith.constant 96 : i32
        %add3A_2055 = vector.broadcast %add3A_2054 : i32 to vector<16xi32>
        %add3A_2056 = arith.addi %mul3A_19, %add3A_2055 : vector<16xi32>
        %mul3A_2057 = vector.broadcast %squeeze3A_1965 : f32 to vector<16xf32>
        %mul3A_2058 = arith.mulf %bitcast3A_2051, %mul3A_2057 : vector<16xf32>
        %scatter3A_2059 = arith.constant 0 : i32
        %scatter3A_2060 = tpu.memref_slice %arg12[%add3A_1969, %scatter3A_2059] : memref<128x128xf32, #tpu.memory_space<vmem>> -> memref<1x128xf32, #tpu.memory_space<vmem>>
        %scatter3A_2061 = tpu.memref_squeeze %scatter3A_2060 : memref<1x128xf32, #tpu.memory_space<vmem>> -> memref<128xf32, #tpu.memory_space<vmem>>
        tpu.vector_store_idx %scatter3A_2061[%add3A_2056], %mul3A_2058 : memref<128xf32, #tpu.memory_space<vmem>>[vector<16xi32>], vector<16xf32>,
        %add3A_2062 = arith.constant 96 : i32
        %add3A_2063 = vector.broadcast %add3A_2062 : i32 to vector<16xi32>
        %add3A_2064 = arith.addi %add3A_25, %add3A_2063 : vector<16xi32>
        %mul3A_2065 = vector.broadcast %squeeze3A_1965 : f32 to vector<16xf32>
        %mul3A_2066 = arith.mulf %bitcast3A_2053, %mul3A_2065 : vector<16xf32>
        %scatter3A_2067 = arith.constant 0 : i32
        %scatter3A_2068 = tpu.memref_slice %arg12[%add3A_1969, %scatter3A_2067] : memref<128x128xf32, #tpu.memory_space<vmem>> -> memref<1x128xf32, #tpu.memory_space<vmem>>
        %scatter3A_2069 = tpu.memref_squeeze %scatter3A_2068 : memref<1x128xf32, #tpu.memory_space<vmem>> -> memref<128xf32, #tpu.memory_space<vmem>>
        tpu.vector_store_idx %scatter3A_2069[%add3A_2064], %mul3A_2066 : memref<128xf32, #tpu.memory_space<vmem>>[vector<16xi32>], vector<16xf32>,
        %scan3A_2070 = arith.constant 0 : i32
        scf.yield %scan3A_2070 : i32
      }
      %scan3A_338 = arith.constant 8 : i32
      %run_scoped3A_339 = arith.constant 1 : i32
      "tpu.region"() ({
        %run_scoped3A_373 = tpu.sem_alloc : memref<!tpu.dma_semaphore, #tpu.memory_space<semaphore_mem>>
        %dma_start3A_374 = arith.constant 0 : i32
        %dma_start3A_375 = tpu.memref_slice %arg8[%run_scoped3A_339, %dma_start3A_374] : memref<2x128xi32, #tpu.memory_space<vmem>> -> memref<1x128xi32, #tpu.memory_space<vmem>>
        %dma_start3A_376 = tpu.memref_squeeze %dma_start3A_375 : memref<1x128xi32, #tpu.memory_space<vmem>> -> memref<128xi32, #tpu.memory_space<vmem>>
        %dma_start3A_377 = arith.constant 0 : i32
        %dma_start3A_378 = arith.constant 0 : i32
        %dma_start3A_379 = tpu.memref_slice %arg14[%dma_start3A_377, %dma_start3A_378] : memref<10000x128xf32, #tpu.memory_space<vmem_shared>> -> memref<10000x128xf32, #tpu.memory_space<vmem_shared>>
        tpu.enqueue_indirect_dma source(%arg12 : memref<128x128xf32, #tpu.memory_space<vmem>>) target(%dma_start3A_379 : memref<10000x128xf32, #tpu.memory_space<vmem_shared>>) offsets(%dma_start3A_376 : memref<128xi32, #tpu.memory_space<vmem>>) semaphore(%run_scoped3A_373 : memref<!tpu.dma_semaphore, #tpu.memory_space<semaphore_mem>>) {add = true}
        %dma_wait3A_380 = arith.constant 0 : i32
        %dma_wait3A_381 = tpu.memref_slice %arg8[%run_scoped3A_339, %dma_wait3A_380] : memref<2x128xi32, #tpu.memory_space<vmem>> -> memref<1x128xi32, #tpu.memory_space<vmem>>
        %dma_wait3A_382 = tpu.memref_squeeze %dma_wait3A_381 : memref<1x128xi32, #tpu.memory_space<vmem>> -> memref<128xi32, #tpu.memory_space<vmem>>
        %dma_wait3A_383 = arith.constant 0 : i32
        %dma_wait3A_384 = arith.constant 0 : i32
        %dma_wait3A_385 = tpu.memref_slice %arg14[%dma_wait3A_383, %dma_wait3A_384] : memref<10000x128xf32, #tpu.memory_space<vmem_shared>> -> memref<10000x128xf32, #tpu.memory_space<vmem_shared>>
        tpu.wait_indirect_dma semaphore(%run_scoped3A_373 : memref<!tpu.dma_semaphore, #tpu.memory_space<semaphore_mem>>) src(%arg12 : memref<128x128xf32, #tpu.memory_space<vmem>>) dst(%dma_wait3A_385 : memref<10000x128xf32, #tpu.memory_space<vmem_shared>>)
        tpu.yield
      }) : () -> ()
      %add3A_340 = arith.constant 2 : i32
      %add3A_341 = arith.addi %add3A_253, %add3A_340 : i32
      %rem3A_342 = arith.constant 80 : i32
      %rem3A_343 = arith.remsi %add3A_341, %rem3A_342 : i32
      %mul3A_344 = arith.constant 128 : i32
      %mul3A_345 = arith.muli %rem3A_343, %mul3A_344 : i32
      %add3A_346 = arith.addi %mul3A_2, %mul3A_345 : i32
      %dma_start3A_347 = arith.constant 1 : i32
      %dma_start3A_348 = arith.constant 0 : i32
      %dma_start3A_349 = tpu.memref_slice %arg8[%dma_start3A_347, %dma_start3A_348] : memref<2x128xi32, #tpu.memory_space<vmem>> -> memref<1x128xi32, #tpu.memory_space<vmem>>
      %dma_start3A_350 = tpu.memref_squeeze %dma_start3A_349 : memref<1x128xi32, #tpu.memory_space<vmem>> -> memref<128xi32, #tpu.memory_space<vmem>>
      %dma_start3A_351 = tpu.memref_slice %arg3[%add3A_346] : memref<327680xi32, #tpu.memory_space<hbm>> -> memref<128xi32, #tpu.memory_space<hbm>>
      %dma_start3A_352 = arith.constant 0 : i32
      %dma_start3A_353 = tpu.memref_slice %arg8[%dma_start3A_347, %dma_start3A_352] : memref<2x128xi32, #tpu.memory_space<vmem>> -> memref<1x128xi32, #tpu.memory_space<vmem>>
      %dma_start3A_354 = tpu.memref_squeeze %dma_start3A_353 : memref<1x128xi32, #tpu.memory_space<vmem>> -> memref<128xi32, #tpu.memory_space<vmem>>
      %dma_start3A_355 = tpu.memref_slice %arg3[%add3A_346] : memref<327680xi32, #tpu.memory_space<hbm>> -> memref<128xi32, #tpu.memory_space<hbm>>
      tpu.enqueue_dma source(%dma_start3A_355 : memref<128xi32, #tpu.memory_space<hbm>>) target(%dma_start3A_354 : memref<128xi32, #tpu.memory_space<vmem>>) target_semaphore(%arg18 : memref<!tpu.dma_semaphore, #tpu.memory_space<semaphore_mem>>)
      %add3A_356 = arith.constant 2 : i32
      %add3A_357 = arith.addi %add3A_253, %add3A_356 : i32
      %rem3A_358 = arith.constant 80 : i32
      %rem3A_359 = arith.remsi %add3A_357, %rem3A_358 : i32
      %mul3A_360 = arith.constant 128 : i32
      %mul3A_361 = arith.muli %rem3A_359, %mul3A_360 : i32
      %add3A_362 = arith.addi %mul3A_2, %mul3A_361 : i32
      %dma_start3A_363 = arith.constant 1 : i32
      %dma_start3A_364 = arith.constant 0 : i32
      %dma_start3A_365 = tpu.memref_slice %arg9[%dma_start3A_363, %dma_start3A_364] : memref<2x128xf32, #tpu.memory_space<vmem>> -> memref<1x128xf32, #tpu.memory_space<vmem>>
      %dma_start3A_366 = tpu.memref_squeeze %dma_start3A_365 : memref<1x128xf32, #tpu.memory_space<vmem>> -> memref<128xf32, #tpu.memory_space<vmem>>
      %dma_start3A_367 = tpu.memref_slice %arg4[%add3A_362] : memref<327680xf32, #tpu.memory_space<hbm>> -> memref<128xf32, #tpu.memory_space<hbm>>
      %dma_start3A_368 = arith.constant 0 : i32
      %dma_start3A_369 = tpu.memref_slice %arg9[%dma_start3A_363, %dma_start3A_368] : memref<2x128xf32, #tpu.memory_space<vmem>> -> memref<1x128xf32, #tpu.memory_space<vmem>>
      %dma_start3A_370 = tpu.memref_squeeze %dma_start3A_369 : memref<1x128xf32, #tpu.memory_space<vmem>> -> memref<128xf32, #tpu.memory_space<vmem>>
      %dma_start3A_371 = tpu.memref_slice %arg4[%add3A_362] : memref<327680xf32, #tpu.memory_space<hbm>> -> memref<128xf32, #tpu.memory_space<hbm>>
      tpu.enqueue_dma source(%dma_start3A_371 : memref<128xf32, #tpu.memory_space<hbm>>) target(%dma_start3A_370 : memref<128xf32, #tpu.memory_space<vmem>>) target_semaphore(%arg18 : memref<!tpu.dma_semaphore, #tpu.memory_space<semaphore_mem>>)
      %scan3A_372 = arith.constant 0 : i32
      scf.yield %scan3A_372 : i32
    }
    %scan3A_86 = arith.constant 40 : i32
    %dma_wait3A = arith.constant 0 : i32
    %dma_wait3A_87 = arith.constant 0 : i32
    %dma_wait3A_88 = tpu.memref_slice %arg7[%dma_wait3A, %dma_wait3A_87] : memref<2x128xi32, #tpu.memory_space<vmem>> -> memref<1x128xi32, #tpu.memory_space<vmem>>
    %dma_wait3A_89 = tpu.memref_squeeze %dma_wait3A_88 : memref<1x128xi32, #tpu.memory_space<vmem>> -> memref<128xi32, #tpu.memory_space<vmem>>
    %dma_wait3A_90 = arith.constant 0 : i32
    %dma_wait3A_91 = arith.constant 0 : i32
    %dma_wait3A_92 = tpu.memref_slice %arg5[%dma_wait3A_90, %dma_wait3A_91] : memref<10000x64xi32, #tpu.memory_space<hbm>> -> memref<10000x64xi32, #tpu.memory_space<hbm>>
    tpu.wait_indirect_dma semaphore(%arg19 : memref<!tpu.dma_semaphore, #tpu.memory_space<semaphore_mem>>) src(%dma_wait3A_92 : memref<10000x64xi32, #tpu.memory_space<hbm>>) dst(%arg10 : memref<128x64xi32, #tpu.memory_space<vmem>>)
    %dma_wait3A_93 = arith.constant 1 : i32
    %dma_wait3A_94 = arith.constant 0 : i32
    %dma_wait3A_95 = tpu.memref_slice %arg7[%dma_wait3A_93, %dma_wait3A_94] : memref<2x128xi32, #tpu.memory_space<vmem>> -> memref<1x128xi32, #tpu.memory_space<vmem>>
    %dma_wait3A_96 = tpu.memref_squeeze %dma_wait3A_95 : memref<1x128xi32, #tpu.memory_space<vmem>> -> memref<128xi32, #tpu.memory_space<vmem>>
    %dma_wait3A_97 = tpu.memref_slice %arg2[%mul3A_2] : memref<327680xi32, #tpu.memory_space<hbm>> -> memref<128xi32, #tpu.memory_space<hbm>>
    %dma_wait3A_98 = arith.constant 0 : i32
    %dma_wait3A_99 = tpu.memref_slice %arg7[%dma_wait3A_93, %dma_wait3A_98] : memref<2x128xi32, #tpu.memory_space<vmem>> -> memref<1x128xi32, #tpu.memory_space<vmem>>
    %dma_wait3A_100 = tpu.memref_squeeze %dma_wait3A_99 : memref<1x128xi32, #tpu.memory_space<vmem>> -> memref<128xi32, #tpu.memory_space<vmem>>
    %dma_wait3A_101 = tpu.memref_slice %arg2[%mul3A_2] : memref<327680xi32, #tpu.memory_space<hbm>> -> memref<128xi32, #tpu.memory_space<hbm>>
    tpu.wait_dma2 semaphore(%arg16 : memref<!tpu.dma_semaphore, #tpu.memory_space<semaphore_mem>>) src(%dma_wait3A_101 : memref<128xi32, #tpu.memory_space<hbm>>) dst(%dma_wait3A_100 : memref<128xi32, #tpu.memory_space<vmem>>)
    %dma_wait3A_102 = arith.constant 1 : i32
    %dma_wait3A_103 = arith.constant 0 : i32
    %dma_wait3A_104 = tpu.memref_slice %arg8[%dma_wait3A_102, %dma_wait3A_103] : memref<2x128xi32, #tpu.memory_space<vmem>> -> memref<1x128xi32, #tpu.memory_space<vmem>>
    %dma_wait3A_105 = tpu.memref_squeeze %dma_wait3A_104 : memref<1x128xi32, #tpu.memory_space<vmem>> -> memref<128xi32, #tpu.memory_space<vmem>>
    %dma_wait3A_106 = tpu.memref_slice %arg3[%mul3A_2] : memref<327680xi32, #tpu.memory_space<hbm>> -> memref<128xi32, #tpu.memory_space<hbm>>
    %dma_wait3A_107 = arith.constant 0 : i32
    %dma_wait3A_108 = tpu.memref_slice %arg8[%dma_wait3A_102, %dma_wait3A_107] : memref<2x128xi32, #tpu.memory_space<vmem>> -> memref<1x128xi32, #tpu.memory_space<vmem>>
    %dma_wait3A_109 = tpu.memref_squeeze %dma_wait3A_108 : memref<1x128xi32, #tpu.memory_space<vmem>> -> memref<128xi32, #tpu.memory_space<vmem>>
    %dma_wait3A_110 = tpu.memref_slice %arg3[%mul3A_2] : memref<327680xi32, #tpu.memory_space<hbm>> -> memref<128xi32, #tpu.memory_space<hbm>>
    tpu.wait_dma2 semaphore(%arg18 : memref<!tpu.dma_semaphore, #tpu.memory_space<semaphore_mem>>) src(%dma_wait3A_110 : memref<128xi32, #tpu.memory_space<hbm>>) dst(%dma_wait3A_109 : memref<128xi32, #tpu.memory_space<vmem>>)
    %dma_wait3A_111 = arith.constant 1 : i32
    %dma_wait3A_112 = arith.constant 0 : i32
    %dma_wait3A_113 = tpu.memref_slice %arg9[%dma_wait3A_111, %dma_wait3A_112] : memref<2x128xf32, #tpu.memory_space<vmem>> -> memref<1x128xf32, #tpu.memory_space<vmem>>
    %dma_wait3A_114 = tpu.memref_squeeze %dma_wait3A_113 : memref<1x128xf32, #tpu.memory_space<vmem>> -> memref<128xf32, #tpu.memory_space<vmem>>
    %dma_wait3A_115 = tpu.memref_slice %arg4[%mul3A_2] : memref<327680xf32, #tpu.memory_space<hbm>> -> memref<128xf32, #tpu.memory_space<hbm>>
    %dma_wait3A_116 = arith.constant 0 : i32
    %dma_wait3A_117 = tpu.memref_slice %arg9[%dma_wait3A_111, %dma_wait3A_116] : memref<2x128xf32, #tpu.memory_space<vmem>> -> memref<1x128xf32, #tpu.memory_space<vmem>>
    %dma_wait3A_118 = tpu.memref_squeeze %dma_wait3A_117 : memref<1x128xf32, #tpu.memory_space<vmem>> -> memref<128xf32, #tpu.memory_space<vmem>>
    %dma_wait3A_119 = tpu.memref_slice %arg4[%mul3A_2] : memref<327680xf32, #tpu.memory_space<hbm>> -> memref<128xf32, #tpu.memory_space<hbm>>
    tpu.wait_dma2 semaphore(%arg18 : memref<!tpu.dma_semaphore, #tpu.memory_space<semaphore_mem>>) src(%dma_wait3A_119 : memref<128xf32, #tpu.memory_space<hbm>>) dst(%dma_wait3A_118 : memref<128xf32, #tpu.memory_space<vmem>>)
    %barrier3A_120 = arith.constant 0 : index
    tpu.barrier barrier_id(%barrier3A_120)
    %scan3A_121 = arith.constant 0 : i32
    %scan3A_122 = arith.constant 0 : i32
    %scan3A_123 = arith.constant 16 : i32
    %scan3A_124 = arith.addi %scan3A_122, %scan3A_123 : i32
    %scan3A_125 = arith.constant 1 : i32
    %scan3A_126 = scf.for %scan3A_128 = %scan3A_122 to %scan3A_124 step %scan3A_125 iter_args(%scan3A_129 = %scan3A_121) -> (i32)  : i32 {
      %mul3A_130 = arith.constant 16 : i32
      %mul3A_131 = arith.muli %scan3A_128, %mul3A_130 : i32
      %add3A_132 = arith.addi %arg1, %mul3A_131 : i32
      %lt3A = arith.constant 250 : i32
      %lt3A_133 = arith.cmpi slt, %add3A_132, %lt3A : i32
      %convert_element_type3A = arith.extui %lt3A_133 : i1 to i32
      %cond3A = arith.constant 0 : i32
      %cond3A_134 = arith.cmpi ne, %convert_element_type3A, %cond3A : i32
      scf.if %cond3A_134 {
        %mul3A_136 = arith.constant 40 : i32
        %mul3A_137 = arith.muli %add3A_132, %mul3A_136 : i32
        %mul3A_138 = arith.constant 40 : i32
        %mul3A_139 = arith.muli %add3A_132, %mul3A_138 : i32
        "tpu.region"() ({
          %run_scoped3A_140 = tpu.sem_alloc : memref<!tpu.dma_semaphore, #tpu.memory_space<semaphore_mem>>
          %dma_start3A_141 = arith.constant 0 : i32
          %dma_start3A_142 = tpu.memref_slice %arg6[%arg0, %mul3A_139, %dma_start3A_141] : memref<2x10000x128xf32, #tpu.memory_space<hbm>> -> memref<1x40x128xf32, #tpu.memory_space<hbm>>
          %dma_start3A_143 = tpu.memref_squeeze %dma_start3A_142 : memref<1x40x128xf32, #tpu.memory_space<hbm>> -> memref<40x128xf32, #tpu.memory_space<hbm>>
          %dma_start3A_144 = arith.constant 0 : i32
          %dma_start3A_145 = tpu.memref_slice %arg14[%mul3A_137, %dma_start3A_144] : memref<10000x128xf32, #tpu.memory_space<vmem_shared>> -> memref<40x128xf32, #tpu.memory_space<vmem_shared>>
          tpu.enqueue_dma source(%dma_start3A_145 : memref<40x128xf32, #tpu.memory_space<vmem_shared>>) target(%dma_start3A_143 : memref<40x128xf32, #tpu.memory_space<hbm>>) target_semaphore(%run_scoped3A_140 : memref<!tpu.dma_semaphore, #tpu.memory_space<semaphore_mem>>)
          %dma_wait3A_146 = arith.constant 0 : i32
          %dma_wait3A_147 = tpu.memref_slice %arg6[%arg0, %mul3A_139, %dma_wait3A_146] : memref<2x10000x128xf32, #tpu.memory_space<hbm>> -> memref<1x40x128xf32, #tpu.memory_space<hbm>>
          %dma_wait3A_148 = tpu.memref_squeeze %dma_wait3A_147 : memref<1x40x128xf32, #tpu.memory_space<hbm>> -> memref<40x128xf32, #tpu.memory_space<hbm>>
          %dma_wait3A_149 = arith.constant 0 : i32
          %dma_wait3A_150 = tpu.memref_slice %arg14[%mul3A_137, %dma_wait3A_149] : memref<10000x128xf32, #tpu.memory_space<vmem_shared>> -> memref<40x128xf32, #tpu.memory_space<vmem_shared>>
          tpu.wait_dma2 semaphore(%run_scoped3A_140 : memref<!tpu.dma_semaphore, #tpu.memory_space<semaphore_mem>>) src(%dma_wait3A_150 : memref<40x128xf32, #tpu.memory_space<vmem_shared>>) dst(%dma_wait3A_148 : memref<40x128xf32, #tpu.memory_space<hbm>>)
          tpu.yield
        }) : () -> ()
      } else {
      }
      %scan3A_135 = arith.constant 0 : i32
      scf.yield %scan3A_135 : i32
    }
    %scan3A_127 = arith.constant 16 : i32
    return
  }
}

module attributes {stable_mosaic.version = 14 : i64} {
  func.func @_edge_mlp_body(%arg0: i32, %arg1: memref<32000x16xf32, #tpu.memory_space<vmem>>, %arg2: memref<32x16xf32, #tpu.memory_space<vmem>>, %arg3: memref<1x32xf32, #tpu.memory_space<vmem>>, %arg4: memref<1x32xf32, #tpu.memory_space<vmem>>, %arg5: memref<1x1xf32, #tpu.memory_space<vmem>>, %arg6: memref<1x250x128xf32, #tpu.memory_space<vmem>>) attributes {dimension_semantics = [#tpu.dimension_semantics<arbitrary>], iteration_bounds = array<i64: 10>, scalar_prefetch = 0 : i64, scratch_operands = 0 : i64, tpu.core_type = #tpu.core_type<tc>, window_params = [{transform_indices = @transform_0, window_bounds = array<i64: 32000, 16>}, {pipeline_mode = #tpu.pipeline_mode<synchronous>, transform_indices = @transform_1, window_bounds = array<i64: 32, 16>}, {pipeline_mode = #tpu.pipeline_mode<synchronous>, transform_indices = @transform_2, window_bounds = array<i64: 1, 32>}, {pipeline_mode = #tpu.pipeline_mode<synchronous>, transform_indices = @transform_3, window_bounds = array<i64: 1, 32>}, {pipeline_mode = #tpu.pipeline_mode<synchronous>, transform_indices = @transform_4, window_bounds = array<i64: 1, 1>}, {transform_indices = @transform_5, window_bounds = array<i64: 1, 250, 128>}]} {
    %get3A = arith.constant 0 : index
    %get3A_0 = arith.constant 0 : index
    %get3A_1 = vector.load %arg1[%get3A, %get3A_0] : memref<32000x16xf32, #tpu.memory_space<vmem>>, vector<32000x16xf32>
    %get3A_2 = arith.constant 0 : index
    %get3A_3 = arith.constant 0 : index
    %get3A_4 = vector.load %arg2[%get3A_2, %get3A_3] : memref<32x16xf32, #tpu.memory_space<vmem>>, vector<32x16xf32>
    %dot_general3A = arith.constant dense<0.000000e+00> : vector<32000x32xf32>
    %dot_general3A_5 = tpu.matmul %get3A_1, %get3A_4, %dot_general3A {dimension_numbers = #tpu.dot_dimension_numbers<[1], [1], [0], [0], [0, 0, 1, 0], [], []>, transpose_lhs_hint = false} : vector<32000x16xf32>, vector<32x16xf32>, vector<32000x32xf32> -> vector<32000x32xf32>
    %get3A_6 = arith.constant 0 : index
    %get3A_7 = arith.constant 0 : index
    %get3A_8 = vector.load %arg3[%get3A_6, %get3A_7] : memref<1x32xf32, #tpu.memory_space<vmem>>, vector<1x32xf32>
    %add3A = vector.broadcast %get3A_8 : vector<1x32xf32> to vector<32000x32xf32>
    %add3A_9 = arith.addf %dot_general3A_5, %add3A : vector<32000x32xf32>
    %max3A = arith.constant 0.000000e+00 : f32
    %max3A_10 = vector.broadcast %max3A : f32 to vector<32000x32xf32>
    %max3A_11 = arith.maximumf %add3A_9, %max3A_10 : vector<32000x32xf32>
    %get3A_12 = arith.constant 0 : index
    %get3A_13 = arith.constant 0 : index
    %get3A_14 = vector.load %arg4[%get3A_12, %get3A_13] : memref<1x32xf32, #tpu.memory_space<vmem>>, vector<1x32xf32>
    %mul3A = vector.broadcast %get3A_14 : vector<1x32xf32> to vector<32000x32xf32>
    %mul3A_15 = arith.mulf %max3A_11, %mul3A : vector<32000x32xf32>
    %reduce_sum3A = arith.constant dense<0.000000e+00> : vector<32000xf32>
    %reduce_sum3A_16 = vector.multi_reduction <add>, %mul3A_15, %reduce_sum3A [1] : vector<32000x32xf32> to vector<32000xf32>
    %get3A_17 = arith.constant 0 : index
    %get3A_18 = arith.constant 0 : index
    %get3A_19 = vector.load %arg5[%get3A_17, %get3A_18] : memref<1x1xf32, #tpu.memory_space<vmem>>, vector<1x1xf32>
    %get3A_20 = vector.extract %get3A_19[0, 0] : f32 from vector<1x1xf32>
    %add3A_21 = vector.broadcast %get3A_20 : f32 to vector<32000xf32>
    %add3A_22 = arith.addf %reduce_sum3A_16, %add3A_21 : vector<32000xf32>
    %logistic3A = arith.negf %add3A_22 : vector<32000xf32>
    %logistic3A_23 = math.exp %logistic3A : vector<32000xf32>
    %logistic3A_24 = arith.constant 1.000000e+00 : f32
    %logistic3A_25 = vector.broadcast %logistic3A_24 : f32 to vector<32000xf32>
    %logistic3A_26 = arith.addf %logistic3A_25, %logistic3A_23 : vector<32000xf32>
    %logistic3A_27 = arith.divf %logistic3A_25, %logistic3A_26 : vector<32000xf32>
    %reshape3A = vector.shape_cast %logistic3A_27 : vector<32000xf32> to vector<1x250x128xf32>
    %swap3A = arith.constant 0 : index
    %swap3A_28 = arith.constant 0 : index
    %swap3A_29 = arith.constant 0 : index
    %swap3A_30 = vector.load %arg6[%swap3A, %swap3A_28, %swap3A_29] : memref<1x250x128xf32, #tpu.memory_space<vmem>>, vector<1x250x128xf32>
    tpu.vector_store %arg6[%swap3A, %swap3A_28, %swap3A_29], %reshape3A {strides = array<i32>} : memref<1x250x128xf32, #tpu.memory_space<vmem>>, vector<1x250x128xf32>,
    return
  }
  func.func @transform_0(%arg0: i32) -> (i32, i32) {
    %c0_i32 = arith.constant 0 : i32
    %c0_i32_0 = arith.constant 0 : i32
    return %arg0, %c0_i32 : i32, i32
  }
  func.func @transform_1(%arg0: i32) -> (i32, i32) {
    %c0_i32 = arith.constant 0 : i32
    %c0_i32_0 = arith.constant 0 : i32
    %c0_i32_1 = arith.constant 0 : i32
    return %c0_i32, %c0_i32_0 : i32, i32
  }
  func.func @transform_2(%arg0: i32) -> (i32, i32) {
    %c0_i32 = arith.constant 0 : i32
    %c0_i32_0 = arith.constant 0 : i32
    %c0_i32_1 = arith.constant 0 : i32
    return %c0_i32, %c0_i32_0 : i32, i32
  }
  func.func @transform_3(%arg0: i32) -> (i32, i32) {
    %c0_i32 = arith.constant 0 : i32
    %c0_i32_0 = arith.constant 0 : i32
    %c0_i32_1 = arith.constant 0 : i32
    return %c0_i32, %c0_i32_0 : i32, i32
  }
  func.func @transform_4(%arg0: i32) -> (i32, i32) {
    %c0_i32 = arith.constant 0 : i32
    %c0_i32_0 = arith.constant 0 : i32
    %c0_i32_1 = arith.constant 0 : i32
    return %c0_i32, %c0_i32_0 : i32, i32
  }
  func.func @transform_5(%arg0: i32) -> (i32, i32, i32) {
    %c0_i32 = arith.constant 0 : i32
    %c0_i32_0 = arith.constant 0 : i32
    %c0_i32_1 = arith.constant 0 : i32
    return %arg0, %c0_i32, %c0_i32_0 : i32, i32, i32
  }
}

module attributes {stable_mosaic.version = 14 : i64} {
  func.func @_combine_body(%arg0: memref<32x10000xf32, #tpu.memory_space<vmem>>, %arg1: memref<1x10000xf32, #tpu.memory_space<vmem>>, %arg2: memref<1x10000xf32, #tpu.memory_space<vmem>>) attributes {dimension_semantics = [], scalar_prefetch = 0 : i64, scratch_operands = 0 : i64, tpu.core_type = #tpu.core_type<tc>} {
    %get3A = arith.constant 0 : index
    %get3A_0 = arith.constant 0 : index
    %get3A_1 = vector.load %arg0[%get3A, %get3A_0] : memref<32x10000xf32, #tpu.memory_space<vmem>>, vector<32x10000xf32>
    %reduce_sum3A = arith.constant dense<0.000000e+00> : vector<10000xf32>
    %reduce_sum3A_2 = vector.multi_reduction <add>, %get3A_1, %reduce_sum3A [0] : vector<32x10000xf32> to vector<10000xf32>
    %broadcast_in_dim3A = vector.shape_cast %reduce_sum3A_2 : vector<10000xf32> to vector<1x10000xf32>
    %add3A = arith.constant 1.000000e+00 : f32
    %add3A_3 = vector.broadcast %add3A : f32 to vector<1x10000xf32>
    %add3A_4 = arith.addf %add3A_3, %broadcast_in_dim3A : vector<1x10000xf32>
    %rsqrt3A = math.rsqrt %add3A_4 : vector<1x10000xf32>
    %swap3A = arith.constant 0 : index
    %swap3A_5 = arith.constant 0 : index
    %swap3A_6 = vector.load %arg1[%swap3A, %swap3A_5] : memref<1x10000xf32, #tpu.memory_space<vmem>>, vector<1x10000xf32>
    tpu.vector_store %arg1[%swap3A, %swap3A_5], %rsqrt3A {strides = array<i32>} : memref<1x10000xf32, #tpu.memory_space<vmem>>, vector<1x10000xf32>,
    %div3A = arith.constant 1.000000e+00 : f32
    %div3A_7 = vector.broadcast %div3A : f32 to vector<1x10000xf32>
    %div3A_8 = arith.divf %div3A_7, %add3A_4 : vector<1x10000xf32>
    %swap3A_9 = arith.constant 0 : index
    %swap3A_10 = arith.constant 0 : index
    %swap3A_11 = vector.load %arg2[%swap3A_9, %swap3A_10] : memref<1x10000xf32, #tpu.memory_space<vmem>>, vector<1x10000xf32>
    tpu.vector_store %arg2[%swap3A_9, %swap3A_10], %div3A_8 {strides = array<i32>} : memref<1x10000xf32, #tpu.memory_space<vmem>>, vector<1x10000xf32>,
    return
  }
}

module attributes {stable_mosaic.version = 14 : i64} {
  func.func @_lin_body(%arg0: memref<10000x128xf32, #tpu.memory_space<vmem>>, %arg1: memref<128x128xf32, #tpu.memory_space<vmem>>, %arg2: memref<10000x128xf32, #tpu.memory_space<vmem>>) attributes {dimension_semantics = [], scalar_prefetch = 0 : i64, scratch_operands = 0 : i64, tpu.core_type = #tpu.core_type<tc>} {
    %get3A = arith.constant 0 : index
    %get3A_0 = arith.constant 0 : index
    %get3A_1 = vector.load %arg0[%get3A, %get3A_0] : memref<10000x128xf32, #tpu.memory_space<vmem>>, vector<10000x128xf32>
    %get3A_2 = arith.constant 0 : index
    %get3A_3 = arith.constant 0 : index
    %get3A_4 = vector.load %arg1[%get3A_2, %get3A_3] : memref<128x128xf32, #tpu.memory_space<vmem>>, vector<128x128xf32>
    %dot_general3A = arith.constant dense<0.000000e+00> : vector<10000x128xf32>
    %dot_general3A_5 = tpu.matmul %get3A_1, %get3A_4, %dot_general3A {dimension_numbers = #tpu.dot_dimension_numbers<[1], [1], [0], [0], [0, 0, 1, 0], [], []>, transpose_lhs_hint = false} : vector<10000x128xf32>, vector<128x128xf32>, vector<10000x128xf32> -> vector<10000x128xf32>
    %swap3A = arith.constant 0 : index
    %swap3A_6 = arith.constant 0 : index
    %swap3A_7 = vector.load %arg2[%swap3A, %swap3A_6] : memref<10000x128xf32, #tpu.memory_space<vmem>>, vector<10000x128xf32>
    tpu.vector_store %arg2[%swap3A, %swap3A_6], %dot_general3A_5 {strides = array<i32>} : memref<10000x128xf32, #tpu.memory_space<vmem>>, vector<10000x128xf32>,
    return
  }
}

module attributes {stable_mosaic.version = 14 : i64} {
  func.func @_final_body(%arg0: memref<2x10000x128xf32, #tpu.memory_space<vmem>>, %arg1: memref<10000x128xf32, #tpu.memory_space<vmem>>, %arg2: memref<10000x1xf32, #tpu.memory_space<vmem>>, %arg3: memref<10000x1xf32, #tpu.memory_space<vmem>>, %arg4: memref<1x128xf32, #tpu.memory_space<vmem>>, %arg5: memref<1x1xf32, #tpu.memory_space<vmem>>, %arg6: memref<1x128xf32, #tpu.memory_space<vmem>>, %arg7: memref<1x128xf32, #tpu.memory_space<vmem>>, %arg8: memref<1x128xf32, #tpu.memory_space<vmem>>, %arg9: memref<10000x128xf32, #tpu.memory_space<vmem>>) attributes {dimension_semantics = [], scalar_prefetch = 0 : i64, scratch_operands = 0 : i64, tpu.core_type = #tpu.core_type<tc>} {
    %get3A = arith.constant 0 : index
    %get3A_0 = arith.constant 0 : index
    %get3A_1 = vector.load %arg2[%get3A, %get3A_0] : memref<10000x1xf32, #tpu.memory_space<vmem>>, vector<10000x1xf32>
    %get3A_2 = arith.constant 0 : index
    %get3A_3 = arith.constant 0 : index
    %get3A_4 = arith.constant 0 : index
    %get3A_5 = vector.load %arg0[%get3A_2, %get3A_3, %get3A_4] : memref<2x10000x128xf32, #tpu.memory_space<vmem>>, vector<1x10000x128xf32>
    %get3A_6 = vector.shape_cast %get3A_5 : vector<1x10000x128xf32> to vector<10000x128xf32>
    %get3A_7 = arith.constant 1 : index
    %get3A_8 = arith.constant 0 : index
    %get3A_9 = arith.constant 0 : index
    %get3A_10 = vector.load %arg0[%get3A_7, %get3A_8, %get3A_9] : memref<2x10000x128xf32, #tpu.memory_space<vmem>>, vector<1x10000x128xf32>
    %get3A_11 = vector.shape_cast %get3A_10 : vector<1x10000x128xf32> to vector<10000x128xf32>
    %add3A = arith.addf %get3A_6, %get3A_11 : vector<10000x128xf32>
    %mul3A = vector.broadcast %get3A_1 : vector<10000x1xf32> to vector<10000x128xf32>
    %mul3A_12 = arith.mulf %mul3A, %add3A : vector<10000x128xf32>
    %get3A_13 = arith.constant 0 : index
    %get3A_14 = arith.constant 0 : index
    %get3A_15 = vector.load %arg3[%get3A_13, %get3A_14] : memref<10000x1xf32, #tpu.memory_space<vmem>>, vector<10000x1xf32>
    %get3A_16 = arith.constant 0 : index
    %get3A_17 = arith.constant 0 : index
    %get3A_18 = vector.load %arg1[%get3A_16, %get3A_17] : memref<10000x128xf32, #tpu.memory_space<vmem>>, vector<10000x128xf32>
    %mul3A_19 = vector.broadcast %get3A_15 : vector<10000x1xf32> to vector<10000x128xf32>
    %mul3A_20 = arith.mulf %mul3A_19, %get3A_18 : vector<10000x128xf32>
    %add3A_21 = arith.addf %mul3A_12, %mul3A_20 : vector<10000x128xf32>
    %get3A_22 = arith.constant 0 : index
    %get3A_23 = arith.constant 0 : index
    %get3A_24 = vector.load %arg4[%get3A_22, %get3A_23] : memref<1x128xf32, #tpu.memory_space<vmem>>, vector<1x128xf32>
    %add3A_25 = vector.broadcast %get3A_24 : vector<1x128xf32> to vector<10000x128xf32>
    %add3A_26 = arith.addf %add3A_21, %add3A_25 : vector<10000x128xf32>
    %get3A_27 = arith.constant 0 : index
    %get3A_28 = arith.constant 0 : index
    %get3A_29 = vector.load %arg5[%get3A_27, %get3A_28] : memref<1x1xf32, #tpu.memory_space<vmem>>, vector<1x1xf32>
    %get3A_30 = vector.extract %get3A_29[0, 0] : f32 from vector<1x1xf32>
    %ge3A = arith.constant 0.000000e+00 : f32
    %ge3A_31 = vector.broadcast %ge3A : f32 to vector<10000x128xf32>
    %ge3A_32 = arith.cmpf oge, %add3A_26, %ge3A_31 : vector<10000x128xf32>
    %mul3A_33 = vector.broadcast %get3A_30 : f32 to vector<10000x128xf32>
    %mul3A_34 = arith.mulf %mul3A_33, %add3A_26 : vector<10000x128xf32>
    %select_n3A = arith.select %ge3A_32, %add3A_26, %mul3A_34 : vector<10000x128xi1>, vector<10000x128xf32>
    %broadcast_in_dim3A = arith.constant 1.000000e+00 : f32
    %broadcast_in_dim3A_35 = vector.broadcast %broadcast_in_dim3A : f32 to vector<1x10000xf32>
    %dot_general3A = arith.constant dense<0.000000e+00> : vector<1x128xf32>
    %dot_general3A_36 = tpu.matmul %broadcast_in_dim3A_35, %select_n3A, %dot_general3A {dimension_numbers = #tpu.dot_dimension_numbers<[1], [0], [0], [1], [0, 0, 1, 1], [], []>, transpose_lhs_hint = false} : vector<1x10000xf32>, vector<10000x128xf32>, vector<1x128xf32> -> vector<1x128xf32>
    %mul3A_37 = arith.mulf %select_n3A, %select_n3A : vector<10000x128xf32>
    %dot_general3A_38 = arith.constant dense<0.000000e+00> : vector<1x128xf32>
    %dot_general3A_39 = tpu.matmul %broadcast_in_dim3A_35, %mul3A_37, %dot_general3A_38 {dimension_numbers = #tpu.dot_dimension_numbers<[1], [0], [0], [1], [0, 0, 1, 1], [], []>, transpose_lhs_hint = false} : vector<1x10000xf32>, vector<10000x128xf32>, vector<1x128xf32> -> vector<1x128xf32>
    %mul3A_40 = arith.constant 9.99999974E-5 : f32
    %mul3A_41 = vector.broadcast %mul3A_40 : f32 to vector<1x128xf32>
    %mul3A_42 = arith.mulf %dot_general3A_36, %mul3A_41 : vector<1x128xf32>
    %mul3A_43 = arith.constant 9.99999974E-5 : f32
    %mul3A_44 = vector.broadcast %mul3A_43 : f32 to vector<1x128xf32>
    %mul3A_45 = arith.mulf %dot_general3A_39, %mul3A_44 : vector<1x128xf32>
    %get3A_46 = arith.constant 0 : index
    %get3A_47 = arith.constant 0 : index
    %get3A_48 = vector.load %arg8[%get3A_46, %get3A_47] : memref<1x128xf32, #tpu.memory_space<vmem>>, vector<1x128xf32>
    %mul3A_49 = arith.constant 2.000000e+00 : f32
    %mul3A_50 = vector.broadcast %mul3A_49 : f32 to vector<1x128xf32>
    %mul3A_51 = arith.mulf %mul3A_50, %get3A_48 : vector<1x128xf32>
    %mul3A_52 = arith.mulf %get3A_48, %get3A_48 : vector<1x128xf32>
    %sub3A = arith.subf %mul3A_51, %mul3A_52 : vector<1x128xf32>
    %mul3A_53 = arith.mulf %mul3A_42, %mul3A_42 : vector<1x128xf32>
    %mul3A_54 = arith.mulf %sub3A, %mul3A_53 : vector<1x128xf32>
    %sub3A_55 = arith.subf %mul3A_45, %mul3A_54 : vector<1x128xf32>
    %add3A_56 = arith.constant 9.99999974E-6 : f32
    %add3A_57 = vector.broadcast %add3A_56 : f32 to vector<1x128xf32>
    %add3A_58 = arith.addf %sub3A_55, %add3A_57 : vector<1x128xf32>
    %sqrt3A = math.sqrt %add3A_58 : vector<1x128xf32>
    %get3A_59 = arith.constant 0 : index
    %get3A_60 = arith.constant 0 : index
    %get3A_61 = vector.load %arg6[%get3A_59, %get3A_60] : memref<1x128xf32, #tpu.memory_space<vmem>>, vector<1x128xf32>
    %mul3A_62 = arith.mulf %mul3A_42, %get3A_48 : vector<1x128xf32>
    %sub3A_63 = vector.broadcast %mul3A_62 : vector<1x128xf32> to vector<10000x128xf32>
    %sub3A_64 = arith.subf %select_n3A, %sub3A_63 : vector<10000x128xf32>
    %mul3A_65 = vector.broadcast %get3A_61 : vector<1x128xf32> to vector<10000x128xf32>
    %mul3A_66 = arith.mulf %mul3A_65, %sub3A_64 : vector<10000x128xf32>
    %div3A = vector.broadcast %sqrt3A : vector<1x128xf32> to vector<10000x128xf32>
    %div3A_67 = arith.divf %mul3A_66, %div3A : vector<10000x128xf32>
    %get3A_68 = arith.constant 0 : index
    %get3A_69 = arith.constant 0 : index
    %get3A_70 = vector.load %arg7[%get3A_68, %get3A_69] : memref<1x128xf32, #tpu.memory_space<vmem>>, vector<1x128xf32>
    %add3A_71 = vector.broadcast %get3A_70 : vector<1x128xf32> to vector<10000x128xf32>
    %add3A_72 = arith.addf %div3A_67, %add3A_71 : vector<10000x128xf32>
    %swap3A = arith.constant 0 : index
    %swap3A_73 = arith.constant 0 : index
    %swap3A_74 = vector.load %arg9[%swap3A, %swap3A_73] : memref<10000x128xf32, #tpu.memory_space<vmem>>, vector<10000x128xf32>
    tpu.vector_store %arg9[%swap3A, %swap3A_73], %add3A_72 {strides = array<i32>} : memref<10000x128xf32, #tpu.memory_space<vmem>>, vector<10000x128xf32>,
    return
  }
}

</mosaic_0001>

<sc_bundles>
// kernel: kernel.11.cloned.1.call-start
scs
__scs_entry_jumppad:
0x0: {  	(pc) =	sbr.rel $0x88, $3  }
0x1: {  	(tag) =	ssettag $0x0;
	lr =	simm.s32 $0x1  }
0x2: {  	[smem:$0x3F94] =	sst lr;
	_ =	strace $0xD0000000  }
0x3: {  	_ = 	snop  }
0x4: {  	_ = 	snop  }
0x5: {  	_ = 	snop  }
0x6: {  	_ = 	snop  }
0x7: {  	_ = 	snop  }
__scs_overlays_trampoline_lowered:
0x8: {  	[smem:$0x3FA3] =	sst s0  }
0x9: {  	[smem:$0x3FA4] =	sst s1  }
0xa: {  	[smem:$0x3FA5] =	sst s2  }
0xb: {  	[smem:$0x3FA6] =	sst s3  }
0xc: {  	[smem:$0x3FA7] =	sst s4  }
0xd: {  	[smem:$0x3FA8] =	sst s5  }
0xe: {  	[smem:$0x3FA9] =	sst s6  }
0xf: {  	[smem:$0x3FAA] =	sst s7  }
0x10: {  	[smem:$0x3FAB] =	sst s8  }
0x11: {  	[smem:$0x3FAC] =	sst s9;
	s0 =	simm.s32 @!p0 $0x0  }
0x12: {  	s1 =	sld [smem:$0x3F92];
	s0 =	simm.s32 @p0 $0x1  }
0x13: {  	[smem:$0x3FAD] =	sst s0;
	s0 =	simm.s32 @!p1 $0x0  }
0x14: {  	s2 =	sld [smem:$0x3F91];
	s0 =	simm.s32 @p1 $0x1  }
0x15: {  	[smem:$0x3FAE] =	sst s0;
	s0 =	simm.s32 @!p2 $0x0  }
0x16: {  	s3 =	sld [smem:$0x3FDB];
	s0 =	simm.s32 @p2 $0x1  }
0x17: {  	s4 =	simm.s32 $0x1BF5;
	[smem:$0x3FB0] =	sst s0  }
0x18: {  	s0 =	sld [smem:$0x3F93];
	_ =	swait.ge [sflag:s4], $0x0  }
0x19: {  	s7 =	sld [smem:$0x3F94]  }
0x1a: {  	s8 =	sadd.s32 $0xFFFFE003, lr  }
0x1b: {  	s9 =	sadd.s32 $0xFFFFFEF7, lr;
	s5 =	simm.s32 $0xFFFFFFFF;
	p2 =	slt.u32 s8, $0xFFFFF086  }
0x1c: {  	p1 =	slt.u32 s9, $0xF7A;
	s5 =	simm.s32 @!p2 $0x0  }
0x1d: {  	s5 =	simm.s32 @p1 $0x1;
	p0 =	seq.s32 s7, s2  }
0x1e: {  	s7 =	smul.u32 @!p0 $0xF7A, s2;
	p2 =	seq.s32 @!p0 s5, $0x0  }
0x1f: {  	s9 =	smul.u32 $0xF7A, s1;
	s8 =	simm.s32 @!p0 $0x1BF5;
	p2 =	por !p2, p0  }
0x20: {  	[sflag:s8] =	ssyncset.s32 @!p0 $0xFFFFF086;
	s6 =	sadd.s32 @!p0 s3, s7;
	s7 =	simm.s32 @!p0 $0x108  }
0x21: {  	s3 =	sadd.s32 s3, s9;
	s6 =	sadd.s32 @!p0 $0x88, s6;
	s7 =	simm.s32 @p2 $0x1082  }
0x22: {  	[simem:s7], [sflag:s8] =	dma.local @!p0 [hbm:s6], $0xF7A  }
0x23: {  	s9 =	sor.u32 $0xD0000000, s2;
	s6 =	simm.s32 $0x108;
	_ =	swait.ge @!p0 [sflag:s8], $0x0  }
0x24: {  	s3 =	sadd.s32 $0x88, s3;
	s6 =	simm.s32 @!p1 $0x1082;
	[sflag:s4] =	ssyncset.s32 $0xFFFFF086  }
0x25: {  	[simem:s6], [sflag:s4] =	dma.local [hbm:s3], $0xF7A  }
0x26: {  	[smem:$0x3F94] =	sst s1;
	(tag) =	ssettag s2;
	_ =	strace s9  }
0x27: {  	s1 =	sld [smem:$0x3FA4]  }
0x28: {  	s2 =	sld [smem:$0x3FA5]  }
0x29: {  	s4 =	sld [smem:$0x3FA7]  }
0x2a: {  	p0 =	seq.s32 s5, $0x0;
	s5 =	sld [smem:$0x3FA8]  }
0x2b: {  	s6 =	sld [smem:$0x3FA9]  }
0x2c: {  	s7 =	sld [smem:$0x3FAA]  }
0x2d: {  	s3 =	simm.s32 $0x108;
	s8 =	sld [smem:$0x3FAB]  }
0x2e: {  	s3 =	simm.s32 @!p0 $0x1082;
	s9 =	sld [smem:$0x3FAC]  }
0x2f: {  	lr =	sadd.s32 s0, s3;
	s0 =	sld [smem:$0x3FA3]  }
0x30: {  	s3 =	sld [smem:$0x3FA6]  }
0x31: {  	[smem:$0x3FAF] =	sst s10  }
0x32: {  	s10 =	sld [smem:$0x3FAD];
	_ =	sdelay $0x3  }
0x33: {  	p0 =	seq.s32 s10, $0x1;
	s10 =	sld [smem:$0x3FAF];
	_ =	sdelay $0x3  }
0x34: {  	[smem:$0x3FAF] =	sst s10  }
0x35: {  	s10 =	sld [smem:$0x3FAE];
	_ =	sdelay $0x3  }
0x36: {  	p1 =	seq.s32 s10, $0x1;
	s10 =	sld [smem:$0x3FAF];
	_ =	sdelay $0x3  }
0x37: {  	[smem:$0x3FAF] =	sst s10  }
0x38: {  	s10 =	sld [smem:$0x3FB0]  }
0x39: {  	_ = 	snop;
	(pc) =	sbr.ind lr, $3  }
0x3a: {  	_ = 	snop  }
0x3b: {  	_ = 	snop  }
0x3c: {  	p2 =	seq.s32 s10, $0x1;
	s10 =	sld [smem:$0x3FAF]  }
0x3d: {  	_ =	shalt  }
0x3e: {  	_ =	shalt  }
0x3f: {  	_ =	shalt  }
0x40: {  	_ =	shalt  }
0x41: {  	_ =	shalt  }
0x42: {  	_ =	shalt  }
0x43: {  	_ =	shalt  }
0x44: {  	_ =	shalt  }
0x45: {  	_ =	shalt  }
0x46: {  	_ =	shalt  }
0x47: {  	_ =	shalt  }
0x48: {  	_ =	shalt  }
0x49: {  	_ =	shalt  }
0x4a: {  	_ =	shalt  }
0x4b: {  	_ =	shalt  }
0x4c: {  	_ =	shalt  }
0x4d: {  	_ =	shalt  }
0x4e: {  	_ =	shalt  }
0x4f: {  	_ =	shalt  }
0x50: {  	_ =	shalt  }
0x51: {  	_ =	shalt  }
0x52: {  	_ =	shalt  }
0x53: {  	_ =	shalt  }
0x54: {  	_ =	shalt  }
0x55: {  	_ =	shalt  }
0x56: {  	_ =	shalt  }
0x57: {  	_ =	shalt  }
0x58: {  	_ =	shalt  }
0x59: {  	_ =	shalt  }
0x5a: {  	_ =	shalt  }
0x5b: {  	_ =	shalt  }
0x5c: {  	_ =	shalt  }
0x5d: {  	_ =	shalt  }
0x5e: {  	_ =	shalt  }
0x5f: {  	_ =	shalt  }
0x60: {  	_ =	shalt  }
0x61: {  	_ =	shalt  }
0x62: {  	_ =	shalt  }
0x63: {  	_ =	shalt  }
0x64: {  	_ =	shalt  }
0x65: {  	_ =	shalt  }
0x66: {  	_ =	shalt  }
0x67: {  	_ =	shalt  }
0x68: {  	_ =	shalt  }
0x69: {  	_ =	shalt  }
0x6a: {  	_ =	shalt  }
0x6b: {  	_ =	shalt  }
0x6c: {  	_ =	shalt  }
0x6d: {  	_ =	shalt  }
0x6e: {  	_ =	shalt  }
0x6f: {  	_ =	shalt  }
0x70: {  	_ =	shalt  }
0x71: {  	_ =	shalt  }
0x72: {  	_ =	shalt  }
0x73: {  	_ =	shalt  }
0x74: {  	_ =	shalt  }
0x75: {  	_ =	shalt  }
0x76: {  	_ =	shalt  }
0x77: {  	_ =	shalt  }
0x78: {  	_ =	shalt  }
0x79: {  	_ =	shalt  }
0x7a: {  	_ =	shalt  }
0x7b: {  	_ =	shalt  }
0x7c: {  	_ =	shalt  }
0x7d: {  	_ =	shalt  }
0x7e: {  	_ =	shalt  }
0x7f: {  	_ =	shalt  }
0x80: {  	_ =	shalt  }
0x81: {  	_ =	shalt  }
0x82: {  	_ =	shalt  }
0x83: {  	_ =	shalt  }
0x84: {  	_ =	shalt  }
0x85: {  	_ =	shalt  }
0x86: {  	_ =	shalt  }
0x87: {  	_ =	shalt  }
.Lfunc_end0:
.L_simem_size_0:
called_computation.1_lowered:
.L_overlay_start_0:
0x88: {  	s2 =	sld [smem:$0x3FD9]  }
0x89: {  	s3 =	sld [smem:$0x3FFE];
	_ =	sdelay $0x1  }
0x8a: {  	s1 =	srdreg.scid  }
0x8b: {  	s0 =	sand.u32 $0x1, s1  }
0x8c: {  	s17 =	sshll.u32 s0, $0xA;
	s2 =	sadd.s32 s3, s2  }
0x8d: {  	s2 =	sadd.s32 s2, s17  }
0x8e: {  	[smem:$0x3FBB] =	sst s2  }
0x8f: {  	_ = 	snop  }
0x90: {  	s2 =	sld [smem:$0x3FD0];
	(tm) =	ssettm $0x1  }
0x91: {  	s18 =	sld [smem:$0x3FFB];
	_ =	sdelay $0x3  }
0x92: {  	_ =	strace s18  }
0x93: {  	s3 =	sld [smem:$0x3FFC];
	_ =	sdelay $0x3  }
0x94: {  	_ =	strace s3  }
0x95: {  	s3 =	sld [smem:$0x3FFD];
	_ =	sdelay $0x3  }
0x96: {  	_ =	strace s3  }
0x97: {  	_ =	strace $0x8FFFFFFF  }
0x98: {  	s19 =	sld [smem:$0x3FDB];
	_ =	sdelay $0x1  }
0x99: {  	s4 =	simm.s32 $_scs_section_size  }
0x9a: {  	s5 =	simm.s32 $_size__tile_overlayer_lowered;
	s6 =	simm.s32 $_tile_overlayer_lowered  }
0x9b: {  	s22 =	simm.s32 $0x1BFF;
	s21 =	sshll.u32 s6, $0x1;
	s3 =	sadd.s32 s4, s19  }
0x9c: {  	s7 =	simm.s32 $0x0;
	s20 =	sshll.u32 s5, $0x1;
	s5 =	sadd.s32 s21, s3  }
0x9d: {  	[timem:s7], [sflag:s22] =	dma.local [hbm:s5], s20  }
0x9e: {  	_ =	swait.ge [sflag:s22], s20  }
0x9f: {  	s4 =	ssub.s32 $0x0, s20;
	[sflag:s22] =	ssyncset.done $0x0  }
0xa0: {  	[sflag:s22] =	ssyncadd.s32 s4;
	_ =	sdelay $0x1  }
0xa1: {  	s23 =	simm.s32 $0x1B8B  }
0xa2: {  	_ =	swait.ge [sflag:s23], $0x1  }
0xa3: {  	[sflag:s23] =	ssyncset.done $0x0  }
0xa4: {  	s25 =	simm.s32 $0x1B8E;
	s24 =	sld [smem:$0x3FFE];
	[sflag:s23] =	ssyncadd.s32 $0xFFFFFFFF  }
0xa5: {  	s26 =	simm.s32 $execute0_lowered;
	[smem:$0x3FD2] =	sst s25  }
0xa6: {  	s5 =	sshll.u32 s26, $0x1;
	_ =	strace $0x80000049;
	[dreg:$0x1] =	wrdreg $0xFFFFFFFF  }
0xa7: {  	s28 =	simm.s32 $_size_execute0_lowered;
	s3 =	sadd.s32 s3, s5;
	[dreg:$0x0] =	wrdreg $0x0  }
0xa8: {  	s5 =	sshll.u32 s28, $0x1;
	[dreg:$0x2] =	wrdreg s3  }
0xa9: {  	[dreg:$0x3] =	wrdreg s5  }
0xaa: {  	[dreg:$0x4] =	wrdreg $0xC0  }
0xab: {  	_ =	task [dreg:s7], $0x5FFFF  }
0xac: {  	[dreg:$0x1] =	wrdreg $0xFFFFFFFF  }
0xad: {  	[dreg:$0x0] =	wrdreg $0x60  }
0xae: {  	[dreg:$0x2] =	wrdreg s24  }
0xaf: {  	[dreg:$0x3] =	wrdreg s2  }
0xb0: {  	[dreg:$0x4] =	wrdreg $0x97000  }
0xb1: {  	[dreg:$0x5] =	wrdreg $0x9  }
0xb2: {  	_ =	task.clear_ibuf [dreg:s7], $0x6FFFF;
	_ =	strace $0x90000049  }
0xb3: {  	s29 =	simm.s32 $0x9;
	_ =	strace $0x8000004B  }
0xb4: {  	_ =	swait.ge [sflag:s29], $0x1  }
0xb5: {  	[sflag:s29] =	ssyncadd.s32 $0xFFFFFFFF  }
0xb6: {  	_ =	strace $0x9000004B  }
0xb7: {  	_ =	sfence  }
0xb8: {  	s30 =	sld [smem:$0x0];
	_ =	sdelay $0x2  }
0xb9: {  	s31 =	sshll.u32 s1, $0xD;
	s1 =	sshrl.u32 s1, $0x2  }
0xba: {  	s3 =	sand.u32 $0x4000, s31;
	s1 =	sadd.s32 s1, s30  }
0xbb: {  	s0 =	sor.u32 s3, s0;
	s1 =	sshll.u32 s1, $0x11  }
0xbc: {  	s0 =	sor.u32 s1, s0  }
0xbd: {  	s0 =	sadd.s32 $0x8F2B, s0  }
0xbe: {  	[sflag:s0] =	ssyncadd.remote.s32 $0x1  }
0xbf: {  	_ =	sfence.sel $0xFFFF  }
0xc0: {  	[dreg:$0x0] =	wrdreg $0xFFFFFFFF;
	(pc) =	sbr.abs _section_cstart, $3  }
0xc1: {  	[dreg:$0x1] =	wrdreg $0xFFFFFFFF  }
0xc2: {  	_ =	task.clear_ibuf [dreg:s7], $0x2FFFF;
	_ =	strace $0x9FFFFFFF  }
0xc3: {  	(tm) =	ssettm $0x7FFFFFFF  }
tec
execute0_lowered:
.L_overlay_start_1:
0x0: {  	(tag) =	ssettag $0x1  }
0x1: {  	s0 =	rddreg [dreg:$0x0]  }
0x2: {  	s1 =	rddreg [dreg:$0x1]  }
0x3: {  	s3 =	rddreg [dreg:$0x2];
	s5 =	srdreg.scid  }
0x4: {  	s4 =	simm.s32 $0x0;
	s2 =	stileid.u32;
	s28 =	simm.s32 $0x2300  }
0x5: {  	s29 =	simm.s32 $0x5;
	s30 =	simm.s32 $0x4300;
	s31 =	simm.s32 $0x1  }
0x6: {  	s9 =	sand.u32 $0x1, s5;
	[smem:$0x7FF] =	sst s4;
	s11 =	smul.u32 $0x1400, s2  }
0x7: {  	s18 =	sshll.u32 s2, $0x1;
	s5 =	sadd.s32 $0x29000, s0;
	s23 =	smul.u32 $0x5000, s2  }
0x8: {  	s6 =	sadd.s32 $0x15000, s0;
	s8 =	sadd.s32 $0x1F000, s0;
	s10 =	smul.u32 $0x138800, s9  }
0x9: {  	_ =	strace $0x8000004A;
	s7 =	sor.u32 s9, s18;
	s9 =	ssub.s32 $0x2, s9  }
0xa: {  	s18 =	simm.s32 $0x7;
	s7 =	smul.u32 $0x2800, s7;
	s19 =	sshrl.u32 s9, $0x1  }
0xb: {  	s26 =	sshrl.u32 s23, $0x2;
	s23 =	simm.s32 $0x180;
	s9 =	ssub.s32 s9, s19  }
0xc: {  	s10 =	sadd.s32 s11, s10;
	s12 =	sshrl.u32 s7, $0x3;
	s9 =	smax.u32 s9, $0x1  }
0xd: {  	s19 =	simm.s32 $0x100;
	s20 =	sadd.s32 s5, s12;
	[dreg:$0xa] =	wrdreg s9  }
0xe: {  	s10 =	sshrl.u32 s10, $0x3;
	s21 =	sadd.s32 s6, s12;
	[dreg:$0x4] =	wrdreg s20  }
0xf: {  	s22 =	sor.u32 $0x10, s12;
	s12 =	sadd.s32 s8, s12;
	[dreg:$0x5] =	wrdreg s21  }
0x10: {  	s0 =	sadd.s32 s10, s0;
	s9 =	sadd.s32 s26, s3;
	[dreg:$0x6] =	wrdreg s12  }
0x11: {  	v0 =	vlaneseq.u32;
	s26 =	simm.s32 $0x4;
	s24 =	sadd.s32 s5, s22;
	[dreg:$0xb] =	wrdreg s9  }
0x12: {  	v0 =	vmul.u32 $0x2, v0;
	s25 =	sadd.s32 s6, s22;
	s10 =	sadd.s32 s8, s22;
	[dreg:$0x7] =	wrdreg s24  }
0x13: {  	s0 =	sadd.s32 $0x33000, s0;
	s20 =	simm.s32 $0x200;
	[dreg:$0x8] =	wrdreg s25  }
0x14: {  	v1 =	vimm.f32 $0.0e+00;
	v2 =	vor.u32 $0x1, v0;
	s21 =	simm.s32 $0x80;
	s22 =	simm.s32 $0x300;
	[dreg:$0x9] =	wrdreg s10  }
0x15: {  	v3 =	vor.u32 $0x20, v0;
	v4 =	vor.u32 $0x21, v0;
	v5 =	vor.u32 $0x40, v0;
	s9 =	simm.s32 $0x6;
	[dreg:$0xc] =	wrdreg s0;
	s24 =	simm.s32 $0x280  }
0x16: {  	v6 =	vor.u32 $0x41, v0;
	v7 =	vor.u32 $0x60, v0;
	v8 =	vor.u32 $0x61, v0;
	s25 =	simm.s32 $0x2;
	s0 =	simm.s32 $0x3;
	s10 =	simm.s32 $0x0  }
.LBB2_1:
0x17: {  	s11 =	simm.s32 $0x0;
	s12 =	simm.s32 $0x0  }
.LBB2_2:
0x18: {  	p0 =	sne.s32 s12, $0x4FC0  }
.Ltmp0:
0x19: {  	_ = 	snop;
	(pc) =	sbr.rel @p0 .LBB2_2-.Ltmp0, $4  }
0x1a: {  	s13 =	sand.u32 $0x7E00, s12  }
0x1b: {  	s14 =	sand.u32 $0x70, s11;
	s13 =	sshrl.u32 s13, $0x2  }
0x1c: {  	s13 =	sor.u32 s14, s13  }
0x1d: {  	s11 =	sadd.s32 $0x10, s11;
	s12 =	sadd.s32 $0x40, s12;
	[tilespmem:s13+$0x8300] =	vst v1  }
0x1e: {  	s11 =	sadd.s32 $0x0, s2  }
0x1f: {  	p0 =	sgt.u32 s11, $0xF9  }
0x20: {  	s15 =	rddreg [dreg:$0xb];
	s11 =	simm.s32 @!p0 $0x8300;
	s14 =	simm.s32 @!p0 $0x7  }
0x21: {  	[spmem:s15] =	stream.linear.scatter @!p0 [tilespmem:s11], [sflag:$0x7], $0x1400, $0x38;
	[tilespmem:$0x1CF80] =	vst v63  }
0x22: {  	s12 =	simm.s32 $0x10;
	_ =	swait.ge @!p0 [sflag:s14], $0x1400  }
0x23: {  	s13 =	simm.s32 $0x20;
	s11 =	sadd.s32 $0x14000, s15;
	[sflag:s14] =	ssyncset.done @!p0 $0x0  }
.LBB2_4:
0x24: {  	s15 =	sadd.s32 s12, s2;
	s12 =	smov.u32 s13;
	s13 =	sadd.s32 $0x10, s13  }
0x25: {  	[sflag:s14] =	ssyncadd.s32 @!p0 $0xFFFFEC00;
	p1 =	sne.s32 s13, $0x100  }
.Ltmp1:
0x26: {  	p0 =	sgt.u32 s15, $0xF9;
	(pc) =	sbr.rel @p1 .LBB2_4-.Ltmp1, $4  }
0x27: {  	s15 =	simm.s32 @!p0 $0x8300;
	s14 =	simm.s32 @!p0 $0x7  }
0x28: {  	[spmem:s11] =	stream.linear.scatter @!p0 [tilespmem:s15], [sflag:$0x7], $0x1400, $0x38;
	[tilespmem:$0x1CF80] =	vst v63  }
0x29: {  	_ =	swait.ge @!p0 [sflag:s14], $0x1400  }
0x2a: {  	s11 =	sadd.s32 $0x14000, s11;
	[sflag:s14] =	ssyncset.done @!p0 $0x0  }
0x2b: {  	s12 =	sadd.s32 s12, s2  }
0x2c: {  	p1 =	sgt.u32 s12, $0xF9  }
0x2d: {  	[sflag:s14] =	ssyncadd.s32 @!p0 $0xFFFFEC00;
	s12 =	simm.s32 @!p1 $0x8300;
	s13 =	simm.s32 @!p1 $0x7  }
0x2e: {  	[spmem:s11] =	stream.linear.scatter @!p1 [tilespmem:s12], [sflag:$0x7], $0x1400, $0x38;
	[tilespmem:$0x1CF80] =	vst v63  }
0x2f: {  	_ =	swait.ge @!p1 [sflag:s13], $0x1400  }
0x30: {  	[sflag:s13] =	ssyncset.done @!p1 $0x0  }
0x31: {  	[sflag:s13] =	ssyncadd.s32 @!p1 $0xFFFFEC00  }
0x32: {  	[bflag:$0x0] =	sbarrier.arrive $0xFFFF  }
0x33: {  	s11 =	simm.s32 $0x0;
	s17 =	rddreg [dreg:$0x4]  }
0x34: {  	[tilespmem:s11], [sflag:$0x7] =	stream.linear.gather [hbm4b:s17+s11], $0x80, $0x38;
	[tilespmem:$0x1CF80] =	vst v63  }
0x35: {  	_ =	swait.ge [sflag:s18], $0x80  }
0x36: {  	[sflag:s18] =	ssyncset.done $0x0  }
0x37: {  	s13 =	rddreg [dreg:$0x5];
	[sflag:s18] =	ssyncadd.s32 $0xFFFFFF80  }
0x38: {  	[tilespmem:s19], [sflag:$0x7] =	stream.linear.gather [hbm4b:s13+s11], $0x80, $0x38;
	[tilespmem:$0x1CF80] =	vst v63  }
0x39: {  	_ =	swait.ge [sflag:s18], $0x80  }
0x3a: {  	[sflag:s18] =	ssyncset.done $0x0  }
0x3b: {  	s14 =	rddreg [dreg:$0x6];
	[sflag:s18] =	ssyncadd.s32 $0xFFFFFF80  }
0x3c: {  	[tilespmem:s20], [sflag:$0x7] =	stream.linear.gather [hbm4b:s14+s11], $0x80, $0x38;
	[tilespmem:$0x1CF80] =	vst v63  }
0x3d: {  	_ =	swait.ge [sflag:s18], $0x80  }
0x3e: {  	[sflag:s18] =	ssyncset.done $0x0  }
0x3f: {  	[sflag:s18] =	ssyncadd.s32 $0xFFFFFF80  }
0x40: {  	[tilespmem:s22], [sflag:$0x5] =	stream.indirect.gather [hbm4b:s1+s21], $0x40, s11, s21, $0xb8;
	[tilespmem:$0x1CF80] =	vst v63  }
0x41: {  	s15 =	rddreg [dreg:$0x7]  }
0x42: {  	[tilespmem:s21], [sflag:$0x2] =	stream.linear.gather [hbm4b:s15+s11], $0x80, $0x38;
	[tilespmem:$0x1CF80] =	vst v63  }
0x43: {  	s16 =	rddreg [dreg:$0x8]  }
0x44: {  	[tilespmem:s23], [sflag:$0x4] =	stream.linear.gather [hbm4b:s16+s11], $0x80, $0x38;
	[tilespmem:$0x1CF80] =	vst v63  }
0x45: {  	s12 =	simm.s32 $0x0;
	s17 =	rddreg [dreg:$0x9]  }
0x46: {  	[tilespmem:s24], [sflag:$0x4] =	stream.linear.gather [hbm4b:s17+s11], $0x80, $0x38;
	[tilespmem:$0x1CF80] =	vst v63  }
.LBB2_6:
0x47: {  	_ =	swait.ge [sflag:s25], $0x80  }
0x48: {  	[sflag:s25] =	ssyncset.done $0x0  }
0x49: {  	[sflag:s25] =	ssyncadd.s32 $0xFFFFFF80  }
0x4a: {  	_ =	swait.ge [sflag:s26], $0x80  }
0x4b: {  	s13 =	sshll.u32 s12, $0x8;
	[sflag:s26] =	ssyncset.done $0x0  }
0x4c: {  	p0 =	seq.s32 s12, $0x27;
	s13 =	sadd.s32 $0x100, s13;
	[sflag:s26] =	ssyncadd.s32 $0xFFFFFF80  }
0x4d: {  	s13 =	simm.s32 @p0 $0x0;
	_ =	swait.ge [sflag:s26], $0x80  }
0x4e: {  	s13 =	sadd.s32 s7, s13;
	[sflag:s26] =	ssyncset.done $0x0  }
0x4f: {  	s14 =	sshrl.u32 s13, $0x3;
	[sflag:s26] =	ssyncadd.s32 $0xFFFFFF80  }
0x50: {  	[tilespmem:s28], [sflag:$0x6] =	stream.indirect.gather [hbm4b:s1+s21], $0x40, s21, s21, $0xb8;
	[tilespmem:$0x1CF80] =	vst v63  }
0x51: {  	s13 =	sadd.s32 s5, s14  }
0x52: {  	[tilespmem:s11], [sflag:$0x1] =	stream.linear.gather [hbm4b:s13+s11], $0x80, $0x38;
	[tilespmem:$0x1CF80] =	vst v63  }
0x53: {  	_ =	swait.ge [sflag:s29], $0x2000  }
0x54: {  	s15 =	simm.s32 $0x500;
	[sflag:s29] =	ssyncset.done $0x0  }
0x55: {  	s17 =	simm.s32 $0x0;
	s13 =	simm.s32 $0x200;
	[sflag:s29] =	ssyncadd.s32 $0xFFFFE000  }
.LBB2_7:
0x56: {  	v9 =	vld [tilespmem:s13+$0x0]  }
0x57: {  	v10 =	vld [tilespmem:s15+$0xFFFFFE00];
	_ =	sdelay $0x3  }
0x58: {  	v11 =	vbroadcast v9, $0x0  }
0x59: {  	v12 =	vshll.u32 v10, $0x10  }
0x5a: {  	v10 =	vand.u32 $0xFFFF0000, v10;
	v12 =	vmul.f32 v12, v11  }
0x5b: {  	s16 =	sshra.s32 s17, $0x2;
	v10 =	vmul.f32 v10, v11  }
0x5c: {  	[tilespmem:v0+s16+$0x4300] =	vst.idx.msk $0xffff, v12  }
0x5d: {  	[tilespmem:v2+s16+$0x4300] =	vst.idx.msk $0xffff, v10  }
0x5e: {  	v10 =	vld [tilespmem:s15+$0xFFFFFE10];
	_ =	sdelay $0x4  }
0x5f: {  	v53 =	vshll.u32 v10, $0x10  }
0x60: {  	v10 =	vand.u32 $0xFFFF0000, v10;
	v12 =	vmul.f32 v53, v11  }
0x61: {  	v10 =	vmul.f32 v10, v11  }
0x62: {  	[tilespmem:v3+s16+$0x4300] =	vst.idx.msk $0xffff, v12  }
0x63: {  	[tilespmem:v4+s16+$0x4300] =	vst.idx.msk $0xffff, v10  }
0x64: {  	v10 =	vld [tilespmem:s15+$0xFFFFFE20];
	_ =	sdelay $0x4  }
0x65: {  	v54 =	vshll.u32 v10, $0x10  }
0x66: {  	v10 =	vand.u32 $0xFFFF0000, v10;
	v12 =	vmul.f32 v54, v11  }
0x67: {  	v10 =	vmul.f32 v10, v11  }
0x68: {  	[tilespmem:v5+s16+$0x4300] =	vst.idx.msk $0xffff, v12  }
0x69: {  	[tilespmem:v6+s16+$0x4300] =	vst.idx.msk $0xffff, v10  }
0x6a: {  	v10 =	vld [tilespmem:s15+$0xFFFFFE30];
	_ =	sdelay $0x4  }
0x6b: {  	v55 =	vshll.u32 v10, $0x10  }
0x6c: {  	v10 =	vand.u32 $0xFFFF0000, v10;
	v12 =	vmul.f32 v55, v11  }
0x6d: {  	v10 =	vmul.f32 v10, v11  }
0x6e: {  	[tilespmem:v7+s16+$0x4300] =	vst.idx.msk $0xffff, v12  }
0x6f: {  	[tilespmem:v8+s16+$0x4300] =	vst.idx.msk $0xffff, v10  }
0x70: {  	v10 =	vld [tilespmem:s15+$0xFFFFFE40];
	_ =	sdelay $0x3  }
0x71: {  	v11 =	vbroadcast v9, $0x1  }
0x72: {  	v56 =	vshll.u32 v10, $0x10  }
0x73: {  	v10 =	vand.u32 $0xFFFF0000, v10;
	v12 =	vmul.f32 v56, v11  }
0x74: {  	v10 =	vmul.f32 v10, v11  }
0x75: {  	[tilespmem:v0+s16+$0x4380] =	vst.idx.msk $0xffff, v12  }
0x76: {  	[tilespmem:v2+s16+$0x4380] =	vst.idx.msk $0xffff, v10  }
0x77: {  	v10 =	vld [tilespmem:s15+$0xFFFFFE50];
	_ =	sdelay $0x4  }
0x78: {  	v57 =	vshll.u32 v10, $0x10  }
0x79: {  	v10 =	vand.u32 $0xFFFF0000, v10;
	v12 =	vmul.f32 v57, v11  }
0x7a: {  	v10 =	vmul.f32 v10, v11  }
0x7b: {  	[tilespmem:v3+s16+$0x4380] =	vst.idx.msk $0xffff, v12  }
0x7c: {  	[tilespmem:v4+s16+$0x4380] =	vst.idx.msk $0xffff, v10  }
0x7d: {  	v10 =	vld [tilespmem:s15+$0xFFFFFE60];
	_ =	sdelay $0x4  }
0x7e: {  	v58 =	vshll.u32 v10, $0x10  }
0x7f: {  	v10 =	vand.u32 $0xFFFF0000, v10;
	v12 =	vmul.f32 v58, v11  }
0x80: {  	v10 =	vmul.f32 v10, v11  }
0x81: {  	[tilespmem:v5+s16+$0x4380] =	vst.idx.msk $0xffff, v12  }
0x82: {  	[tilespmem:v6+s16+$0x4380] =	vst.idx.msk $0xffff, v10  }
0x83: {  	v10 =	vld [tilespmem:s15+$0xFFFFFE70];
	_ =	sdelay $0x4  }
0x84: {  	v59 =	vshll.u32 v10, $0x10  }
0x85: {  	v10 =	vand.u32 $0xFFFF0000, v10;
	v12 =	vmul.f32 v59, v11  }
0x86: {  	v10 =	vmul.f32 v10, v11  }
0x87: {  	[tilespmem:v7+s16+$0x4380] =	vst.idx.msk $0xffff, v12  }
0x88: {  	[tilespmem:v8+s16+$0x4380] =	vst.idx.msk $0xffff, v10  }
0x89: {  	v10 =	vld [tilespmem:s15+$0xFFFFFE80];
	_ =	sdelay $0x3  }
0x8a: {  	v11 =	vbroadcast v9, $0x2  }
0x8b: {  	v60 =	vshll.u32 v10, $0x10  }
0x8c: {  	v10 =	vand.u32 $0xFFFF0000, v10;
	v12 =	vmul.f32 v60, v11  }
0x8d: {  	v10 =	vmul.f32 v10, v11  }
0x8e: {  	[tilespmem:v0+s16+$0x4400] =	vst.idx.msk $0xffff, v12  }
0x8f: {  	[tilespmem:v2+s16+$0x4400] =	vst.idx.msk $0xffff, v10  }
0x90: {  	v10 =	vld [tilespmem:s15+$0xFFFFFE90];
	_ =	sdelay $0x4  }
0x91: {  	v61 =	vshll.u32 v10, $0x10  }
0x92: {  	v10 =	vand.u32 $0xFFFF0000, v10;
	v12 =	vmul.f32 v61, v11  }
0x93: {  	v10 =	vmul.f32 v10, v11  }
0x94: {  	[tilespmem:v3+s16+$0x4400] =	vst.idx.msk $0xffff, v12  }
0x95: {  	[tilespmem:v4+s16+$0x4400] =	vst.idx.msk $0xffff, v10  }
0x96: {  	v10 =	vld [tilespmem:s15+$0xFFFFFEA0];
	_ =	sdelay $0x4  }
0x97: {  	v62 =	vshll.u32 v10, $0x10  }
0x98: {  	v10 =	vand.u32 $0xFFFF0000, v10;
	v12 =	vmul.f32 v62, v11  }
0x99: {  	v10 =	vmul.f32 v10, v11  }
0x9a: {  	[tilespmem:v5+s16+$0x4400] =	vst.idx.msk $0xffff, v12  }
0x9b: {  	[tilespmem:v6+s16+$0x4400] =	vst.idx.msk $0xffff, v10  }
0x9c: {  	v10 =	vld [tilespmem:s15+$0xFFFFFEB0];
	_ =	sdelay $0x4  }
0x9d: {  	v63 =	vshll.u32 v10, $0x10  }
0x9e: {  	v10 =	vand.u32 $0xFFFF0000, v10;
	v12 =	vmul.f32 v63, v11  }
0x9f: {  	v10 =	vmul.f32 v10, v11  }
0xa0: {  	[tilespmem:v7+s16+$0x4400] =	vst.idx.msk $0xffff, v12  }
0xa1: {  	[tilespmem:v8+s16+$0x4400] =	vst.idx.msk $0xffff, v10  }
0xa2: {  	v10 =	vld [tilespmem:s15+$0xFFFFFEC0];
	_ =	sdelay $0x3  }
0xa3: {  	v11 =	vbroadcast v9, $0x3  }
0xa4: {  	v16 =	vshll.u32 v10, $0x10  }
0xa5: {  	v10 =	vand.u32 $0xFFFF0000, v10;
	v12 =	vmul.f32 v16, v11  }
0xa6: {  	v10 =	vmul.f32 v10, v11  }
0xa7: {  	[tilespmem:v0+s16+$0x4480] =	vst.idx.msk $0xffff, v12  }
0xa8: {  	[tilespmem:v2+s16+$0x4480] =	vst.idx.msk $0xffff, v10  }
0xa9: {  	v10 =	vld [tilespmem:s15+$0xFFFFFED0];
	_ =	sdelay $0x4  }
0xaa: {  	v17 =	vshll.u32 v10, $0x10  }
0xab: {  	v10 =	vand.u32 $0xFFFF0000, v10;
	v12 =	vmul.f32 v17, v11  }
0xac: {  	v10 =	vmul.f32 v10, v11  }
0xad: {  	[tilespmem:v3+s16+$0x4480] =	vst.idx.msk $0xffff, v12  }
0xae: {  	[tilespmem:v4+s16+$0x4480] =	vst.idx.msk $0xffff, v10  }
0xaf: {  	v10 =	vld [tilespmem:s15+$0xFFFFFEE0];
	_ =	sdelay $0x4  }
0xb0: {  	v18 =	vshll.u32 v10, $0x10  }
0xb1: {  	v10 =	vand.u32 $0xFFFF0000, v10;
	v12 =	vmul.f32 v18, v11  }
0xb2: {  	v10 =	vmul.f32 v10, v11  }
0xb3: {  	[tilespmem:v5+s16+$0x4480] =	vst.idx.msk $0xffff, v12  }
0xb4: {  	[tilespmem:v6+s16+$0x4480] =	vst.idx.msk $0xffff, v10  }
0xb5: {  	v10 =	vld [tilespmem:s15+$0xFFFFFEF0];
	_ =	sdelay $0x4  }
0xb6: {  	v19 =	vshll.u32 v10, $0x10  }
0xb7: {  	v10 =	vand.u32 $0xFFFF0000, v10;
	v12 =	vmul.f32 v19, v11  }
0xb8: {  	v10 =	vmul.f32 v10, v11  }
0xb9: {  	[tilespmem:v7+s16+$0x4480] =	vst.idx.msk $0xffff, v12  }
0xba: {  	[tilespmem:v8+s16+$0x4480] =	vst.idx.msk $0xffff, v10  }
0xbb: {  	v10 =	vld [tilespmem:s15+$0xFFFFFF00];
	_ =	sdelay $0x3  }
0xbc: {  	v11 =	vbroadcast v9, $0x4  }
0xbd: {  	v20 =	vshll.u32 v10, $0x10  }
0xbe: {  	v10 =	vand.u32 $0xFFFF0000, v10;
	v12 =	vmul.f32 v20, v11  }
0xbf: {  	v10 =	vmul.f32 v10, v11  }
0xc0: {  	[tilespmem:v0+s16+$0x4500] =	vst.idx.msk $0xffff, v12  }
0xc1: {  	[tilespmem:v2+s16+$0x4500] =	vst.idx.msk $0xffff, v10  }
0xc2: {  	v10 =	vld [tilespmem:s15+$0xFFFFFF10];
	_ =	sdelay $0x4  }
0xc3: {  	v21 =	vshll.u32 v10, $0x10  }
0xc4: {  	v10 =	vand.u32 $0xFFFF0000, v10;
	v12 =	vmul.f32 v21, v11  }
0xc5: {  	v10 =	vmul.f32 v10, v11  }
0xc6: {  	[tilespmem:v3+s16+$0x4500] =	vst.idx.msk $0xffff, v12  }
0xc7: {  	[tilespmem:v4+s16+$0x4500] =	vst.idx.msk $0xffff, v10  }
0xc8: {  	v10 =	vld [tilespmem:s15+$0xFFFFFF20];
	_ =	sdelay $0x4  }
0xc9: {  	v22 =	vshll.u32 v10, $0x10  }
0xca: {  	v10 =	vand.u32 $0xFFFF0000, v10;
	v12 =	vmul.f32 v22, v11  }
0xcb: {  	v10 =	vmul.f32 v10, v11  }
0xcc: {  	[tilespmem:v5+s16+$0x4500] =	vst.idx.msk $0xffff, v12  }
0xcd: {  	[tilespmem:v6+s16+$0x4500] =	vst.idx.msk $0xffff, v10  }
0xce: {  	v10 =	vld [tilespmem:s15+$0xFFFFFF30];
	_ =	sdelay $0x4  }
0xcf: {  	v23 =	vshll.u32 v10, $0x10  }
0xd0: {  	v10 =	vand.u32 $0xFFFF0000, v10;
	v12 =	vmul.f32 v23, v11  }
0xd1: {  	v10 =	vmul.f32 v10, v11  }
0xd2: {  	[tilespmem:v7+s16+$0x4500] =	vst.idx.msk $0xffff, v12  }
0xd3: {  	[tilespmem:v8+s16+$0x4500] =	vst.idx.msk $0xffff, v10  }
0xd4: {  	v10 =	vld [tilespmem:s15+$0xFFFFFF40];
	_ =	sdelay $0x3  }
0xd5: {  	v11 =	vbroadcast v9, $0x5  }
0xd6: {  	v24 =	vshll.u32 v10, $0x10  }
0xd7: {  	v10 =	vand.u32 $0xFFFF0000, v10;
	v12 =	vmul.f32 v24, v11  }
0xd8: {  	v10 =	vmul.f32 v10, v11  }
0xd9: {  	[tilespmem:v0+s16+$0x4580] =	vst.idx.msk $0xffff, v12  }
0xda: {  	[tilespmem:v2+s16+$0x4580] =	vst.idx.msk $0xffff, v10  }
0xdb: {  	v10 =	vld [tilespmem:s15+$0xFFFFFF50];
	_ =	sdelay $0x4  }
0xdc: {  	v25 =	vshll.u32 v10, $0x10  }
0xdd: {  	v10 =	vand.u32 $0xFFFF0000, v10;
	v12 =	vmul.f32 v25, v11  }
0xde: {  	v10 =	vmul.f32 v10, v11  }
0xdf: {  	[tilespmem:v3+s16+$0x4580] =	vst.idx.msk $0xffff, v12  }
0xe0: {  	[tilespmem:v4+s16+$0x4580] =	vst.idx.msk $0xffff, v10  }
0xe1: {  	v10 =	vld [tilespmem:s15+$0xFFFFFF60];
	_ =	sdelay $0x4  }
0xe2: {  	v26 =	vshll.u32 v10, $0x10  }
0xe3: {  	v10 =	vand.u32 $0xFFFF0000, v10;
	v12 =	vmul.f32 v26, v11  }
0xe4: {  	v10 =	vmul.f32 v10, v11  }
0xe5: {  	[tilespmem:v5+s16+$0x4580] =	vst.idx.msk $0xffff, v12  }
0xe6: {  	[tilespmem:v6+s16+$0x4580] =	vst.idx.msk $0xffff, v10  }
0xe7: {  	v10 =	vld [tilespmem:s15+$0xFFFFFF70];
	_ =	sdelay $0x4  }
0xe8: {  	v27 =	vshll.u32 v10, $0x10  }
0xe9: {  	v10 =	vand.u32 $0xFFFF0000, v10;
	v12 =	vmul.f32 v27, v11  }
0xea: {  	v10 =	vmul.f32 v10, v11  }
0xeb: {  	[tilespmem:v7+s16+$0x4580] =	vst.idx.msk $0xffff, v12  }
0xec: {  	[tilespmem:v8+s16+$0x4580] =	vst.idx.msk $0xffff, v10  }
0xed: {  	v10 =	vld [tilespmem:s15+$0xFFFFFF80];
	_ =	sdelay $0x3  }
0xee: {  	v11 =	vbroadcast v9, $0x6  }
0xef: {  	v28 =	vshll.u32 v10, $0x10  }
0xf0: {  	v10 =	vand.u32 $0xFFFF0000, v10;
	v12 =	vmul.f32 v28, v11  }
0xf1: {  	v10 =	vmul.f32 v10, v11  }
0xf2: {  	[tilespmem:v0+s16+$0x4600] =	vst.idx.msk $0xffff, v12  }
0xf3: {  	[tilespmem:v2+s16+$0x4600] =	vst.idx.msk $0xffff, v10  }
0xf4: {  	v10 =	vld [tilespmem:s15+$0xFFFFFF90];
	_ =	sdelay $0x4  }
0xf5: {  	v29 =	vshll.u32 v10, $0x10  }
0xf6: {  	v10 =	vand.u32 $0xFFFF0000, v10;
	v12 =	vmul.f32 v29, v11  }
0xf7: {  	v10 =	vmul.f32 v10, v11  }
0xf8: {  	[tilespmem:v3+s16+$0x4600] =	vst.idx.msk $0xffff, v12  }
0xf9: {  	[tilespmem:v4+s16+$0x4600] =	vst.idx.msk $0xffff, v10  }
0xfa: {  	v10 =	vld [tilespmem:s15+$0xFFFFFFA0];
	_ =	sdelay $0x4  }
0xfb: {  	v30 =	vshll.u32 v10, $0x10  }
0xfc: {  	v10 =	vand.u32 $0xFFFF0000, v10;
	v12 =	vmul.f32 v30, v11  }
0xfd: {  	v10 =	vmul.f32 v10, v11  }
0xfe: {  	[tilespmem:v5+s16+$0x4600] =	vst.idx.msk $0xffff, v12  }
0xff: {  	[tilespmem:v6+s16+$0x4600] =	vst.idx.msk $0xffff, v10  }
0x100: {  	v10 =	vld [tilespmem:s15+$0xFFFFFFB0];
	_ =	sdelay $0x4  }
0x101: {  	v31 =	vshll.u32 v10, $0x10  }
0x102: {  	v10 =	vand.u32 $0xFFFF0000, v10;
	v12 =	vmul.f32 v31, v11  }
0x103: {  	v10 =	vmul.f32 v10, v11  }
0x104: {  	[tilespmem:v7+s16+$0x4600] =	vst.idx.msk $0xffff, v12  }
0x105: {  	[tilespmem:v8+s16+$0x4600] =	vst.idx.msk $0xffff, v10  }
0x106: {  	v10 =	vld [tilespmem:s15+$0xFFFFFFC0];
	_ =	sdelay $0x3  }
0x107: {  	v11 =	vbroadcast v9, $0x7  }
0x108: {  	v32 =	vshll.u32 v10, $0x10  }
0x109: {  	v10 =	vand.u32 $0xFFFF0000, v10;
	v12 =	vmul.f32 v32, v11  }
0x10a: {  	v10 =	vmul.f32 v10, v11  }
0x10b: {  	[tilespmem:v0+s16+$0x4680] =	vst.idx.msk $0xffff, v12  }
0x10c: {  	[tilespmem:v2+s16+$0x4680] =	vst.idx.msk $0xffff, v10  }
0x10d: {  	v10 =	vld [tilespmem:s15+$0xFFFFFFD0];
	_ =	sdelay $0x4  }
0x10e: {  	v33 =	vshll.u32 v10, $0x10  }
0x10f: {  	v10 =	vand.u32 $0xFFFF0000, v10;
	v12 =	vmul.f32 v33, v11  }
0x110: {  	v10 =	vmul.f32 v10, v11  }
0x111: {  	[tilespmem:v3+s16+$0x4680] =	vst.idx.msk $0xffff, v12  }
0x112: {  	[tilespmem:v4+s16+$0x4680] =	vst.idx.msk $0xffff, v10  }
0x113: {  	v10 =	vld [tilespmem:s15+$0xFFFFFFE0];
	_ =	sdelay $0x4  }
0x114: {  	v34 =	vshll.u32 v10, $0x10  }
0x115: {  	v10 =	vand.u32 $0xFFFF0000, v10;
	v12 =	vmul.f32 v34, v11  }
0x116: {  	v10 =	vmul.f32 v10, v11  }
0x117: {  	[tilespmem:v5+s16+$0x4680] =	vst.idx.msk $0xffff, v12  }
0x118: {  	[tilespmem:v6+s16+$0x4680] =	vst.idx.msk $0xffff, v10  }
0x119: {  	v10 =	vld [tilespmem:s15+$0xFFFFFFF0];
	_ =	sdelay $0x4  }
0x11a: {  	v35 =	vshll.u32 v10, $0x10  }
0x11b: {  	v10 =	vand.u32 $0xFFFF0000, v10;
	v12 =	vmul.f32 v35, v11  }
0x11c: {  	v10 =	vmul.f32 v10, v11  }
0x11d: {  	[tilespmem:v7+s16+$0x4680] =	vst.idx.msk $0xffff, v12  }
0x11e: {  	[tilespmem:v8+s16+$0x4680] =	vst.idx.msk $0xffff, v10  }
0x11f: {  	v10 =	vld [tilespmem:s15+$0x0];
	_ =	sdelay $0x3  }
0x120: {  	v11 =	vbroadcast v9, $0x8  }
0x121: {  	v36 =	vshll.u32 v10, $0x10  }
0x122: {  	v10 =	vand.u32 $0xFFFF0000, v10;
	v12 =	vmul.f32 v36, v11  }
0x123: {  	v10 =	vmul.f32 v10, v11  }
0x124: {  	[tilespmem:v0+s16+$0x4700] =	vst.idx.msk $0xffff, v12  }
0x125: {  	[tilespmem:v2+s16+$0x4700] =	vst.idx.msk $0xffff, v10  }
0x126: {  	v10 =	vld [tilespmem:s15+$0x10];
	_ =	sdelay $0x4  }
0x127: {  	v37 =	vshll.u32 v10, $0x10  }
0x128: {  	v10 =	vand.u32 $0xFFFF0000, v10;
	v12 =	vmul.f32 v37, v11  }
0x129: {  	v10 =	vmul.f32 v10, v11  }
0x12a: {  	[tilespmem:v3+s16+$0x4700] =	vst.idx.msk $0xffff, v12  }
0x12b: {  	[tilespmem:v4+s16+$0x4700] =	vst.idx.msk $0xffff, v10  }
0x12c: {  	v10 =	vld [tilespmem:s15+$0x20];
	_ =	sdelay $0x4  }
0x12d: {  	v38 =	vshll.u32 v10, $0x10  }
0x12e: {  	v10 =	vand.u32 $0xFFFF0000, v10;
	v12 =	vmul.f32 v38, v11  }
0x12f: {  	v10 =	vmul.f32 v10, v11  }
0x130: {  	[tilespmem:v5+s16+$0x4700] =	vst.idx.msk $0xffff, v12  }
0x131: {  	[tilespmem:v6+s16+$0x4700] =	vst.idx.msk $0xffff, v10  }
0x132: {  	v10 =	vld [tilespmem:s15+$0x30];
	_ =	sdelay $0x4  }
0x133: {  	v39 =	vshll.u32 v10, $0x10  }
0x134: {  	v10 =	vand.u32 $0xFFFF0000, v10;
	v12 =	vmul.f32 v39, v11  }
0x135: {  	v10 =	vmul.f32 v10, v11  }
0x136: {  	[tilespmem:v7+s16+$0x4700] =	vst.idx.msk $0xffff, v12  }
0x137: {  	[tilespmem:v8+s16+$0x4700] =	vst.idx.msk $0xffff, v10  }
0x138: {  	v10 =	vld [tilespmem:s15+$0x40];
	_ =	sdelay $0x3  }
0x139: {  	v11 =	vbroadcast v9, $0x9  }
0x13a: {  	v40 =	vshll.u32 v10, $0x10  }
0x13b: {  	v10 =	vand.u32 $0xFFFF0000, v10;
	v12 =	vmul.f32 v40, v11  }
0x13c: {  	v10 =	vmul.f32 v10, v11  }
0x13d: {  	[tilespmem:v0+s16+$0x4780] =	vst.idx.msk $0xffff, v12  }
0x13e: {  	[tilespmem:v2+s16+$0x4780] =	vst.idx.msk $0xffff, v10  }
0x13f: {  	v10 =	vld [tilespmem:s15+$0x50];
	_ =	sdelay $0x4  }
0x140: {  	v41 =	vshll.u32 v10, $0x10  }
0x141: {  	v10 =	vand.u32 $0xFFFF0000, v10;
	v12 =	vmul.f32 v41, v11  }
0x142: {  	v10 =	vmul.f32 v10, v11  }
0x143: {  	[tilespmem:v3+s16+$0x4780] =	vst.idx.msk $0xffff, v12  }
0x144: {  	[tilespmem:v4+s16+$0x4780] =	vst.idx.msk $0xffff, v10  }
0x145: {  	v10 =	vld [tilespmem:s15+$0x60];
	_ =	sdelay $0x4  }
0x146: {  	v42 =	vshll.u32 v10, $0x10  }
0x147: {  	v10 =	vand.u32 $0xFFFF0000, v10;
	v12 =	vmul.f32 v42, v11  }
0x148: {  	v10 =	vmul.f32 v10, v11  }
0x149: {  	[tilespmem:v5+s16+$0x4780] =	vst.idx.msk $0xffff, v12  }
0x14a: {  	[tilespmem:v6+s16+$0x4780] =	vst.idx.msk $0xffff, v10  }
0x14b: {  	v10 =	vld [tilespmem:s15+$0x70];
	_ =	sdelay $0x4  }
0x14c: {  	v43 =	vshll.u32 v10, $0x10  }
0x14d: {  	v10 =	vand.u32 $0xFFFF0000, v10;
	v12 =	vmul.f32 v43, v11  }
0x14e: {  	v10 =	vmul.f32 v10, v11  }
0x14f: {  	[tilespmem:v7+s16+$0x4780] =	vst.idx.msk $0xffff, v12  }
0x150: {  	[tilespmem:v8+s16+$0x4780] =	vst.idx.msk $0xffff, v10  }
0x151: {  	v10 =	vld [tilespmem:s15+$0x80];
	_ =	sdelay $0x3  }
0x152: {  	v11 =	vbroadcast v9, $0xA  }
0x153: {  	v44 =	vshll.u32 v10, $0x10  }
0x154: {  	v10 =	vand.u32 $0xFFFF0000, v10;
	v12 =	vmul.f32 v44, v11  }
0x155: {  	v10 =	vmul.f32 v10, v11  }
0x156: {  	[tilespmem:v0+s16+$0x4800] =	vst.idx.msk $0xffff, v12  }
0x157: {  	[tilespmem:v2+s16+$0x4800] =	vst.idx.msk $0xffff, v10  }
0x158: {  	v10 =	vld [tilespmem:s15+$0x90];
	_ =	sdelay $0x4  }
0x159: {  	v45 =	vshll.u32 v10, $0x10  }
0x15a: {  	v10 =	vand.u32 $0xFFFF0000, v10;
	v12 =	vmul.f32 v45, v11  }
0x15b: {  	v10 =	vmul.f32 v10, v11  }
0x15c: {  	[tilespmem:v3+s16+$0x4800] =	vst.idx.msk $0xffff, v12  }
0x15d: {  	[tilespmem:v4+s16+$0x4800] =	vst.idx.msk $0xffff, v10  }
0x15e: {  	v10 =	vld [tilespmem:s15+$0xA0];
	_ =	sdelay $0x4  }
0x15f: {  	v46 =	vshll.u32 v10, $0x10  }
0x160: {  	v10 =	vand.u32 $0xFFFF0000, v10;
	v12 =	vmul.f32 v46, v11  }
0x161: {  	v10 =	vmul.f32 v10, v11  }
0x162: {  	[tilespmem:v5+s16+$0x4800] =	vst.idx.msk $0xffff, v12  }
0x163: {  	[tilespmem:v6+s16+$0x4800] =	vst.idx.msk $0xffff, v10  }
0x164: {  	v10 =	vld [tilespmem:s15+$0xB0];
	_ =	sdelay $0x4  }
0x165: {  	v47 =	vshll.u32 v10, $0x10  }
0x166: {  	v10 =	vand.u32 $0xFFFF0000, v10;
	v12 =	vmul.f32 v47, v11  }
0x167: {  	v10 =	vmul.f32 v10, v11  }
0x168: {  	[tilespmem:v7+s16+$0x4800] =	vst.idx.msk $0xffff, v12  }
0x169: {  	[tilespmem:v8+s16+$0x4800] =	vst.idx.msk $0xffff, v10  }
0x16a: {  	v10 =	vld [tilespmem:s15+$0xC0];
	_ =	sdelay $0x3  }
0x16b: {  	v11 =	vbroadcast v9, $0xB  }
0x16c: {  	v48 =	vshll.u32 v10, $0x10  }
0x16d: {  	v10 =	vand.u32 $0xFFFF0000, v10;
	v12 =	vmul.f32 v48, v11  }
0x16e: {  	v10 =	vmul.f32 v10, v11  }
0x16f: {  	[tilespmem:v0+s16+$0x4880] =	vst.idx.msk $0xffff, v12  }
0x170: {  	[tilespmem:v2+s16+$0x4880] =	vst.idx.msk $0xffff, v10  }
0x171: {  	v10 =	vld [tilespmem:s15+$0xD0];
	_ =	sdelay $0x4  }
0x172: {  	v49 =	vshll.u32 v10, $0x10  }
0x173: {  	v10 =	vand.u32 $0xFFFF0000, v10;
	v12 =	vmul.f32 v49, v11  }
0x174: {  	v10 =	vmul.f32 v10, v11  }
0x175: {  	[tilespmem:v3+s16+$0x4880] =	vst.idx.msk $0xffff, v12  }
0x176: {  	[tilespmem:v4+s16+$0x4880] =	vst.idx.msk $0xffff, v10  }
0x177: {  	v10 =	vld [tilespmem:s15+$0xE0];
	_ =	sdelay $0x4  }
0x178: {  	v50 =	vshll.u32 v10, $0x10  }
0x179: {  	v10 =	vand.u32 $0xFFFF0000, v10;
	v12 =	vmul.f32 v50, v11  }
0x17a: {  	v10 =	vmul.f32 v10, v11  }
0x17b: {  	[tilespmem:v5+s16+$0x4880] =	vst.idx.msk $0xffff, v12  }
0x17c: {  	[tilespmem:v6+s16+$0x4880] =	vst.idx.msk $0xffff, v10  }
0x17d: {  	v10 =	vld [tilespmem:s15+$0xF0];
	_ =	sdelay $0x4  }
0x17e: {  	v51 =	vshll.u32 v10, $0x10  }
0x17f: {  	v10 =	vand.u32 $0xFFFF0000, v10;
	v12 =	vmul.f32 v51, v11  }
0x180: {  	v10 =	vmul.f32 v10, v11  }
0x181: {  	[tilespmem:v7+s16+$0x4880] =	vst.idx.msk $0xffff, v12  }
0x182: {  	[tilespmem:v8+s16+$0x4880] =	vst.idx.msk $0xffff, v10  }
0x183: {  	v10 =	vld [tilespmem:s15+$0x100];
	_ =	sdelay $0x3  }
0x184: {  	v11 =	vbroadcast v9, $0xC  }
0x185: {  	v52 =	vshll.u32 v10, $0x10  }
0x186: {  	v10 =	vand.u32 $0xFFFF0000, v10;
	v12 =	vmul.f32 v52, v11  }
0x187: {  	v10 =	vmul.f32 v10, v11  }
0x188: {  	[tilespmem:v0+s16+$0x4900] =	vst.idx.msk $0xffff, v12  }
0x189: {  	[tilespmem:v2+s16+$0x4900] =	vst.idx.msk $0xffff, v10  }
0x18a: {  	v10 =	vld [tilespmem:s15+$0x110];
	_ =	sdelay $0x4  }
0x18b: {  	v53 =	vshll.u32 v10, $0x10  }
0x18c: {  	v10 =	vand.u32 $0xFFFF0000, v10;
	v12 =	vmul.f32 v53, v11  }
0x18d: {  	v10 =	vmul.f32 v10, v11  }
0x18e: {  	[tilespmem:v3+s16+$0x4900] =	vst.idx.msk $0xffff, v12  }
0x18f: {  	[tilespmem:v4+s16+$0x4900] =	vst.idx.msk $0xffff, v10  }
0x190: {  	v10 =	vld [tilespmem:s15+$0x120];
	_ =	sdelay $0x4  }
0x191: {  	v54 =	vshll.u32 v10, $0x10  }
0x192: {  	v10 =	vand.u32 $0xFFFF0000, v10;
	v12 =	vmul.f32 v54, v11  }
0x193: {  	v10 =	vmul.f32 v10, v11  }
0x194: {  	[tilespmem:v5+s16+$0x4900] =	vst.idx.msk $0xffff, v12  }
0x195: {  	[tilespmem:v6+s16+$0x4900] =	vst.idx.msk $0xffff, v10  }
0x196: {  	v10 =	vld [tilespmem:s15+$0x130];
	_ =	sdelay $0x4  }
0x197: {  	v55 =	vshll.u32 v10, $0x10  }
0x198: {  	v10 =	vand.u32 $0xFFFF0000, v10;
	v12 =	vmul.f32 v55, v11  }
0x199: {  	v10 =	vmul.f32 v10, v11  }
0x19a: {  	[tilespmem:v7+s16+$0x4900] =	vst.idx.msk $0xffff, v12  }
0x19b: {  	[tilespmem:v8+s16+$0x4900] =	vst.idx.msk $0xffff, v10  }
0x19c: {  	v10 =	vld [tilespmem:s15+$0x140];
	_ =	sdelay $0x3  }
0x19d: {  	v11 =	vbroadcast v9, $0xD  }
0x19e: {  	v56 =	vshll.u32 v10, $0x10  }
0x19f: {  	v10 =	vand.u32 $0xFFFF0000, v10;
	v12 =	vmul.f32 v56, v11  }
0x1a0: {  	v10 =	vmul.f32 v10, v11  }
0x1a1: {  	[tilespmem:v0+s16+$0x4980] =	vst.idx.msk $0xffff, v12  }
0x1a2: {  	[tilespmem:v2+s16+$0x4980] =	vst.idx.msk $0xffff, v10  }
0x1a3: {  	v10 =	vld [tilespmem:s15+$0x150];
	_ =	sdelay $0x4  }
0x1a4: {  	v57 =	vshll.u32 v10, $0x10  }
0x1a5: {  	v10 =	vand.u32 $0xFFFF0000, v10;
	v12 =	vmul.f32 v57, v11  }
0x1a6: {  	v10 =	vmul.f32 v10, v11  }
0x1a7: {  	[tilespmem:v3+s16+$0x4980] =	vst.idx.msk $0xffff, v12  }
0x1a8: {  	[tilespmem:v4+s16+$0x4980] =	vst.idx.msk $0xffff, v10  }
0x1a9: {  	v10 =	vld [tilespmem:s15+$0x160];
	_ =	sdelay $0x4  }
0x1aa: {  	v58 =	vshll.u32 v10, $0x10  }
0x1ab: {  	v10 =	vand.u32 $0xFFFF0000, v10;
	v12 =	vmul.f32 v58, v11  }
0x1ac: {  	v10 =	vmul.f32 v10, v11  }
0x1ad: {  	[tilespmem:v5+s16+$0x4980] =	vst.idx.msk $0xffff, v12  }
0x1ae: {  	[tilespmem:v6+s16+$0x4980] =	vst.idx.msk $0xffff, v10  }
0x1af: {  	v10 =	vld [tilespmem:s15+$0x170];
	_ =	sdelay $0x4  }
0x1b0: {  	v59 =	vshll.u32 v10, $0x10  }
0x1b1: {  	v10 =	vand.u32 $0xFFFF0000, v10;
	v12 =	vmul.f32 v59, v11  }
0x1b2: {  	v10 =	vmul.f32 v10, v11  }
0x1b3: {  	[tilespmem:v7+s16+$0x4980] =	vst.idx.msk $0xffff, v12  }
0x1b4: {  	[tilespmem:v8+s16+$0x4980] =	vst.idx.msk $0xffff, v10  }
0x1b5: {  	v10 =	vld [tilespmem:s15+$0x180];
	_ =	sdelay $0x3  }
0x1b6: {  	v11 =	vbroadcast v9, $0xE  }
0x1b7: {  	v60 =	vshll.u32 v10, $0x10  }
0x1b8: {  	v10 =	vand.u32 $0xFFFF0000, v10;
	v12 =	vmul.f32 v60, v11  }
0x1b9: {  	v10 =	vmul.f32 v10, v11  }
0x1ba: {  	[tilespmem:v0+s16+$0x4A00] =	vst.idx.msk $0xffff, v12  }
0x1bb: {  	[tilespmem:v2+s16+$0x4A00] =	vst.idx.msk $0xffff, v10  }
0x1bc: {  	v10 =	vld [tilespmem:s15+$0x190];
	_ =	sdelay $0x4  }
0x1bd: {  	v61 =	vshll.u32 v10, $0x10  }
0x1be: {  	v10 =	vand.u32 $0xFFFF0000, v10;
	v12 =	vmul.f32 v61, v11  }
0x1bf: {  	v10 =	vmul.f32 v10, v11  }
0x1c0: {  	[tilespmem:v3+s16+$0x4A00] =	vst.idx.msk $0xffff, v12  }
0x1c1: {  	[tilespmem:v4+s16+$0x4A00] =	vst.idx.msk $0xffff, v10  }
0x1c2: {  	v10 =	vld [tilespmem:s15+$0x1A0];
	_ =	sdelay $0x4  }
0x1c3: {  	v62 =	vshll.u32 v10, $0x10  }
0x1c4: {  	v10 =	vand.u32 $0xFFFF0000, v10;
	v12 =	vmul.f32 v62, v11  }
0x1c5: {  	v10 =	vmul.f32 v10, v11  }
0x1c6: {  	[tilespmem:v5+s16+$0x4A00] =	vst.idx.msk $0xffff, v12  }
0x1c7: {  	[tilespmem:v6+s16+$0x4A00] =	vst.idx.msk $0xffff, v10  }
0x1c8: {  	v10 =	vld [tilespmem:s15+$0x1B0];
	_ =	sdelay $0x4  }
0x1c9: {  	v63 =	vshll.u32 v10, $0x10  }
0x1ca: {  	v10 =	vand.u32 $0xFFFF0000, v10;
	v12 =	vmul.f32 v63, v11  }
0x1cb: {  	v10 =	vmul.f32 v10, v11  }
0x1cc: {  	[tilespmem:v7+s16+$0x4A00] =	vst.idx.msk $0xffff, v12  }
0x1cd: {  	[tilespmem:v8+s16+$0x4A00] =	vst.idx.msk $0xffff, v10  }
0x1ce: {  	v10 =	vld [tilespmem:s15+$0x1C0];
	_ =	sdelay $0x3  }
0x1cf: {  	v9 =	vbroadcast v9, $0xF  }
0x1d0: {  	v11 =	vshll.u32 v10, $0x10  }
0x1d1: {  	v10 =	vand.u32 $0xFFFF0000, v10;
	v11 =	vmul.f32 v11, v9  }
0x1d2: {  	v10 =	vmul.f32 v10, v9  }
0x1d3: {  	[tilespmem:v0+s16+$0x4A80] =	vst.idx.msk $0xffff, v11  }
0x1d4: {  	[tilespmem:v2+s16+$0x4A80] =	vst.idx.msk $0xffff, v10  }
0x1d5: {  	v10 =	vld [tilespmem:s15+$0x1D0];
	_ =	sdelay $0x4  }
0x1d6: {  	v11 =	vshll.u32 v10, $0x10  }
0x1d7: {  	v10 =	vand.u32 $0xFFFF0000, v10;
	v11 =	vmul.f32 v11, v9  }
0x1d8: {  	v10 =	vmul.f32 v10, v9  }
0x1d9: {  	[tilespmem:v3+s16+$0x4A80] =	vst.idx.msk $0xffff, v11  }
0x1da: {  	[tilespmem:v4+s16+$0x4A80] =	vst.idx.msk $0xffff, v10  }
0x1db: {  	v10 =	vld [tilespmem:s15+$0x1E0];
	_ =	sdelay $0x4  }
0x1dc: {  	v11 =	vshll.u32 v10, $0x10  }
0x1dd: {  	v10 =	vand.u32 $0xFFFF0000, v10;
	v11 =	vmul.f32 v11, v9  }
0x1de: {  	v10 =	vmul.f32 v10, v9  }
0x1df: {  	[tilespmem:v5+s16+$0x4A80] =	vst.idx.msk $0xffff, v11  }
0x1e0: {  	[tilespmem:v6+s16+$0x4A80] =	vst.idx.msk $0xffff, v10  }
0x1e1: {  	v10 =	vld [tilespmem:s15+$0x1F0];
	_ =	sdelay $0x3  }
0x1e2: {  	p0 =	sne.s32 s17, $0xE000  }
.Ltmp2:
0x1e3: {  	v11 =	vshll.u32 v10, $0x10;
	(pc) =	sbr.rel @p0 .LBB2_7-.Ltmp2, $4  }
0x1e4: {  	v10 =	vand.u32 $0xFFFF0000, v10;
	v11 =	vmul.f32 v11, v9  }
0x1e5: {  	v9 =	vmul.f32 v10, v9  }
0x1e6: {  	[tilespmem:v7+s16+$0x4A80] =	vst.idx.msk $0xffff, v11  }
0x1e7: {  	s13 =	sadd.s32 $0x10, s13;
	s17 =	sadd.s32 $0x2000, s17;
	s15 =	sadd.s32 $0x400, s15;
	[tilespmem:v8+s16+$0x4A80] =	vst.idx.msk $0xffff, v9  }
0x1e8: {  	[spmem:s3] =	stream.indirect.scatter.add.f32 [tilespmem:s30], [sflag:$0x7], $0x80, s19, s21, $0xb8;
	[tilespmem:$0x1CF80] =	vst v63  }
0x1e9: {  	_ =	swait.ge [sflag:s18], $0x4000  }
0x1ea: {  	[sflag:s18] =	ssyncset.done $0x0  }
0x1eb: {  	s15 =	sadd.s32 s6, s14;
	s13 =	simm.s32 $0x0;
	[sflag:s18] =	ssyncadd.s32 $0xFFFFC000  }
0x1ec: {  	[tilespmem:s19], [sflag:$0x3] =	stream.linear.gather [hbm4b:s15+s13], $0x80, $0x38;
	[tilespmem:$0x1CF80] =	vst v63  }
0x1ed: {  	s15 =	sshll.u32 s12, $0x1  }
0x1ee: {  	s17 =	sadd.s32 s8, s14;
	s14 =	sadd.s32 $0x3, s15  }
0x1ef: {  	[tilespmem:s20], [sflag:$0x3] =	stream.linear.gather [hbm4b:s17+s13], $0x80, $0x38;
	[tilespmem:$0x1CF80] =	vst v63  }
0x1f0: {  	s16 =	smulhi.u32 $0x66666667, s14;
	_ =	swait.ge [sflag:s31], $0x80  }
0x1f1: {  	[sflag:s31] =	ssyncset.done $0x0  }
0x1f2: {  	s15 =	sshrl.u32 s16, $0x5;
	[sflag:s31] =	ssyncadd.s32 $0xFFFFFF80  }
0x1f3: {  	s15 =	smul.u32 $0x50, s15;
	_ =	swait.ge [sflag:s0], $0x80  }
0x1f4: {  	[sflag:s0] =	ssyncset.done $0x0  }
0x1f5: {  	s14 =	ssub.s32 s14, s15;
	[sflag:s0] =	ssyncadd.s32 $0xFFFFFF80  }
0x1f6: {  	s14 =	sshll.u32 s14, $0x7;
	_ =	swait.ge [sflag:s0], $0x80  }
0x1f7: {  	s14 =	sadd.s32 s7, s14;
	[sflag:s0] =	ssyncset.done $0x0  }
0x1f8: {  	s14 =	sshrl.u32 s14, $0x3;
	[sflag:s0] =	ssyncadd.s32 $0xFFFFFF80  }
0x1f9: {  	[tilespmem:s22], [sflag:$0x5] =	stream.indirect.gather [hbm4b:s1+s21], $0x40, s13, s21, $0xb8;
	[tilespmem:$0x1CF80] =	vst v63  }
0x1fa: {  	s17 =	sadd.s32 s5, s14  }
0x1fb: {  	[tilespmem:s21], [sflag:$0x2] =	stream.linear.gather [hbm4b:s17+s13], $0x80, $0x38;
	[tilespmem:$0x1CF80] =	vst v63  }
0x1fc: {  	_ =	swait.ge [sflag:s9], $0x2000  }
0x1fd: {  	[sflag:s9] =	ssyncset.done $0x0  }
0x1fe: {  	s15 =	simm.s32 $0x280;
	s17 =	simm.s32 $0x2500;
	[sflag:s9] =	ssyncadd.s32 $0xFFFFE000  }
.LBB2_9:
0x1ff: {  	v9 =	vld [tilespmem:s15+$0x0]  }
0x200: {  	v10 =	vld [tilespmem:s17+$0xFFFFFE00];
	_ =	sdelay $0x3  }
0x201: {  	v11 =	vbroadcast v9, $0x0  }
0x202: {  	v12 =	vshll.u32 v10, $0x10  }
0x203: {  	v10 =	vand.u32 $0xFFFF0000, v10;
	v12 =	vmul.f32 v12, v11  }
0x204: {  	s16 =	sshra.s32 s13, $0x2;
	v10 =	vmul.f32 v10, v11  }
0x205: {  	[tilespmem:v0+s16+$0x4300] =	vst.idx.msk $0xffff, v12  }
0x206: {  	[tilespmem:v2+s16+$0x4300] =	vst.idx.msk $0xffff, v10  }
0x207: {  	v10 =	vld [tilespmem:s17+$0xFFFFFE10];
	_ =	sdelay $0x4  }
0x208: {  	v53 =	vshll.u32 v10, $0x10  }
0x209: {  	v10 =	vand.u32 $0xFFFF0000, v10;
	v12 =	vmul.f32 v53, v11  }
0x20a: {  	v10 =	vmul.f32 v10, v11  }
0x20b: {  	[tilespmem:v3+s16+$0x4300] =	vst.idx.msk $0xffff, v12  }
0x20c: {  	[tilespmem:v4+s16+$0x4300] =	vst.idx.msk $0xffff, v10  }
0x20d: {  	v10 =	vld [tilespmem:s17+$0xFFFFFE20];
	_ =	sdelay $0x4  }
0x20e: {  	v54 =	vshll.u32 v10, $0x10  }
0x20f: {  	v10 =	vand.u32 $0xFFFF0000, v10;
	v12 =	vmul.f32 v54, v11  }
0x210: {  	v10 =	vmul.f32 v10, v11  }
0x211: {  	[tilespmem:v5+s16+$0x4300] =	vst.idx.msk $0xffff, v12  }
0x212: {  	[tilespmem:v6+s16+$0x4300] =	vst.idx.msk $0xffff, v10  }
0x213: {  	v10 =	vld [tilespmem:s17+$0xFFFFFE30];
	_ =	sdelay $0x4  }
0x214: {  	v55 =	vshll.u32 v10, $0x10  }
0x215: {  	v10 =	vand.u32 $0xFFFF0000, v10;
	v12 =	vmul.f32 v55, v11  }
0x216: {  	v10 =	vmul.f32 v10, v11  }
0x217: {  	[tilespmem:v7+s16+$0x4300] =	vst.idx.msk $0xffff, v12  }
0x218: {  	[tilespmem:v8+s16+$0x4300] =	vst.idx.msk $0xffff, v10  }
0x219: {  	v10 =	vld [tilespmem:s17+$0xFFFFFE40];
	_ =	sdelay $0x3  }
0x21a: {  	v11 =	vbroadcast v9, $0x1  }
0x21b: {  	v56 =	vshll.u32 v10, $0x10  }
0x21c: {  	v10 =	vand.u32 $0xFFFF0000, v10;
	v12 =	vmul.f32 v56, v11  }
0x21d: {  	v10 =	vmul.f32 v10, v11  }
0x21e: {  	[tilespmem:v0+s16+$0x4380] =	vst.idx.msk $0xffff, v12  }
0x21f: {  	[tilespmem:v2+s16+$0x4380] =	vst.idx.msk $0xffff, v10  }
0x220: {  	v10 =	vld [tilespmem:s17+$0xFFFFFE50];
	_ =	sdelay $0x4  }
0x221: {  	v57 =	vshll.u32 v10, $0x10  }
0x222: {  	v10 =	vand.u32 $0xFFFF0000, v10;
	v12 =	vmul.f32 v57, v11  }
0x223: {  	v10 =	vmul.f32 v10, v11  }
0x224: {  	[tilespmem:v3+s16+$0x4380] =	vst.idx.msk $0xffff, v12  }
0x225: {  	[tilespmem:v4+s16+$0x4380] =	vst.idx.msk $0xffff, v10  }
0x226: {  	v10 =	vld [tilespmem:s17+$0xFFFFFE60];
	_ =	sdelay $0x4  }
0x227: {  	v58 =	vshll.u32 v10, $0x10  }
0x228: {  	v10 =	vand.u32 $0xFFFF0000, v10;
	v12 =	vmul.f32 v58, v11  }
0x229: {  	v10 =	vmul.f32 v10, v11  }
0x22a: {  	[tilespmem:v5+s16+$0x4380] =	vst.idx.msk $0xffff, v12  }
0x22b: {  	[tilespmem:v6+s16+$0x4380] =	vst.idx.msk $0xffff, v10  }
0x22c: {  	v10 =	vld [tilespmem:s17+$0xFFFFFE70];
	_ =	sdelay $0x4  }
0x22d: {  	v59 =	vshll.u32 v10, $0x10  }
0x22e: {  	v10 =	vand.u32 $0xFFFF0000, v10;
	v12 =	vmul.f32 v59, v11  }
0x22f: {  	v10 =	vmul.f32 v10, v11  }
0x230: {  	[tilespmem:v7+s16+$0x4380] =	vst.idx.msk $0xffff, v12  }
0x231: {  	[tilespmem:v8+s16+$0x4380] =	vst.idx.msk $0xffff, v10  }
0x232: {  	v10 =	vld [tilespmem:s17+$0xFFFFFE80];
	_ =	sdelay $0x3  }
0x233: {  	v11 =	vbroadcast v9, $0x2  }
0x234: {  	v60 =	vshll.u32 v10, $0x10  }
0x235: {  	v10 =	vand.u32 $0xFFFF0000, v10;
	v12 =	vmul.f32 v60, v11  }
0x236: {  	v10 =	vmul.f32 v10, v11  }
0x237: {  	[tilespmem:v0+s16+$0x4400] =	vst.idx.msk $0xffff, v12  }
0x238: {  	[tilespmem:v2+s16+$0x4400] =	vst.idx.msk $0xffff, v10  }
0x239: {  	v10 =	vld [tilespmem:s17+$0xFFFFFE90];
	_ =	sdelay $0x4  }
0x23a: {  	v61 =	vshll.u32 v10, $0x10  }
0x23b: {  	v10 =	vand.u32 $0xFFFF0000, v10;
	v12 =	vmul.f32 v61, v11  }
0x23c: {  	v10 =	vmul.f32 v10, v11  }
0x23d: {  	[tilespmem:v3+s16+$0x4400] =	vst.idx.msk $0xffff, v12  }
0x23e: {  	[tilespmem:v4+s16+$0x4400] =	vst.idx.msk $0xffff, v10  }
0x23f: {  	v10 =	vld [tilespmem:s17+$0xFFFFFEA0];
	_ =	sdelay $0x4  }
0x240: {  	v62 =	vshll.u32 v10, $0x10  }
0x241: {  	v10 =	vand.u32 $0xFFFF0000, v10;
	v12 =	vmul.f32 v62, v11  }
0x242: {  	v10 =	vmul.f32 v10, v11  }
0x243: {  	[tilespmem:v5+s16+$0x4400] =	vst.idx.msk $0xffff, v12  }
0x244: {  	[tilespmem:v6+s16+$0x4400] =	vst.idx.msk $0xffff, v10  }
0x245: {  	v10 =	vld [tilespmem:s17+$0xFFFFFEB0];
	_ =	sdelay $0x4  }
0x246: {  	v63 =	vshll.u32 v10, $0x10  }
0x247: {  	v10 =	vand.u32 $0xFFFF0000, v10;
	v12 =	vmul.f32 v63, v11  }
0x248: {  	v10 =	vmul.f32 v10, v11  }
0x249: {  	[tilespmem:v7+s16+$0x4400] =	vst.idx.msk $0xffff, v12  }
0x24a: {  	[tilespmem:v8+s16+$0x4400] =	vst.idx.msk $0xffff, v10  }
0x24b: {  	v10 =	vld [tilespmem:s17+$0xFFFFFEC0];
	_ =	sdelay $0x3  }
0x24c: {  	v11 =	vbroadcast v9, $0x3  }
0x24d: {  	v16 =	vshll.u32 v10, $0x10  }
0x24e: {  	v10 =	vand.u32 $0xFFFF0000, v10;
	v12 =	vmul.f32 v16, v11  }
0x24f: {  	v10 =	vmul.f32 v10, v11  }
0x250: {  	[tilespmem:v0+s16+$0x4480] =	vst.idx.msk $0xffff, v12  }
0x251: {  	[tilespmem:v2+s16+$0x4480] =	vst.idx.msk $0xffff, v10  }
0x252: {  	v10 =	vld [tilespmem:s17+$0xFFFFFED0];
	_ =	sdelay $0x4  }
0x253: {  	v17 =	vshll.u32 v10, $0x10  }
0x254: {  	v10 =	vand.u32 $0xFFFF0000, v10;
	v12 =	vmul.f32 v17, v11  }
0x255: {  	v10 =	vmul.f32 v10, v11  }
0x256: {  	[tilespmem:v3+s16+$0x4480] =	vst.idx.msk $0xffff, v12  }
0x257: {  	[tilespmem:v4+s16+$0x4480] =	vst.idx.msk $0xffff, v10  }
0x258: {  	v10 =	vld [tilespmem:s17+$0xFFFFFEE0];
	_ =	sdelay $0x4  }
0x259: {  	v18 =	vshll.u32 v10, $0x10  }
0x25a: {  	v10 =	vand.u32 $0xFFFF0000, v10;
	v12 =	vmul.f32 v18, v11  }
0x25b: {  	v10 =	vmul.f32 v10, v11  }
0x25c: {  	[tilespmem:v5+s16+$0x4480] =	vst.idx.msk $0xffff, v12  }
0x25d: {  	[tilespmem:v6+s16+$0x4480] =	vst.idx.msk $0xffff, v10  }
0x25e: {  	v10 =	vld [tilespmem:s17+$0xFFFFFEF0];
	_ =	sdelay $0x4  }
0x25f: {  	v19 =	vshll.u32 v10, $0x10  }
0x260: {  	v10 =	vand.u32 $0xFFFF0000, v10;
	v12 =	vmul.f32 v19, v11  }
0x261: {  	v10 =	vmul.f32 v10, v11  }
0x262: {  	[tilespmem:v7+s16+$0x4480] =	vst.idx.msk $0xffff, v12  }
0x263: {  	[tilespmem:v8+s16+$0x4480] =	vst.idx.msk $0xffff, v10  }
0x264: {  	v10 =	vld [tilespmem:s17+$0xFFFFFF00];
	_ =	sdelay $0x3  }
0x265: {  	v11 =	vbroadcast v9, $0x4  }
0x266: {  	v20 =	vshll.u32 v10, $0x10  }
0x267: {  	v10 =	vand.u32 $0xFFFF0000, v10;
	v12 =	vmul.f32 v20, v11  }
0x268: {  	v10 =	vmul.f32 v10, v11  }
0x269: {  	[tilespmem:v0+s16+$0x4500] =	vst.idx.msk $0xffff, v12  }
0x26a: {  	[tilespmem:v2+s16+$0x4500] =	vst.idx.msk $0xffff, v10  }
0x26b: {  	v10 =	vld [tilespmem:s17+$0xFFFFFF10];
	_ =	sdelay $0x4  }
0x26c: {  	v21 =	vshll.u32 v10, $0x10  }
0x26d: {  	v10 =	vand.u32 $0xFFFF0000, v10;
	v12 =	vmul.f32 v21, v11  }
0x26e: {  	v10 =	vmul.f32 v10, v11  }
0x26f: {  	[tilespmem:v3+s16+$0x4500] =	vst.idx.msk $0xffff, v12  }
0x270: {  	[tilespmem:v4+s16+$0x4500] =	vst.idx.msk $0xffff, v10  }
0x271: {  	v10 =	vld [tilespmem:s17+$0xFFFFFF20];
	_ =	sdelay $0x4  }
0x272: {  	v22 =	vshll.u32 v10, $0x10  }
0x273: {  	v10 =	vand.u32 $0xFFFF0000, v10;
	v12 =	vmul.f32 v22, v11  }
0x274: {  	v10 =	vmul.f32 v10, v11  }
0x275: {  	[tilespmem:v5+s16+$0x4500] =	vst.idx.msk $0xffff, v12  }
0x276: {  	[tilespmem:v6+s16+$0x4500] =	vst.idx.msk $0xffff, v10  }
0x277: {  	v10 =	vld [tilespmem:s17+$0xFFFFFF30];
	_ =	sdelay $0x4  }
0x278: {  	v23 =	vshll.u32 v10, $0x10  }
0x279: {  	v10 =	vand.u32 $0xFFFF0000, v10;
	v12 =	vmul.f32 v23, v11  }
0x27a: {  	v10 =	vmul.f32 v10, v11  }
0x27b: {  	[tilespmem:v7+s16+$0x4500] =	vst.idx.msk $0xffff, v12  }
0x27c: {  	[tilespmem:v8+s16+$0x4500] =	vst.idx.msk $0xffff, v10  }
0x27d: {  	v10 =	vld [tilespmem:s17+$0xFFFFFF40];
	_ =	sdelay $0x3  }
0x27e: {  	v11 =	vbroadcast v9, $0x5  }
0x27f: {  	v24 =	vshll.u32 v10, $0x10  }
0x280: {  	v10 =	vand.u32 $0xFFFF0000, v10;
	v12 =	vmul.f32 v24, v11  }
0x281: {  	v10 =	vmul.f32 v10, v11  }
0x282: {  	[tilespmem:v0+s16+$0x4580] =	vst.idx.msk $0xffff, v12  }
0x283: {  	[tilespmem:v2+s16+$0x4580] =	vst.idx.msk $0xffff, v10  }
0x284: {  	v10 =	vld [tilespmem:s17+$0xFFFFFF50];
	_ =	sdelay $0x4  }
0x285: {  	v25 =	vshll.u32 v10, $0x10  }
0x286: {  	v10 =	vand.u32 $0xFFFF0000, v10;
	v12 =	vmul.f32 v25, v11  }
0x287: {  	v10 =	vmul.f32 v10, v11  }
0x288: {  	[tilespmem:v3+s16+$0x4580] =	vst.idx.msk $0xffff, v12  }
0x289: {  	[tilespmem:v4+s16+$0x4580] =	vst.idx.msk $0xffff, v10  }
0x28a: {  	v10 =	vld [tilespmem:s17+$0xFFFFFF60];
	_ =	sdelay $0x4  }
0x28b: {  	v26 =	vshll.u32 v10, $0x10  }
0x28c: {  	v10 =	vand.u32 $0xFFFF0000, v10;
	v12 =	vmul.f32 v26, v11  }
0x28d: {  	v10 =	vmul.f32 v10, v11  }
0x28e: {  	[tilespmem:v5+s16+$0x4580] =	vst.idx.msk $0xffff, v12  }
0x28f: {  	[tilespmem:v6+s16+$0x4580] =	vst.idx.msk $0xffff, v10  }
0x290: {  	v10 =	vld [tilespmem:s17+$0xFFFFFF70];
	_ =	sdelay $0x4  }
0x291: {  	v27 =	vshll.u32 v10, $0x10  }
0x292: {  	v10 =	vand.u32 $0xFFFF0000, v10;
	v12 =	vmul.f32 v27, v11  }
0x293: {  	v10 =	vmul.f32 v10, v11  }
0x294: {  	[tilespmem:v7+s16+$0x4580] =	vst.idx.msk $0xffff, v12  }
0x295: {  	[tilespmem:v8+s16+$0x4580] =	vst.idx.msk $0xffff, v10  }
0x296: {  	v10 =	vld [tilespmem:s17+$0xFFFFFF80];
	_ =	sdelay $0x3  }
0x297: {  	v11 =	vbroadcast v9, $0x6  }
0x298: {  	v28 =	vshll.u32 v10, $0x10  }
0x299: {  	v10 =	vand.u32 $0xFFFF0000, v10;
	v12 =	vmul.f32 v28, v11  }
0x29a: {  	v10 =	vmul.f32 v10, v11  }
0x29b: {  	[tilespmem:v0+s16+$0x4600] =	vst.idx.msk $0xffff, v12  }
0x29c: {  	[tilespmem:v2+s16+$0x4600] =	vst.idx.msk $0xffff, v10  }
0x29d: {  	v10 =	vld [tilespmem:s17+$0xFFFFFF90];
	_ =	sdelay $0x4  }
0x29e: {  	v29 =	vshll.u32 v10, $0x10  }
0x29f: {  	v10 =	vand.u32 $0xFFFF0000, v10;
	v12 =	vmul.f32 v29, v11  }
0x2a0: {  	v10 =	vmul.f32 v10, v11  }
0x2a1: {  	[tilespmem:v3+s16+$0x4600] =	vst.idx.msk $0xffff, v12  }
0x2a2: {  	[tilespmem:v4+s16+$0x4600] =	vst.idx.msk $0xffff, v10  }
0x2a3: {  	v10 =	vld [tilespmem:s17+$0xFFFFFFA0];
	_ =	sdelay $0x4  }
0x2a4: {  	v30 =	vshll.u32 v10, $0x10  }
0x2a5: {  	v10 =	vand.u32 $0xFFFF0000, v10;
	v12 =	vmul.f32 v30, v11  }
0x2a6: {  	v10 =	vmul.f32 v10, v11  }
0x2a7: {  	[tilespmem:v5+s16+$0x4600] =	vst.idx.msk $0xffff, v12  }
0x2a8: {  	[tilespmem:v6+s16+$0x4600] =	vst.idx.msk $0xffff, v10  }
0x2a9: {  	v10 =	vld [tilespmem:s17+$0xFFFFFFB0];
	_ =	sdelay $0x4  }
0x2aa: {  	v31 =	vshll.u32 v10, $0x10  }
0x2ab: {  	v10 =	vand.u32 $0xFFFF0000, v10;
	v12 =	vmul.f32 v31, v11  }
0x2ac: {  	v10 =	vmul.f32 v10, v11  }
0x2ad: {  	[tilespmem:v7+s16+$0x4600] =	vst.idx.msk $0xffff, v12  }
0x2ae: {  	[tilespmem:v8+s16+$0x4600] =	vst.idx.msk $0xffff, v10  }
0x2af: {  	v10 =	vld [tilespmem:s17+$0xFFFFFFC0];
	_ =	sdelay $0x3  }
0x2b0: {  	v11 =	vbroadcast v9, $0x7  }
0x2b1: {  	v32 =	vshll.u32 v10, $0x10  }
0x2b2: {  	v10 =	vand.u32 $0xFFFF0000, v10;
	v12 =	vmul.f32 v32, v11  }
0x2b3: {  	v10 =	vmul.f32 v10, v11  }
0x2b4: {  	[tilespmem:v0+s16+$0x4680] =	vst.idx.msk $0xffff, v12  }
0x2b5: {  	[tilespmem:v2+s16+$0x4680] =	vst.idx.msk $0xffff, v10  }
0x2b6: {  	v10 =	vld [tilespmem:s17+$0xFFFFFFD0];
	_ =	sdelay $0x4  }
0x2b7: {  	v33 =	vshll.u32 v10, $0x10  }
0x2b8: {  	v10 =	vand.u32 $0xFFFF0000, v10;
	v12 =	vmul.f32 v33, v11  }
0x2b9: {  	v10 =	vmul.f32 v10, v11  }
0x2ba: {  	[tilespmem:v3+s16+$0x4680] =	vst.idx.msk $0xffff, v12  }
0x2bb: {  	[tilespmem:v4+s16+$0x4680] =	vst.idx.msk $0xffff, v10  }
0x2bc: {  	v10 =	vld [tilespmem:s17+$0xFFFFFFE0];
	_ =	sdelay $0x4  }
0x2bd: {  	v34 =	vshll.u32 v10, $0x10  }
0x2be: {  	v10 =	vand.u32 $0xFFFF0000, v10;
	v12 =	vmul.f32 v34, v11  }
0x2bf: {  	v10 =	vmul.f32 v10, v11  }
0x2c0: {  	[tilespmem:v5+s16+$0x4680] =	vst.idx.msk $0xffff, v12  }
0x2c1: {  	[tilespmem:v6+s16+$0x4680] =	vst.idx.msk $0xffff, v10  }
0x2c2: {  	v10 =	vld [tilespmem:s17+$0xFFFFFFF0];
	_ =	sdelay $0x4  }
0x2c3: {  	v35 =	vshll.u32 v10, $0x10  }
0x2c4: {  	v10 =	vand.u32 $0xFFFF0000, v10;
	v12 =	vmul.f32 v35, v11  }
0x2c5: {  	v10 =	vmul.f32 v10, v11  }
0x2c6: {  	[tilespmem:v7+s16+$0x4680] =	vst.idx.msk $0xffff, v12  }
0x2c7: {  	[tilespmem:v8+s16+$0x4680] =	vst.idx.msk $0xffff, v10  }
0x2c8: {  	v10 =	vld [tilespmem:s17+$0x0];
	_ =	sdelay $0x3  }
0x2c9: {  	v11 =	vbroadcast v9, $0x8  }
0x2ca: {  	v36 =	vshll.u32 v10, $0x10  }
0x2cb: {  	v10 =	vand.u32 $0xFFFF0000, v10;
	v12 =	vmul.f32 v36, v11  }
0x2cc: {  	v10 =	vmul.f32 v10, v11  }
0x2cd: {  	[tilespmem:v0+s16+$0x4700] =	vst.idx.msk $0xffff, v12  }
0x2ce: {  	[tilespmem:v2+s16+$0x4700] =	vst.idx.msk $0xffff, v10  }
0x2cf: {  	v10 =	vld [tilespmem:s17+$0x10];
	_ =	sdelay $0x4  }
0x2d0: {  	v37 =	vshll.u32 v10, $0x10  }
0x2d1: {  	v10 =	vand.u32 $0xFFFF0000, v10;
	v12 =	vmul.f32 v37, v11  }
0x2d2: {  	v10 =	vmul.f32 v10, v11  }
0x2d3: {  	[tilespmem:v3+s16+$0x4700] =	vst.idx.msk $0xffff, v12  }
0x2d4: {  	[tilespmem:v4+s16+$0x4700] =	vst.idx.msk $0xffff, v10  }
0x2d5: {  	v10 =	vld [tilespmem:s17+$0x20];
	_ =	sdelay $0x4  }
0x2d6: {  	v38 =	vshll.u32 v10, $0x10  }
0x2d7: {  	v10 =	vand.u32 $0xFFFF0000, v10;
	v12 =	vmul.f32 v38, v11  }
0x2d8: {  	v10 =	vmul.f32 v10, v11  }
0x2d9: {  	[tilespmem:v5+s16+$0x4700] =	vst.idx.msk $0xffff, v12  }
0x2da: {  	[tilespmem:v6+s16+$0x4700] =	vst.idx.msk $0xffff, v10  }
0x2db: {  	v10 =	vld [tilespmem:s17+$0x30];
	_ =	sdelay $0x4  }
0x2dc: {  	v39 =	vshll.u32 v10, $0x10  }
0x2dd: {  	v10 =	vand.u32 $0xFFFF0000, v10;
	v12 =	vmul.f32 v39, v11  }
0x2de: {  	v10 =	vmul.f32 v10, v11  }
0x2df: {  	[tilespmem:v7+s16+$0x4700] =	vst.idx.msk $0xffff, v12  }
0x2e0: {  	[tilespmem:v8+s16+$0x4700] =	vst.idx.msk $0xffff, v10  }
0x2e1: {  	v10 =	vld [tilespmem:s17+$0x40];
	_ =	sdelay $0x3  }
0x2e2: {  	v11 =	vbroadcast v9, $0x9  }
0x2e3: {  	v40 =	vshll.u32 v10, $0x10  }
0x2e4: {  	v10 =	vand.u32 $0xFFFF0000, v10;
	v12 =	vmul.f32 v40, v11  }
0x2e5: {  	v10 =	vmul.f32 v10, v11  }
0x2e6: {  	[tilespmem:v0+s16+$0x4780] =	vst.idx.msk $0xffff, v12  }
0x2e7: {  	[tilespmem:v2+s16+$0x4780] =	vst.idx.msk $0xffff, v10  }
0x2e8: {  	v10 =	vld [tilespmem:s17+$0x50];
	_ =	sdelay $0x4  }
0x2e9: {  	v41 =	vshll.u32 v10, $0x10  }
0x2ea: {  	v10 =	vand.u32 $0xFFFF0000, v10;
	v12 =	vmul.f32 v41, v11  }
0x2eb: {  	v10 =	vmul.f32 v10, v11  }
0x2ec: {  	[tilespmem:v3+s16+$0x4780] =	vst.idx.msk $0xffff, v12  }
0x2ed: {  	[tilespmem:v4+s16+$0x4780] =	vst.idx.msk $0xffff, v10  }
0x2ee: {  	v10 =	vld [tilespmem:s17+$0x60];
	_ =	sdelay $0x4  }
0x2ef: {  	v42 =	vshll.u32 v10, $0x10  }
0x2f0: {  	v10 =	vand.u32 $0xFFFF0000, v10;
	v12 =	vmul.f32 v42, v11  }
0x2f1: {  	v10 =	vmul.f32 v10, v11  }
0x2f2: {  	[tilespmem:v5+s16+$0x4780] =	vst.idx.msk $0xffff, v12  }
0x2f3: {  	[tilespmem:v6+s16+$0x4780] =	vst.idx.msk $0xffff, v10  }
0x2f4: {  	v10 =	vld [tilespmem:s17+$0x70];
	_ =	sdelay $0x4  }
0x2f5: {  	v43 =	vshll.u32 v10, $0x10  }
0x2f6: {  	v10 =	vand.u32 $0xFFFF0000, v10;
	v12 =	vmul.f32 v43, v11  }
0x2f7: {  	v10 =	vmul.f32 v10, v11  }
0x2f8: {  	[tilespmem:v7+s16+$0x4780] =	vst.idx.msk $0xffff, v12  }
0x2f9: {  	[tilespmem:v8+s16+$0x4780] =	vst.idx.msk $0xffff, v10  }
0x2fa: {  	v10 =	vld [tilespmem:s17+$0x80];
	_ =	sdelay $0x3  }
0x2fb: {  	v11 =	vbroadcast v9, $0xA  }
0x2fc: {  	v44 =	vshll.u32 v10, $0x10  }
0x2fd: {  	v10 =	vand.u32 $0xFFFF0000, v10;
	v12 =	vmul.f32 v44, v11  }
0x2fe: {  	v10 =	vmul.f32 v10, v11  }
0x2ff: {  	[tilespmem:v0+s16+$0x4800] =	vst.idx.msk $0xffff, v12  }
0x300: {  	[tilespmem:v2+s16+$0x4800] =	vst.idx.msk $0xffff, v10  }
0x301: {  	v10 =	vld [tilespmem:s17+$0x90];
	_ =	sdelay $0x4  }
0x302: {  	v45 =	vshll.u32 v10, $0x10  }
0x303: {  	v10 =	vand.u32 $0xFFFF0000, v10;
	v12 =	vmul.f32 v45, v11  }
0x304: {  	v10 =	vmul.f32 v10, v11  }
0x305: {  	[tilespmem:v3+s16+$0x4800] =	vst.idx.msk $0xffff, v12  }
0x306: {  	[tilespmem:v4+s16+$0x4800] =	vst.idx.msk $0xffff, v10  }
0x307: {  	v10 =	vld [tilespmem:s17+$0xA0];
	_ =	sdelay $0x4  }
0x308: {  	v46 =	vshll.u32 v10, $0x10  }
0x309: {  	v10 =	vand.u32 $0xFFFF0000, v10;
	v12 =	vmul.f32 v46, v11  }
0x30a: {  	v10 =	vmul.f32 v10, v11  }
0x30b: {  	[tilespmem:v5+s16+$0x4800] =	vst.idx.msk $0xffff, v12  }
0x30c: {  	[tilespmem:v6+s16+$0x4800] =	vst.idx.msk $0xffff, v10  }
0x30d: {  	v10 =	vld [tilespmem:s17+$0xB0];
	_ =	sdelay $0x4  }
0x30e: {  	v47 =	vshll.u32 v10, $0x10  }
0x30f: {  	v10 =	vand.u32 $0xFFFF0000, v10;
	v12 =	vmul.f32 v47, v11  }
0x310: {  	v10 =	vmul.f32 v10, v11  }
0x311: {  	[tilespmem:v7+s16+$0x4800] =	vst.idx.msk $0xffff, v12  }
0x312: {  	[tilespmem:v8+s16+$0x4800] =	vst.idx.msk $0xffff, v10  }
0x313: {  	v10 =	vld [tilespmem:s17+$0xC0];
	_ =	sdelay $0x3  }
0x314: {  	v11 =	vbroadcast v9, $0xB  }
0x315: {  	v48 =	vshll.u32 v10, $0x10  }
0x316: {  	v10 =	vand.u32 $0xFFFF0000, v10;
	v12 =	vmul.f32 v48, v11  }
0x317: {  	v10 =	vmul.f32 v10, v11  }
0x318: {  	[tilespmem:v0+s16+$0x4880] =	vst.idx.msk $0xffff, v12  }
0x319: {  	[tilespmem:v2+s16+$0x4880] =	vst.idx.msk $0xffff, v10  }
0x31a: {  	v10 =	vld [tilespmem:s17+$0xD0];
	_ =	sdelay $0x4  }
0x31b: {  	v49 =	vshll.u32 v10, $0x10  }
0x31c: {  	v10 =	vand.u32 $0xFFFF0000, v10;
	v12 =	vmul.f32 v49, v11  }
0x31d: {  	v10 =	vmul.f32 v10, v11  }
0x31e: {  	[tilespmem:v3+s16+$0x4880] =	vst.idx.msk $0xffff, v12  }
0x31f: {  	[tilespmem:v4+s16+$0x4880] =	vst.idx.msk $0xffff, v10  }
0x320: {  	v10 =	vld [tilespmem:s17+$0xE0];
	_ =	sdelay $0x4  }
0x321: {  	v50 =	vshll.u32 v10, $0x10  }
0x322: {  	v10 =	vand.u32 $0xFFFF0000, v10;
	v12 =	vmul.f32 v50, v11  }
0x323: {  	v10 =	vmul.f32 v10, v11  }
0x324: {  	[tilespmem:v5+s16+$0x4880] =	vst.idx.msk $0xffff, v12  }
0x325: {  	[tilespmem:v6+s16+$0x4880] =	vst.idx.msk $0xffff, v10  }
0x326: {  	v10 =	vld [tilespmem:s17+$0xF0];
	_ =	sdelay $0x4  }
0x327: {  	v51 =	vshll.u32 v10, $0x10  }
0x328: {  	v10 =	vand.u32 $0xFFFF0000, v10;
	v12 =	vmul.f32 v51, v11  }
0x329: {  	v10 =	vmul.f32 v10, v11  }
0x32a: {  	[tilespmem:v7+s16+$0x4880] =	vst.idx.msk $0xffff, v12  }
0x32b: {  	[tilespmem:v8+s16+$0x4880] =	vst.idx.msk $0xffff, v10  }
0x32c: {  	v10 =	vld [tilespmem:s17+$0x100];
	_ =	sdelay $0x3  }
0x32d: {  	v11 =	vbroadcast v9, $0xC  }
0x32e: {  	v52 =	vshll.u32 v10, $0x10  }
0x32f: {  	v10 =	vand.u32 $0xFFFF0000, v10;
	v12 =	vmul.f32 v52, v11  }
0x330: {  	v10 =	vmul.f32 v10, v11  }
0x331: {  	[tilespmem:v0+s16+$0x4900] =	vst.idx.msk $0xffff, v12  }
0x332: {  	[tilespmem:v2+s16+$0x4900] =	vst.idx.msk $0xffff, v10  }
0x333: {  	v10 =	vld [tilespmem:s17+$0x110];
	_ =	sdelay $0x4  }
0x334: {  	v53 =	vshll.u32 v10, $0x10  }
0x335: {  	v10 =	vand.u32 $0xFFFF0000, v10;
	v12 =	vmul.f32 v53, v11  }
0x336: {  	v10 =	vmul.f32 v10, v11  }
0x337: {  	[tilespmem:v3+s16+$0x4900] =	vst.idx.msk $0xffff, v12  }
0x338: {  	[tilespmem:v4+s16+$0x4900] =	vst.idx.msk $0xffff, v10  }
0x339: {  	v10 =	vld [tilespmem:s17+$0x120];
	_ =	sdelay $0x4  }
0x33a: {  	v54 =	vshll.u32 v10, $0x10  }
0x33b: {  	v10 =	vand.u32 $0xFFFF0000, v10;
	v12 =	vmul.f32 v54, v11  }
0x33c: {  	v10 =	vmul.f32 v10, v11  }
0x33d: {  	[tilespmem:v5+s16+$0x4900] =	vst.idx.msk $0xffff, v12  }
0x33e: {  	[tilespmem:v6+s16+$0x4900] =	vst.idx.msk $0xffff, v10  }
0x33f: {  	v10 =	vld [tilespmem:s17+$0x130];
	_ =	sdelay $0x4  }
0x340: {  	v55 =	vshll.u32 v10, $0x10  }
0x341: {  	v10 =	vand.u32 $0xFFFF0000, v10;
	v12 =	vmul.f32 v55, v11  }
0x342: {  	v10 =	vmul.f32 v10, v11  }
0x343: {  	[tilespmem:v7+s16+$0x4900] =	vst.idx.msk $0xffff, v12  }
0x344: {  	[tilespmem:v8+s16+$0x4900] =	vst.idx.msk $0xffff, v10  }
0x345: {  	v10 =	vld [tilespmem:s17+$0x140];
	_ =	sdelay $0x3  }
0x346: {  	v11 =	vbroadcast v9, $0xD  }
0x347: {  	v56 =	vshll.u32 v10, $0x10  }
0x348: {  	v10 =	vand.u32 $0xFFFF0000, v10;
	v12 =	vmul.f32 v56, v11  }
0x349: {  	v10 =	vmul.f32 v10, v11  }
0x34a: {  	[tilespmem:v0+s16+$0x4980] =	vst.idx.msk $0xffff, v12  }
0x34b: {  	[tilespmem:v2+s16+$0x4980] =	vst.idx.msk $0xffff, v10  }
0x34c: {  	v10 =	vld [tilespmem:s17+$0x150];
	_ =	sdelay $0x4  }
0x34d: {  	v57 =	vshll.u32 v10, $0x10  }
0x34e: {  	v10 =	vand.u32 $0xFFFF0000, v10;
	v12 =	vmul.f32 v57, v11  }
0x34f: {  	v10 =	vmul.f32 v10, v11  }
0x350: {  	[tilespmem:v3+s16+$0x4980] =	vst.idx.msk $0xffff, v12  }
0x351: {  	[tilespmem:v4+s16+$0x4980] =	vst.idx.msk $0xffff, v10  }
0x352: {  	v10 =	vld [tilespmem:s17+$0x160];
	_ =	sdelay $0x4  }
0x353: {  	v58 =	vshll.u32 v10, $0x10  }
0x354: {  	v10 =	vand.u32 $0xFFFF0000, v10;
	v12 =	vmul.f32 v58, v11  }
0x355: {  	v10 =	vmul.f32 v10, v11  }
0x356: {  	[tilespmem:v5+s16+$0x4980] =	vst.idx.msk $0xffff, v12  }
0x357: {  	[tilespmem:v6+s16+$0x4980] =	vst.idx.msk $0xffff, v10  }
0x358: {  	v10 =	vld [tilespmem:s17+$0x170];
	_ =	sdelay $0x4  }
0x359: {  	v59 =	vshll.u32 v10, $0x10  }
0x35a: {  	v10 =	vand.u32 $0xFFFF0000, v10;
	v12 =	vmul.f32 v59, v11  }
0x35b: {  	v10 =	vmul.f32 v10, v11  }
0x35c: {  	[tilespmem:v7+s16+$0x4980] =	vst.idx.msk $0xffff, v12  }
0x35d: {  	[tilespmem:v8+s16+$0x4980] =	vst.idx.msk $0xffff, v10  }
0x35e: {  	v10 =	vld [tilespmem:s17+$0x180];
	_ =	sdelay $0x3  }
0x35f: {  	v11 =	vbroadcast v9, $0xE  }
0x360: {  	v60 =	vshll.u32 v10, $0x10  }
0x361: {  	v10 =	vand.u32 $0xFFFF0000, v10;
	v12 =	vmul.f32 v60, v11  }
0x362: {  	v10 =	vmul.f32 v10, v11  }
0x363: {  	[tilespmem:v0+s16+$0x4A00] =	vst.idx.msk $0xffff, v12  }
0x364: {  	[tilespmem:v2+s16+$0x4A00] =	vst.idx.msk $0xffff, v10  }
0x365: {  	v10 =	vld [tilespmem:s17+$0x190];
	_ =	sdelay $0x4  }
0x366: {  	v61 =	vshll.u32 v10, $0x10  }
0x367: {  	v10 =	vand.u32 $0xFFFF0000, v10;
	v12 =	vmul.f32 v61, v11  }
0x368: {  	v10 =	vmul.f32 v10, v11  }
0x369: {  	[tilespmem:v3+s16+$0x4A00] =	vst.idx.msk $0xffff, v12  }
0x36a: {  	[tilespmem:v4+s16+$0x4A00] =	vst.idx.msk $0xffff, v10  }
0x36b: {  	v10 =	vld [tilespmem:s17+$0x1A0];
	_ =	sdelay $0x4  }
0x36c: {  	v62 =	vshll.u32 v10, $0x10  }
0x36d: {  	v10 =	vand.u32 $0xFFFF0000, v10;
	v12 =	vmul.f32 v62, v11  }
0x36e: {  	v10 =	vmul.f32 v10, v11  }
0x36f: {  	[tilespmem:v5+s16+$0x4A00] =	vst.idx.msk $0xffff, v12  }
0x370: {  	[tilespmem:v6+s16+$0x4A00] =	vst.idx.msk $0xffff, v10  }
0x371: {  	v10 =	vld [tilespmem:s17+$0x1B0];
	_ =	sdelay $0x4  }
0x372: {  	v63 =	vshll.u32 v10, $0x10  }
0x373: {  	v10 =	vand.u32 $0xFFFF0000, v10;
	v12 =	vmul.f32 v63, v11  }
0x374: {  	v10 =	vmul.f32 v10, v11  }
0x375: {  	[tilespmem:v7+s16+$0x4A00] =	vst.idx.msk $0xffff, v12  }
0x376: {  	[tilespmem:v8+s16+$0x4A00] =	vst.idx.msk $0xffff, v10  }
0x377: {  	v10 =	vld [tilespmem:s17+$0x1C0];
	_ =	sdelay $0x3  }
0x378: {  	v9 =	vbroadcast v9, $0xF  }
0x379: {  	v11 =	vshll.u32 v10, $0x10  }
0x37a: {  	v10 =	vand.u32 $0xFFFF0000, v10;
	v11 =	vmul.f32 v11, v9  }
0x37b: {  	v10 =	vmul.f32 v10, v9  }
0x37c: {  	[tilespmem:v0+s16+$0x4A80] =	vst.idx.msk $0xffff, v11  }
0x37d: {  	[tilespmem:v2+s16+$0x4A80] =	vst.idx.msk $0xffff, v10  }
0x37e: {  	v10 =	vld [tilespmem:s17+$0x1D0];
	_ =	sdelay $0x4  }
0x37f: {  	v11 =	vshll.u32 v10, $0x10  }
0x380: {  	v10 =	vand.u32 $0xFFFF0000, v10;
	v11 =	vmul.f32 v11, v9  }
0x381: {  	v10 =	vmul.f32 v10, v9  }
0x382: {  	[tilespmem:v3+s16+$0x4A80] =	vst.idx.msk $0xffff, v11  }
0x383: {  	[tilespmem:v4+s16+$0x4A80] =	vst.idx.msk $0xffff, v10  }
0x384: {  	v10 =	vld [tilespmem:s17+$0x1E0];
	_ =	sdelay $0x4  }
0x385: {  	v11 =	vshll.u32 v10, $0x10  }
0x386: {  	v10 =	vand.u32 $0xFFFF0000, v10;
	v11 =	vmul.f32 v11, v9  }
0x387: {  	v10 =	vmul.f32 v10, v9  }
0x388: {  	[tilespmem:v5+s16+$0x4A80] =	vst.idx.msk $0xffff, v11  }
0x389: {  	[tilespmem:v6+s16+$0x4A80] =	vst.idx.msk $0xffff, v10  }
0x38a: {  	v10 =	vld [tilespmem:s17+$0x1F0];
	_ =	sdelay $0x3  }
0x38b: {  	p0 =	sne.s32 s13, $0xE000  }
.Ltmp3:
0x38c: {  	v11 =	vshll.u32 v10, $0x10;
	(pc) =	sbr.rel @p0 .LBB2_9-.Ltmp3, $4  }
0x38d: {  	v10 =	vand.u32 $0xFFFF0000, v10;
	v11 =	vmul.f32 v11, v9  }
0x38e: {  	v9 =	vmul.f32 v10, v9  }
0x38f: {  	[tilespmem:v7+s16+$0x4A80] =	vst.idx.msk $0xffff, v11  }
0x390: {  	s15 =	sadd.s32 $0x10, s15;
	s13 =	sadd.s32 $0x2000, s13;
	s17 =	sadd.s32 $0x400, s17;
	[tilespmem:v8+s16+$0x4A80] =	vst.idx.msk $0xffff, v9  }
0x391: {  	[spmem:s3] =	stream.indirect.scatter.add.f32 [tilespmem:s30], [sflag:$0x7], $0x80, s23, s21, $0xb8;
	[tilespmem:$0x1CF80] =	vst v63  }
0x392: {  	s12 =	sadd.s32 $0x1, s12  }
0x393: {  	_ =	swait.ge [sflag:s18], $0x4000;
	p0 =	sne.s32 s12, $0x28  }
.Ltmp4:
0x394: {  	[sflag:s18] =	ssyncset.done $0x0;
	(pc) =	sbr.rel @p0 .LBB2_6-.Ltmp4, $4  }
0x395: {  	s13 =	sadd.s32 s6, s14;
	[sflag:s18] =	ssyncadd.s32 $0xFFFFC000  }
0x396: {  	[tilespmem:s23], [sflag:$0x4] =	stream.linear.gather [hbm4b:s13+s4], $0x80, $0x38;
	[tilespmem:$0x1CF80] =	vst v63  }
0x397: {  	s17 =	sadd.s32 s8, s14  }
0x398: {  	[tilespmem:s24], [sflag:$0x4] =	stream.linear.gather [hbm4b:s17+s4], $0x80, $0x38;
	[tilespmem:$0x1CF80] =	vst v63  }
0x399: {  	_ =	swait.ge [sflag:s29], $0x2000  }
0x39a: {  	[sflag:s29] =	ssyncset.done $0x0  }
0x39b: {  	[sflag:s29] =	ssyncadd.s32 $0xFFFFE000  }
0x39c: {  	_ =	swait.ge [sflag:s25], $0x80  }
0x39d: {  	[sflag:s25] =	ssyncset.done $0x0  }
0x39e: {  	[sflag:s25] =	ssyncadd.s32 $0xFFFFFF80  }
0x39f: {  	_ =	swait.ge [sflag:s26], $0x80  }
0x3a0: {  	[sflag:s26] =	ssyncset.done $0x0  }
0x3a1: {  	[sflag:s26] =	ssyncadd.s32 $0xFFFFFF80  }
0x3a2: {  	_ =	swait.ge [sflag:s26], $0x80  }
0x3a3: {  	[sflag:s26] =	ssyncset.done $0x0  }
0x3a4: {  	s11 =	sadd.s32 $0x0, s2;
	[sflag:s26] =	ssyncadd.s32 $0xFFFFFF80  }
0x3a5: {  	p0 =	sgt.u32 s11, $0xF9;
	[bflag:$0x0] =	sbarrier.arrive $0xFFFF  }
0x3a6: {  	s11 =	sshll.u32 @!p0 s2, $0x6;
	s14 =	simm.s32 @!p0 $0x7;
	s13 =	rddreg [dreg:$0xb]  }
0x3a7: {  	s11 =	sor.u32 @!p0 $0x1C07, s11;
	s15 =	rddreg [dreg:$0xc];
	s12 =	sshrl.u32 @!p0 s13, $0x3  }
0x3a8: {  	[hbm:s15], [sflag:s11] =	dma.local @!p0 [spmem:s12], $0x280  }
0x3a9: {  	s13 =	sadd.s32 $0x14000, s13;
	s12 =	simm.s32 $0x20;
	_ =	swait.ge @!p0 [sflag:s14], $0x280  }
0x3aa: {  	s11 =	sadd.s32 $0x2800, s15;
	s15 =	sadd.s32 $0x10, s2;
	[sflag:s14] =	ssyncset.done @!p0 $0x0  }
.LBB2_12:
0x3ab: {  	[sflag:s14] =	ssyncadd.s32 @!p0 $0xFFFFFD80  }
0x3ac: {  	p0 =	sgt.u32 s15, $0xF9;
	s15 =	smov.u32 s12;
	s12 =	sadd.s32 $0x10, s12  }
0x3ad: {  	p1 =	sne.s32 s12, $0x100  }
.Ltmp5:
0x3ae: {  	s14 =	sshll.u32 @!p0 s2, $0x6;
	s16 =	sshrl.u32 @!p0 s13, $0x3;
	(pc) =	sbr.rel @p1 .LBB2_12-.Ltmp5, $4  }
0x3af: {  	s17 =	sor.u32 @!p0 $0x1C07, s14;
	s14 =	simm.s32 @!p0 $0x7  }
0x3b0: {  	[hbm:s11], [sflag:s17] =	dma.local @!p0 [spmem:s16], $0x280  }
0x3b1: {  	s11 =	sadd.s32 $0x2800, s11;
	_ =	swait.ge @!p0 [sflag:s14], $0x280  }
0x3b2: {  	s15 =	sadd.s32 s15, s2;
	s13 =	sadd.s32 $0x14000, s13;
	[sflag:s14] =	ssyncset.done @!p0 $0x0  }
0x3b3: {  	p1 =	sgt.u32 s15, $0xF9  }
0x3b4: {  	[sflag:s14] =	ssyncadd.s32 @!p0 $0xFFFFFD80;
	s12 =	sshll.u32 @!p1 s2, $0x6  }
0x3b5: {  	s13 =	sshrl.u32 @!p1 s13, $0x3;
	s14 =	simm.s32 @!p1 $0x7;
	s12 =	sor.u32 @!p1 $0x1C07, s12  }
0x3b6: {  	[hbm:s11], [sflag:s12] =	dma.local @!p1 [spmem:s13], $0x280  }
0x3b7: {  	_ =	swait.ge @!p1 [sflag:s14], $0x280  }
0x3b8: {  	s10 =	sadd.s32 $0x1, s10;
	s17 =	rddreg [dreg:$0xa]  }
0x3b9: {  	p0 =	sne.s32 s10, s17  }
.Ltmp6:
0x3ba: {  	_ = 	snop;
	(pc) =	sbr.rel @p0 .LBB2_1-.Ltmp6, $3  }
0x3bb: {  	_ =	sdelay $0x1  }
0x3bc: {  	[sflag:s14] =	ssyncset.done @!p1 $0x0  }
0x3bd: {  	[sflag:s14] =	ssyncadd.s32 @!p1 $0xFFFFFD80  }
0x3be: {  	_ =	sfence.sel $0x180000  }
0x3bf: {  	[bflag:$0x0] =	sbarrier.arrive $0xFFFF  }
0x3c0: {  	_ =	strace $0x9000004A  }
0x3c1: {  	[bflag:$0x2] =	sbarrier.arrive $0xFFFF  }
0x3c2: {  	p0 =	sne.s32 s2, $0x0;
	s0 =	rddreg [dreg:$0x3]  }
0x3c3: {  	s0 =	sadd.s32 @!p0 $0x100000, s0  }
0x3c4: {  	[sflag:s0] =	ssyncadd.tile.s32 @!p0 $0x1;
	_ =	shalt  }
.Lfunc_end2:
_tile_overlayer_lowered:
.L_overlay_start_2:
0x3c5: {  	(tag) =	ssettag $0x2  }
0x3c6: {  	s0 =	rddreg [dreg:$0x0];
	s2 =	stileid.u32  }
0x3c7: {  	s1 =	rddreg [dreg:$0x1];
	p0 =	sne.s32 s2, $0x0  }
0x3c8: {  	s3 =	rddreg [dreg:$0x2];
	[bflag:$0x3] =	sbarrier.arrive $0xFFFF;
	s2 =	simm.s32 @!p0 $0x1C07  }
0x3c9: {  	[timem:s3], [sflag:s2] =	dma.local @!p0 [hbm:s0], s1  }
0x3ca: {  	s0 =	simm.s32 @!p0 $0x7  }
0x3cb: {  	_ =	swait.ge @!p0 [sflag:s0], s1  }
0x3cc: {  	s1 =	ssub.s32 @!p0 $0x0, s1;
	[sflag:s0] =	ssyncset.done @!p0 $0x0  }
0x3cd: {  	[sflag:s0] =	ssyncadd.s32 @!p0 s1  }
0x3ce: {  	[bflag:$0x3] =	sbarrier.arrive $0xFFFF  }
0x3cf: {  	_ =	shalt  }

// kernel: kernel.8.cloned.1.call-start
scs
__scs_entry_jumppad:
0x0: {  	(pc) =	sbr.rel $0x88, $3  }
0x1: {  	(tag) =	ssettag $0x0;
	lr =	simm.s32 $0x1  }
0x2: {  	[smem:$0x3F94] =	sst lr;
	_ =	strace $0xD0000000  }
0x3: {  	_ = 	snop  }
0x4: {  	_ = 	snop  }
0x5: {  	_ = 	snop  }
0x6: {  	_ = 	snop  }
0x7: {  	_ = 	snop  }
__scs_overlays_trampoline_lowered:
0x8: {  	[smem:$0x3FA3] =	sst s0  }
0x9: {  	[smem:$0x3FA4] =	sst s1  }
0xa: {  	[smem:$0x3FA5] =	sst s2  }
0xb: {  	[smem:$0x3FA6] =	sst s3  }
0xc: {  	[smem:$0x3FA7] =	sst s4  }
0xd: {  	[smem:$0x3FA8] =	sst s5  }
0xe: {  	[smem:$0x3FA9] =	sst s6  }
0xf: {  	[smem:$0x3FAA] =	sst s7  }
0x10: {  	[smem:$0x3FAB] =	sst s8  }
0x11: {  	[smem:$0x3FAC] =	sst s9;
	s0 =	simm.s32 @!p0 $0x0  }
0x12: {  	s1 =	sld [smem:$0x3F92];
	s0 =	simm.s32 @p0 $0x1  }
0x13: {  	[smem:$0x3FAD] =	sst s0;
	s0 =	simm.s32 @!p1 $0x0  }
0x14: {  	s2 =	sld [smem:$0x3F91];
	s0 =	simm.s32 @p1 $0x1  }
0x15: {  	[smem:$0x3FAE] =	sst s0;
	s0 =	simm.s32 @!p2 $0x0  }
0x16: {  	s3 =	sld [smem:$0x3FDB];
	s0 =	simm.s32 @p2 $0x1  }
0x17: {  	s4 =	simm.s32 $0x1BF5;
	[smem:$0x3FB0] =	sst s0  }
0x18: {  	s0 =	sld [smem:$0x3F93];
	_ =	swait.ge [sflag:s4], $0x0  }
0x19: {  	s7 =	sld [smem:$0x3F94]  }
0x1a: {  	s8 =	sadd.s32 $0xFFFFE003, lr  }
0x1b: {  	s9 =	sadd.s32 $0xFFFFFEF7, lr;
	s5 =	simm.s32 $0xFFFFFFFF;
	p2 =	slt.u32 s8, $0xFFFFF086  }
0x1c: {  	p1 =	slt.u32 s9, $0xF7A;
	s5 =	simm.s32 @!p2 $0x0  }
0x1d: {  	s5 =	simm.s32 @p1 $0x1;
	p0 =	seq.s32 s7, s2  }
0x1e: {  	s7 =	smul.u32 @!p0 $0xF7A, s2;
	p2 =	seq.s32 @!p0 s5, $0x0  }
0x1f: {  	s9 =	smul.u32 $0xF7A, s1;
	s8 =	simm.s32 @!p0 $0x1BF5;
	p2 =	por !p2, p0  }
0x20: {  	[sflag:s8] =	ssyncset.s32 @!p0 $0xFFFFF086;
	s6 =	sadd.s32 @!p0 s3, s7;
	s7 =	simm.s32 @!p0 $0x108  }
0x21: {  	s3 =	sadd.s32 s3, s9;
	s6 =	sadd.s32 @!p0 $0x88, s6;
	s7 =	simm.s32 @p2 $0x1082  }
0x22: {  	[simem:s7], [sflag:s8] =	dma.local @!p0 [hbm:s6], $0xF7A  }
0x23: {  	s9 =	sor.u32 $0xD0000000, s2;
	s6 =	simm.s32 $0x108;
	_ =	swait.ge @!p0 [sflag:s8], $0x0  }
0x24: {  	s3 =	sadd.s32 $0x88, s3;
	s6 =	simm.s32 @!p1 $0x1082;
	[sflag:s4] =	ssyncset.s32 $0xFFFFF086  }
0x25: {  	[simem:s6], [sflag:s4] =	dma.local [hbm:s3], $0xF7A  }
0x26: {  	[smem:$0x3F94] =	sst s1;
	(tag) =	ssettag s2;
	_ =	strace s9  }
0x27: {  	s1 =	sld [smem:$0x3FA4]  }
0x28: {  	s2 =	sld [smem:$0x3FA5]  }
0x29: {  	s4 =	sld [smem:$0x3FA7]  }
0x2a: {  	p0 =	seq.s32 s5, $0x0;
	s5 =	sld [smem:$0x3FA8]  }
0x2b: {  	s6 =	sld [smem:$0x3FA9]  }
0x2c: {  	s7 =	sld [smem:$0x3FAA]  }
0x2d: {  	s3 =	simm.s32 $0x108;
	s8 =	sld [smem:$0x3FAB]  }
0x2e: {  	s3 =	simm.s32 @!p0 $0x1082;
	s9 =	sld [smem:$0x3FAC]  }
0x2f: {  	lr =	sadd.s32 s0, s3;
	s0 =	sld [smem:$0x3FA3]  }
0x30: {  	s3 =	sld [smem:$0x3FA6]  }
0x31: {  	[smem:$0x3FAF] =	sst s10  }
0x32: {  	s10 =	sld [smem:$0x3FAD];
	_ =	sdelay $0x3  }
0x33: {  	p0 =	seq.s32 s10, $0x1;
	s10 =	sld [smem:$0x3FAF];
	_ =	sdelay $0x3  }
0x34: {  	[smem:$0x3FAF] =	sst s10  }
0x35: {  	s10 =	sld [smem:$0x3FAE];
	_ =	sdelay $0x3  }
0x36: {  	p1 =	seq.s32 s10, $0x1;
	s10 =	sld [smem:$0x3FAF];
	_ =	sdelay $0x3  }
0x37: {  	[smem:$0x3FAF] =	sst s10  }
0x38: {  	s10 =	sld [smem:$0x3FB0]  }
0x39: {  	_ = 	snop;
	(pc) =	sbr.ind lr, $3  }
0x3a: {  	_ = 	snop  }
0x3b: {  	_ = 	snop  }
0x3c: {  	p2 =	seq.s32 s10, $0x1;
	s10 =	sld [smem:$0x3FAF]  }
0x3d: {  	_ =	shalt  }
0x3e: {  	_ =	shalt  }
0x3f: {  	_ =	shalt  }
0x40: {  	_ =	shalt  }
0x41: {  	_ =	shalt  }
0x42: {  	_ =	shalt  }
0x43: {  	_ =	shalt  }
0x44: {  	_ =	shalt  }
0x45: {  	_ =	shalt  }
0x46: {  	_ =	shalt  }
0x47: {  	_ =	shalt  }
0x48: {  	_ =	shalt  }
0x49: {  	_ =	shalt  }
0x4a: {  	_ =	shalt  }
0x4b: {  	_ =	shalt  }
0x4c: {  	_ =	shalt  }
0x4d: {  	_ =	shalt  }
0x4e: {  	_ =	shalt  }
0x4f: {  	_ =	shalt  }
0x50: {  	_ =	shalt  }
0x51: {  	_ =	shalt  }
0x52: {  	_ =	shalt  }
0x53: {  	_ =	shalt  }
0x54: {  	_ =	shalt  }
0x55: {  	_ =	shalt  }
0x56: {  	_ =	shalt  }
0x57: {  	_ =	shalt  }
0x58: {  	_ =	shalt  }
0x59: {  	_ =	shalt  }
0x5a: {  	_ =	shalt  }
0x5b: {  	_ =	shalt  }
0x5c: {  	_ =	shalt  }
0x5d: {  	_ =	shalt  }
0x5e: {  	_ =	shalt  }
0x5f: {  	_ =	shalt  }
0x60: {  	_ =	shalt  }
0x61: {  	_ =	shalt  }
0x62: {  	_ =	shalt  }
0x63: {  	_ =	shalt  }
0x64: {  	_ =	shalt  }
0x65: {  	_ =	shalt  }
0x66: {  	_ =	shalt  }
0x67: {  	_ =	shalt  }
0x68: {  	_ =	shalt  }
0x69: {  	_ =	shalt  }
0x6a: {  	_ =	shalt  }
0x6b: {  	_ =	shalt  }
0x6c: {  	_ =	shalt  }
0x6d: {  	_ =	shalt  }
0x6e: {  	_ =	shalt  }
0x6f: {  	_ =	shalt  }
0x70: {  	_ =	shalt  }
0x71: {  	_ =	shalt  }
0x72: {  	_ =	shalt  }
0x73: {  	_ =	shalt  }
0x74: {  	_ =	shalt  }
0x75: {  	_ =	shalt  }
0x76: {  	_ =	shalt  }
0x77: {  	_ =	shalt  }
0x78: {  	_ =	shalt  }
0x79: {  	_ =	shalt  }
0x7a: {  	_ =	shalt  }
0x7b: {  	_ =	shalt  }
0x7c: {  	_ =	shalt  }
0x7d: {  	_ =	shalt  }
0x7e: {  	_ =	shalt  }
0x7f: {  	_ =	shalt  }
0x80: {  	_ =	shalt  }
0x81: {  	_ =	shalt  }
0x82: {  	_ =	shalt  }
0x83: {  	_ =	shalt  }
0x84: {  	_ =	shalt  }
0x85: {  	_ =	shalt  }
0x86: {  	_ =	shalt  }
0x87: {  	_ =	shalt  }
.Lfunc_end0:
.L_simem_size_0:
called_computation_lowered:
.L_overlay_start_0:
0x88: {  	s2 =	sld [smem:$0x3FD9]  }
0x89: {  	s3 =	sld [smem:$0x3FFE];
	_ =	sdelay $0x1  }
0x8a: {  	s1 =	srdreg.scid  }
0x8b: {  	s0 =	sand.u32 $0x1, s1  }
0x8c: {  	s17 =	sshll.u32 s0, $0xA;
	s2 =	sadd.s32 s3, s2  }
0x8d: {  	s2 =	sadd.s32 s2, s17  }
0x8e: {  	[smem:$0x3FBB] =	sst s2  }
0x8f: {  	_ = 	snop  }
0x90: {  	s2 =	sld [smem:$0x3FD0];
	(tm) =	ssettm $0x1  }
0x91: {  	s18 =	sld [smem:$0x3FFB];
	_ =	sdelay $0x3  }
0x92: {  	_ =	strace s18  }
0x93: {  	s3 =	sld [smem:$0x3FFC];
	_ =	sdelay $0x3  }
0x94: {  	_ =	strace s3  }
0x95: {  	s3 =	sld [smem:$0x3FFD];
	_ =	sdelay $0x3  }
0x96: {  	_ =	strace s3  }
0x97: {  	_ =	strace $0x8FFFFFFF  }
0x98: {  	s19 =	sld [smem:$0x3FDB];
	_ =	sdelay $0x1  }
0x99: {  	s4 =	simm.s32 $_scs_section_size  }
0x9a: {  	s5 =	simm.s32 $_size__tile_overlayer_lowered;
	s6 =	simm.s32 $_tile_overlayer_lowered  }
0x9b: {  	s22 =	simm.s32 $0x1BFF;
	s21 =	sshll.u32 s6, $0x1;
	s3 =	sadd.s32 s4, s19  }
0x9c: {  	s7 =	simm.s32 $0x0;
	s20 =	sshll.u32 s5, $0x1;
	s5 =	sadd.s32 s21, s3  }
0x9d: {  	[timem:s7], [sflag:s22] =	dma.local [hbm:s5], s20  }
0x9e: {  	_ =	swait.ge [sflag:s22], s20  }
0x9f: {  	s4 =	ssub.s32 $0x0, s20;
	[sflag:s22] =	ssyncset.done $0x0  }
0xa0: {  	[sflag:s22] =	ssyncadd.s32 s4;
	_ =	sdelay $0x1  }
0xa1: {  	s23 =	simm.s32 $0x1B8B  }
0xa2: {  	_ =	swait.ge [sflag:s23], $0x1  }
0xa3: {  	[sflag:s23] =	ssyncset.done $0x0  }
0xa4: {  	s25 =	simm.s32 $0x1B8E;
	s24 =	sld [smem:$0x3FFE];
	[sflag:s23] =	ssyncadd.s32 $0xFFFFFFFF  }
0xa5: {  	s26 =	simm.s32 $execute0_lowered;
	[smem:$0x3FD2] =	sst s25  }
0xa6: {  	s5 =	sshll.u32 s26, $0x1;
	_ =	strace $0x80000046;
	[dreg:$0x1] =	wrdreg $0xFFFFFFFF  }
0xa7: {  	s28 =	simm.s32 $_size_execute0_lowered;
	s3 =	sadd.s32 s3, s5;
	[dreg:$0x0] =	wrdreg $0x0  }
0xa8: {  	s5 =	sshll.u32 s28, $0x1;
	[dreg:$0x2] =	wrdreg s3  }
0xa9: {  	[dreg:$0x3] =	wrdreg s5  }
0xaa: {  	[dreg:$0x4] =	wrdreg $0xC0  }
0xab: {  	_ =	task [dreg:s7], $0x5FFFF  }
0xac: {  	[dreg:$0x1] =	wrdreg $0xFFFFFFFF  }
0xad: {  	[dreg:$0x0] =	wrdreg $0x60  }
0xae: {  	[dreg:$0x2] =	wrdreg s24  }
0xaf: {  	[dreg:$0x3] =	wrdreg s2  }
0xb0: {  	[dreg:$0x4] =	wrdreg $0x9  }
0xb1: {  	_ =	task.clear_ibuf [dreg:s7], $0x5FFFF;
	_ =	strace $0x90000046  }
0xb2: {  	s29 =	simm.s32 $0x9;
	_ =	strace $0x80000048  }
0xb3: {  	_ =	swait.ge [sflag:s29], $0x1  }
0xb4: {  	[sflag:s29] =	ssyncadd.s32 $0xFFFFFFFF  }
0xb5: {  	_ =	strace $0x90000048  }
0xb6: {  	_ =	sfence  }
0xb7: {  	s30 =	sld [smem:$0x0];
	_ =	sdelay $0x2  }
0xb8: {  	s31 =	sshll.u32 s1, $0xD;
	s1 =	sshrl.u32 s1, $0x2  }
0xb9: {  	s3 =	sand.u32 $0x4000, s31;
	s1 =	sadd.s32 s1, s30  }
0xba: {  	s0 =	sor.u32 s3, s0;
	s1 =	sshll.u32 s1, $0x11  }
0xbb: {  	s0 =	sor.u32 s1, s0  }
0xbc: {  	s0 =	sadd.s32 $0x8F2B, s0  }
0xbd: {  	[sflag:s0] =	ssyncadd.remote.s32 $0x1  }
0xbe: {  	_ =	sfence.sel $0xFFFF  }
0xbf: {  	[dreg:$0x0] =	wrdreg $0xFFFFFFFF;
	(pc) =	sbr.abs _section_cstart, $3  }
0xc0: {  	[dreg:$0x1] =	wrdreg $0xFFFFFFFF  }
0xc1: {  	_ =	task.clear_ibuf [dreg:s7], $0x2FFFF;
	_ =	strace $0x9FFFFFFF  }
0xc2: {  	(tm) =	ssettm $0x7FFFFFFF  }
0xc3: {  	_ =	shalt  }
tec
execute0_lowered:
.L_overlay_start_1:
0x0: {  	(tag) =	ssettag $0x1  }
0x1: {  	s4 =	rddreg [dreg:$0x0]  }
0x2: {  	s6 =	rddreg [dreg:$0x1]  }
0x3: {  	s2 =	srdreg.scid;
	s1 =	stileid.u32  }
0x4: {  	s0 =	rddreg [dreg:$0x2];
	s11 =	simm.s32 $0x80;
	s12 =	simm.s32 $0x400  }
0x5: {  	s13 =	simm.s32 $0x0;
	s3 =	sand.u32 $0x1, s2;
	s5 =	sshll.u32 s1, $0x1  }
0x6: {  	s2 =	simm.s32 $0x0;
	s7 =	sshrl.u32 s1, $0x2;
	s5 =	sor.u32 s3, s5  }
0x7: {  	[smem:$0x7FF] =	sst s2;
	s7 =	smul.u32 $0x13C00, s7;
	s9 =	ssub.s32 $0x2, s3  }
0x8: {  	s3 =	sadd.s32 $0x1400, s4;
	s4 =	sadd.s32 $0xB200, s4;
	s8 =	sshll.u32 s5, $0x7  }
0x9: {  	_ =	strace $0x80000047;
	s10 =	sshrl.u32 s9, $0x1;
	s8 =	sand.u32 $0x380, s8  }
0xa: {  	s5 =	smul.u32 $0x2710, s5;
	s31 =	ssub.s32 s9, s10;
	s7 =	sor.u32 s7, s8  }
0xb: {  	s9 =	simm.s32 $0x1;
	s10 =	simm.s32 $0x2F80;
	s7 =	sshrl.u32 s7, $0x3  }
0xc: {  	v0 =	vimm.f32 $0.0e+00;
	s8 =	simm.s32 $0x2780;
	s6 =	sadd.s32 s6, s7;
	s7 =	smax.u32 s31, $0x1  }
.LBB2_1:
0xd: {  	s14 =	simm.s32 $0x40;
	s15 =	simm.s32 $0x0  }
.LBB2_2:
0xe: {  	p0 =	sne.s32 s14, $0x9C00;
	[tilespmem:s15+$0x0] =	vst v0;
	s15 =	smov.u32 s14;
	s14 =	sadd.s32 $0x40, s14  }
.Ltmp0:
0xf: {  	(pc) =	sbr.rel @p0 .LBB2_2-.Ltmp0, $2  }
0x10: {  	_ =	sdelay $0x2  }
0x11: {  	s15 =	sshra.s32 s15, $0x2  }
0x12: {  	[tilespmem:s15+$0x0] =	vst v0;
	s14 =	simm.s32 $0x0;
	s15 =	simm.s32 $0x0  }
.LBB2_4:
0x13: {  	s16 =	smul.u32 $0x7D0, s15;
	_ =	sdelay $0x1  }
0x14: {  	s16 =	sadd.s32 s5, s16  }
0x15: {  	s16 =	sshrl.u32 s16, $0x3  }
0x16: {  	s17 =	sadd.s32 s3, s16  }
0x17: {  	[tilespmem:s8], [sflag:$0x1] =	stream.linear.gather [hbm4b:s17+s14], $0x7D0, $0x38;
	[tilespmem:$0x3780] =	vst v63  }
0x18: {  	_ =	swait.ge [sflag:s9], $0x7D0  }
0x19: {  	[sflag:s9] =	ssyncset.done $0x0  }
0x1a: {  	s16 =	sadd.s32 s4, s16;
	[sflag:s9] =	ssyncadd.s32 $0xFFFFF830  }
0x1b: {  	[tilespmem:s10], [sflag:$0x1] =	stream.linear.gather [hbm4b:s16+s14], $0x7D0, $0x38;
	[tilespmem:$0x3780] =	vst v63  }
0x1c: {  	_ =	swait.ge [sflag:s9], $0x7D0  }
0x1d: {  	[sflag:s9] =	ssyncset.done $0x0  }
0x1e: {  	s17 =	simm.s32 $0x0;
	s16 =	simm.s32 $0x40;
	[sflag:s9] =	ssyncadd.s32 $0xFFFFF830  }
.LBB2_5:
0x1f: {  	p0 =	sne.s32 s16, $0x1F00;
	v1 =	vld [tilespmem:s17+$0x2780];
	_ =	sdelay $0x2  }
0x20: {  	v2 =	vld [tilespmem:s17+$0x2F80]  }
.Ltmp1:
0x21: {  	(pc) =	sbr.rel @p0 .LBB2_5-.Ltmp1, $2  }
0x22: {  	_ =	sdelay $0x2  }
0x23: {  	s17 =	sshra.s32 s16, $0x2;
	s16 =	sadd.s32 $0x40, s16;
	[tilespmem:v1+s2+$0x0] =	vst.idx.add.f32.msk $0xffff, v2  }
0x24: {  	v1 =	vld [tilespmem:s17+$0x2780];
	_ =	sdelay $0x1  }
0x25: {  	s15 =	sadd.s32 $0x1, s15  }
0x26: {  	v2 =	vld [tilespmem:s17+$0x2F80];
	p0 =	sne.s32 s15, $0x5  }
.Ltmp2:
0x27: {  	_ = 	snop;
	(pc) =	sbr.rel @p0 .LBB2_4-.Ltmp2, $2  }
0x28: {  	_ =	sdelay $0x2  }
0x29: {  	[tilespmem:v1+s2+$0x0] =	vst.idx.add.f32.msk $0xffff, v2  }
0x2a: {  	s13 =	sadd.s32 $0x1, s13  }
0x2b: {  	p0 =	sne.s32 s13, s7  }
.Ltmp3:
0x2c: {  	_ = 	snop;
	(pc) =	sbr.rel @p0 .LBB2_1-.Ltmp3, $4  }
0x2d: {  	[hbm4b:s6+s11] =	stream.strided.scatter [tilespmem:s2], [sflag:$0x1], $0x2780, s12, s11, $0x38;
	[tilespmem:$0x3780] =	vst v63  }
0x2e: {  	_ =	swait.ge [sflag:s9], $0x2780  }
0x2f: {  	[sflag:s9] =	ssyncset.done $0x0  }
0x30: {  	[sflag:s9] =	ssyncadd.s32 $0xFFFFD880  }
0x31: {  	_ =	sfence.sel $0x180000  }
0x32: {  	[bflag:$0x0] =	sbarrier.arrive $0xFFFF  }
0x33: {  	p0 =	sne.s32 s1, $0x0;
	_ =	strace $0x90000047  }
0x34: {  	s0 =	sadd.s32 @!p0 $0x100000, s0;
	[bflag:$0x2] =	sbarrier.arrive $0xFFFF  }
0x35: {  	[sflag:s0] =	ssyncadd.tile.s32 @!p0 $0x1;
	_ =	shalt  }
.Lfunc_end2:
_tile_overlayer_lowered:
.L_overlay_start_2:
0x36: {  	(tag) =	ssettag $0x2  }
0x37: {  	s0 =	rddreg [dreg:$0x0];
	s2 =	stileid.u32  }
0x38: {  	s1 =	rddreg [dreg:$0x1];
	p0 =	sne.s32 s2, $0x0  }
0x39: {  	s3 =	rddreg [dreg:$0x2];
	[bflag:$0x3] =	sbarrier.arrive $0xFFFF;
	s2 =	simm.s32 @!p0 $0x1C01  }
0x3a: {  	[timem:s3], [sflag:s2] =	dma.local @!p0 [hbm:s0], s1  }
0x3b: {  	s0 =	simm.s32 @!p0 $0x1  }
0x3c: {  	_ =	swait.ge @!p0 [sflag:s0], s1  }
0x3d: {  	s1 =	ssub.s32 @!p0 $0x0, s1;
	[sflag:s0] =	ssyncset.done @!p0 $0x0  }
0x3e: {  	[sflag:s0] =	ssyncadd.s32 @!p0 s1  }
0x3f: {  	[bflag:$0x3] =	sbarrier.arrive $0xFFFF  }
0x40: {  	_ =	shalt  }

</sc_bundles>
